<compile_context>
chip_gen: v7x
topology: tpu7x:2x2x1
jax: 0.10.2.dev20260603
libtpu: 0.0.44.dev20260713+nightly
codegen_flags: <defaults>
</compile_context>

<pallas_src>
import functools

import jax
import jax.numpy as jnp
from jax import lax
from jax.experimental import pallas as pl
from jax.experimental.pallas import tpu as pltpu
from jax.experimental.pallas import tpu_sc as plsc

T = 4
F = 256
N = 10000
E = 160000

NW = 32
RPW = 8
C = 640
CB = RPW * C
NCH = E // C
NP = 10240
RN = RPW * NP
NB = 1280
EBLK = C


def _sc_mesh():
    return plsc.VectorSubcoreMesh(core_axis_name="c", subcore_axis_name="s",
                                  num_cores=2, num_subcores=16)


_SC_PARAMS = pltpu.CompilerParams(needs_layout_passes=False)


def _sc_gather(state_flat, i0_blk, i1_blk):
    def body(st_hbm, i0_hbm, i1_hbm, t0_hbm, t1_hbm,
             st_v, i0a, i0b, i1a, i1b, o0a, o0b, o1a, o1b,
             s_st, s_i0, s_i1, s_o0, s_o1):
        wid = lax.axis_index("s") * 2 + lax.axis_index("c")
        base = wid * NCH * CB
        ib0 = (i0a, i0b)
        ib1 = (i1a, i1b)
        ob0 = (o0a, o0b)
        ob1 = (o1a, o1b)

        def idx_start(c, b):
            off = base + c * CB
            pltpu.async_copy(i0_hbm.at[pl.ds(off, CB)], ib0[b], s_i0.at[b])
            pltpu.async_copy(i1_hbm.at[pl.ds(off, CB)], ib1[b], s_i1.at[b])

        def idx_wait(b):
            pltpu.make_async_copy(i0_hbm.at[pl.ds(0, CB)], ib0[b], s_i0.at[b]).wait()
            pltpu.make_async_copy(i1_hbm.at[pl.ds(0, CB)], ib1[b], s_i1.at[b]).wait()

        def out_start(c, b):
            off = base + c * CB
            pltpu.async_copy(ob0[b], t0_hbm.at[pl.ds(off, CB)], s_o0.at[b])
            pltpu.async_copy(ob1[b], t1_hbm.at[pl.ds(off, CB)], s_o1.at[b])

        def out_wait(b):
            pltpu.make_async_copy(ob0[b], t0_hbm.at[pl.ds(0, CB)], s_o0.at[b]).wait()
            pltpu.make_async_copy(ob1[b], t1_hbm.at[pl.ds(0, CB)], s_o1.at[b]).wait()

        pltpu.async_copy(st_hbm.at[pl.ds(wid * RN, RN)], st_v, s_st)
        idx_start(0, 0)
        pltpu.make_async_copy(st_hbm.at[pl.ds(0, RN)], st_v, s_st).wait()

        def compute(b):
            def g_body(g, _, b=b):
                off = g * 64
                for u in range(4):
                    o = off + u * 16
                    iv0 = ib0[b][pl.ds(o, 16)]
                    ob0[b][pl.ds(o, 16)] = plsc.load_gather(st_v, [iv0])
                    iv1 = ib1[b][pl.ds(o, 16)]
                    ob1[b][pl.ds(o, 16)] = plsc.load_gather(st_v, [iv1])
                return 0

            lax.fori_loop(0, CB // 64, g_body, 0)

        def loop_body(c2, _):
            for b in (0, 1):
                c = c2 * 2 + b
                idx_wait(b)

                @pl.when(c < NCH - 1)
                def _(c=c, b=b):
                    idx_start(c + 1, 1 - b)

                @pl.when(c2 >= 1)
                def _(b=b):
                    out_wait(b)

                compute(b)
                out_start(c, b)
            return 0

        lax.fori_loop(0, NCH // 2, loop_body, 0)
        out_wait(0)
        out_wait(1)

    f32 = jnp.float32
    i32 = jnp.int32
    run = pl.kernel(
        body,
        out_type=[jax.ShapeDtypeStruct((F * E,), f32),
                  jax.ShapeDtypeStruct((F * E,), f32)],
        mesh=_sc_mesh(),
        compiler_params=_SC_PARAMS,
        scratch_types=[
            pltpu.VMEM((RN,), f32),
            pltpu.VMEM((CB,), i32), pltpu.VMEM((CB,), i32),
            pltpu.VMEM((CB,), i32), pltpu.VMEM((CB,), i32),
            pltpu.VMEM((CB,), f32), pltpu.VMEM((CB,), f32),
            pltpu.VMEM((CB,), f32), pltpu.VMEM((CB,), f32),
            pltpu.SemaphoreType.DMA,
            pltpu.SemaphoreType.DMA((2,)), pltpu.SemaphoreType.DMA((2,)),
            pltpu.SemaphoreType.DMA((2,)), pltpu.SemaphoreType.DMA((2,)),
        ],
    )
    return run(state_flat, i0_blk, i1_blk)


def _sc_scatter(m_blk_flat, i0_blk):
    def body(m_hbm, i0_hbm, agg_hbm,
             agg_v, ia, ib2, ma, mb, s_i, s_m):
        wid = lax.axis_index("s") * 2 + lax.axis_index("c")
        base = wid * NCH * CB
        ibufs = (ia, ib2)
        mbufs = (ma, mb)

        def in_start(c, b):
            off = base + c * CB
            pltpu.async_copy(i0_hbm.at[pl.ds(off, CB)], ibufs[b], s_i.at[b])
            pltpu.async_copy(m_hbm.at[pl.ds(off, CB)], mbufs[b], s_m.at[b])

        def in_wait(b):
            pltpu.make_async_copy(i0_hbm.at[pl.ds(0, CB)], ibufs[b], s_i.at[b]).wait()
            pltpu.make_async_copy(m_hbm.at[pl.ds(0, CB)], mbufs[b], s_m.at[b]).wait()

        in_start(0, 0)

        def zero_body(i, _):
            agg_v[pl.ds(i * 16, 16)] = jnp.zeros((16,), jnp.float32)
            return 0

        lax.fori_loop(0, RN // 16, zero_body, 0)

        def compute(b):
            def s_body(g, _, b=b):
                off = g * 64
                for u in range(4):
                    o = off + u * 16
                    iv = ibufs[b][pl.ds(o, 16)]
                    vals = mbufs[b][pl.ds(o, 16)]
                    plsc.addupdate_scatter(agg_v, [iv], vals)
                return 0

            lax.fori_loop(0, CB // 64, s_body, 0)

        def loop_body(c2, _):
            for b in (0, 1):
                c = c2 * 2 + b
                in_wait(b)

                @pl.when(c < NCH - 1)
                def _(c=c, b=b):
                    in_start(c + 1, 1 - b)

                compute(b)
            return 0

        lax.fori_loop(0, NCH // 2, loop_body, 0)
        pltpu.sync_copy(agg_v, agg_hbm.at[pl.ds(wid * RN, RN)])

    f32 = jnp.float32
    i32 = jnp.int32
    run = pl.kernel(
        body,
        out_type=jax.ShapeDtypeStruct((F * NP,), f32),
        mesh=_sc_mesh(),
        compiler_params=_SC_PARAMS,
        scratch_types=[
            pltpu.VMEM((RN,), f32),
            pltpu.VMEM((CB,), i32), pltpu.VMEM((CB,), i32),
            pltpu.VMEM((CB,), f32), pltpu.VMEM((CB,), f32),
            pltpu.SemaphoreType.DMA((2,)), pltpu.SemaphoreType.DMA((2,)),
        ],
    )
    return run(m_blk_flat, i0_blk)


def _msg_body(t0_ref, t1_ref, wa_ref, wb_ref, bm_ref, out_ref):
    x0 = jnp.reshape(t0_ref[...], (F, EBLK)).astype(jnp.bfloat16)
    x1 = jnp.reshape(t1_ref[...], (F, EBLK)).astype(jnp.bfloat16)
    acc = jnp.dot(wa_ref[...], x0, preferred_element_type=jnp.float32)
    acc += jnp.dot(wb_ref[...], x1, preferred_element_type=jnp.float32)
    acc += bm_ref[...]
    out_ref[...] = jnp.reshape(acc, (NW, 1, RPW, EBLK))


def _msg_matmul(tmp0_blk, tmp1_blk, WmA, WmB, bm2):
    wspec = pl.BlockSpec((F, F), lambda c: (0, 0))
    return pl.pallas_call(
        _msg_body,
        grid=(NCH,),
        in_specs=[
            pl.BlockSpec((NW, 1, RPW, EBLK), lambda c: (0, c, 0, 0)),
            pl.BlockSpec((NW, 1, RPW, EBLK), lambda c: (0, c, 0, 0)),
            wspec, wspec,
            pl.BlockSpec((F, 1), lambda c: (0, 0)),
        ],
        out_specs=pl.BlockSpec((NW, 1, RPW, EBLK), lambda c: (0, c, 0, 0)),
        out_shape=jax.ShapeDtypeStruct((NW, NCH, RPW, EBLK), jnp.float32),
    )(tmp0_blk, tmp1_blk, WmA, WmB, bm2)


def _gru_body(agg_ref, st_ref, wih_ref, whh_ref, bih_ref, bhh_ref, out_ref):
    gi = jnp.dot(wih_ref[...], agg_ref[...].astype(jnp.bfloat16),
                 preferred_element_type=jnp.float32)
    gi += bih_ref[...]
    gh = jnp.dot(whh_ref[...], st_ref[...].astype(jnp.bfloat16),
                 preferred_element_type=jnp.float32)
    gh += bhh_ref[...]
    r = jax.nn.sigmoid(gi[0:F, :] + gh[0:F, :])
    z = jax.nn.sigmoid(gi[F:2 * F, :] + gh[F:2 * F, :])
    n = jnp.tanh(gi[2 * F:, :] + r * gh[2 * F:, :])
    out_ref[...] = (1.0 - z) * n + z * st_ref[...]


def _gru(agg_t, state_t, W_ih, W_hh, bih2, bhh2):
    return pl.pallas_call(
        _gru_body,
        grid=(NP // NB,),
        in_specs=[
            pl.BlockSpec((F, NB), lambda j: (0, j)),
            pl.BlockSpec((F, NB), lambda j: (0, j)),
            pl.BlockSpec((3 * F, F), lambda j: (0, 0)),
            pl.BlockSpec((3 * F, F), lambda j: (0, 0)),
            pl.BlockSpec((3 * F, 1), lambda j: (0, 0)),
            pl.BlockSpec((3 * F, 1), lambda j: (0, 0)),
        ],
        out_specs=pl.BlockSpec((F, NB), lambda j: (0, j)),
        out_shape=jax.ShapeDtypeStruct((F, NP), jnp.float32),
    )(agg_t, state_t, W_ih, W_hh, bih2, bhh2)


def _head_body(st_ref, w1_ref, b1_ref, w2_ref, b2_ref, w3_ref, b3_ref,
               out_ref, acc_ref):
    j = pl.program_id(0)
    nb = pl.num_programs(0)

    col = jax.lax.broadcasted_iota(jnp.int32, (NB, 1), 0) + j * NB
    ones = jnp.where(col < N, 1.0, 0.0).astype(jnp.float32)
    part = jnp.dot(st_ref[...], ones, preferred_element_type=jnp.float32,
                   precision=jax.lax.Precision.HIGHEST)

    @pl.when(j == 0)
    def _():
        acc_ref[...] = jnp.zeros_like(acc_ref)

    acc_ref[...] += part

    @pl.when(j == nb - 1)
    def _():
        feat = acc_ref[...]
        h1 = jnp.maximum(jnp.dot(w1_ref[...].astype(jnp.bfloat16),
                                 feat.astype(jnp.bfloat16),
                                 preferred_element_type=jnp.float32)
                         + b1_ref[...], 0.0)
        h2 = jnp.maximum(jnp.dot(w2_ref[...].astype(jnp.bfloat16),
                                 h1.astype(jnp.bfloat16),
                                 preferred_element_type=jnp.float32)
                         + b2_ref[...], 0.0)
        out_ref[...] = (jnp.dot(w3_ref[...].astype(jnp.bfloat16),
                                h2.astype(jnp.bfloat16),
                                preferred_element_type=jnp.float32)
                        + b3_ref[...])


def _head(state_t, W1, b12, W2, b22, W3, b32):
    out = pl.pallas_call(
        _head_body,
        grid=(NP // NB,),
        in_specs=[
            pl.BlockSpec((F, NB), lambda j: (0, j)),
            pl.BlockSpec((F, F), lambda j: (0, 0)),
            pl.BlockSpec((F, 1), lambda j: (0, 0)),
            pl.BlockSpec((F // 2, F), lambda j: (0, 0)),
            pl.BlockSpec((F // 2, 1), lambda j: (0, 0)),
            pl.BlockSpec((1, F // 2), lambda j: (0, 0)),
            pl.BlockSpec((1, 1), lambda j: (0, 0)),
        ],
        out_specs=pl.BlockSpec((1, 1), lambda j: (0, 0)),
        out_shape=jax.ShapeDtypeStruct((1, 1), jnp.float32),
        scratch_shapes=[pltpu.VMEM((F, 1), jnp.float32)],
    )(state_t, W1, b12, W2, b22, W3, b32)
    return out.reshape((1,))


def _to_worker_blocked(idx_2d):
    blk = idx_2d.reshape(NW, RPW, NCH, C).transpose(0, 2, 1, 3)
    off = (jnp.arange(RPW, dtype=jnp.int32) * NP)[None, None, :, None]
    return (blk + off).reshape(-1)


def kernel(link_state, pair, Wm, bm, W_ih, W_hh, b_ih, b_hh, W1, b1, W2, b2, W3, b3):
    i0_blk = _to_worker_blocked(pair[0::2].T.astype(jnp.int32))
    i1_blk = _to_worker_blocked(pair[1::2].T.astype(jnp.int32))
    WmA = Wm[:, :F].astype(jnp.bfloat16)
    WmB = Wm[:, F:].astype(jnp.bfloat16)
    bm2 = bm.reshape(F, 1)
    Wih16 = W_ih.astype(jnp.bfloat16)
    Whh16 = W_hh.astype(jnp.bfloat16)
    bih2 = b_ih.reshape(3 * F, 1)
    bhh2 = b_hh.reshape(3 * F, 1)
    b12 = b1.reshape(F, 1)
    b22 = b2.reshape(F // 2, 1)
    b32 = b3.reshape(1, 1)

    state_t = jnp.pad(link_state.T, ((0, 0), (0, NP - N)))

    for _ in range(T):
        tmp0_f, tmp1_f = _sc_gather(state_t.reshape(-1), i0_blk, i1_blk)
        m_blk = _msg_matmul(tmp0_f.reshape(NW, NCH, RPW, C),
                            tmp1_f.reshape(NW, NCH, RPW, C),
                            WmA, WmB, bm2)
        agg_f = _sc_scatter(m_blk.reshape(-1), i0_blk)
        state_t = _gru(agg_f.reshape(F, NP), state_t, Wih16, Whh16, bih2, bhh2)

    return _head(state_t, W1, b12, W2, b22, W3, b32)

# --- scband reference (transcript-rebuilt; emitter-appended) ---
"""Pipeline reference for scband-mpnn-73177652789889 (READ-ONLY COPY).

The authoritative reference and input builder live on the scoring server;
editing this copy changes nothing except your own understanding.
"""

import jax, jax.numpy as jnp
import numpy as np

T = 4
F = 256
N = 10000
E = 160000

def setup_inputs(seed: int = 0):
    key = jax.random.key(seed)
    ks = jax.random.split(key, 16)
    link_state = jax.random.normal(ks[0], (N, F), dtype=jnp.float32)
    pair = jax.random.randint(ks[1], (2 * E, F), 0, N, dtype=jnp.int32)
    s = 0.05
    Wm = jax.random.normal(ks[2], (F, 2 * F), dtype=jnp.float32) * s
    bm = jnp.zeros((F,), dtype=jnp.float32)
    W_ih = jax.random.normal(ks[3], (3 * F, F), dtype=jnp.float32) * s
    W_hh = jax.random.normal(ks[4], (3 * F, F), dtype=jnp.float32) * s
    b_ih = jnp.zeros((3 * F,), dtype=jnp.float32)
    b_hh = jnp.zeros((3 * F,), dtype=jnp.float32)
    W1 = jax.random.normal(ks[5], (F, F), dtype=jnp.float32) * s
    b1 = jnp.zeros((F,), dtype=jnp.float32)
    W2 = jax.random.normal(ks[6], (F // 2, F), dtype=jnp.float32) * s
    b2 = jnp.zeros((F // 2,), dtype=jnp.float32)
    W3 = jax.random.normal(ks[7], (1, F // 2), dtype=jnp.float32) * s
    b3 = jnp.zeros((1,), dtype=jnp.float32)
    return {"link_state": link_state, "pair": pair, "Wm": Wm, "bm": bm,
            "W_ih": W_ih, "W_hh": W_hh, "b_ih": b_ih, "b_hh": b_hh,
            "W1": W1, "b1": b1, "W2": W2, "b2": b2, "W3": W3, "b3": b3}

def reference(link_state, pair, Wm, bm, W_ih, W_hh, b_ih, b_hh, W1, b1, W2, b2, W3, b3):
    state = link_state
    index = pair[0::2]                                  # [E, F] dst-node ids per column
    cols = jnp.broadcast_to(jnp.arange(F), index.shape)  # [E, F]
    for _ in range(T):
        tmp = jnp.take_along_axis(state, pair, axis=0)   # gather(state, 0, pair) -> [2E, F]
        neighbor = jnp.concatenate([tmp[0::2], tmp[1::2]], axis=1)  # [E, 2F]
        m = neighbor @ Wm.T + bm                          # message linear -> [E, F]
        agg = jnp.zeros_like(state).at[index, cols].add(m)  # scatter_add_(0, index, m)
        # GRUCell(input=agg, hidden=state), PyTorch gate layout [r, z, n]
        gi = agg @ W_ih.T + b_ih
        gh = state @ W_hh.T + b_hh
        i_r, i_z, i_n = jnp.split(gi, 3, axis=1)
        h_r, h_z, h_n = jnp.split(gh, 3, axis=1)
        r = jax.nn.sigmoid(i_r + h_r)
        z = jax.nn.sigmoid(i_z + h_z)
        n = jnp.tanh(i_n + r * h_n)
        state = (1.0 - z) * n + z * state
    feature = jnp.sum(state, axis=0)                      # [F]
    h = jnp.maximum(feature @ W1.T + b1, 0.0)
    h = jnp.maximum(h @ W2.T + b2, 0.0)
    out = h @ W3.T + b3                                   # [1]
    return out

if __name__ == "__main__":
    import jax
    _d = setup_inputs()
    print(jax.jit(kernel)(*tuple(_d.values())))

</pallas_src>

<mosaic_0001>
#map = affine_map<(d0, d1) -> (0)>
module attributes {stable_mosaic.version = 14 : i64} {
  func.func @body(%arg0: i32, %arg1: i32, %arg2: memref<2621440xf32, #tpu.memory_space<hbm>>, %arg3: memref<40960000xi32, #tpu.memory_space<hbm>>, %arg4: memref<40960000xi32, #tpu.memory_space<hbm>>, %arg5: memref<40960000xf32, #tpu.memory_space<hbm>>, %arg6: memref<40960000xf32, #tpu.memory_space<hbm>>, %arg7: memref<81920xf32, #tpu.memory_space<vmem>>, %arg8: memref<5120xi32, #tpu.memory_space<vmem>>, %arg9: memref<5120xi32, #tpu.memory_space<vmem>>, %arg10: memref<5120xi32, #tpu.memory_space<vmem>>, %arg11: memref<5120xi32, #tpu.memory_space<vmem>>, %arg12: memref<5120xf32, #tpu.memory_space<vmem>>, %arg13: memref<5120xf32, #tpu.memory_space<vmem>>, %arg14: memref<5120xf32, #tpu.memory_space<vmem>>, %arg15: memref<5120xf32, #tpu.memory_space<vmem>>, %arg16: memref<!tpu.dma_semaphore, #tpu.memory_space<semaphore_mem>>, %arg17: memref<2x!tpu.dma_semaphore, #tpu.memory_space<semaphore_mem>>, %arg18: memref<2x!tpu.dma_semaphore, #tpu.memory_space<semaphore_mem>>, %arg19: memref<2x!tpu.dma_semaphore, #tpu.memory_space<semaphore_mem>>, %arg20: memref<2x!tpu.dma_semaphore, #tpu.memory_space<semaphore_mem>>) attributes {dimension_semantics = [#tpu.dimension_semantics<core_parallel>, #tpu.dimension_semantics<subcore_parallel>], iteration_bounds = array<i64: 2, 16>, scalar_prefetch = 0 : i64, scratch_operands = 14 : i64, tpu.core_type = #tpu.core_type<sc_vector_subcore>, window_params = [{transform_indices = #map}, {transform_indices = #map}, {transform_indices = #map}, {transform_indices = #map}, {transform_indices = #map}]} {
    %mul3A = arith.constant 2 : i32
    %mul3A_0 = arith.muli %arg1, %mul3A : i32
    %add3A = arith.addi %mul3A_0, %arg0 : i32
    %mul3A_1 = arith.constant 250 : i32
    %mul3A_2 = arith.muli %add3A, %mul3A_1 : i32
    %mul3A_3 = arith.constant 5120 : i32
    %mul3A_4 = arith.muli %mul3A_2, %mul3A_3 : i32
    %mul3A_5 = arith.constant 81920 : i32
    %mul3A_6 = arith.muli %add3A, %mul3A_5 : i32
    %dma_start3A = tpu.memref_slice %arg2[%mul3A_6] : memref<2621440xf32, #tpu.memory_space<hbm>> -> memref<81920xf32, #tpu.memory_space<hbm>>
    %dma_start3A_7 = tpu.memref_slice %arg2[%mul3A_6] : memref<2621440xf32, #tpu.memory_space<hbm>> -> memref<81920xf32, #tpu.memory_space<hbm>>
    tpu.enqueue_dma source(%dma_start3A_7 : memref<81920xf32, #tpu.memory_space<hbm>>) target(%arg7 : memref<81920xf32, #tpu.memory_space<vmem>>) target_semaphore(%arg16 : memref<!tpu.dma_semaphore, #tpu.memory_space<semaphore_mem>>)
    %add3A_8 = arith.constant 0 : i32
    %add3A_9 = arith.addi %mul3A_4, %add3A_8 : i32
    %dma_start3A_10 = arith.constant 0 : i32
    %dma_start3A_11 = tpu.memref_slice %arg3[%add3A_9] : memref<40960000xi32, #tpu.memory_space<hbm>> -> memref<5120xi32, #tpu.memory_space<hbm>>
    %dma_start3A_12 = tpu.memref_slice %arg17[%dma_start3A_10] : memref<2x!tpu.dma_semaphore, #tpu.memory_space<semaphore_mem>> -> memref<1x!tpu.dma_semaphore, #tpu.memory_space<semaphore_mem>>
    %dma_start3A_13 = tpu.memref_squeeze %dma_start3A_12 : memref<1x!tpu.dma_semaphore, #tpu.memory_space<semaphore_mem>> -> memref<!tpu.dma_semaphore, #tpu.memory_space<semaphore_mem>>
    %dma_start3A_14 = tpu.memref_slice %arg3[%add3A_9] : memref<40960000xi32, #tpu.memory_space<hbm>> -> memref<5120xi32, #tpu.memory_space<hbm>>
    tpu.enqueue_dma source(%dma_start3A_14 : memref<5120xi32, #tpu.memory_space<hbm>>) target(%arg8 : memref<5120xi32, #tpu.memory_space<vmem>>) target_semaphore(%dma_start3A_13 : memref<!tpu.dma_semaphore, #tpu.memory_space<semaphore_mem>>)
    %dma_start3A_15 = arith.constant 0 : i32
    %dma_start3A_16 = tpu.memref_slice %arg4[%add3A_9] : memref<40960000xi32, #tpu.memory_space<hbm>> -> memref<5120xi32, #tpu.memory_space<hbm>>
    %dma_start3A_17 = tpu.memref_slice %arg18[%dma_start3A_15] : memref<2x!tpu.dma_semaphore, #tpu.memory_space<semaphore_mem>> -> memref<1x!tpu.dma_semaphore, #tpu.memory_space<semaphore_mem>>
    %dma_start3A_18 = tpu.memref_squeeze %dma_start3A_17 : memref<1x!tpu.dma_semaphore, #tpu.memory_space<semaphore_mem>> -> memref<!tpu.dma_semaphore, #tpu.memory_space<semaphore_mem>>
    %dma_start3A_19 = tpu.memref_slice %arg4[%add3A_9] : memref<40960000xi32, #tpu.memory_space<hbm>> -> memref<5120xi32, #tpu.memory_space<hbm>>
    tpu.enqueue_dma source(%dma_start3A_19 : memref<5120xi32, #tpu.memory_space<hbm>>) target(%arg10 : memref<5120xi32, #tpu.memory_space<vmem>>) target_semaphore(%dma_start3A_18 : memref<!tpu.dma_semaphore, #tpu.memory_space<semaphore_mem>>)
    %dma_wait3A = arith.constant 0 : i32
    %dma_wait3A_20 = tpu.memref_slice %arg2[%dma_wait3A] : memref<2621440xf32, #tpu.memory_space<hbm>> -> memref<81920xf32, #tpu.memory_space<hbm>>
    %dma_wait3A_21 = arith.constant 0 : i32
    %dma_wait3A_22 = tpu.memref_slice %arg2[%dma_wait3A_21] : memref<2621440xf32, #tpu.memory_space<hbm>> -> memref<81920xf32, #tpu.memory_space<hbm>>
    tpu.wait_dma2 semaphore(%arg16 : memref<!tpu.dma_semaphore, #tpu.memory_space<semaphore_mem>>) src(%dma_wait3A_22 : memref<81920xf32, #tpu.memory_space<hbm>>) dst(%arg7 : memref<81920xf32, #tpu.memory_space<vmem>>)
    %scan3A = arith.constant 0 : i32
    %scan3A_23 = arith.constant 0 : i32
    %scan3A_24 = arith.constant 125 : i32
    %scan3A_25 = arith.addi %scan3A_23, %scan3A_24 : i32
    %scan3A_26 = arith.constant 1 : i32
    %scan3A_27 = scf.for %scan3A_57 = %scan3A_23 to %scan3A_25 step %scan3A_26 iter_args(%scan3A_58 = %scan3A) -> (i32)  : i32 {
      %mul3A_59 = arith.constant 2 : i32
      %mul3A_60 = arith.muli %scan3A_57, %mul3A_59 : i32
      %add3A_61 = arith.constant 0 : i32
      %add3A_62 = arith.addi %mul3A_60, %add3A_61 : i32
      %dma_wait3A_63 = arith.constant 0 : i32
      %dma_wait3A_64 = arith.constant 0 : i32
      %dma_wait3A_65 = tpu.memref_slice %arg3[%dma_wait3A_64] : memref<40960000xi32, #tpu.memory_space<hbm>> -> memref<5120xi32, #tpu.memory_space<hbm>>
      %dma_wait3A_66 = tpu.memref_slice %arg17[%dma_wait3A_63] : memref<2x!tpu.dma_semaphore, #tpu.memory_space<semaphore_mem>> -> memref<1x!tpu.dma_semaphore, #tpu.memory_space<semaphore_mem>>
      %dma_wait3A_67 = tpu.memref_squeeze %dma_wait3A_66 : memref<1x!tpu.dma_semaphore, #tpu.memory_space<semaphore_mem>> -> memref<!tpu.dma_semaphore, #tpu.memory_space<semaphore_mem>>
      %dma_wait3A_68 = arith.constant 0 : i32
      %dma_wait3A_69 = tpu.memref_slice %arg3[%dma_wait3A_68] : memref<40960000xi32, #tpu.memory_space<hbm>> -> memref<5120xi32, #tpu.memory_space<hbm>>
      tpu.wait_dma2 semaphore(%dma_wait3A_67 : memref<!tpu.dma_semaphore, #tpu.memory_space<semaphore_mem>>) src(%dma_wait3A_69 : memref<5120xi32, #tpu.memory_space<hbm>>) dst(%arg8 : memref<5120xi32, #tpu.memory_space<vmem>>)
      %dma_wait3A_70 = arith.constant 0 : i32
      %dma_wait3A_71 = arith.constant 0 : i32
      %dma_wait3A_72 = tpu.memref_slice %arg4[%dma_wait3A_71] : memref<40960000xi32, #tpu.memory_space<hbm>> -> memref<5120xi32, #tpu.memory_space<hbm>>
      %dma_wait3A_73 = tpu.memref_slice %arg18[%dma_wait3A_70] : memref<2x!tpu.dma_semaphore, #tpu.memory_space<semaphore_mem>> -> memref<1x!tpu.dma_semaphore, #tpu.memory_space<semaphore_mem>>
      %dma_wait3A_74 = tpu.memref_squeeze %dma_wait3A_73 : memref<1x!tpu.dma_semaphore, #tpu.memory_space<semaphore_mem>> -> memref<!tpu.dma_semaphore, #tpu.memory_space<semaphore_mem>>
      %dma_wait3A_75 = arith.constant 0 : i32
      %dma_wait3A_76 = tpu.memref_slice %arg4[%dma_wait3A_75] : memref<40960000xi32, #tpu.memory_space<hbm>> -> memref<5120xi32, #tpu.memory_space<hbm>>
      tpu.wait_dma2 semaphore(%dma_wait3A_74 : memref<!tpu.dma_semaphore, #tpu.memory_space<semaphore_mem>>) src(%dma_wait3A_76 : memref<5120xi32, #tpu.memory_space<hbm>>) dst(%arg10 : memref<5120xi32, #tpu.memory_space<vmem>>)
      %lt3A = arith.constant 249 : i32
      %lt3A_77 = arith.cmpi slt, %add3A_62, %lt3A : i32
      %convert_element_type3A = arith.extui %lt3A_77 : i1 to i32
      %cond3A = arith.constant 0 : i32
      %cond3A_78 = arith.cmpi ne, %convert_element_type3A, %cond3A : i32
      scf.if %cond3A_78 {
        %add3A_152 = arith.constant 1 : i32
        %add3A_153 = arith.addi %add3A_62, %add3A_152 : i32
        %mul3A_154 = arith.constant 5120 : i32
        %mul3A_155 = arith.muli %add3A_153, %mul3A_154 : i32
        %add3A_156 = arith.addi %mul3A_4, %mul3A_155 : i32
        %dma_start3A_157 = arith.constant 1 : i32
        %dma_start3A_158 = tpu.memref_slice %arg3[%add3A_156] : memref<40960000xi32, #tpu.memory_space<hbm>> -> memref<5120xi32, #tpu.memory_space<hbm>>
        %dma_start3A_159 = tpu.memref_slice %arg17[%dma_start3A_157] : memref<2x!tpu.dma_semaphore, #tpu.memory_space<semaphore_mem>> -> memref<1x!tpu.dma_semaphore, #tpu.memory_space<semaphore_mem>>
        %dma_start3A_160 = tpu.memref_squeeze %dma_start3A_159 : memref<1x!tpu.dma_semaphore, #tpu.memory_space<semaphore_mem>> -> memref<!tpu.dma_semaphore, #tpu.memory_space<semaphore_mem>>
        %dma_start3A_161 = tpu.memref_slice %arg3[%add3A_156] : memref<40960000xi32, #tpu.memory_space<hbm>> -> memref<5120xi32, #tpu.memory_space<hbm>>
        tpu.enqueue_dma source(%dma_start3A_161 : memref<5120xi32, #tpu.memory_space<hbm>>) target(%arg9 : memref<5120xi32, #tpu.memory_space<vmem>>) target_semaphore(%dma_start3A_160 : memref<!tpu.dma_semaphore, #tpu.memory_space<semaphore_mem>>)
        %dma_start3A_162 = arith.constant 1 : i32
        %dma_start3A_163 = tpu.memref_slice %arg4[%add3A_156] : memref<40960000xi32, #tpu.memory_space<hbm>> -> memref<5120xi32, #tpu.memory_space<hbm>>
        %dma_start3A_164 = tpu.memref_slice %arg18[%dma_start3A_162] : memref<2x!tpu.dma_semaphore, #tpu.memory_space<semaphore_mem>> -> memref<1x!tpu.dma_semaphore, #tpu.memory_space<semaphore_mem>>
        %dma_start3A_165 = tpu.memref_squeeze %dma_start3A_164 : memref<1x!tpu.dma_semaphore, #tpu.memory_space<semaphore_mem>> -> memref<!tpu.dma_semaphore, #tpu.memory_space<semaphore_mem>>
        %dma_start3A_166 = tpu.memref_slice %arg4[%add3A_156] : memref<40960000xi32, #tpu.memory_space<hbm>> -> memref<5120xi32, #tpu.memory_space<hbm>>
        tpu.enqueue_dma source(%dma_start3A_166 : memref<5120xi32, #tpu.memory_space<hbm>>) target(%arg11 : memref<5120xi32, #tpu.memory_space<vmem>>) target_semaphore(%dma_start3A_165 : memref<!tpu.dma_semaphore, #tpu.memory_space<semaphore_mem>>)
      } else {
      }
      %ge3A = arith.constant 1 : i32
      %ge3A_79 = arith.cmpi sge, %scan3A_57, %ge3A : i32
      %convert_element_type3A_80 = arith.extui %ge3A_79 : i1 to i32
      %cond3A_81 = arith.constant 0 : i32
      %cond3A_82 = arith.cmpi ne, %convert_element_type3A_80, %cond3A_81 : i32
      scf.if %cond3A_82 {
        %dma_wait3A_152 = arith.constant 0 : i32
        %dma_wait3A_153 = arith.constant 0 : i32
        %dma_wait3A_154 = tpu.memref_slice %arg5[%dma_wait3A_153] : memref<40960000xf32, #tpu.memory_space<hbm>> -> memref<5120xf32, #tpu.memory_space<hbm>>
        %dma_wait3A_155 = tpu.memref_slice %arg19[%dma_wait3A_152] : memref<2x!tpu.dma_semaphore, #tpu.memory_space<semaphore_mem>> -> memref<1x!tpu.dma_semaphore, #tpu.memory_space<semaphore_mem>>
        %dma_wait3A_156 = tpu.memref_squeeze %dma_wait3A_155 : memref<1x!tpu.dma_semaphore, #tpu.memory_space<semaphore_mem>> -> memref<!tpu.dma_semaphore, #tpu.memory_space<semaphore_mem>>
        %dma_wait3A_157 = arith.constant 0 : i32
        %dma_wait3A_158 = tpu.memref_slice %arg5[%dma_wait3A_157] : memref<40960000xf32, #tpu.memory_space<hbm>> -> memref<5120xf32, #tpu.memory_space<hbm>>
        tpu.wait_dma2 semaphore(%dma_wait3A_156 : memref<!tpu.dma_semaphore, #tpu.memory_space<semaphore_mem>>) src(%arg12 : memref<5120xf32, #tpu.memory_space<vmem>>) dst(%dma_wait3A_158 : memref<5120xf32, #tpu.memory_space<hbm>>)
        %dma_wait3A_159 = arith.constant 0 : i32
        %dma_wait3A_160 = arith.constant 0 : i32
        %dma_wait3A_161 = tpu.memref_slice %arg6[%dma_wait3A_160] : memref<40960000xf32, #tpu.memory_space<hbm>> -> memref<5120xf32, #tpu.memory_space<hbm>>
        %dma_wait3A_162 = tpu.memref_slice %arg20[%dma_wait3A_159] : memref<2x!tpu.dma_semaphore, #tpu.memory_space<semaphore_mem>> -> memref<1x!tpu.dma_semaphore, #tpu.memory_space<semaphore_mem>>
        %dma_wait3A_163 = tpu.memref_squeeze %dma_wait3A_162 : memref<1x!tpu.dma_semaphore, #tpu.memory_space<semaphore_mem>> -> memref<!tpu.dma_semaphore, #tpu.memory_space<semaphore_mem>>
        %dma_wait3A_164 = arith.constant 0 : i32
        %dma_wait3A_165 = tpu.memref_slice %arg6[%dma_wait3A_164] : memref<40960000xf32, #tpu.memory_space<hbm>> -> memref<5120xf32, #tpu.memory_space<hbm>>
        tpu.wait_dma2 semaphore(%dma_wait3A_163 : memref<!tpu.dma_semaphore, #tpu.memory_space<semaphore_mem>>) src(%arg14 : memref<5120xf32, #tpu.memory_space<vmem>>) dst(%dma_wait3A_165 : memref<5120xf32, #tpu.memory_space<hbm>>)
      } else {
      }
      %scan3A_83 = arith.constant 0 : i32
      %scan3A_84 = arith.constant 0 : i32
      %scan3A_85 = arith.constant 80 : i32
      %scan3A_86 = arith.addi %scan3A_84, %scan3A_85 : i32
      %scan3A_87 = arith.constant 1 : i32
      %scan3A_88 = scf.for %scan3A_152 = %scan3A_84 to %scan3A_86 step %scan3A_87 iter_args(%scan3A_153 = %scan3A_83) -> (i32)  : i32 {
        %mul3A_154 = arith.constant 64 : i32
        %mul3A_155 = arith.muli %scan3A_152, %mul3A_154 : i32
        %add3A_156 = arith.constant 0 : i32
        %add3A_157 = arith.addi %mul3A_155, %add3A_156 : i32
        %get3A = arith.index_cast %add3A_157 : i32 to index
        %get3A_158 = tpu.vector_load %arg8[%get3A] {strides = array<i32>} : memref<5120xi32, #tpu.memory_space<vmem>>, vector<16xi32>,
        %gather3A = tpu.vector_load_idx %arg7[%get3A_158] : memref<81920xf32, #tpu.memory_space<vmem>>[vector<16xi32>], vector<16xf32>,
        %swap3A = arith.index_cast %add3A_157 : i32 to index
        %swap3A_159 = tpu.vector_load %arg12[%swap3A] {strides = array<i32>} : memref<5120xf32, #tpu.memory_space<vmem>>, vector<16xf32>,
        tpu.vector_store %arg12[%swap3A], %gather3A {strides = array<i32>} : memref<5120xf32, #tpu.memory_space<vmem>>, vector<16xf32>,
        %get3A_160 = arith.index_cast %add3A_157 : i32 to index
        %get3A_161 = tpu.vector_load %arg10[%get3A_160] {strides = array<i32>} : memref<5120xi32, #tpu.memory_space<vmem>>, vector<16xi32>,
        %gather3A_162 = tpu.vector_load_idx %arg7[%get3A_161] : memref<81920xf32, #tpu.memory_space<vmem>>[vector<16xi32>], vector<16xf32>,
        %swap3A_163 = arith.index_cast %add3A_157 : i32 to index
        %swap3A_164 = tpu.vector_load %arg14[%swap3A_163] {strides = array<i32>} : memref<5120xf32, #tpu.memory_space<vmem>>, vector<16xf32>,
        tpu.vector_store %arg14[%swap3A_163], %gather3A_162 {strides = array<i32>} : memref<5120xf32, #tpu.memory_space<vmem>>, vector<16xf32>,
        %add3A_165 = arith.constant 16 : i32
        %add3A_166 = arith.addi %mul3A_155, %add3A_165 : i32
        %get3A_167 = arith.index_cast %add3A_166 : i32 to index
        %get3A_168 = tpu.vector_load %arg8[%get3A_167] {strides = array<i32>} : memref<5120xi32, #tpu.memory_space<vmem>>, vector<16xi32>,
        %gather3A_169 = tpu.vector_load_idx %arg7[%get3A_168] : memref<81920xf32, #tpu.memory_space<vmem>>[vector<16xi32>], vector<16xf32>,
        %swap3A_170 = arith.index_cast %add3A_166 : i32 to index
        %swap3A_171 = tpu.vector_load %arg12[%swap3A_170] {strides = array<i32>} : memref<5120xf32, #tpu.memory_space<vmem>>, vector<16xf32>,
        tpu.vector_store %arg12[%swap3A_170], %gather3A_169 {strides = array<i32>} : memref<5120xf32, #tpu.memory_space<vmem>>, vector<16xf32>,
        %get3A_172 = arith.index_cast %add3A_166 : i32 to index
        %get3A_173 = tpu.vector_load %arg10[%get3A_172] {strides = array<i32>} : memref<5120xi32, #tpu.memory_space<vmem>>, vector<16xi32>,
        %gather3A_174 = tpu.vector_load_idx %arg7[%get3A_173] : memref<81920xf32, #tpu.memory_space<vmem>>[vector<16xi32>], vector<16xf32>,
        %swap3A_175 = arith.index_cast %add3A_166 : i32 to index
        %swap3A_176 = tpu.vector_load %arg14[%swap3A_175] {strides = array<i32>} : memref<5120xf32, #tpu.memory_space<vmem>>, vector<16xf32>,
        tpu.vector_store %arg14[%swap3A_175], %gather3A_174 {strides = array<i32>} : memref<5120xf32, #tpu.memory_space<vmem>>, vector<16xf32>,
        %add3A_177 = arith.constant 32 : i32
        %add3A_178 = arith.addi %mul3A_155, %add3A_177 : i32
        %get3A_179 = arith.index_cast %add3A_178 : i32 to index
        %get3A_180 = tpu.vector_load %arg8[%get3A_179] {strides = array<i32>} : memref<5120xi32, #tpu.memory_space<vmem>>, vector<16xi32>,
        %gather3A_181 = tpu.vector_load_idx %arg7[%get3A_180] : memref<81920xf32, #tpu.memory_space<vmem>>[vector<16xi32>], vector<16xf32>,
        %swap3A_182 = arith.index_cast %add3A_178 : i32 to index
        %swap3A_183 = tpu.vector_load %arg12[%swap3A_182] {strides = array<i32>} : memref<5120xf32, #tpu.memory_space<vmem>>, vector<16xf32>,
        tpu.vector_store %arg12[%swap3A_182], %gather3A_181 {strides = array<i32>} : memref<5120xf32, #tpu.memory_space<vmem>>, vector<16xf32>,
        %get3A_184 = arith.index_cast %add3A_178 : i32 to index
        %get3A_185 = tpu.vector_load %arg10[%get3A_184] {strides = array<i32>} : memref<5120xi32, #tpu.memory_space<vmem>>, vector<16xi32>,
        %gather3A_186 = tpu.vector_load_idx %arg7[%get3A_185] : memref<81920xf32, #tpu.memory_space<vmem>>[vector<16xi32>], vector<16xf32>,
        %swap3A_187 = arith.index_cast %add3A_178 : i32 to index
        %swap3A_188 = tpu.vector_load %arg14[%swap3A_187] {strides = array<i32>} : memref<5120xf32, #tpu.memory_space<vmem>>, vector<16xf32>,
        tpu.vector_store %arg14[%swap3A_187], %gather3A_186 {strides = array<i32>} : memref<5120xf32, #tpu.memory_space<vmem>>, vector<16xf32>,
        %add3A_189 = arith.constant 48 : i32
        %add3A_190 = arith.addi %mul3A_155, %add3A_189 : i32
        %get3A_191 = arith.index_cast %add3A_190 : i32 to index
        %get3A_192 = tpu.vector_load %arg8[%get3A_191] {strides = array<i32>} : memref<5120xi32, #tpu.memory_space<vmem>>, vector<16xi32>,
        %gather3A_193 = tpu.vector_load_idx %arg7[%get3A_192] : memref<81920xf32, #tpu.memory_space<vmem>>[vector<16xi32>], vector<16xf32>,
        %swap3A_194 = arith.index_cast %add3A_190 : i32 to index
        %swap3A_195 = tpu.vector_load %arg12[%swap3A_194] {strides = array<i32>} : memref<5120xf32, #tpu.memory_space<vmem>>, vector<16xf32>,
        tpu.vector_store %arg12[%swap3A_194], %gather3A_193 {strides = array<i32>} : memref<5120xf32, #tpu.memory_space<vmem>>, vector<16xf32>,
        %get3A_196 = arith.index_cast %add3A_190 : i32 to index
        %get3A_197 = tpu.vector_load %arg10[%get3A_196] {strides = array<i32>} : memref<5120xi32, #tpu.memory_space<vmem>>, vector<16xi32>,
        %gather3A_198 = tpu.vector_load_idx %arg7[%get3A_197] : memref<81920xf32, #tpu.memory_space<vmem>>[vector<16xi32>], vector<16xf32>,
        %swap3A_199 = arith.index_cast %add3A_190 : i32 to index
        %swap3A_200 = tpu.vector_load %arg14[%swap3A_199] {strides = array<i32>} : memref<5120xf32, #tpu.memory_space<vmem>>, vector<16xf32>,
        tpu.vector_store %arg14[%swap3A_199], %gather3A_198 {strides = array<i32>} : memref<5120xf32, #tpu.memory_space<vmem>>, vector<16xf32>,
        %scan3A_201 = arith.constant 0 : i32
        scf.yield %scan3A_201 : i32
      }
      %scan3A_89 = arith.constant 80 : i32
      %mul3A_90 = arith.constant 5120 : i32
      %mul3A_91 = arith.muli %add3A_62, %mul3A_90 : i32
      %add3A_92 = arith.addi %mul3A_4, %mul3A_91 : i32
      %dma_start3A_93 = arith.constant 0 : i32
      %dma_start3A_94 = tpu.memref_slice %arg5[%add3A_92] : memref<40960000xf32, #tpu.memory_space<hbm>> -> memref<5120xf32, #tpu.memory_space<hbm>>
      %dma_start3A_95 = tpu.memref_slice %arg19[%dma_start3A_93] : memref<2x!tpu.dma_semaphore, #tpu.memory_space<semaphore_mem>> -> memref<1x!tpu.dma_semaphore, #tpu.memory_space<semaphore_mem>>
      %dma_start3A_96 = tpu.memref_squeeze %dma_start3A_95 : memref<1x!tpu.dma_semaphore, #tpu.memory_space<semaphore_mem>> -> memref<!tpu.dma_semaphore, #tpu.memory_space<semaphore_mem>>
      %dma_start3A_97 = tpu.memref_slice %arg5[%add3A_92] : memref<40960000xf32, #tpu.memory_space<hbm>> -> memref<5120xf32, #tpu.memory_space<hbm>>
      tpu.enqueue_dma source(%arg12 : memref<5120xf32, #tpu.memory_space<vmem>>) target(%dma_start3A_97 : memref<5120xf32, #tpu.memory_space<hbm>>) target_semaphore(%dma_start3A_96 : memref<!tpu.dma_semaphore, #tpu.memory_space<semaphore_mem>>)
      %dma_start3A_98 = arith.constant 0 : i32
      %dma_start3A_99 = tpu.memref_slice %arg6[%add3A_92] : memref<40960000xf32, #tpu.memory_space<hbm>> -> memref<5120xf32, #tpu.memory_space<hbm>>
      %dma_start3A_100 = tpu.memref_slice %arg20[%dma_start3A_98] : memref<2x!tpu.dma_semaphore, #tpu.memory_space<semaphore_mem>> -> memref<1x!tpu.dma_semaphore, #tpu.memory_space<semaphore_mem>>
      %dma_start3A_101 = tpu.memref_squeeze %dma_start3A_100 : memref<1x!tpu.dma_semaphore, #tpu.memory_space<semaphore_mem>> -> memref<!tpu.dma_semaphore, #tpu.memory_space<semaphore_mem>>
      %dma_start3A_102 = tpu.memref_slice %arg6[%add3A_92] : memref<40960000xf32, #tpu.memory_space<hbm>> -> memref<5120xf32, #tpu.memory_space<hbm>>
      tpu.enqueue_dma source(%arg14 : memref<5120xf32, #tpu.memory_space<vmem>>) target(%dma_start3A_102 : memref<5120xf32, #tpu.memory_space<hbm>>) target_semaphore(%dma_start3A_101 : memref<!tpu.dma_semaphore, #tpu.memory_space<semaphore_mem>>)
      %mul3A_103 = arith.constant 2 : i32
      %mul3A_104 = arith.muli %scan3A_57, %mul3A_103 : i32
      %add3A_105 = arith.constant 1 : i32
      %add3A_106 = arith.addi %mul3A_104, %add3A_105 : i32
      %dma_wait3A_107 = arith.constant 1 : i32
      %dma_wait3A_108 = arith.constant 0 : i32
      %dma_wait3A_109 = tpu.memref_slice %arg3[%dma_wait3A_108] : memref<40960000xi32, #tpu.memory_space<hbm>> -> memref<5120xi32, #tpu.memory_space<hbm>>
      %dma_wait3A_110 = tpu.memref_slice %arg17[%dma_wait3A_107] : memref<2x!tpu.dma_semaphore, #tpu.memory_space<semaphore_mem>> -> memref<1x!tpu.dma_semaphore, #tpu.memory_space<semaphore_mem>>
      %dma_wait3A_111 = tpu.memref_squeeze %dma_wait3A_110 : memref<1x!tpu.dma_semaphore, #tpu.memory_space<semaphore_mem>> -> memref<!tpu.dma_semaphore, #tpu.memory_space<semaphore_mem>>
      %dma_wait3A_112 = arith.constant 0 : i32
      %dma_wait3A_113 = tpu.memref_slice %arg3[%dma_wait3A_112] : memref<40960000xi32, #tpu.memory_space<hbm>> -> memref<5120xi32, #tpu.memory_space<hbm>>
      tpu.wait_dma2 semaphore(%dma_wait3A_111 : memref<!tpu.dma_semaphore, #tpu.memory_space<semaphore_mem>>) src(%dma_wait3A_113 : memref<5120xi32, #tpu.memory_space<hbm>>) dst(%arg9 : memref<5120xi32, #tpu.memory_space<vmem>>)
      %dma_wait3A_114 = arith.constant 1 : i32
      %dma_wait3A_115 = arith.constant 0 : i32
      %dma_wait3A_116 = tpu.memref_slice %arg4[%dma_wait3A_115] : memref<40960000xi32, #tpu.memory_space<hbm>> -> memref<5120xi32, #tpu.memory_space<hbm>>
      %dma_wait3A_117 = tpu.memref_slice %arg18[%dma_wait3A_114] : memref<2x!tpu.dma_semaphore, #tpu.memory_space<semaphore_mem>> -> memref<1x!tpu.dma_semaphore, #tpu.memory_space<semaphore_mem>>
      %dma_wait3A_118 = tpu.memref_squeeze %dma_wait3A_117 : memref<1x!tpu.dma_semaphore, #tpu.memory_space<semaphore_mem>> -> memref<!tpu.dma_semaphore, #tpu.memory_space<semaphore_mem>>
      %dma_wait3A_119 = arith.constant 0 : i32
      %dma_wait3A_120 = tpu.memref_slice %arg4[%dma_wait3A_119] : memref<40960000xi32, #tpu.memory_space<hbm>> -> memref<5120xi32, #tpu.memory_space<hbm>>
      tpu.wait_dma2 semaphore(%dma_wait3A_118 : memref<!tpu.dma_semaphore, #tpu.memory_space<semaphore_mem>>) src(%dma_wait3A_120 : memref<5120xi32, #tpu.memory_space<hbm>>) dst(%arg11 : memref<5120xi32, #tpu.memory_space<vmem>>)
      %lt3A_121 = arith.constant 249 : i32
      %lt3A_122 = arith.cmpi slt, %add3A_106, %lt3A_121 : i32
      %convert_element_type3A_123 = arith.extui %lt3A_122 : i1 to i32
      %cond3A_124 = arith.constant 0 : i32
      %cond3A_125 = arith.cmpi ne, %convert_element_type3A_123, %cond3A_124 : i32
      scf.if %cond3A_125 {
        %add3A_152 = arith.constant 1 : i32
        %add3A_153 = arith.addi %add3A_106, %add3A_152 : i32
        %mul3A_154 = arith.constant 5120 : i32
        %mul3A_155 = arith.muli %add3A_153, %mul3A_154 : i32
        %add3A_156 = arith.addi %mul3A_4, %mul3A_155 : i32
        %dma_start3A_157 = arith.constant 0 : i32
        %dma_start3A_158 = tpu.memref_slice %arg3[%add3A_156] : memref<40960000xi32, #tpu.memory_space<hbm>> -> memref<5120xi32, #tpu.memory_space<hbm>>
        %dma_start3A_159 = tpu.memref_slice %arg17[%dma_start3A_157] : memref<2x!tpu.dma_semaphore, #tpu.memory_space<semaphore_mem>> -> memref<1x!tpu.dma_semaphore, #tpu.memory_space<semaphore_mem>>
        %dma_start3A_160 = tpu.memref_squeeze %dma_start3A_159 : memref<1x!tpu.dma_semaphore, #tpu.memory_space<semaphore_mem>> -> memref<!tpu.dma_semaphore, #tpu.memory_space<semaphore_mem>>
        %dma_start3A_161 = tpu.memref_slice %arg3[%add3A_156] : memref<40960000xi32, #tpu.memory_space<hbm>> -> memref<5120xi32, #tpu.memory_space<hbm>>
        tpu.enqueue_dma source(%dma_start3A_161 : memref<5120xi32, #tpu.memory_space<hbm>>) target(%arg8 : memref<5120xi32, #tpu.memory_space<vmem>>) target_semaphore(%dma_start3A_160 : memref<!tpu.dma_semaphore, #tpu.memory_space<semaphore_mem>>)
        %dma_start3A_162 = arith.constant 0 : i32
        %dma_start3A_163 = tpu.memref_slice %arg4[%add3A_156] : memref<40960000xi32, #tpu.memory_space<hbm>> -> memref<5120xi32, #tpu.memory_space<hbm>>
        %dma_start3A_164 = tpu.memref_slice %arg18[%dma_start3A_162] : memref<2x!tpu.dma_semaphore, #tpu.memory_space<semaphore_mem>> -> memref<1x!tpu.dma_semaphore, #tpu.memory_space<semaphore_mem>>
        %dma_start3A_165 = tpu.memref_squeeze %dma_start3A_164 : memref<1x!tpu.dma_semaphore, #tpu.memory_space<semaphore_mem>> -> memref<!tpu.dma_semaphore, #tpu.memory_space<semaphore_mem>>
        %dma_start3A_166 = tpu.memref_slice %arg4[%add3A_156] : memref<40960000xi32, #tpu.memory_space<hbm>> -> memref<5120xi32, #tpu.memory_space<hbm>>
        tpu.enqueue_dma source(%dma_start3A_166 : memref<5120xi32, #tpu.memory_space<hbm>>) target(%arg10 : memref<5120xi32, #tpu.memory_space<vmem>>) target_semaphore(%dma_start3A_165 : memref<!tpu.dma_semaphore, #tpu.memory_space<semaphore_mem>>)
      } else {
      }
      %ge3A_126 = arith.constant 1 : i32
      %ge3A_127 = arith.cmpi sge, %scan3A_57, %ge3A_126 : i32
      %convert_element_type3A_128 = arith.extui %ge3A_127 : i1 to i32
      %cond3A_129 = arith.constant 0 : i32
      %cond3A_130 = arith.cmpi ne, %convert_element_type3A_128, %cond3A_129 : i32
      scf.if %cond3A_130 {
        %dma_wait3A_152 = arith.constant 1 : i32
        %dma_wait3A_153 = arith.constant 0 : i32
        %dma_wait3A_154 = tpu.memref_slice %arg5[%dma_wait3A_153] : memref<40960000xf32, #tpu.memory_space<hbm>> -> memref<5120xf32, #tpu.memory_space<hbm>>
        %dma_wait3A_155 = tpu.memref_slice %arg19[%dma_wait3A_152] : memref<2x!tpu.dma_semaphore, #tpu.memory_space<semaphore_mem>> -> memref<1x!tpu.dma_semaphore, #tpu.memory_space<semaphore_mem>>
        %dma_wait3A_156 = tpu.memref_squeeze %dma_wait3A_155 : memref<1x!tpu.dma_semaphore, #tpu.memory_space<semaphore_mem>> -> memref<!tpu.dma_semaphore, #tpu.memory_space<semaphore_mem>>
        %dma_wait3A_157 = arith.constant 0 : i32
        %dma_wait3A_158 = tpu.memref_slice %arg5[%dma_wait3A_157] : memref<40960000xf32, #tpu.memory_space<hbm>> -> memref<5120xf32, #tpu.memory_space<hbm>>
        tpu.wait_dma2 semaphore(%dma_wait3A_156 : memref<!tpu.dma_semaphore, #tpu.memory_space<semaphore_mem>>) src(%arg13 : memref<5120xf32, #tpu.memory_space<vmem>>) dst(%dma_wait3A_158 : memref<5120xf32, #tpu.memory_space<hbm>>)
        %dma_wait3A_159 = arith.constant 1 : i32
        %dma_wait3A_160 = arith.constant 0 : i32
        %dma_wait3A_161 = tpu.memref_slice %arg6[%dma_wait3A_160] : memref<40960000xf32, #tpu.memory_space<hbm>> -> memref<5120xf32, #tpu.memory_space<hbm>>
        %dma_wait3A_162 = tpu.memref_slice %arg20[%dma_wait3A_159] : memref<2x!tpu.dma_semaphore, #tpu.memory_space<semaphore_mem>> -> memref<1x!tpu.dma_semaphore, #tpu.memory_space<semaphore_mem>>
        %dma_wait3A_163 = tpu.memref_squeeze %dma_wait3A_162 : memref<1x!tpu.dma_semaphore, #tpu.memory_space<semaphore_mem>> -> memref<!tpu.dma_semaphore, #tpu.memory_space<semaphore_mem>>
        %dma_wait3A_164 = arith.constant 0 : i32
        %dma_wait3A_165 = tpu.memref_slice %arg6[%dma_wait3A_164] : memref<40960000xf32, #tpu.memory_space<hbm>> -> memref<5120xf32, #tpu.memory_space<hbm>>
        tpu.wait_dma2 semaphore(%dma_wait3A_163 : memref<!tpu.dma_semaphore, #tpu.memory_space<semaphore_mem>>) src(%arg15 : memref<5120xf32, #tpu.memory_space<vmem>>) dst(%dma_wait3A_165 : memref<5120xf32, #tpu.memory_space<hbm>>)
      } else {
      }
      %scan3A_131 = arith.constant 0 : i32
      %scan3A_132 = arith.constant 0 : i32
      %scan3A_133 = arith.constant 80 : i32
      %scan3A_134 = arith.addi %scan3A_132, %scan3A_133 : i32
      %scan3A_135 = arith.constant 1 : i32
      %scan3A_136 = scf.for %scan3A_152 = %scan3A_132 to %scan3A_134 step %scan3A_135 iter_args(%scan3A_153 = %scan3A_131) -> (i32)  : i32 {
        %mul3A_154 = arith.constant 64 : i32
        %mul3A_155 = arith.muli %scan3A_152, %mul3A_154 : i32
        %add3A_156 = arith.constant 0 : i32
        %add3A_157 = arith.addi %mul3A_155, %add3A_156 : i32
        %get3A = arith.index_cast %add3A_157 : i32 to index
        %get3A_158 = tpu.vector_load %arg9[%get3A] {strides = array<i32>} : memref<5120xi32, #tpu.memory_space<vmem>>, vector<16xi32>,
        %gather3A = tpu.vector_load_idx %arg7[%get3A_158] : memref<81920xf32, #tpu.memory_space<vmem>>[vector<16xi32>], vector<16xf32>,
        %swap3A = arith.index_cast %add3A_157 : i32 to index
        %swap3A_159 = tpu.vector_load %arg13[%swap3A] {strides = array<i32>} : memref<5120xf32, #tpu.memory_space<vmem>>, vector<16xf32>,
        tpu.vector_store %arg13[%swap3A], %gather3A {strides = array<i32>} : memref<5120xf32, #tpu.memory_space<vmem>>, vector<16xf32>,
        %get3A_160 = arith.index_cast %add3A_157 : i32 to index
        %get3A_161 = tpu.vector_load %arg11[%get3A_160] {strides = array<i32>} : memref<5120xi32, #tpu.memory_space<vmem>>, vector<16xi32>,
        %gather3A_162 = tpu.vector_load_idx %arg7[%get3A_161] : memref<81920xf32, #tpu.memory_space<vmem>>[vector<16xi32>], vector<16xf32>,
        %swap3A_163 = arith.index_cast %add3A_157 : i32 to index
        %swap3A_164 = tpu.vector_load %arg15[%swap3A_163] {strides = array<i32>} : memref<5120xf32, #tpu.memory_space<vmem>>, vector<16xf32>,
        tpu.vector_store %arg15[%swap3A_163], %gather3A_162 {strides = array<i32>} : memref<5120xf32, #tpu.memory_space<vmem>>, vector<16xf32>,
        %add3A_165 = arith.constant 16 : i32
        %add3A_166 = arith.addi %mul3A_155, %add3A_165 : i32
        %get3A_167 = arith.index_cast %add3A_166 : i32 to index
        %get3A_168 = tpu.vector_load %arg9[%get3A_167] {strides = array<i32>} : memref<5120xi32, #tpu.memory_space<vmem>>, vector<16xi32>,
        %gather3A_169 = tpu.vector_load_idx %arg7[%get3A_168] : memref<81920xf32, #tpu.memory_space<vmem>>[vector<16xi32>], vector<16xf32>,
        %swap3A_170 = arith.index_cast %add3A_166 : i32 to index
        %swap3A_171 = tpu.vector_load %arg13[%swap3A_170] {strides = array<i32>} : memref<5120xf32, #tpu.memory_space<vmem>>, vector<16xf32>,
        tpu.vector_store %arg13[%swap3A_170], %gather3A_169 {strides = array<i32>} : memref<5120xf32, #tpu.memory_space<vmem>>, vector<16xf32>,
        %get3A_172 = arith.index_cast %add3A_166 : i32 to index
        %get3A_173 = tpu.vector_load %arg11[%get3A_172] {strides = array<i32>} : memref<5120xi32, #tpu.memory_space<vmem>>, vector<16xi32>,
        %gather3A_174 = tpu.vector_load_idx %arg7[%get3A_173] : memref<81920xf32, #tpu.memory_space<vmem>>[vector<16xi32>], vector<16xf32>,
        %swap3A_175 = arith.index_cast %add3A_166 : i32 to index
        %swap3A_176 = tpu.vector_load %arg15[%swap3A_175] {strides = array<i32>} : memref<5120xf32, #tpu.memory_space<vmem>>, vector<16xf32>,
        tpu.vector_store %arg15[%swap3A_175], %gather3A_174 {strides = array<i32>} : memref<5120xf32, #tpu.memory_space<vmem>>, vector<16xf32>,
        %add3A_177 = arith.constant 32 : i32
        %add3A_178 = arith.addi %mul3A_155, %add3A_177 : i32
        %get3A_179 = arith.index_cast %add3A_178 : i32 to index
        %get3A_180 = tpu.vector_load %arg9[%get3A_179] {strides = array<i32>} : memref<5120xi32, #tpu.memory_space<vmem>>, vector<16xi32>,
        %gather3A_181 = tpu.vector_load_idx %arg7[%get3A_180] : memref<81920xf32, #tpu.memory_space<vmem>>[vector<16xi32>], vector<16xf32>,
        %swap3A_182 = arith.index_cast %add3A_178 : i32 to index
        %swap3A_183 = tpu.vector_load %arg13[%swap3A_182] {strides = array<i32>} : memref<5120xf32, #tpu.memory_space<vmem>>, vector<16xf32>,
        tpu.vector_store %arg13[%swap3A_182], %gather3A_181 {strides = array<i32>} : memref<5120xf32, #tpu.memory_space<vmem>>, vector<16xf32>,
        %get3A_184 = arith.index_cast %add3A_178 : i32 to index
        %get3A_185 = tpu.vector_load %arg11[%get3A_184] {strides = array<i32>} : memref<5120xi32, #tpu.memory_space<vmem>>, vector<16xi32>,
        %gather3A_186 = tpu.vector_load_idx %arg7[%get3A_185] : memref<81920xf32, #tpu.memory_space<vmem>>[vector<16xi32>], vector<16xf32>,
        %swap3A_187 = arith.index_cast %add3A_178 : i32 to index
        %swap3A_188 = tpu.vector_load %arg15[%swap3A_187] {strides = array<i32>} : memref<5120xf32, #tpu.memory_space<vmem>>, vector<16xf32>,
        tpu.vector_store %arg15[%swap3A_187], %gather3A_186 {strides = array<i32>} : memref<5120xf32, #tpu.memory_space<vmem>>, vector<16xf32>,
        %add3A_189 = arith.constant 48 : i32
        %add3A_190 = arith.addi %mul3A_155, %add3A_189 : i32
        %get3A_191 = arith.index_cast %add3A_190 : i32 to index
        %get3A_192 = tpu.vector_load %arg9[%get3A_191] {strides = array<i32>} : memref<5120xi32, #tpu.memory_space<vmem>>, vector<16xi32>,
        %gather3A_193 = tpu.vector_load_idx %arg7[%get3A_192] : memref<81920xf32, #tpu.memory_space<vmem>>[vector<16xi32>], vector<16xf32>,
        %swap3A_194 = arith.index_cast %add3A_190 : i32 to index
        %swap3A_195 = tpu.vector_load %arg13[%swap3A_194] {strides = array<i32>} : memref<5120xf32, #tpu.memory_space<vmem>>, vector<16xf32>,
        tpu.vector_store %arg13[%swap3A_194], %gather3A_193 {strides = array<i32>} : memref<5120xf32, #tpu.memory_space<vmem>>, vector<16xf32>,
        %get3A_196 = arith.index_cast %add3A_190 : i32 to index
        %get3A_197 = tpu.vector_load %arg11[%get3A_196] {strides = array<i32>} : memref<5120xi32, #tpu.memory_space<vmem>>, vector<16xi32>,
        %gather3A_198 = tpu.vector_load_idx %arg7[%get3A_197] : memref<81920xf32, #tpu.memory_space<vmem>>[vector<16xi32>], vector<16xf32>,
        %swap3A_199 = arith.index_cast %add3A_190 : i32 to index
        %swap3A_200 = tpu.vector_load %arg15[%swap3A_199] {strides = array<i32>} : memref<5120xf32, #tpu.memory_space<vmem>>, vector<16xf32>,
        tpu.vector_store %arg15[%swap3A_199], %gather3A_198 {strides = array<i32>} : memref<5120xf32, #tpu.memory_space<vmem>>, vector<16xf32>,
        %scan3A_201 = arith.constant 0 : i32
        scf.yield %scan3A_201 : i32
      }
      %scan3A_137 = arith.constant 80 : i32
      %mul3A_138 = arith.constant 5120 : i32
      %mul3A_139 = arith.muli %add3A_106, %mul3A_138 : i32
      %add3A_140 = arith.addi %mul3A_4, %mul3A_139 : i32
      %dma_start3A_141 = arith.constant 1 : i32
      %dma_start3A_142 = tpu.memref_slice %arg5[%add3A_140] : memref<40960000xf32, #tpu.memory_space<hbm>> -> memref<5120xf32, #tpu.memory_space<hbm>>
      %dma_start3A_143 = tpu.memref_slice %arg19[%dma_start3A_141] : memref<2x!tpu.dma_semaphore, #tpu.memory_space<semaphore_mem>> -> memref<1x!tpu.dma_semaphore, #tpu.memory_space<semaphore_mem>>
      %dma_start3A_144 = tpu.memref_squeeze %dma_start3A_143 : memref<1x!tpu.dma_semaphore, #tpu.memory_space<semaphore_mem>> -> memref<!tpu.dma_semaphore, #tpu.memory_space<semaphore_mem>>
      %dma_start3A_145 = tpu.memref_slice %arg5[%add3A_140] : memref<40960000xf32, #tpu.memory_space<hbm>> -> memref<5120xf32, #tpu.memory_space<hbm>>
      tpu.enqueue_dma source(%arg13 : memref<5120xf32, #tpu.memory_space<vmem>>) target(%dma_start3A_145 : memref<5120xf32, #tpu.memory_space<hbm>>) target_semaphore(%dma_start3A_144 : memref<!tpu.dma_semaphore, #tpu.memory_space<semaphore_mem>>)
      %dma_start3A_146 = arith.constant 1 : i32
      %dma_start3A_147 = tpu.memref_slice %arg6[%add3A_140] : memref<40960000xf32, #tpu.memory_space<hbm>> -> memref<5120xf32, #tpu.memory_space<hbm>>
      %dma_start3A_148 = tpu.memref_slice %arg20[%dma_start3A_146] : memref<2x!tpu.dma_semaphore, #tpu.memory_space<semaphore_mem>> -> memref<1x!tpu.dma_semaphore, #tpu.memory_space<semaphore_mem>>
      %dma_start3A_149 = tpu.memref_squeeze %dma_start3A_148 : memref<1x!tpu.dma_semaphore, #tpu.memory_space<semaphore_mem>> -> memref<!tpu.dma_semaphore, #tpu.memory_space<semaphore_mem>>
      %dma_start3A_150 = tpu.memref_slice %arg6[%add3A_140] : memref<40960000xf32, #tpu.memory_space<hbm>> -> memref<5120xf32, #tpu.memory_space<hbm>>
      tpu.enqueue_dma source(%arg15 : memref<5120xf32, #tpu.memory_space<vmem>>) target(%dma_start3A_150 : memref<5120xf32, #tpu.memory_space<hbm>>) target_semaphore(%dma_start3A_149 : memref<!tpu.dma_semaphore, #tpu.memory_space<semaphore_mem>>)
      %scan3A_151 = arith.constant 0 : i32
      scf.yield %scan3A_151 : i32
    }
    %scan3A_28 = arith.constant 125 : i32
    %dma_wait3A_29 = arith.constant 0 : i32
    %dma_wait3A_30 = arith.constant 0 : i32
    %dma_wait3A_31 = tpu.memref_slice %arg5[%dma_wait3A_30] : memref<40960000xf32, #tpu.memory_space<hbm>> -> memref<5120xf32, #tpu.memory_space<hbm>>
    %dma_wait3A_32 = tpu.memref_slice %arg19[%dma_wait3A_29] : memref<2x!tpu.dma_semaphore, #tpu.memory_space<semaphore_mem>> -> memref<1x!tpu.dma_semaphore, #tpu.memory_space<semaphore_mem>>
    %dma_wait3A_33 = tpu.memref_squeeze %dma_wait3A_32 : memref<1x!tpu.dma_semaphore, #tpu.memory_space<semaphore_mem>> -> memref<!tpu.dma_semaphore, #tpu.memory_space<semaphore_mem>>
    %dma_wait3A_34 = arith.constant 0 : i32
    %dma_wait3A_35 = tpu.memref_slice %arg5[%dma_wait3A_34] : memref<40960000xf32, #tpu.memory_space<hbm>> -> memref<5120xf32, #tpu.memory_space<hbm>>
    tpu.wait_dma2 semaphore(%dma_wait3A_33 : memref<!tpu.dma_semaphore, #tpu.memory_space<semaphore_mem>>) src(%arg12 : memref<5120xf32, #tpu.memory_space<vmem>>) dst(%dma_wait3A_35 : memref<5120xf32, #tpu.memory_space<hbm>>)
    %dma_wait3A_36 = arith.constant 0 : i32
    %dma_wait3A_37 = arith.constant 0 : i32
    %dma_wait3A_38 = tpu.memref_slice %arg6[%dma_wait3A_37] : memref<40960000xf32, #tpu.memory_space<hbm>> -> memref<5120xf32, #tpu.memory_space<hbm>>
    %dma_wait3A_39 = tpu.memref_slice %arg20[%dma_wait3A_36] : memref<2x!tpu.dma_semaphore, #tpu.memory_space<semaphore_mem>> -> memref<1x!tpu.dma_semaphore, #tpu.memory_space<semaphore_mem>>
    %dma_wait3A_40 = tpu.memref_squeeze %dma_wait3A_39 : memref<1x!tpu.dma_semaphore, #tpu.memory_space<semaphore_mem>> -> memref<!tpu.dma_semaphore, #tpu.memory_space<semaphore_mem>>
    %dma_wait3A_41 = arith.constant 0 : i32
    %dma_wait3A_42 = tpu.memref_slice %arg6[%dma_wait3A_41] : memref<40960000xf32, #tpu.memory_space<hbm>> -> memref<5120xf32, #tpu.memory_space<hbm>>
    tpu.wait_dma2 semaphore(%dma_wait3A_40 : memref<!tpu.dma_semaphore, #tpu.memory_space<semaphore_mem>>) src(%arg14 : memref<5120xf32, #tpu.memory_space<vmem>>) dst(%dma_wait3A_42 : memref<5120xf32, #tpu.memory_space<hbm>>)
    %dma_wait3A_43 = arith.constant 1 : i32
    %dma_wait3A_44 = arith.constant 0 : i32
    %dma_wait3A_45 = tpu.memref_slice %arg5[%dma_wait3A_44] : memref<40960000xf32, #tpu.memory_space<hbm>> -> memref<5120xf32, #tpu.memory_space<hbm>>
    %dma_wait3A_46 = tpu.memref_slice %arg19[%dma_wait3A_43] : memref<2x!tpu.dma_semaphore, #tpu.memory_space<semaphore_mem>> -> memref<1x!tpu.dma_semaphore, #tpu.memory_space<semaphore_mem>>
    %dma_wait3A_47 = tpu.memref_squeeze %dma_wait3A_46 : memref<1x!tpu.dma_semaphore, #tpu.memory_space<semaphore_mem>> -> memref<!tpu.dma_semaphore, #tpu.memory_space<semaphore_mem>>
    %dma_wait3A_48 = arith.constant 0 : i32
    %dma_wait3A_49 = tpu.memref_slice %arg5[%dma_wait3A_48] : memref<40960000xf32, #tpu.memory_space<hbm>> -> memref<5120xf32, #tpu.memory_space<hbm>>
    tpu.wait_dma2 semaphore(%dma_wait3A_47 : memref<!tpu.dma_semaphore, #tpu.memory_space<semaphore_mem>>) src(%arg13 : memref<5120xf32, #tpu.memory_space<vmem>>) dst(%dma_wait3A_49 : memref<5120xf32, #tpu.memory_space<hbm>>)
    %dma_wait3A_50 = arith.constant 1 : i32
    %dma_wait3A_51 = arith.constant 0 : i32
    %dma_wait3A_52 = tpu.memref_slice %arg6[%dma_wait3A_51] : memref<40960000xf32, #tpu.memory_space<hbm>> -> memref<5120xf32, #tpu.memory_space<hbm>>
    %dma_wait3A_53 = tpu.memref_slice %arg20[%dma_wait3A_50] : memref<2x!tpu.dma_semaphore, #tpu.memory_space<semaphore_mem>> -> memref<1x!tpu.dma_semaphore, #tpu.memory_space<semaphore_mem>>
    %dma_wait3A_54 = tpu.memref_squeeze %dma_wait3A_53 : memref<1x!tpu.dma_semaphore, #tpu.memory_space<semaphore_mem>> -> memref<!tpu.dma_semaphore, #tpu.memory_space<semaphore_mem>>
    %dma_wait3A_55 = arith.constant 0 : i32
    %dma_wait3A_56 = tpu.memref_slice %arg6[%dma_wait3A_55] : memref<40960000xf32, #tpu.memory_space<hbm>> -> memref<5120xf32, #tpu.memory_space<hbm>>
    tpu.wait_dma2 semaphore(%dma_wait3A_54 : memref<!tpu.dma_semaphore, #tpu.memory_space<semaphore_mem>>) src(%arg15 : memref<5120xf32, #tpu.memory_space<vmem>>) dst(%dma_wait3A_56 : memref<5120xf32, #tpu.memory_space<hbm>>)
    return
  }
}

#map = affine_map<(d0, d1) -> (0)>
module attributes {stable_mosaic.version = 14 : i64} {
  func.func @body(%arg0: i32, %arg1: i32, %arg2: memref<40960000xf32, #tpu.memory_space<hbm>>, %arg3: memref<40960000xi32, #tpu.memory_space<hbm>>, %arg4: memref<2621440xf32, #tpu.memory_space<hbm>>, %arg5: memref<81920xf32, #tpu.memory_space<vmem>>, %arg6: memref<5120xi32, #tpu.memory_space<vmem>>, %arg7: memref<5120xi32, #tpu.memory_space<vmem>>, %arg8: memref<5120xf32, #tpu.memory_space<vmem>>, %arg9: memref<5120xf32, #tpu.memory_space<vmem>>, %arg10: memref<2x!tpu.dma_semaphore, #tpu.memory_space<semaphore_mem>>, %arg11: memref<2x!tpu.dma_semaphore, #tpu.memory_space<semaphore_mem>>) attributes {dimension_semantics = [#tpu.dimension_semantics<core_parallel>, #tpu.dimension_semantics<subcore_parallel>], iteration_bounds = array<i64: 2, 16>, scalar_prefetch = 0 : i64, scratch_operands = 7 : i64, tpu.core_type = #tpu.core_type<sc_vector_subcore>, window_params = [{transform_indices = #map}, {transform_indices = #map}, {transform_indices = #map}]} {
    %mul3A = arith.constant 2 : i32
    %mul3A_0 = arith.muli %arg1, %mul3A : i32
    %add3A = arith.addi %mul3A_0, %arg0 : i32
    %mul3A_1 = arith.constant 250 : i32
    %mul3A_2 = arith.muli %add3A, %mul3A_1 : i32
    %mul3A_3 = arith.constant 5120 : i32
    %mul3A_4 = arith.muli %mul3A_2, %mul3A_3 : i32
    %add3A_5 = arith.constant 0 : i32
    %add3A_6 = arith.addi %mul3A_4, %add3A_5 : i32
    %dma_start3A = arith.constant 0 : i32
    %dma_start3A_7 = tpu.memref_slice %arg3[%add3A_6] : memref<40960000xi32, #tpu.memory_space<hbm>> -> memref<5120xi32, #tpu.memory_space<hbm>>
    %dma_start3A_8 = tpu.memref_slice %arg10[%dma_start3A] : memref<2x!tpu.dma_semaphore, #tpu.memory_space<semaphore_mem>> -> memref<1x!tpu.dma_semaphore, #tpu.memory_space<semaphore_mem>>
    %dma_start3A_9 = tpu.memref_squeeze %dma_start3A_8 : memref<1x!tpu.dma_semaphore, #tpu.memory_space<semaphore_mem>> -> memref<!tpu.dma_semaphore, #tpu.memory_space<semaphore_mem>>
    %dma_start3A_10 = tpu.memref_slice %arg3[%add3A_6] : memref<40960000xi32, #tpu.memory_space<hbm>> -> memref<5120xi32, #tpu.memory_space<hbm>>
    tpu.enqueue_dma source(%dma_start3A_10 : memref<5120xi32, #tpu.memory_space<hbm>>) target(%arg6 : memref<5120xi32, #tpu.memory_space<vmem>>) target_semaphore(%dma_start3A_9 : memref<!tpu.dma_semaphore, #tpu.memory_space<semaphore_mem>>)
    %dma_start3A_11 = arith.constant 0 : i32
    %dma_start3A_12 = tpu.memref_slice %arg2[%add3A_6] : memref<40960000xf32, #tpu.memory_space<hbm>> -> memref<5120xf32, #tpu.memory_space<hbm>>
    %dma_start3A_13 = tpu.memref_slice %arg11[%dma_start3A_11] : memref<2x!tpu.dma_semaphore, #tpu.memory_space<semaphore_mem>> -> memref<1x!tpu.dma_semaphore, #tpu.memory_space<semaphore_mem>>
    %dma_start3A_14 = tpu.memref_squeeze %dma_start3A_13 : memref<1x!tpu.dma_semaphore, #tpu.memory_space<semaphore_mem>> -> memref<!tpu.dma_semaphore, #tpu.memory_space<semaphore_mem>>
    %dma_start3A_15 = tpu.memref_slice %arg2[%add3A_6] : memref<40960000xf32, #tpu.memory_space<hbm>> -> memref<5120xf32, #tpu.memory_space<hbm>>
    tpu.enqueue_dma source(%dma_start3A_15 : memref<5120xf32, #tpu.memory_space<hbm>>) target(%arg8 : memref<5120xf32, #tpu.memory_space<vmem>>) target_semaphore(%dma_start3A_14 : memref<!tpu.dma_semaphore, #tpu.memory_space<semaphore_mem>>)
    %scan3A = arith.constant 0 : i32
    %scan3A_16 = arith.constant 0 : i32
    %scan3A_17 = arith.constant 5120 : i32
    %scan3A_18 = arith.addi %scan3A_16, %scan3A_17 : i32
    %scan3A_19 = arith.constant 1 : i32
    %scan3A_20 = scf.for %scan3A_31 = %scan3A_16 to %scan3A_18 step %scan3A_19 iter_args(%scan3A_32 = %scan3A) -> (i32)  : i32 {
      %broadcast_in_dim3A = arith.constant 0.000000e+00 : f32
      %broadcast_in_dim3A_33 = vector.broadcast %broadcast_in_dim3A : f32 to vector<16xf32>
      %mul3A_34 = arith.constant 16 : i32
      %mul3A_35 = arith.muli %scan3A_31, %mul3A_34 : i32
      %swap3A = arith.index_cast %mul3A_35 : i32 to index
      %swap3A_36 = tpu.vector_load %arg5[%swap3A] {strides = array<i32>} : memref<81920xf32, #tpu.memory_space<vmem>>, vector<16xf32>,
      tpu.vector_store %arg5[%swap3A], %broadcast_in_dim3A_33 {strides = array<i32>} : memref<81920xf32, #tpu.memory_space<vmem>>, vector<16xf32>,
      %scan3A_37 = arith.constant 0 : i32
      scf.yield %scan3A_37 : i32
    }
    %scan3A_21 = arith.constant 5120 : i32
    %scan3A_22 = arith.constant 0 : i32
    %scan3A_23 = arith.constant 0 : i32
    %scan3A_24 = arith.constant 125 : i32
    %scan3A_25 = arith.addi %scan3A_23, %scan3A_24 : i32
    %scan3A_26 = arith.constant 1 : i32
    %scan3A_27 = scf.for %scan3A_31 = %scan3A_23 to %scan3A_25 step %scan3A_26 iter_args(%scan3A_32 = %scan3A_22) -> (i32)  : i32 {
      %mul3A_33 = arith.constant 2 : i32
      %mul3A_34 = arith.muli %scan3A_31, %mul3A_33 : i32
      %add3A_35 = arith.constant 0 : i32
      %add3A_36 = arith.addi %mul3A_34, %add3A_35 : i32
      %dma_wait3A = arith.constant 0 : i32
      %dma_wait3A_37 = arith.constant 0 : i32
      %dma_wait3A_38 = tpu.memref_slice %arg3[%dma_wait3A_37] : memref<40960000xi32, #tpu.memory_space<hbm>> -> memref<5120xi32, #tpu.memory_space<hbm>>
      %dma_wait3A_39 = tpu.memref_slice %arg10[%dma_wait3A] : memref<2x!tpu.dma_semaphore, #tpu.memory_space<semaphore_mem>> -> memref<1x!tpu.dma_semaphore, #tpu.memory_space<semaphore_mem>>
      %dma_wait3A_40 = tpu.memref_squeeze %dma_wait3A_39 : memref<1x!tpu.dma_semaphore, #tpu.memory_space<semaphore_mem>> -> memref<!tpu.dma_semaphore, #tpu.memory_space<semaphore_mem>>
      %dma_wait3A_41 = arith.constant 0 : i32
      %dma_wait3A_42 = tpu.memref_slice %arg3[%dma_wait3A_41] : memref<40960000xi32, #tpu.memory_space<hbm>> -> memref<5120xi32, #tpu.memory_space<hbm>>
      tpu.wait_dma2 semaphore(%dma_wait3A_40 : memref<!tpu.dma_semaphore, #tpu.memory_space<semaphore_mem>>) src(%dma_wait3A_42 : memref<5120xi32, #tpu.memory_space<hbm>>) dst(%arg6 : memref<5120xi32, #tpu.memory_space<vmem>>)
      %dma_wait3A_43 = arith.constant 0 : i32
      %dma_wait3A_44 = arith.constant 0 : i32
      %dma_wait3A_45 = tpu.memref_slice %arg2[%dma_wait3A_44] : memref<40960000xf32, #tpu.memory_space<hbm>> -> memref<5120xf32, #tpu.memory_space<hbm>>
      %dma_wait3A_46 = tpu.memref_slice %arg11[%dma_wait3A_43] : memref<2x!tpu.dma_semaphore, #tpu.memory_space<semaphore_mem>> -> memref<1x!tpu.dma_semaphore, #tpu.memory_space<semaphore_mem>>
      %dma_wait3A_47 = tpu.memref_squeeze %dma_wait3A_46 : memref<1x!tpu.dma_semaphore, #tpu.memory_space<semaphore_mem>> -> memref<!tpu.dma_semaphore, #tpu.memory_space<semaphore_mem>>
      %dma_wait3A_48 = arith.constant 0 : i32
      %dma_wait3A_49 = tpu.memref_slice %arg2[%dma_wait3A_48] : memref<40960000xf32, #tpu.memory_space<hbm>> -> memref<5120xf32, #tpu.memory_space<hbm>>
      tpu.wait_dma2 semaphore(%dma_wait3A_47 : memref<!tpu.dma_semaphore, #tpu.memory_space<semaphore_mem>>) src(%dma_wait3A_49 : memref<5120xf32, #tpu.memory_space<hbm>>) dst(%arg8 : memref<5120xf32, #tpu.memory_space<vmem>>)
      %lt3A = arith.constant 249 : i32
      %lt3A_50 = arith.cmpi slt, %add3A_36, %lt3A : i32
      %convert_element_type3A = arith.extui %lt3A_50 : i1 to i32
      %cond3A = arith.constant 0 : i32
      %cond3A_51 = arith.cmpi ne, %convert_element_type3A, %cond3A : i32
      scf.if %cond3A_51 {
        %add3A_90 = arith.constant 1 : i32
        %add3A_91 = arith.addi %add3A_36, %add3A_90 : i32
        %mul3A_92 = arith.constant 5120 : i32
        %mul3A_93 = arith.muli %add3A_91, %mul3A_92 : i32
        %add3A_94 = arith.addi %mul3A_4, %mul3A_93 : i32
        %dma_start3A_95 = arith.constant 1 : i32
        %dma_start3A_96 = tpu.memref_slice %arg3[%add3A_94] : memref<40960000xi32, #tpu.memory_space<hbm>> -> memref<5120xi32, #tpu.memory_space<hbm>>
        %dma_start3A_97 = tpu.memref_slice %arg10[%dma_start3A_95] : memref<2x!tpu.dma_semaphore, #tpu.memory_space<semaphore_mem>> -> memref<1x!tpu.dma_semaphore, #tpu.memory_space<semaphore_mem>>
        %dma_start3A_98 = tpu.memref_squeeze %dma_start3A_97 : memref<1x!tpu.dma_semaphore, #tpu.memory_space<semaphore_mem>> -> memref<!tpu.dma_semaphore, #tpu.memory_space<semaphore_mem>>
        %dma_start3A_99 = tpu.memref_slice %arg3[%add3A_94] : memref<40960000xi32, #tpu.memory_space<hbm>> -> memref<5120xi32, #tpu.memory_space<hbm>>
        tpu.enqueue_dma source(%dma_start3A_99 : memref<5120xi32, #tpu.memory_space<hbm>>) target(%arg7 : memref<5120xi32, #tpu.memory_space<vmem>>) target_semaphore(%dma_start3A_98 : memref<!tpu.dma_semaphore, #tpu.memory_space<semaphore_mem>>)
        %dma_start3A_100 = arith.constant 1 : i32
        %dma_start3A_101 = tpu.memref_slice %arg2[%add3A_94] : memref<40960000xf32, #tpu.memory_space<hbm>> -> memref<5120xf32, #tpu.memory_space<hbm>>
        %dma_start3A_102 = tpu.memref_slice %arg11[%dma_start3A_100] : memref<2x!tpu.dma_semaphore, #tpu.memory_space<semaphore_mem>> -> memref<1x!tpu.dma_semaphore, #tpu.memory_space<semaphore_mem>>
        %dma_start3A_103 = tpu.memref_squeeze %dma_start3A_102 : memref<1x!tpu.dma_semaphore, #tpu.memory_space<semaphore_mem>> -> memref<!tpu.dma_semaphore, #tpu.memory_space<semaphore_mem>>
        %dma_start3A_104 = tpu.memref_slice %arg2[%add3A_94] : memref<40960000xf32, #tpu.memory_space<hbm>> -> memref<5120xf32, #tpu.memory_space<hbm>>
        tpu.enqueue_dma source(%dma_start3A_104 : memref<5120xf32, #tpu.memory_space<hbm>>) target(%arg9 : memref<5120xf32, #tpu.memory_space<vmem>>) target_semaphore(%dma_start3A_103 : memref<!tpu.dma_semaphore, #tpu.memory_space<semaphore_mem>>)
      } else {
      }
      %scan3A_52 = arith.constant 0 : i32
      %scan3A_53 = arith.constant 0 : i32
      %scan3A_54 = arith.constant 80 : i32
      %scan3A_55 = arith.addi %scan3A_53, %scan3A_54 : i32
      %scan3A_56 = arith.constant 1 : i32
      %scan3A_57 = scf.for %scan3A_90 = %scan3A_53 to %scan3A_55 step %scan3A_56 iter_args(%scan3A_91 = %scan3A_52) -> (i32)  : i32 {
        %mul3A_92 = arith.constant 64 : i32
        %mul3A_93 = arith.muli %scan3A_90, %mul3A_92 : i32
        %add3A_94 = arith.constant 0 : i32
        %add3A_95 = arith.addi %mul3A_93, %add3A_94 : i32
        %get3A = arith.index_cast %add3A_95 : i32 to index
        %get3A_96 = tpu.vector_load %arg6[%get3A] {strides = array<i32>} : memref<5120xi32, #tpu.memory_space<vmem>>, vector<16xi32>,
        %get3A_97 = arith.index_cast %add3A_95 : i32 to index
        %get3A_98 = tpu.vector_load %arg8[%get3A_97] {strides = array<i32>} : memref<5120xf32, #tpu.memory_space<vmem>>, vector<16xf32>,
        tpu.vector_store_idx %arg5[%get3A_96], %get3A_98 {add = true} : memref<81920xf32, #tpu.memory_space<vmem>>[vector<16xi32>], vector<16xf32>,
        %add3A_99 = arith.constant 16 : i32
        %add3A_100 = arith.addi %mul3A_93, %add3A_99 : i32
        %get3A_101 = arith.index_cast %add3A_100 : i32 to index
        %get3A_102 = tpu.vector_load %arg6[%get3A_101] {strides = array<i32>} : memref<5120xi32, #tpu.memory_space<vmem>>, vector<16xi32>,
        %get3A_103 = arith.index_cast %add3A_100 : i32 to index
        %get3A_104 = tpu.vector_load %arg8[%get3A_103] {strides = array<i32>} : memref<5120xf32, #tpu.memory_space<vmem>>, vector<16xf32>,
        tpu.vector_store_idx %arg5[%get3A_102], %get3A_104 {add = true} : memref<81920xf32, #tpu.memory_space<vmem>>[vector<16xi32>], vector<16xf32>,
        %add3A_105 = arith.constant 32 : i32
        %add3A_106 = arith.addi %mul3A_93, %add3A_105 : i32
        %get3A_107 = arith.index_cast %add3A_106 : i32 to index
        %get3A_108 = tpu.vector_load %arg6[%get3A_107] {strides = array<i32>} : memref<5120xi32, #tpu.memory_space<vmem>>, vector<16xi32>,
        %get3A_109 = arith.index_cast %add3A_106 : i32 to index
        %get3A_110 = tpu.vector_load %arg8[%get3A_109] {strides = array<i32>} : memref<5120xf32, #tpu.memory_space<vmem>>, vector<16xf32>,
        tpu.vector_store_idx %arg5[%get3A_108], %get3A_110 {add = true} : memref<81920xf32, #tpu.memory_space<vmem>>[vector<16xi32>], vector<16xf32>,
        %add3A_111 = arith.constant 48 : i32
        %add3A_112 = arith.addi %mul3A_93, %add3A_111 : i32
        %get3A_113 = arith.index_cast %add3A_112 : i32 to index
        %get3A_114 = tpu.vector_load %arg6[%get3A_113] {strides = array<i32>} : memref<5120xi32, #tpu.memory_space<vmem>>, vector<16xi32>,
        %get3A_115 = arith.index_cast %add3A_112 : i32 to index
        %get3A_116 = tpu.vector_load %arg8[%get3A_115] {strides = array<i32>} : memref<5120xf32, #tpu.memory_space<vmem>>, vector<16xf32>,
        tpu.vector_store_idx %arg5[%get3A_114], %get3A_116 {add = true} : memref<81920xf32, #tpu.memory_space<vmem>>[vector<16xi32>], vector<16xf32>,
        %scan3A_117 = arith.constant 0 : i32
        scf.yield %scan3A_117 : i32
      }
      %scan3A_58 = arith.constant 80 : i32
      %mul3A_59 = arith.constant 2 : i32
      %mul3A_60 = arith.muli %scan3A_31, %mul3A_59 : i32
      %add3A_61 = arith.constant 1 : i32
      %add3A_62 = arith.addi %mul3A_60, %add3A_61 : i32
      %dma_wait3A_63 = arith.constant 1 : i32
      %dma_wait3A_64 = arith.constant 0 : i32
      %dma_wait3A_65 = tpu.memref_slice %arg3[%dma_wait3A_64] : memref<40960000xi32, #tpu.memory_space<hbm>> -> memref<5120xi32, #tpu.memory_space<hbm>>
      %dma_wait3A_66 = tpu.memref_slice %arg10[%dma_wait3A_63] : memref<2x!tpu.dma_semaphore, #tpu.memory_space<semaphore_mem>> -> memref<1x!tpu.dma_semaphore, #tpu.memory_space<semaphore_mem>>
      %dma_wait3A_67 = tpu.memref_squeeze %dma_wait3A_66 : memref<1x!tpu.dma_semaphore, #tpu.memory_space<semaphore_mem>> -> memref<!tpu.dma_semaphore, #tpu.memory_space<semaphore_mem>>
      %dma_wait3A_68 = arith.constant 0 : i32
      %dma_wait3A_69 = tpu.memref_slice %arg3[%dma_wait3A_68] : memref<40960000xi32, #tpu.memory_space<hbm>> -> memref<5120xi32, #tpu.memory_space<hbm>>
      tpu.wait_dma2 semaphore(%dma_wait3A_67 : memref<!tpu.dma_semaphore, #tpu.memory_space<semaphore_mem>>) src(%dma_wait3A_69 : memref<5120xi32, #tpu.memory_space<hbm>>) dst(%arg7 : memref<5120xi32, #tpu.memory_space<vmem>>)
      %dma_wait3A_70 = arith.constant 1 : i32
      %dma_wait3A_71 = arith.constant 0 : i32
      %dma_wait3A_72 = tpu.memref_slice %arg2[%dma_wait3A_71] : memref<40960000xf32, #tpu.memory_space<hbm>> -> memref<5120xf32, #tpu.memory_space<hbm>>
      %dma_wait3A_73 = tpu.memref_slice %arg11[%dma_wait3A_70] : memref<2x!tpu.dma_semaphore, #tpu.memory_space<semaphore_mem>> -> memref<1x!tpu.dma_semaphore, #tpu.memory_space<semaphore_mem>>
      %dma_wait3A_74 = tpu.memref_squeeze %dma_wait3A_73 : memref<1x!tpu.dma_semaphore, #tpu.memory_space<semaphore_mem>> -> memref<!tpu.dma_semaphore, #tpu.memory_space<semaphore_mem>>
      %dma_wait3A_75 = arith.constant 0 : i32
      %dma_wait3A_76 = tpu.memref_slice %arg2[%dma_wait3A_75] : memref<40960000xf32, #tpu.memory_space<hbm>> -> memref<5120xf32, #tpu.memory_space<hbm>>
      tpu.wait_dma2 semaphore(%dma_wait3A_74 : memref<!tpu.dma_semaphore, #tpu.memory_space<semaphore_mem>>) src(%dma_wait3A_76 : memref<5120xf32, #tpu.memory_space<hbm>>) dst(%arg9 : memref<5120xf32, #tpu.memory_space<vmem>>)
      %lt3A_77 = arith.constant 249 : i32
      %lt3A_78 = arith.cmpi slt, %add3A_62, %lt3A_77 : i32
      %convert_element_type3A_79 = arith.extui %lt3A_78 : i1 to i32
      %cond3A_80 = arith.constant 0 : i32
      %cond3A_81 = arith.cmpi ne, %convert_element_type3A_79, %cond3A_80 : i32
      scf.if %cond3A_81 {
        %add3A_90 = arith.constant 1 : i32
        %add3A_91 = arith.addi %add3A_62, %add3A_90 : i32
        %mul3A_92 = arith.constant 5120 : i32
        %mul3A_93 = arith.muli %add3A_91, %mul3A_92 : i32
        %add3A_94 = arith.addi %mul3A_4, %mul3A_93 : i32
        %dma_start3A_95 = arith.constant 0 : i32
        %dma_start3A_96 = tpu.memref_slice %arg3[%add3A_94] : memref<40960000xi32, #tpu.memory_space<hbm>> -> memref<5120xi32, #tpu.memory_space<hbm>>
        %dma_start3A_97 = tpu.memref_slice %arg10[%dma_start3A_95] : memref<2x!tpu.dma_semaphore, #tpu.memory_space<semaphore_mem>> -> memref<1x!tpu.dma_semaphore, #tpu.memory_space<semaphore_mem>>
        %dma_start3A_98 = tpu.memref_squeeze %dma_start3A_97 : memref<1x!tpu.dma_semaphore, #tpu.memory_space<semaphore_mem>> -> memref<!tpu.dma_semaphore, #tpu.memory_space<semaphore_mem>>
        %dma_start3A_99 = tpu.memref_slice %arg3[%add3A_94] : memref<40960000xi32, #tpu.memory_space<hbm>> -> memref<5120xi32, #tpu.memory_space<hbm>>
        tpu.enqueue_dma source(%dma_start3A_99 : memref<5120xi32, #tpu.memory_space<hbm>>) target(%arg6 : memref<5120xi32, #tpu.memory_space<vmem>>) target_semaphore(%dma_start3A_98 : memref<!tpu.dma_semaphore, #tpu.memory_space<semaphore_mem>>)
        %dma_start3A_100 = arith.constant 0 : i32
        %dma_start3A_101 = tpu.memref_slice %arg2[%add3A_94] : memref<40960000xf32, #tpu.memory_space<hbm>> -> memref<5120xf32, #tpu.memory_space<hbm>>
        %dma_start3A_102 = tpu.memref_slice %arg11[%dma_start3A_100] : memref<2x!tpu.dma_semaphore, #tpu.memory_space<semaphore_mem>> -> memref<1x!tpu.dma_semaphore, #tpu.memory_space<semaphore_mem>>
        %dma_start3A_103 = tpu.memref_squeeze %dma_start3A_102 : memref<1x!tpu.dma_semaphore, #tpu.memory_space<semaphore_mem>> -> memref<!tpu.dma_semaphore, #tpu.memory_space<semaphore_mem>>
        %dma_start3A_104 = tpu.memref_slice %arg2[%add3A_94] : memref<40960000xf32, #tpu.memory_space<hbm>> -> memref<5120xf32, #tpu.memory_space<hbm>>
        tpu.enqueue_dma source(%dma_start3A_104 : memref<5120xf32, #tpu.memory_space<hbm>>) target(%arg8 : memref<5120xf32, #tpu.memory_space<vmem>>) target_semaphore(%dma_start3A_103 : memref<!tpu.dma_semaphore, #tpu.memory_space<semaphore_mem>>)
      } else {
      }
      %scan3A_82 = arith.constant 0 : i32
      %scan3A_83 = arith.constant 0 : i32
      %scan3A_84 = arith.constant 80 : i32
      %scan3A_85 = arith.addi %scan3A_83, %scan3A_84 : i32
      %scan3A_86 = arith.constant 1 : i32
      %scan3A_87 = scf.for %scan3A_90 = %scan3A_83 to %scan3A_85 step %scan3A_86 iter_args(%scan3A_91 = %scan3A_82) -> (i32)  : i32 {
        %mul3A_92 = arith.constant 64 : i32
        %mul3A_93 = arith.muli %scan3A_90, %mul3A_92 : i32
        %add3A_94 = arith.constant 0 : i32
        %add3A_95 = arith.addi %mul3A_93, %add3A_94 : i32
        %get3A = arith.index_cast %add3A_95 : i32 to index
        %get3A_96 = tpu.vector_load %arg7[%get3A] {strides = array<i32>} : memref<5120xi32, #tpu.memory_space<vmem>>, vector<16xi32>,
        %get3A_97 = arith.index_cast %add3A_95 : i32 to index
        %get3A_98 = tpu.vector_load %arg9[%get3A_97] {strides = array<i32>} : memref<5120xf32, #tpu.memory_space<vmem>>, vector<16xf32>,
        tpu.vector_store_idx %arg5[%get3A_96], %get3A_98 {add = true} : memref<81920xf32, #tpu.memory_space<vmem>>[vector<16xi32>], vector<16xf32>,
        %add3A_99 = arith.constant 16 : i32
        %add3A_100 = arith.addi %mul3A_93, %add3A_99 : i32
        %get3A_101 = arith.index_cast %add3A_100 : i32 to index
        %get3A_102 = tpu.vector_load %arg7[%get3A_101] {strides = array<i32>} : memref<5120xi32, #tpu.memory_space<vmem>>, vector<16xi32>,
        %get3A_103 = arith.index_cast %add3A_100 : i32 to index
        %get3A_104 = tpu.vector_load %arg9[%get3A_103] {strides = array<i32>} : memref<5120xf32, #tpu.memory_space<vmem>>, vector<16xf32>,
        tpu.vector_store_idx %arg5[%get3A_102], %get3A_104 {add = true} : memref<81920xf32, #tpu.memory_space<vmem>>[vector<16xi32>], vector<16xf32>,
        %add3A_105 = arith.constant 32 : i32
        %add3A_106 = arith.addi %mul3A_93, %add3A_105 : i32
        %get3A_107 = arith.index_cast %add3A_106 : i32 to index
        %get3A_108 = tpu.vector_load %arg7[%get3A_107] {strides = array<i32>} : memref<5120xi32, #tpu.memory_space<vmem>>, vector<16xi32>,
        %get3A_109 = arith.index_cast %add3A_106 : i32 to index
        %get3A_110 = tpu.vector_load %arg9[%get3A_109] {strides = array<i32>} : memref<5120xf32, #tpu.memory_space<vmem>>, vector<16xf32>,
        tpu.vector_store_idx %arg5[%get3A_108], %get3A_110 {add = true} : memref<81920xf32, #tpu.memory_space<vmem>>[vector<16xi32>], vector<16xf32>,
        %add3A_111 = arith.constant 48 : i32
        %add3A_112 = arith.addi %mul3A_93, %add3A_111 : i32
        %get3A_113 = arith.index_cast %add3A_112 : i32 to index
        %get3A_114 = tpu.vector_load %arg7[%get3A_113] {strides = array<i32>} : memref<5120xi32, #tpu.memory_space<vmem>>, vector<16xi32>,
        %get3A_115 = arith.index_cast %add3A_112 : i32 to index
        %get3A_116 = tpu.vector_load %arg9[%get3A_115] {strides = array<i32>} : memref<5120xf32, #tpu.memory_space<vmem>>, vector<16xf32>,
        tpu.vector_store_idx %arg5[%get3A_114], %get3A_116 {add = true} : memref<81920xf32, #tpu.memory_space<vmem>>[vector<16xi32>], vector<16xf32>,
        %scan3A_117 = arith.constant 0 : i32
        scf.yield %scan3A_117 : i32
      }
      %scan3A_88 = arith.constant 80 : i32
      %scan3A_89 = arith.constant 0 : i32
      scf.yield %scan3A_89 : i32
    }
    %scan3A_28 = arith.constant 125 : i32
    %mul3A_29 = arith.constant 81920 : i32
    %mul3A_30 = arith.muli %add3A, %mul3A_29 : i32
    "tpu.region"() ({
      %run_scoped3A = tpu.sem_alloc : memref<!tpu.dma_semaphore, #tpu.memory_space<semaphore_mem>>
      %dma_start3A_31 = tpu.memref_slice %arg4[%mul3A_30] : memref<2621440xf32, #tpu.memory_space<hbm>> -> memref<81920xf32, #tpu.memory_space<hbm>>
      %dma_start3A_32 = tpu.memref_slice %arg4[%mul3A_30] : memref<2621440xf32, #tpu.memory_space<hbm>> -> memref<81920xf32, #tpu.memory_space<hbm>>
      tpu.enqueue_dma source(%arg5 : memref<81920xf32, #tpu.memory_space<vmem>>) target(%dma_start3A_32 : memref<81920xf32, #tpu.memory_space<hbm>>) target_semaphore(%run_scoped3A : memref<!tpu.dma_semaphore, #tpu.memory_space<semaphore_mem>>)
      %dma_wait3A = tpu.memref_slice %arg4[%mul3A_30] : memref<2621440xf32, #tpu.memory_space<hbm>> -> memref<81920xf32, #tpu.memory_space<hbm>>
      %dma_wait3A_33 = tpu.memref_slice %arg4[%mul3A_30] : memref<2621440xf32, #tpu.memory_space<hbm>> -> memref<81920xf32, #tpu.memory_space<hbm>>
      tpu.wait_dma2 semaphore(%run_scoped3A : memref<!tpu.dma_semaphore, #tpu.memory_space<semaphore_mem>>) src(%arg5 : memref<81920xf32, #tpu.memory_space<vmem>>) dst(%dma_wait3A_33 : memref<81920xf32, #tpu.memory_space<hbm>>)
      tpu.yield
    }) : () -> ()
    return
  }
}

#map = affine_map<(d0, d1) -> (0)>
module attributes {stable_mosaic.version = 14 : i64} {
  func.func @body(%arg0: i32, %arg1: i32, %arg2: memref<2621440xf32, #tpu.memory_space<hbm>>, %arg3: memref<40960000xi32, #tpu.memory_space<hbm>>, %arg4: memref<40960000xi32, #tpu.memory_space<hbm>>, %arg5: memref<40960000xf32, #tpu.memory_space<hbm>>, %arg6: memref<40960000xf32, #tpu.memory_space<hbm>>, %arg7: memref<81920xf32, #tpu.memory_space<vmem>>, %arg8: memref<5120xi32, #tpu.memory_space<vmem>>, %arg9: memref<5120xi32, #tpu.memory_space<vmem>>, %arg10: memref<5120xi32, #tpu.memory_space<vmem>>, %arg11: memref<5120xi32, #tpu.memory_space<vmem>>, %arg12: memref<5120xf32, #tpu.memory_space<vmem>>, %arg13: memref<5120xf32, #tpu.memory_space<vmem>>, %arg14: memref<5120xf32, #tpu.memory_space<vmem>>, %arg15: memref<5120xf32, #tpu.memory_space<vmem>>, %arg16: memref<!tpu.dma_semaphore, #tpu.memory_space<semaphore_mem>>, %arg17: memref<2x!tpu.dma_semaphore, #tpu.memory_space<semaphore_mem>>, %arg18: memref<2x!tpu.dma_semaphore, #tpu.memory_space<semaphore_mem>>, %arg19: memref<2x!tpu.dma_semaphore, #tpu.memory_space<semaphore_mem>>, %arg20: memref<2x!tpu.dma_semaphore, #tpu.memory_space<semaphore_mem>>) attributes {dimension_semantics = [#tpu.dimension_semantics<core_parallel>, #tpu.dimension_semantics<subcore_parallel>], iteration_bounds = array<i64: 2, 16>, scalar_prefetch = 0 : i64, scratch_operands = 14 : i64, tpu.core_type = #tpu.core_type<sc_vector_subcore>, window_params = [{transform_indices = #map}, {transform_indices = #map}, {transform_indices = #map}, {transform_indices = #map}, {transform_indices = #map}]} {
    %mul3A = arith.constant 2 : i32
    %mul3A_0 = arith.muli %arg1, %mul3A : i32
    %add3A = arith.addi %mul3A_0, %arg0 : i32
    %mul3A_1 = arith.constant 250 : i32
    %mul3A_2 = arith.muli %add3A, %mul3A_1 : i32
    %mul3A_3 = arith.constant 5120 : i32
    %mul3A_4 = arith.muli %mul3A_2, %mul3A_3 : i32
    %mul3A_5 = arith.constant 81920 : i32
    %mul3A_6 = arith.muli %add3A, %mul3A_5 : i32
    %dma_start3A = tpu.memref_slice %arg2[%mul3A_6] : memref<2621440xf32, #tpu.memory_space<hbm>> -> memref<81920xf32, #tpu.memory_space<hbm>>
    %dma_start3A_7 = tpu.memref_slice %arg2[%mul3A_6] : memref<2621440xf32, #tpu.memory_space<hbm>> -> memref<81920xf32, #tpu.memory_space<hbm>>
    tpu.enqueue_dma source(%dma_start3A_7 : memref<81920xf32, #tpu.memory_space<hbm>>) target(%arg7 : memref<81920xf32, #tpu.memory_space<vmem>>) target_semaphore(%arg16 : memref<!tpu.dma_semaphore, #tpu.memory_space<semaphore_mem>>)
    %add3A_8 = arith.constant 0 : i32
    %add3A_9 = arith.addi %mul3A_4, %add3A_8 : i32
    %dma_start3A_10 = arith.constant 0 : i32
    %dma_start3A_11 = tpu.memref_slice %arg3[%add3A_9] : memref<40960000xi32, #tpu.memory_space<hbm>> -> memref<5120xi32, #tpu.memory_space<hbm>>
    %dma_start3A_12 = tpu.memref_slice %arg17[%dma_start3A_10] : memref<2x!tpu.dma_semaphore, #tpu.memory_space<semaphore_mem>> -> memref<1x!tpu.dma_semaphore, #tpu.memory_space<semaphore_mem>>
    %dma_start3A_13 = tpu.memref_squeeze %dma_start3A_12 : memref<1x!tpu.dma_semaphore, #tpu.memory_space<semaphore_mem>> -> memref<!tpu.dma_semaphore, #tpu.memory_space<semaphore_mem>>
    %dma_start3A_14 = tpu.memref_slice %arg3[%add3A_9] : memref<40960000xi32, #tpu.memory_space<hbm>> -> memref<5120xi32, #tpu.memory_space<hbm>>
    tpu.enqueue_dma source(%dma_start3A_14 : memref<5120xi32, #tpu.memory_space<hbm>>) target(%arg8 : memref<5120xi32, #tpu.memory_space<vmem>>) target_semaphore(%dma_start3A_13 : memref<!tpu.dma_semaphore, #tpu.memory_space<semaphore_mem>>)
    %dma_start3A_15 = arith.constant 0 : i32
    %dma_start3A_16 = tpu.memref_slice %arg4[%add3A_9] : memref<40960000xi32, #tpu.memory_space<hbm>> -> memref<5120xi32, #tpu.memory_space<hbm>>
    %dma_start3A_17 = tpu.memref_slice %arg18[%dma_start3A_15] : memref<2x!tpu.dma_semaphore, #tpu.memory_space<semaphore_mem>> -> memref<1x!tpu.dma_semaphore, #tpu.memory_space<semaphore_mem>>
    %dma_start3A_18 = tpu.memref_squeeze %dma_start3A_17 : memref<1x!tpu.dma_semaphore, #tpu.memory_space<semaphore_mem>> -> memref<!tpu.dma_semaphore, #tpu.memory_space<semaphore_mem>>
    %dma_start3A_19 = tpu.memref_slice %arg4[%add3A_9] : memref<40960000xi32, #tpu.memory_space<hbm>> -> memref<5120xi32, #tpu.memory_space<hbm>>
    tpu.enqueue_dma source(%dma_start3A_19 : memref<5120xi32, #tpu.memory_space<hbm>>) target(%arg10 : memref<5120xi32, #tpu.memory_space<vmem>>) target_semaphore(%dma_start3A_18 : memref<!tpu.dma_semaphore, #tpu.memory_space<semaphore_mem>>)
    %dma_wait3A = arith.constant 0 : i32
    %dma_wait3A_20 = tpu.memref_slice %arg2[%dma_wait3A] : memref<2621440xf32, #tpu.memory_space<hbm>> -> memref<81920xf32, #tpu.memory_space<hbm>>
    %dma_wait3A_21 = arith.constant 0 : i32
    %dma_wait3A_22 = tpu.memref_slice %arg2[%dma_wait3A_21] : memref<2621440xf32, #tpu.memory_space<hbm>> -> memref<81920xf32, #tpu.memory_space<hbm>>
    tpu.wait_dma2 semaphore(%arg16 : memref<!tpu.dma_semaphore, #tpu.memory_space<semaphore_mem>>) src(%dma_wait3A_22 : memref<81920xf32, #tpu.memory_space<hbm>>) dst(%arg7 : memref<81920xf32, #tpu.memory_space<vmem>>)
    %scan3A = arith.constant 0 : i32
    %scan3A_23 = arith.constant 0 : i32
    %scan3A_24 = arith.constant 125 : i32
    %scan3A_25 = arith.addi %scan3A_23, %scan3A_24 : i32
    %scan3A_26 = arith.constant 1 : i32
    %scan3A_27 = scf.for %scan3A_57 = %scan3A_23 to %scan3A_25 step %scan3A_26 iter_args(%scan3A_58 = %scan3A) -> (i32)  : i32 {
      %mul3A_59 = arith.constant 2 : i32
      %mul3A_60 = arith.muli %scan3A_57, %mul3A_59 : i32
      %add3A_61 = arith.constant 0 : i32
      %add3A_62 = arith.addi %mul3A_60, %add3A_61 : i32
      %dma_wait3A_63 = arith.constant 0 : i32
      %dma_wait3A_64 = arith.constant 0 : i32
      %dma_wait3A_65 = tpu.memref_slice %arg3[%dma_wait3A_64] : memref<40960000xi32, #tpu.memory_space<hbm>> -> memref<5120xi32, #tpu.memory_space<hbm>>
      %dma_wait3A_66 = tpu.memref_slice %arg17[%dma_wait3A_63] : memref<2x!tpu.dma_semaphore, #tpu.memory_space<semaphore_mem>> -> memref<1x!tpu.dma_semaphore, #tpu.memory_space<semaphore_mem>>
      %dma_wait3A_67 = tpu.memref_squeeze %dma_wait3A_66 : memref<1x!tpu.dma_semaphore, #tpu.memory_space<semaphore_mem>> -> memref<!tpu.dma_semaphore, #tpu.memory_space<semaphore_mem>>
      %dma_wait3A_68 = arith.constant 0 : i32
      %dma_wait3A_69 = tpu.memref_slice %arg3[%dma_wait3A_68] : memref<40960000xi32, #tpu.memory_space<hbm>> -> memref<5120xi32, #tpu.memory_space<hbm>>
      tpu.wait_dma2 semaphore(%dma_wait3A_67 : memref<!tpu.dma_semaphore, #tpu.memory_space<semaphore_mem>>) src(%dma_wait3A_69 : memref<5120xi32, #tpu.memory_space<hbm>>) dst(%arg8 : memref<5120xi32, #tpu.memory_space<vmem>>)
      %dma_wait3A_70 = arith.constant 0 : i32
      %dma_wait3A_71 = arith.constant 0 : i32
      %dma_wait3A_72 = tpu.memref_slice %arg4[%dma_wait3A_71] : memref<40960000xi32, #tpu.memory_space<hbm>> -> memref<5120xi32, #tpu.memory_space<hbm>>
      %dma_wait3A_73 = tpu.memref_slice %arg18[%dma_wait3A_70] : memref<2x!tpu.dma_semaphore, #tpu.memory_space<semaphore_mem>> -> memref<1x!tpu.dma_semaphore, #tpu.memory_space<semaphore_mem>>
      %dma_wait3A_74 = tpu.memref_squeeze %dma_wait3A_73 : memref<1x!tpu.dma_semaphore, #tpu.memory_space<semaphore_mem>> -> memref<!tpu.dma_semaphore, #tpu.memory_space<semaphore_mem>>
      %dma_wait3A_75 = arith.constant 0 : i32
      %dma_wait3A_76 = tpu.memref_slice %arg4[%dma_wait3A_75] : memref<40960000xi32, #tpu.memory_space<hbm>> -> memref<5120xi32, #tpu.memory_space<hbm>>
      tpu.wait_dma2 semaphore(%dma_wait3A_74 : memref<!tpu.dma_semaphore, #tpu.memory_space<semaphore_mem>>) src(%dma_wait3A_76 : memref<5120xi32, #tpu.memory_space<hbm>>) dst(%arg10 : memref<5120xi32, #tpu.memory_space<vmem>>)
      %lt3A = arith.constant 249 : i32
      %lt3A_77 = arith.cmpi slt, %add3A_62, %lt3A : i32
      %convert_element_type3A = arith.extui %lt3A_77 : i1 to i32
      %cond3A = arith.constant 0 : i32
      %cond3A_78 = arith.cmpi ne, %convert_element_type3A, %cond3A : i32
      scf.if %cond3A_78 {
        %add3A_152 = arith.constant 1 : i32
        %add3A_153 = arith.addi %add3A_62, %add3A_152 : i32
        %mul3A_154 = arith.constant 5120 : i32
        %mul3A_155 = arith.muli %add3A_153, %mul3A_154 : i32
        %add3A_156 = arith.addi %mul3A_4, %mul3A_155 : i32
        %dma_start3A_157 = arith.constant 1 : i32
        %dma_start3A_158 = tpu.memref_slice %arg3[%add3A_156] : memref<40960000xi32, #tpu.memory_space<hbm>> -> memref<5120xi32, #tpu.memory_space<hbm>>
        %dma_start3A_159 = tpu.memref_slice %arg17[%dma_start3A_157] : memref<2x!tpu.dma_semaphore, #tpu.memory_space<semaphore_mem>> -> memref<1x!tpu.dma_semaphore, #tpu.memory_space<semaphore_mem>>
        %dma_start3A_160 = tpu.memref_squeeze %dma_start3A_159 : memref<1x!tpu.dma_semaphore, #tpu.memory_space<semaphore_mem>> -> memref<!tpu.dma_semaphore, #tpu.memory_space<semaphore_mem>>
        %dma_start3A_161 = tpu.memref_slice %arg3[%add3A_156] : memref<40960000xi32, #tpu.memory_space<hbm>> -> memref<5120xi32, #tpu.memory_space<hbm>>
        tpu.enqueue_dma source(%dma_start3A_161 : memref<5120xi32, #tpu.memory_space<hbm>>) target(%arg9 : memref<5120xi32, #tpu.memory_space<vmem>>) target_semaphore(%dma_start3A_160 : memref<!tpu.dma_semaphore, #tpu.memory_space<semaphore_mem>>)
        %dma_start3A_162 = arith.constant 1 : i32
        %dma_start3A_163 = tpu.memref_slice %arg4[%add3A_156] : memref<40960000xi32, #tpu.memory_space<hbm>> -> memref<5120xi32, #tpu.memory_space<hbm>>
        %dma_start3A_164 = tpu.memref_slice %arg18[%dma_start3A_162] : memref<2x!tpu.dma_semaphore, #tpu.memory_space<semaphore_mem>> -> memref<1x!tpu.dma_semaphore, #tpu.memory_space<semaphore_mem>>
        %dma_start3A_165 = tpu.memref_squeeze %dma_start3A_164 : memref<1x!tpu.dma_semaphore, #tpu.memory_space<semaphore_mem>> -> memref<!tpu.dma_semaphore, #tpu.memory_space<semaphore_mem>>
        %dma_start3A_166 = tpu.memref_slice %arg4[%add3A_156] : memref<40960000xi32, #tpu.memory_space<hbm>> -> memref<5120xi32, #tpu.memory_space<hbm>>
        tpu.enqueue_dma source(%dma_start3A_166 : memref<5120xi32, #tpu.memory_space<hbm>>) target(%arg11 : memref<5120xi32, #tpu.memory_space<vmem>>) target_semaphore(%dma_start3A_165 : memref<!tpu.dma_semaphore, #tpu.memory_space<semaphore_mem>>)
      } else {
      }
      %ge3A = arith.constant 1 : i32
      %ge3A_79 = arith.cmpi sge, %scan3A_57, %ge3A : i32
      %convert_element_type3A_80 = arith.extui %ge3A_79 : i1 to i32
      %cond3A_81 = arith.constant 0 : i32
      %cond3A_82 = arith.cmpi ne, %convert_element_type3A_80, %cond3A_81 : i32
      scf.if %cond3A_82 {
        %dma_wait3A_152 = arith.constant 0 : i32
        %dma_wait3A_153 = arith.constant 0 : i32
        %dma_wait3A_154 = tpu.memref_slice %arg5[%dma_wait3A_153] : memref<40960000xf32, #tpu.memory_space<hbm>> -> memref<5120xf32, #tpu.memory_space<hbm>>
        %dma_wait3A_155 = tpu.memref_slice %arg19[%dma_wait3A_152] : memref<2x!tpu.dma_semaphore, #tpu.memory_space<semaphore_mem>> -> memref<1x!tpu.dma_semaphore, #tpu.memory_space<semaphore_mem>>
        %dma_wait3A_156 = tpu.memref_squeeze %dma_wait3A_155 : memref<1x!tpu.dma_semaphore, #tpu.memory_space<semaphore_mem>> -> memref<!tpu.dma_semaphore, #tpu.memory_space<semaphore_mem>>
        %dma_wait3A_157 = arith.constant 0 : i32
        %dma_wait3A_158 = tpu.memref_slice %arg5[%dma_wait3A_157] : memref<40960000xf32, #tpu.memory_space<hbm>> -> memref<5120xf32, #tpu.memory_space<hbm>>
        tpu.wait_dma2 semaphore(%dma_wait3A_156 : memref<!tpu.dma_semaphore, #tpu.memory_space<semaphore_mem>>) src(%arg12 : memref<5120xf32, #tpu.memory_space<vmem>>) dst(%dma_wait3A_158 : memref<5120xf32, #tpu.memory_space<hbm>>)
        %dma_wait3A_159 = arith.constant 0 : i32
        %dma_wait3A_160 = arith.constant 0 : i32
        %dma_wait3A_161 = tpu.memref_slice %arg6[%dma_wait3A_160] : memref<40960000xf32, #tpu.memory_space<hbm>> -> memref<5120xf32, #tpu.memory_space<hbm>>
        %dma_wait3A_162 = tpu.memref_slice %arg20[%dma_wait3A_159] : memref<2x!tpu.dma_semaphore, #tpu.memory_space<semaphore_mem>> -> memref<1x!tpu.dma_semaphore, #tpu.memory_space<semaphore_mem>>
        %dma_wait3A_163 = tpu.memref_squeeze %dma_wait3A_162 : memref<1x!tpu.dma_semaphore, #tpu.memory_space<semaphore_mem>> -> memref<!tpu.dma_semaphore, #tpu.memory_space<semaphore_mem>>
        %dma_wait3A_164 = arith.constant 0 : i32
        %dma_wait3A_165 = tpu.memref_slice %arg6[%dma_wait3A_164] : memref<40960000xf32, #tpu.memory_space<hbm>> -> memref<5120xf32, #tpu.memory_space<hbm>>
        tpu.wait_dma2 semaphore(%dma_wait3A_163 : memref<!tpu.dma_semaphore, #tpu.memory_space<semaphore_mem>>) src(%arg14 : memref<5120xf32, #tpu.memory_space<vmem>>) dst(%dma_wait3A_165 : memref<5120xf32, #tpu.memory_space<hbm>>)
      } else {
      }
      %scan3A_83 = arith.constant 0 : i32
      %scan3A_84 = arith.constant 0 : i32
      %scan3A_85 = arith.constant 80 : i32
      %scan3A_86 = arith.addi %scan3A_84, %scan3A_85 : i32
      %scan3A_87 = arith.constant 1 : i32
      %scan3A_88 = scf.for %scan3A_152 = %scan3A_84 to %scan3A_86 step %scan3A_87 iter_args(%scan3A_153 = %scan3A_83) -> (i32)  : i32 {
        %mul3A_154 = arith.constant 64 : i32
        %mul3A_155 = arith.muli %scan3A_152, %mul3A_154 : i32
        %add3A_156 = arith.constant 0 : i32
        %add3A_157 = arith.addi %mul3A_155, %add3A_156 : i32
        %get3A = arith.index_cast %add3A_157 : i32 to index
        %get3A_158 = tpu.vector_load %arg8[%get3A] {strides = array<i32>} : memref<5120xi32, #tpu.memory_space<vmem>>, vector<16xi32>,
        %gather3A = tpu.vector_load_idx %arg7[%get3A_158] : memref<81920xf32, #tpu.memory_space<vmem>>[vector<16xi32>], vector<16xf32>,
        %swap3A = arith.index_cast %add3A_157 : i32 to index
        %swap3A_159 = tpu.vector_load %arg12[%swap3A] {strides = array<i32>} : memref<5120xf32, #tpu.memory_space<vmem>>, vector<16xf32>,
        tpu.vector_store %arg12[%swap3A], %gather3A {strides = array<i32>} : memref<5120xf32, #tpu.memory_space<vmem>>, vector<16xf32>,
        %get3A_160 = arith.index_cast %add3A_157 : i32 to index
        %get3A_161 = tpu.vector_load %arg10[%get3A_160] {strides = array<i32>} : memref<5120xi32, #tpu.memory_space<vmem>>, vector<16xi32>,
        %gather3A_162 = tpu.vector_load_idx %arg7[%get3A_161] : memref<81920xf32, #tpu.memory_space<vmem>>[vector<16xi32>], vector<16xf32>,
        %swap3A_163 = arith.index_cast %add3A_157 : i32 to index
        %swap3A_164 = tpu.vector_load %arg14[%swap3A_163] {strides = array<i32>} : memref<5120xf32, #tpu.memory_space<vmem>>, vector<16xf32>,
        tpu.vector_store %arg14[%swap3A_163], %gather3A_162 {strides = array<i32>} : memref<5120xf32, #tpu.memory_space<vmem>>, vector<16xf32>,
        %add3A_165 = arith.constant 16 : i32
        %add3A_166 = arith.addi %mul3A_155, %add3A_165 : i32
        %get3A_167 = arith.index_cast %add3A_166 : i32 to index
        %get3A_168 = tpu.vector_load %arg8[%get3A_167] {strides = array<i32>} : memref<5120xi32, #tpu.memory_space<vmem>>, vector<16xi32>,
        %gather3A_169 = tpu.vector_load_idx %arg7[%get3A_168] : memref<81920xf32, #tpu.memory_space<vmem>>[vector<16xi32>], vector<16xf32>,
        %swap3A_170 = arith.index_cast %add3A_166 : i32 to index
        %swap3A_171 = tpu.vector_load %arg12[%swap3A_170] {strides = array<i32>} : memref<5120xf32, #tpu.memory_space<vmem>>, vector<16xf32>,
        tpu.vector_store %arg12[%swap3A_170], %gather3A_169 {strides = array<i32>} : memref<5120xf32, #tpu.memory_space<vmem>>, vector<16xf32>,
        %get3A_172 = arith.index_cast %add3A_166 : i32 to index
        %get3A_173 = tpu.vector_load %arg10[%get3A_172] {strides = array<i32>} : memref<5120xi32, #tpu.memory_space<vmem>>, vector<16xi32>,
        %gather3A_174 = tpu.vector_load_idx %arg7[%get3A_173] : memref<81920xf32, #tpu.memory_space<vmem>>[vector<16xi32>], vector<16xf32>,
        %swap3A_175 = arith.index_cast %add3A_166 : i32 to index
        %swap3A_176 = tpu.vector_load %arg14[%swap3A_175] {strides = array<i32>} : memref<5120xf32, #tpu.memory_space<vmem>>, vector<16xf32>,
        tpu.vector_store %arg14[%swap3A_175], %gather3A_174 {strides = array<i32>} : memref<5120xf32, #tpu.memory_space<vmem>>, vector<16xf32>,
        %add3A_177 = arith.constant 32 : i32
        %add3A_178 = arith.addi %mul3A_155, %add3A_177 : i32
        %get3A_179 = arith.index_cast %add3A_178 : i32 to index
        %get3A_180 = tpu.vector_load %arg8[%get3A_179] {strides = array<i32>} : memref<5120xi32, #tpu.memory_space<vmem>>, vector<16xi32>,
        %gather3A_181 = tpu.vector_load_idx %arg7[%get3A_180] : memref<81920xf32, #tpu.memory_space<vmem>>[vector<16xi32>], vector<16xf32>,
        %swap3A_182 = arith.index_cast %add3A_178 : i32 to index
        %swap3A_183 = tpu.vector_load %arg12[%swap3A_182] {strides = array<i32>} : memref<5120xf32, #tpu.memory_space<vmem>>, vector<16xf32>,
        tpu.vector_store %arg12[%swap3A_182], %gather3A_181 {strides = array<i32>} : memref<5120xf32, #tpu.memory_space<vmem>>, vector<16xf32>,
        %get3A_184 = arith.index_cast %add3A_178 : i32 to index
        %get3A_185 = tpu.vector_load %arg10[%get3A_184] {strides = array<i32>} : memref<5120xi32, #tpu.memory_space<vmem>>, vector<16xi32>,
        %gather3A_186 = tpu.vector_load_idx %arg7[%get3A_185] : memref<81920xf32, #tpu.memory_space<vmem>>[vector<16xi32>], vector<16xf32>,
        %swap3A_187 = arith.index_cast %add3A_178 : i32 to index
        %swap3A_188 = tpu.vector_load %arg14[%swap3A_187] {strides = array<i32>} : memref<5120xf32, #tpu.memory_space<vmem>>, vector<16xf32>,
        tpu.vector_store %arg14[%swap3A_187], %gather3A_186 {strides = array<i32>} : memref<5120xf32, #tpu.memory_space<vmem>>, vector<16xf32>,
        %add3A_189 = arith.constant 48 : i32
        %add3A_190 = arith.addi %mul3A_155, %add3A_189 : i32
        %get3A_191 = arith.index_cast %add3A_190 : i32 to index
        %get3A_192 = tpu.vector_load %arg8[%get3A_191] {strides = array<i32>} : memref<5120xi32, #tpu.memory_space<vmem>>, vector<16xi32>,
        %gather3A_193 = tpu.vector_load_idx %arg7[%get3A_192] : memref<81920xf32, #tpu.memory_space<vmem>>[vector<16xi32>], vector<16xf32>,
        %swap3A_194 = arith.index_cast %add3A_190 : i32 to index
        %swap3A_195 = tpu.vector_load %arg12[%swap3A_194] {strides = array<i32>} : memref<5120xf32, #tpu.memory_space<vmem>>, vector<16xf32>,
        tpu.vector_store %arg12[%swap3A_194], %gather3A_193 {strides = array<i32>} : memref<5120xf32, #tpu.memory_space<vmem>>, vector<16xf32>,
        %get3A_196 = arith.index_cast %add3A_190 : i32 to index
        %get3A_197 = tpu.vector_load %arg10[%get3A_196] {strides = array<i32>} : memref<5120xi32, #tpu.memory_space<vmem>>, vector<16xi32>,
        %gather3A_198 = tpu.vector_load_idx %arg7[%get3A_197] : memref<81920xf32, #tpu.memory_space<vmem>>[vector<16xi32>], vector<16xf32>,
        %swap3A_199 = arith.index_cast %add3A_190 : i32 to index
        %swap3A_200 = tpu.vector_load %arg14[%swap3A_199] {strides = array<i32>} : memref<5120xf32, #tpu.memory_space<vmem>>, vector<16xf32>,
        tpu.vector_store %arg14[%swap3A_199], %gather3A_198 {strides = array<i32>} : memref<5120xf32, #tpu.memory_space<vmem>>, vector<16xf32>,
        %scan3A_201 = arith.constant 0 : i32
        scf.yield %scan3A_201 : i32
      }
      %scan3A_89 = arith.constant 80 : i32
      %mul3A_90 = arith.constant 5120 : i32
      %mul3A_91 = arith.muli %add3A_62, %mul3A_90 : i32
      %add3A_92 = arith.addi %mul3A_4, %mul3A_91 : i32
      %dma_start3A_93 = arith.constant 0 : i32
      %dma_start3A_94 = tpu.memref_slice %arg5[%add3A_92] : memref<40960000xf32, #tpu.memory_space<hbm>> -> memref<5120xf32, #tpu.memory_space<hbm>>
      %dma_start3A_95 = tpu.memref_slice %arg19[%dma_start3A_93] : memref<2x!tpu.dma_semaphore, #tpu.memory_space<semaphore_mem>> -> memref<1x!tpu.dma_semaphore, #tpu.memory_space<semaphore_mem>>
      %dma_start3A_96 = tpu.memref_squeeze %dma_start3A_95 : memref<1x!tpu.dma_semaphore, #tpu.memory_space<semaphore_mem>> -> memref<!tpu.dma_semaphore, #tpu.memory_space<semaphore_mem>>
      %dma_start3A_97 = tpu.memref_slice %arg5[%add3A_92] : memref<40960000xf32, #tpu.memory_space<hbm>> -> memref<5120xf32, #tpu.memory_space<hbm>>
      tpu.enqueue_dma source(%arg12 : memref<5120xf32, #tpu.memory_space<vmem>>) target(%dma_start3A_97 : memref<5120xf32, #tpu.memory_space<hbm>>) target_semaphore(%dma_start3A_96 : memref<!tpu.dma_semaphore, #tpu.memory_space<semaphore_mem>>)
      %dma_start3A_98 = arith.constant 0 : i32
      %dma_start3A_99 = tpu.memref_slice %arg6[%add3A_92] : memref<40960000xf32, #tpu.memory_space<hbm>> -> memref<5120xf32, #tpu.memory_space<hbm>>
      %dma_start3A_100 = tpu.memref_slice %arg20[%dma_start3A_98] : memref<2x!tpu.dma_semaphore, #tpu.memory_space<semaphore_mem>> -> memref<1x!tpu.dma_semaphore, #tpu.memory_space<semaphore_mem>>
      %dma_start3A_101 = tpu.memref_squeeze %dma_start3A_100 : memref<1x!tpu.dma_semaphore, #tpu.memory_space<semaphore_mem>> -> memref<!tpu.dma_semaphore, #tpu.memory_space<semaphore_mem>>
      %dma_start3A_102 = tpu.memref_slice %arg6[%add3A_92] : memref<40960000xf32, #tpu.memory_space<hbm>> -> memref<5120xf32, #tpu.memory_space<hbm>>
      tpu.enqueue_dma source(%arg14 : memref<5120xf32, #tpu.memory_space<vmem>>) target(%dma_start3A_102 : memref<5120xf32, #tpu.memory_space<hbm>>) target_semaphore(%dma_start3A_101 : memref<!tpu.dma_semaphore, #tpu.memory_space<semaphore_mem>>)
      %mul3A_103 = arith.constant 2 : i32
      %mul3A_104 = arith.muli %scan3A_57, %mul3A_103 : i32
      %add3A_105 = arith.constant 1 : i32
      %add3A_106 = arith.addi %mul3A_104, %add3A_105 : i32
      %dma_wait3A_107 = arith.constant 1 : i32
      %dma_wait3A_108 = arith.constant 0 : i32
      %dma_wait3A_109 = tpu.memref_slice %arg3[%dma_wait3A_108] : memref<40960000xi32, #tpu.memory_space<hbm>> -> memref<5120xi32, #tpu.memory_space<hbm>>
      %dma_wait3A_110 = tpu.memref_slice %arg17[%dma_wait3A_107] : memref<2x!tpu.dma_semaphore, #tpu.memory_space<semaphore_mem>> -> memref<1x!tpu.dma_semaphore, #tpu.memory_space<semaphore_mem>>
      %dma_wait3A_111 = tpu.memref_squeeze %dma_wait3A_110 : memref<1x!tpu.dma_semaphore, #tpu.memory_space<semaphore_mem>> -> memref<!tpu.dma_semaphore, #tpu.memory_space<semaphore_mem>>
      %dma_wait3A_112 = arith.constant 0 : i32
      %dma_wait3A_113 = tpu.memref_slice %arg3[%dma_wait3A_112] : memref<40960000xi32, #tpu.memory_space<hbm>> -> memref<5120xi32, #tpu.memory_space<hbm>>
      tpu.wait_dma2 semaphore(%dma_wait3A_111 : memref<!tpu.dma_semaphore, #tpu.memory_space<semaphore_mem>>) src(%dma_wait3A_113 : memref<5120xi32, #tpu.memory_space<hbm>>) dst(%arg9 : memref<5120xi32, #tpu.memory_space<vmem>>)
      %dma_wait3A_114 = arith.constant 1 : i32
      %dma_wait3A_115 = arith.constant 0 : i32
      %dma_wait3A_116 = tpu.memref_slice %arg4[%dma_wait3A_115] : memref<40960000xi32, #tpu.memory_space<hbm>> -> memref<5120xi32, #tpu.memory_space<hbm>>
      %dma_wait3A_117 = tpu.memref_slice %arg18[%dma_wait3A_114] : memref<2x!tpu.dma_semaphore, #tpu.memory_space<semaphore_mem>> -> memref<1x!tpu.dma_semaphore, #tpu.memory_space<semaphore_mem>>
      %dma_wait3A_118 = tpu.memref_squeeze %dma_wait3A_117 : memref<1x!tpu.dma_semaphore, #tpu.memory_space<semaphore_mem>> -> memref<!tpu.dma_semaphore, #tpu.memory_space<semaphore_mem>>
      %dma_wait3A_119 = arith.constant 0 : i32
      %dma_wait3A_120 = tpu.memref_slice %arg4[%dma_wait3A_119] : memref<40960000xi32, #tpu.memory_space<hbm>> -> memref<5120xi32, #tpu.memory_space<hbm>>
      tpu.wait_dma2 semaphore(%dma_wait3A_118 : memref<!tpu.dma_semaphore, #tpu.memory_space<semaphore_mem>>) src(%dma_wait3A_120 : memref<5120xi32, #tpu.memory_space<hbm>>) dst(%arg11 : memref<5120xi32, #tpu.memory_space<vmem>>)
      %lt3A_121 = arith.constant 249 : i32
      %lt3A_122 = arith.cmpi slt, %add3A_106, %lt3A_121 : i32
      %convert_element_type3A_123 = arith.extui %lt3A_122 : i1 to i32
      %cond3A_124 = arith.constant 0 : i32
      %cond3A_125 = arith.cmpi ne, %convert_element_type3A_123, %cond3A_124 : i32
      scf.if %cond3A_125 {
        %add3A_152 = arith.constant 1 : i32
        %add3A_153 = arith.addi %add3A_106, %add3A_152 : i32
        %mul3A_154 = arith.constant 5120 : i32
        %mul3A_155 = arith.muli %add3A_153, %mul3A_154 : i32
        %add3A_156 = arith.addi %mul3A_4, %mul3A_155 : i32
        %dma_start3A_157 = arith.constant 0 : i32
        %dma_start3A_158 = tpu.memref_slice %arg3[%add3A_156] : memref<40960000xi32, #tpu.memory_space<hbm>> -> memref<5120xi32, #tpu.memory_space<hbm>>
        %dma_start3A_159 = tpu.memref_slice %arg17[%dma_start3A_157] : memref<2x!tpu.dma_semaphore, #tpu.memory_space<semaphore_mem>> -> memref<1x!tpu.dma_semaphore, #tpu.memory_space<semaphore_mem>>
        %dma_start3A_160 = tpu.memref_squeeze %dma_start3A_159 : memref<1x!tpu.dma_semaphore, #tpu.memory_space<semaphore_mem>> -> memref<!tpu.dma_semaphore, #tpu.memory_space<semaphore_mem>>
        %dma_start3A_161 = tpu.memref_slice %arg3[%add3A_156] : memref<40960000xi32, #tpu.memory_space<hbm>> -> memref<5120xi32, #tpu.memory_space<hbm>>
        tpu.enqueue_dma source(%dma_start3A_161 : memref<5120xi32, #tpu.memory_space<hbm>>) target(%arg8 : memref<5120xi32, #tpu.memory_space<vmem>>) target_semaphore(%dma_start3A_160 : memref<!tpu.dma_semaphore, #tpu.memory_space<semaphore_mem>>)
        %dma_start3A_162 = arith.constant 0 : i32
        %dma_start3A_163 = tpu.memref_slice %arg4[%add3A_156] : memref<40960000xi32, #tpu.memory_space<hbm>> -> memref<5120xi32, #tpu.memory_space<hbm>>
        %dma_start3A_164 = tpu.memref_slice %arg18[%dma_start3A_162] : memref<2x!tpu.dma_semaphore, #tpu.memory_space<semaphore_mem>> -> memref<1x!tpu.dma_semaphore, #tpu.memory_space<semaphore_mem>>
        %dma_start3A_165 = tpu.memref_squeeze %dma_start3A_164 : memref<1x!tpu.dma_semaphore, #tpu.memory_space<semaphore_mem>> -> memref<!tpu.dma_semaphore, #tpu.memory_space<semaphore_mem>>
        %dma_start3A_166 = tpu.memref_slice %arg4[%add3A_156] : memref<40960000xi32, #tpu.memory_space<hbm>> -> memref<5120xi32, #tpu.memory_space<hbm>>
        tpu.enqueue_dma source(%dma_start3A_166 : memref<5120xi32, #tpu.memory_space<hbm>>) target(%arg10 : memref<5120xi32, #tpu.memory_space<vmem>>) target_semaphore(%dma_start3A_165 : memref<!tpu.dma_semaphore, #tpu.memory_space<semaphore_mem>>)
      } else {
      }
      %ge3A_126 = arith.constant 1 : i32
      %ge3A_127 = arith.cmpi sge, %scan3A_57, %ge3A_126 : i32
      %convert_element_type3A_128 = arith.extui %ge3A_127 : i1 to i32
      %cond3A_129 = arith.constant 0 : i32
      %cond3A_130 = arith.cmpi ne, %convert_element_type3A_128, %cond3A_129 : i32
      scf.if %cond3A_130 {
        %dma_wait3A_152 = arith.constant 1 : i32
        %dma_wait3A_153 = arith.constant 0 : i32
        %dma_wait3A_154 = tpu.memref_slice %arg5[%dma_wait3A_153] : memref<40960000xf32, #tpu.memory_space<hbm>> -> memref<5120xf32, #tpu.memory_space<hbm>>
        %dma_wait3A_155 = tpu.memref_slice %arg19[%dma_wait3A_152] : memref<2x!tpu.dma_semaphore, #tpu.memory_space<semaphore_mem>> -> memref<1x!tpu.dma_semaphore, #tpu.memory_space<semaphore_mem>>
        %dma_wait3A_156 = tpu.memref_squeeze %dma_wait3A_155 : memref<1x!tpu.dma_semaphore, #tpu.memory_space<semaphore_mem>> -> memref<!tpu.dma_semaphore, #tpu.memory_space<semaphore_mem>>
        %dma_wait3A_157 = arith.constant 0 : i32
        %dma_wait3A_158 = tpu.memref_slice %arg5[%dma_wait3A_157] : memref<40960000xf32, #tpu.memory_space<hbm>> -> memref<5120xf32, #tpu.memory_space<hbm>>
        tpu.wait_dma2 semaphore(%dma_wait3A_156 : memref<!tpu.dma_semaphore, #tpu.memory_space<semaphore_mem>>) src(%arg13 : memref<5120xf32, #tpu.memory_space<vmem>>) dst(%dma_wait3A_158 : memref<5120xf32, #tpu.memory_space<hbm>>)
        %dma_wait3A_159 = arith.constant 1 : i32
        %dma_wait3A_160 = arith.constant 0 : i32
        %dma_wait3A_161 = tpu.memref_slice %arg6[%dma_wait3A_160] : memref<40960000xf32, #tpu.memory_space<hbm>> -> memref<5120xf32, #tpu.memory_space<hbm>>
        %dma_wait3A_162 = tpu.memref_slice %arg20[%dma_wait3A_159] : memref<2x!tpu.dma_semaphore, #tpu.memory_space<semaphore_mem>> -> memref<1x!tpu.dma_semaphore, #tpu.memory_space<semaphore_mem>>
        %dma_wait3A_163 = tpu.memref_squeeze %dma_wait3A_162 : memref<1x!tpu.dma_semaphore, #tpu.memory_space<semaphore_mem>> -> memref<!tpu.dma_semaphore, #tpu.memory_space<semaphore_mem>>
        %dma_wait3A_164 = arith.constant 0 : i32
        %dma_wait3A_165 = tpu.memref_slice %arg6[%dma_wait3A_164] : memref<40960000xf32, #tpu.memory_space<hbm>> -> memref<5120xf32, #tpu.memory_space<hbm>>
        tpu.wait_dma2 semaphore(%dma_wait3A_163 : memref<!tpu.dma_semaphore, #tpu.memory_space<semaphore_mem>>) src(%arg15 : memref<5120xf32, #tpu.memory_space<vmem>>) dst(%dma_wait3A_165 : memref<5120xf32, #tpu.memory_space<hbm>>)
      } else {
      }
      %scan3A_131 = arith.constant 0 : i32
      %scan3A_132 = arith.constant 0 : i32
      %scan3A_133 = arith.constant 80 : i32
      %scan3A_134 = arith.addi %scan3A_132, %scan3A_133 : i32
      %scan3A_135 = arith.constant 1 : i32
      %scan3A_136 = scf.for %scan3A_152 = %scan3A_132 to %scan3A_134 step %scan3A_135 iter_args(%scan3A_153 = %scan3A_131) -> (i32)  : i32 {
        %mul3A_154 = arith.constant 64 : i32
        %mul3A_155 = arith.muli %scan3A_152, %mul3A_154 : i32
        %add3A_156 = arith.constant 0 : i32
        %add3A_157 = arith.addi %mul3A_155, %add3A_156 : i32
        %get3A = arith.index_cast %add3A_157 : i32 to index
        %get3A_158 = tpu.vector_load %arg9[%get3A] {strides = array<i32>} : memref<5120xi32, #tpu.memory_space<vmem>>, vector<16xi32>,
        %gather3A = tpu.vector_load_idx %arg7[%get3A_158] : memref<81920xf32, #tpu.memory_space<vmem>>[vector<16xi32>], vector<16xf32>,
        %swap3A = arith.index_cast %add3A_157 : i32 to index
        %swap3A_159 = tpu.vector_load %arg13[%swap3A] {strides = array<i32>} : memref<5120xf32, #tpu.memory_space<vmem>>, vector<16xf32>,
        tpu.vector_store %arg13[%swap3A], %gather3A {strides = array<i32>} : memref<5120xf32, #tpu.memory_space<vmem>>, vector<16xf32>,
        %get3A_160 = arith.index_cast %add3A_157 : i32 to index
        %get3A_161 = tpu.vector_load %arg11[%get3A_160] {strides = array<i32>} : memref<5120xi32, #tpu.memory_space<vmem>>, vector<16xi32>,
        %gather3A_162 = tpu.vector_load_idx %arg7[%get3A_161] : memref<81920xf32, #tpu.memory_space<vmem>>[vector<16xi32>], vector<16xf32>,
        %swap3A_163 = arith.index_cast %add3A_157 : i32 to index
        %swap3A_164 = tpu.vector_load %arg15[%swap3A_163] {strides = array<i32>} : memref<5120xf32, #tpu.memory_space<vmem>>, vector<16xf32>,
        tpu.vector_store %arg15[%swap3A_163], %gather3A_162 {strides = array<i32>} : memref<5120xf32, #tpu.memory_space<vmem>>, vector<16xf32>,
        %add3A_165 = arith.constant 16 : i32
        %add3A_166 = arith.addi %mul3A_155, %add3A_165 : i32
        %get3A_167 = arith.index_cast %add3A_166 : i32 to index
        %get3A_168 = tpu.vector_load %arg9[%get3A_167] {strides = array<i32>} : memref<5120xi32, #tpu.memory_space<vmem>>, vector<16xi32>,
        %gather3A_169 = tpu.vector_load_idx %arg7[%get3A_168] : memref<81920xf32, #tpu.memory_space<vmem>>[vector<16xi32>], vector<16xf32>,
        %swap3A_170 = arith.index_cast %add3A_166 : i32 to index
        %swap3A_171 = tpu.vector_load %arg13[%swap3A_170] {strides = array<i32>} : memref<5120xf32, #tpu.memory_space<vmem>>, vector<16xf32>,
        tpu.vector_store %arg13[%swap3A_170], %gather3A_169 {strides = array<i32>} : memref<5120xf32, #tpu.memory_space<vmem>>, vector<16xf32>,
        %get3A_172 = arith.index_cast %add3A_166 : i32 to index
        %get3A_173 = tpu.vector_load %arg11[%get3A_172] {strides = array<i32>} : memref<5120xi32, #tpu.memory_space<vmem>>, vector<16xi32>,
        %gather3A_174 = tpu.vector_load_idx %arg7[%get3A_173] : memref<81920xf32, #tpu.memory_space<vmem>>[vector<16xi32>], vector<16xf32>,
        %swap3A_175 = arith.index_cast %add3A_166 : i32 to index
        %swap3A_176 = tpu.vector_load %arg15[%swap3A_175] {strides = array<i32>} : memref<5120xf32, #tpu.memory_space<vmem>>, vector<16xf32>,
        tpu.vector_store %arg15[%swap3A_175], %gather3A_174 {strides = array<i32>} : memref<5120xf32, #tpu.memory_space<vmem>>, vector<16xf32>,
        %add3A_177 = arith.constant 32 : i32
        %add3A_178 = arith.addi %mul3A_155, %add3A_177 : i32
        %get3A_179 = arith.index_cast %add3A_178 : i32 to index
        %get3A_180 = tpu.vector_load %arg9[%get3A_179] {strides = array<i32>} : memref<5120xi32, #tpu.memory_space<vmem>>, vector<16xi32>,
        %gather3A_181 = tpu.vector_load_idx %arg7[%get3A_180] : memref<81920xf32, #tpu.memory_space<vmem>>[vector<16xi32>], vector<16xf32>,
        %swap3A_182 = arith.index_cast %add3A_178 : i32 to index
        %swap3A_183 = tpu.vector_load %arg13[%swap3A_182] {strides = array<i32>} : memref<5120xf32, #tpu.memory_space<vmem>>, vector<16xf32>,
        tpu.vector_store %arg13[%swap3A_182], %gather3A_181 {strides = array<i32>} : memref<5120xf32, #tpu.memory_space<vmem>>, vector<16xf32>,
        %get3A_184 = arith.index_cast %add3A_178 : i32 to index
        %get3A_185 = tpu.vector_load %arg11[%get3A_184] {strides = array<i32>} : memref<5120xi32, #tpu.memory_space<vmem>>, vector<16xi32>,
        %gather3A_186 = tpu.vector_load_idx %arg7[%get3A_185] : memref<81920xf32, #tpu.memory_space<vmem>>[vector<16xi32>], vector<16xf32>,
        %swap3A_187 = arith.index_cast %add3A_178 : i32 to index
        %swap3A_188 = tpu.vector_load %arg15[%swap3A_187] {strides = array<i32>} : memref<5120xf32, #tpu.memory_space<vmem>>, vector<16xf32>,
        tpu.vector_store %arg15[%swap3A_187], %gather3A_186 {strides = array<i32>} : memref<5120xf32, #tpu.memory_space<vmem>>, vector<16xf32>,
        %add3A_189 = arith.constant 48 : i32
        %add3A_190 = arith.addi %mul3A_155, %add3A_189 : i32
        %get3A_191 = arith.index_cast %add3A_190 : i32 to index
        %get3A_192 = tpu.vector_load %arg9[%get3A_191] {strides = array<i32>} : memref<5120xi32, #tpu.memory_space<vmem>>, vector<16xi32>,
        %gather3A_193 = tpu.vector_load_idx %arg7[%get3A_192] : memref<81920xf32, #tpu.memory_space<vmem>>[vector<16xi32>], vector<16xf32>,
        %swap3A_194 = arith.index_cast %add3A_190 : i32 to index
        %swap3A_195 = tpu.vector_load %arg13[%swap3A_194] {strides = array<i32>} : memref<5120xf32, #tpu.memory_space<vmem>>, vector<16xf32>,
        tpu.vector_store %arg13[%swap3A_194], %gather3A_193 {strides = array<i32>} : memref<5120xf32, #tpu.memory_space<vmem>>, vector<16xf32>,
        %get3A_196 = arith.index_cast %add3A_190 : i32 to index
        %get3A_197 = tpu.vector_load %arg11[%get3A_196] {strides = array<i32>} : memref<5120xi32, #tpu.memory_space<vmem>>, vector<16xi32>,
        %gather3A_198 = tpu.vector_load_idx %arg7[%get3A_197] : memref<81920xf32, #tpu.memory_space<vmem>>[vector<16xi32>], vector<16xf32>,
        %swap3A_199 = arith.index_cast %add3A_190 : i32 to index
        %swap3A_200 = tpu.vector_load %arg15[%swap3A_199] {strides = array<i32>} : memref<5120xf32, #tpu.memory_space<vmem>>, vector<16xf32>,
        tpu.vector_store %arg15[%swap3A_199], %gather3A_198 {strides = array<i32>} : memref<5120xf32, #tpu.memory_space<vmem>>, vector<16xf32>,
        %scan3A_201 = arith.constant 0 : i32
        scf.yield %scan3A_201 : i32
      }
      %scan3A_137 = arith.constant 80 : i32
      %mul3A_138 = arith.constant 5120 : i32
      %mul3A_139 = arith.muli %add3A_106, %mul3A_138 : i32
      %add3A_140 = arith.addi %mul3A_4, %mul3A_139 : i32
      %dma_start3A_141 = arith.constant 1 : i32
      %dma_start3A_142 = tpu.memref_slice %arg5[%add3A_140] : memref<40960000xf32, #tpu.memory_space<hbm>> -> memref<5120xf32, #tpu.memory_space<hbm>>
      %dma_start3A_143 = tpu.memref_slice %arg19[%dma_start3A_141] : memref<2x!tpu.dma_semaphore, #tpu.memory_space<semaphore_mem>> -> memref<1x!tpu.dma_semaphore, #tpu.memory_space<semaphore_mem>>
      %dma_start3A_144 = tpu.memref_squeeze %dma_start3A_143 : memref<1x!tpu.dma_semaphore, #tpu.memory_space<semaphore_mem>> -> memref<!tpu.dma_semaphore, #tpu.memory_space<semaphore_mem>>
      %dma_start3A_145 = tpu.memref_slice %arg5[%add3A_140] : memref<40960000xf32, #tpu.memory_space<hbm>> -> memref<5120xf32, #tpu.memory_space<hbm>>
      tpu.enqueue_dma source(%arg13 : memref<5120xf32, #tpu.memory_space<vmem>>) target(%dma_start3A_145 : memref<5120xf32, #tpu.memory_space<hbm>>) target_semaphore(%dma_start3A_144 : memref<!tpu.dma_semaphore, #tpu.memory_space<semaphore_mem>>)
      %dma_start3A_146 = arith.constant 1 : i32
      %dma_start3A_147 = tpu.memref_slice %arg6[%add3A_140] : memref<40960000xf32, #tpu.memory_space<hbm>> -> memref<5120xf32, #tpu.memory_space<hbm>>
      %dma_start3A_148 = tpu.memref_slice %arg20[%dma_start3A_146] : memref<2x!tpu.dma_semaphore, #tpu.memory_space<semaphore_mem>> -> memref<1x!tpu.dma_semaphore, #tpu.memory_space<semaphore_mem>>
      %dma_start3A_149 = tpu.memref_squeeze %dma_start3A_148 : memref<1x!tpu.dma_semaphore, #tpu.memory_space<semaphore_mem>> -> memref<!tpu.dma_semaphore, #tpu.memory_space<semaphore_mem>>
      %dma_start3A_150 = tpu.memref_slice %arg6[%add3A_140] : memref<40960000xf32, #tpu.memory_space<hbm>> -> memref<5120xf32, #tpu.memory_space<hbm>>
      tpu.enqueue_dma source(%arg15 : memref<5120xf32, #tpu.memory_space<vmem>>) target(%dma_start3A_150 : memref<5120xf32, #tpu.memory_space<hbm>>) target_semaphore(%dma_start3A_149 : memref<!tpu.dma_semaphore, #tpu.memory_space<semaphore_mem>>)
      %scan3A_151 = arith.constant 0 : i32
      scf.yield %scan3A_151 : i32
    }
    %scan3A_28 = arith.constant 125 : i32
    %dma_wait3A_29 = arith.constant 0 : i32
    %dma_wait3A_30 = arith.constant 0 : i32
    %dma_wait3A_31 = tpu.memref_slice %arg5[%dma_wait3A_30] : memref<40960000xf32, #tpu.memory_space<hbm>> -> memref<5120xf32, #tpu.memory_space<hbm>>
    %dma_wait3A_32 = tpu.memref_slice %arg19[%dma_wait3A_29] : memref<2x!tpu.dma_semaphore, #tpu.memory_space<semaphore_mem>> -> memref<1x!tpu.dma_semaphore, #tpu.memory_space<semaphore_mem>>
    %dma_wait3A_33 = tpu.memref_squeeze %dma_wait3A_32 : memref<1x!tpu.dma_semaphore, #tpu.memory_space<semaphore_mem>> -> memref<!tpu.dma_semaphore, #tpu.memory_space<semaphore_mem>>
    %dma_wait3A_34 = arith.constant 0 : i32
    %dma_wait3A_35 = tpu.memref_slice %arg5[%dma_wait3A_34] : memref<40960000xf32, #tpu.memory_space<hbm>> -> memref<5120xf32, #tpu.memory_space<hbm>>
    tpu.wait_dma2 semaphore(%dma_wait3A_33 : memref<!tpu.dma_semaphore, #tpu.memory_space<semaphore_mem>>) src(%arg12 : memref<5120xf32, #tpu.memory_space<vmem>>) dst(%dma_wait3A_35 : memref<5120xf32, #tpu.memory_space<hbm>>)
    %dma_wait3A_36 = arith.constant 0 : i32
    %dma_wait3A_37 = arith.constant 0 : i32
    %dma_wait3A_38 = tpu.memref_slice %arg6[%dma_wait3A_37] : memref<40960000xf32, #tpu.memory_space<hbm>> -> memref<5120xf32, #tpu.memory_space<hbm>>
    %dma_wait3A_39 = tpu.memref_slice %arg20[%dma_wait3A_36] : memref<2x!tpu.dma_semaphore, #tpu.memory_space<semaphore_mem>> -> memref<1x!tpu.dma_semaphore, #tpu.memory_space<semaphore_mem>>
    %dma_wait3A_40 = tpu.memref_squeeze %dma_wait3A_39 : memref<1x!tpu.dma_semaphore, #tpu.memory_space<semaphore_mem>> -> memref<!tpu.dma_semaphore, #tpu.memory_space<semaphore_mem>>
    %dma_wait3A_41 = arith.constant 0 : i32
    %dma_wait3A_42 = tpu.memref_slice %arg6[%dma_wait3A_41] : memref<40960000xf32, #tpu.memory_space<hbm>> -> memref<5120xf32, #tpu.memory_space<hbm>>
    tpu.wait_dma2 semaphore(%dma_wait3A_40 : memref<!tpu.dma_semaphore, #tpu.memory_space<semaphore_mem>>) src(%arg14 : memref<5120xf32, #tpu.memory_space<vmem>>) dst(%dma_wait3A_42 : memref<5120xf32, #tpu.memory_space<hbm>>)
    %dma_wait3A_43 = arith.constant 1 : i32
    %dma_wait3A_44 = arith.constant 0 : i32
    %dma_wait3A_45 = tpu.memref_slice %arg5[%dma_wait3A_44] : memref<40960000xf32, #tpu.memory_space<hbm>> -> memref<5120xf32, #tpu.memory_space<hbm>>
    %dma_wait3A_46 = tpu.memref_slice %arg19[%dma_wait3A_43] : memref<2x!tpu.dma_semaphore, #tpu.memory_space<semaphore_mem>> -> memref<1x!tpu.dma_semaphore, #tpu.memory_space<semaphore_mem>>
    %dma_wait3A_47 = tpu.memref_squeeze %dma_wait3A_46 : memref<1x!tpu.dma_semaphore, #tpu.memory_space<semaphore_mem>> -> memref<!tpu.dma_semaphore, #tpu.memory_space<semaphore_mem>>
    %dma_wait3A_48 = arith.constant 0 : i32
    %dma_wait3A_49 = tpu.memref_slice %arg5[%dma_wait3A_48] : memref<40960000xf32, #tpu.memory_space<hbm>> -> memref<5120xf32, #tpu.memory_space<hbm>>
    tpu.wait_dma2 semaphore(%dma_wait3A_47 : memref<!tpu.dma_semaphore, #tpu.memory_space<semaphore_mem>>) src(%arg13 : memref<5120xf32, #tpu.memory_space<vmem>>) dst(%dma_wait3A_49 : memref<5120xf32, #tpu.memory_space<hbm>>)
    %dma_wait3A_50 = arith.constant 1 : i32
    %dma_wait3A_51 = arith.constant 0 : i32
    %dma_wait3A_52 = tpu.memref_slice %arg6[%dma_wait3A_51] : memref<40960000xf32, #tpu.memory_space<hbm>> -> memref<5120xf32, #tpu.memory_space<hbm>>
    %dma_wait3A_53 = tpu.memref_slice %arg20[%dma_wait3A_50] : memref<2x!tpu.dma_semaphore, #tpu.memory_space<semaphore_mem>> -> memref<1x!tpu.dma_semaphore, #tpu.memory_space<semaphore_mem>>
    %dma_wait3A_54 = tpu.memref_squeeze %dma_wait3A_53 : memref<1x!tpu.dma_semaphore, #tpu.memory_space<semaphore_mem>> -> memref<!tpu.dma_semaphore, #tpu.memory_space<semaphore_mem>>
    %dma_wait3A_55 = arith.constant 0 : i32
    %dma_wait3A_56 = tpu.memref_slice %arg6[%dma_wait3A_55] : memref<40960000xf32, #tpu.memory_space<hbm>> -> memref<5120xf32, #tpu.memory_space<hbm>>
    tpu.wait_dma2 semaphore(%dma_wait3A_54 : memref<!tpu.dma_semaphore, #tpu.memory_space<semaphore_mem>>) src(%arg15 : memref<5120xf32, #tpu.memory_space<vmem>>) dst(%dma_wait3A_56 : memref<5120xf32, #tpu.memory_space<hbm>>)
    return
  }
}

#map = affine_map<(d0, d1) -> (0)>
module attributes {stable_mosaic.version = 14 : i64} {
  func.func @body(%arg0: i32, %arg1: i32, %arg2: memref<40960000xf32, #tpu.memory_space<hbm>>, %arg3: memref<40960000xi32, #tpu.memory_space<hbm>>, %arg4: memref<2621440xf32, #tpu.memory_space<hbm>>, %arg5: memref<81920xf32, #tpu.memory_space<vmem>>, %arg6: memref<5120xi32, #tpu.memory_space<vmem>>, %arg7: memref<5120xi32, #tpu.memory_space<vmem>>, %arg8: memref<5120xf32, #tpu.memory_space<vmem>>, %arg9: memref<5120xf32, #tpu.memory_space<vmem>>, %arg10: memref<2x!tpu.dma_semaphore, #tpu.memory_space<semaphore_mem>>, %arg11: memref<2x!tpu.dma_semaphore, #tpu.memory_space<semaphore_mem>>) attributes {dimension_semantics = [#tpu.dimension_semantics<core_parallel>, #tpu.dimension_semantics<subcore_parallel>], iteration_bounds = array<i64: 2, 16>, scalar_prefetch = 0 : i64, scratch_operands = 7 : i64, tpu.core_type = #tpu.core_type<sc_vector_subcore>, window_params = [{transform_indices = #map}, {transform_indices = #map}, {transform_indices = #map}]} {
    %mul3A = arith.constant 2 : i32
    %mul3A_0 = arith.muli %arg1, %mul3A : i32
    %add3A = arith.addi %mul3A_0, %arg0 : i32
    %mul3A_1 = arith.constant 250 : i32
    %mul3A_2 = arith.muli %add3A, %mul3A_1 : i32
    %mul3A_3 = arith.constant 5120 : i32
    %mul3A_4 = arith.muli %mul3A_2, %mul3A_3 : i32
    %add3A_5 = arith.constant 0 : i32
    %add3A_6 = arith.addi %mul3A_4, %add3A_5 : i32
    %dma_start3A = arith.constant 0 : i32
    %dma_start3A_7 = tpu.memref_slice %arg3[%add3A_6] : memref<40960000xi32, #tpu.memory_space<hbm>> -> memref<5120xi32, #tpu.memory_space<hbm>>
    %dma_start3A_8 = tpu.memref_slice %arg10[%dma_start3A] : memref<2x!tpu.dma_semaphore, #tpu.memory_space<semaphore_mem>> -> memref<1x!tpu.dma_semaphore, #tpu.memory_space<semaphore_mem>>
    %dma_start3A_9 = tpu.memref_squeeze %dma_start3A_8 : memref<1x!tpu.dma_semaphore, #tpu.memory_space<semaphore_mem>> -> memref<!tpu.dma_semaphore, #tpu.memory_space<semaphore_mem>>
    %dma_start3A_10 = tpu.memref_slice %arg3[%add3A_6] : memref<40960000xi32, #tpu.memory_space<hbm>> -> memref<5120xi32, #tpu.memory_space<hbm>>
    tpu.enqueue_dma source(%dma_start3A_10 : memref<5120xi32, #tpu.memory_space<hbm>>) target(%arg6 : memref<5120xi32, #tpu.memory_space<vmem>>) target_semaphore(%dma_start3A_9 : memref<!tpu.dma_semaphore, #tpu.memory_space<semaphore_mem>>)
    %dma_start3A_11 = arith.constant 0 : i32
    %dma_start3A_12 = tpu.memref_slice %arg2[%add3A_6] : memref<40960000xf32, #tpu.memory_space<hbm>> -> memref<5120xf32, #tpu.memory_space<hbm>>
    %dma_start3A_13 = tpu.memref_slice %arg11[%dma_start3A_11] : memref<2x!tpu.dma_semaphore, #tpu.memory_space<semaphore_mem>> -> memref<1x!tpu.dma_semaphore, #tpu.memory_space<semaphore_mem>>
    %dma_start3A_14 = tpu.memref_squeeze %dma_start3A_13 : memref<1x!tpu.dma_semaphore, #tpu.memory_space<semaphore_mem>> -> memref<!tpu.dma_semaphore, #tpu.memory_space<semaphore_mem>>
    %dma_start3A_15 = tpu.memref_slice %arg2[%add3A_6] : memref<40960000xf32, #tpu.memory_space<hbm>> -> memref<5120xf32, #tpu.memory_space<hbm>>
    tpu.enqueue_dma source(%dma_start3A_15 : memref<5120xf32, #tpu.memory_space<hbm>>) target(%arg8 : memref<5120xf32, #tpu.memory_space<vmem>>) target_semaphore(%dma_start3A_14 : memref<!tpu.dma_semaphore, #tpu.memory_space<semaphore_mem>>)
    %scan3A = arith.constant 0 : i32
    %scan3A_16 = arith.constant 0 : i32
    %scan3A_17 = arith.constant 5120 : i32
    %scan3A_18 = arith.addi %scan3A_16, %scan3A_17 : i32
    %scan3A_19 = arith.constant 1 : i32
    %scan3A_20 = scf.for %scan3A_31 = %scan3A_16 to %scan3A_18 step %scan3A_19 iter_args(%scan3A_32 = %scan3A) -> (i32)  : i32 {
      %broadcast_in_dim3A = arith.constant 0.000000e+00 : f32
      %broadcast_in_dim3A_33 = vector.broadcast %broadcast_in_dim3A : f32 to vector<16xf32>
      %mul3A_34 = arith.constant 16 : i32
      %mul3A_35 = arith.muli %scan3A_31, %mul3A_34 : i32
      %swap3A = arith.index_cast %mul3A_35 : i32 to index
      %swap3A_36 = tpu.vector_load %arg5[%swap3A] {strides = array<i32>} : memref<81920xf32, #tpu.memory_space<vmem>>, vector<16xf32>,
      tpu.vector_store %arg5[%swap3A], %broadcast_in_dim3A_33 {strides = array<i32>} : memref<81920xf32, #tpu.memory_space<vmem>>, vector<16xf32>,
      %scan3A_37 = arith.constant 0 : i32
      scf.yield %scan3A_37 : i32
    }
    %scan3A_21 = arith.constant 5120 : i32
    %scan3A_22 = arith.constant 0 : i32
    %scan3A_23 = arith.constant 0 : i32
    %scan3A_24 = arith.constant 125 : i32
    %scan3A_25 = arith.addi %scan3A_23, %scan3A_24 : i32
    %scan3A_26 = arith.constant 1 : i32
    %scan3A_27 = scf.for %scan3A_31 = %scan3A_23 to %scan3A_25 step %scan3A_26 iter_args(%scan3A_32 = %scan3A_22) -> (i32)  : i32 {
      %mul3A_33 = arith.constant 2 : i32
      %mul3A_34 = arith.muli %scan3A_31, %mul3A_33 : i32
      %add3A_35 = arith.constant 0 : i32
      %add3A_36 = arith.addi %mul3A_34, %add3A_35 : i32
      %dma_wait3A = arith.constant 0 : i32
      %dma_wait3A_37 = arith.constant 0 : i32
      %dma_wait3A_38 = tpu.memref_slice %arg3[%dma_wait3A_37] : memref<40960000xi32, #tpu.memory_space<hbm>> -> memref<5120xi32, #tpu.memory_space<hbm>>
      %dma_wait3A_39 = tpu.memref_slice %arg10[%dma_wait3A] : memref<2x!tpu.dma_semaphore, #tpu.memory_space<semaphore_mem>> -> memref<1x!tpu.dma_semaphore, #tpu.memory_space<semaphore_mem>>
      %dma_wait3A_40 = tpu.memref_squeeze %dma_wait3A_39 : memref<1x!tpu.dma_semaphore, #tpu.memory_space<semaphore_mem>> -> memref<!tpu.dma_semaphore, #tpu.memory_space<semaphore_mem>>
      %dma_wait3A_41 = arith.constant 0 : i32
      %dma_wait3A_42 = tpu.memref_slice %arg3[%dma_wait3A_41] : memref<40960000xi32, #tpu.memory_space<hbm>> -> memref<5120xi32, #tpu.memory_space<hbm>>
      tpu.wait_dma2 semaphore(%dma_wait3A_40 : memref<!tpu.dma_semaphore, #tpu.memory_space<semaphore_mem>>) src(%dma_wait3A_42 : memref<5120xi32, #tpu.memory_space<hbm>>) dst(%arg6 : memref<5120xi32, #tpu.memory_space<vmem>>)
      %dma_wait3A_43 = arith.constant 0 : i32
      %dma_wait3A_44 = arith.constant 0 : i32
      %dma_wait3A_45 = tpu.memref_slice %arg2[%dma_wait3A_44] : memref<40960000xf32, #tpu.memory_space<hbm>> -> memref<5120xf32, #tpu.memory_space<hbm>>
      %dma_wait3A_46 = tpu.memref_slice %arg11[%dma_wait3A_43] : memref<2x!tpu.dma_semaphore, #tpu.memory_space<semaphore_mem>> -> memref<1x!tpu.dma_semaphore, #tpu.memory_space<semaphore_mem>>
      %dma_wait3A_47 = tpu.memref_squeeze %dma_wait3A_46 : memref<1x!tpu.dma_semaphore, #tpu.memory_space<semaphore_mem>> -> memref<!tpu.dma_semaphore, #tpu.memory_space<semaphore_mem>>
      %dma_wait3A_48 = arith.constant 0 : i32
      %dma_wait3A_49 = tpu.memref_slice %arg2[%dma_wait3A_48] : memref<40960000xf32, #tpu.memory_space<hbm>> -> memref<5120xf32, #tpu.memory_space<hbm>>
      tpu.wait_dma2 semaphore(%dma_wait3A_47 : memref<!tpu.dma_semaphore, #tpu.memory_space<semaphore_mem>>) src(%dma_wait3A_49 : memref<5120xf32, #tpu.memory_space<hbm>>) dst(%arg8 : memref<5120xf32, #tpu.memory_space<vmem>>)
      %lt3A = arith.constant 249 : i32
      %lt3A_50 = arith.cmpi slt, %add3A_36, %lt3A : i32
      %convert_element_type3A = arith.extui %lt3A_50 : i1 to i32
      %cond3A = arith.constant 0 : i32
      %cond3A_51 = arith.cmpi ne, %convert_element_type3A, %cond3A : i32
      scf.if %cond3A_51 {
        %add3A_90 = arith.constant 1 : i32
        %add3A_91 = arith.addi %add3A_36, %add3A_90 : i32
        %mul3A_92 = arith.constant 5120 : i32
        %mul3A_93 = arith.muli %add3A_91, %mul3A_92 : i32
        %add3A_94 = arith.addi %mul3A_4, %mul3A_93 : i32
        %dma_start3A_95 = arith.constant 1 : i32
        %dma_start3A_96 = tpu.memref_slice %arg3[%add3A_94] : memref<40960000xi32, #tpu.memory_space<hbm>> -> memref<5120xi32, #tpu.memory_space<hbm>>
        %dma_start3A_97 = tpu.memref_slice %arg10[%dma_start3A_95] : memref<2x!tpu.dma_semaphore, #tpu.memory_space<semaphore_mem>> -> memref<1x!tpu.dma_semaphore, #tpu.memory_space<semaphore_mem>>
        %dma_start3A_98 = tpu.memref_squeeze %dma_start3A_97 : memref<1x!tpu.dma_semaphore, #tpu.memory_space<semaphore_mem>> -> memref<!tpu.dma_semaphore, #tpu.memory_space<semaphore_mem>>
        %dma_start3A_99 = tpu.memref_slice %arg3[%add3A_94] : memref<40960000xi32, #tpu.memory_space<hbm>> -> memref<5120xi32, #tpu.memory_space<hbm>>
        tpu.enqueue_dma source(%dma_start3A_99 : memref<5120xi32, #tpu.memory_space<hbm>>) target(%arg7 : memref<5120xi32, #tpu.memory_space<vmem>>) target_semaphore(%dma_start3A_98 : memref<!tpu.dma_semaphore, #tpu.memory_space<semaphore_mem>>)
        %dma_start3A_100 = arith.constant 1 : i32
        %dma_start3A_101 = tpu.memref_slice %arg2[%add3A_94] : memref<40960000xf32, #tpu.memory_space<hbm>> -> memref<5120xf32, #tpu.memory_space<hbm>>
        %dma_start3A_102 = tpu.memref_slice %arg11[%dma_start3A_100] : memref<2x!tpu.dma_semaphore, #tpu.memory_space<semaphore_mem>> -> memref<1x!tpu.dma_semaphore, #tpu.memory_space<semaphore_mem>>
        %dma_start3A_103 = tpu.memref_squeeze %dma_start3A_102 : memref<1x!tpu.dma_semaphore, #tpu.memory_space<semaphore_mem>> -> memref<!tpu.dma_semaphore, #tpu.memory_space<semaphore_mem>>
        %dma_start3A_104 = tpu.memref_slice %arg2[%add3A_94] : memref<40960000xf32, #tpu.memory_space<hbm>> -> memref<5120xf32, #tpu.memory_space<hbm>>
        tpu.enqueue_dma source(%dma_start3A_104 : memref<5120xf32, #tpu.memory_space<hbm>>) target(%arg9 : memref<5120xf32, #tpu.memory_space<vmem>>) target_semaphore(%dma_start3A_103 : memref<!tpu.dma_semaphore, #tpu.memory_space<semaphore_mem>>)
      } else {
      }
      %scan3A_52 = arith.constant 0 : i32
      %scan3A_53 = arith.constant 0 : i32
      %scan3A_54 = arith.constant 80 : i32
      %scan3A_55 = arith.addi %scan3A_53, %scan3A_54 : i32
      %scan3A_56 = arith.constant 1 : i32
      %scan3A_57 = scf.for %scan3A_90 = %scan3A_53 to %scan3A_55 step %scan3A_56 iter_args(%scan3A_91 = %scan3A_52) -> (i32)  : i32 {
        %mul3A_92 = arith.constant 64 : i32
        %mul3A_93 = arith.muli %scan3A_90, %mul3A_92 : i32
        %add3A_94 = arith.constant 0 : i32
        %add3A_95 = arith.addi %mul3A_93, %add3A_94 : i32
        %get3A = arith.index_cast %add3A_95 : i32 to index
        %get3A_96 = tpu.vector_load %arg6[%get3A] {strides = array<i32>} : memref<5120xi32, #tpu.memory_space<vmem>>, vector<16xi32>,
        %get3A_97 = arith.index_cast %add3A_95 : i32 to index
        %get3A_98 = tpu.vector_load %arg8[%get3A_97] {strides = array<i32>} : memref<5120xf32, #tpu.memory_space<vmem>>, vector<16xf32>,
        tpu.vector_store_idx %arg5[%get3A_96], %get3A_98 {add = true} : memref<81920xf32, #tpu.memory_space<vmem>>[vector<16xi32>], vector<16xf32>,
        %add3A_99 = arith.constant 16 : i32
        %add3A_100 = arith.addi %mul3A_93, %add3A_99 : i32
        %get3A_101 = arith.index_cast %add3A_100 : i32 to index
        %get3A_102 = tpu.vector_load %arg6[%get3A_101] {strides = array<i32>} : memref<5120xi32, #tpu.memory_space<vmem>>, vector<16xi32>,
        %get3A_103 = arith.index_cast %add3A_100 : i32 to index
        %get3A_104 = tpu.vector_load %arg8[%get3A_103] {strides = array<i32>} : memref<5120xf32, #tpu.memory_space<vmem>>, vector<16xf32>,
        tpu.vector_store_idx %arg5[%get3A_102], %get3A_104 {add = true} : memref<81920xf32, #tpu.memory_space<vmem>>[vector<16xi32>], vector<16xf32>,
        %add3A_105 = arith.constant 32 : i32
        %add3A_106 = arith.addi %mul3A_93, %add3A_105 : i32
        %get3A_107 = arith.index_cast %add3A_106 : i32 to index
        %get3A_108 = tpu.vector_load %arg6[%get3A_107] {strides = array<i32>} : memref<5120xi32, #tpu.memory_space<vmem>>, vector<16xi32>,
        %get3A_109 = arith.index_cast %add3A_106 : i32 to index
        %get3A_110 = tpu.vector_load %arg8[%get3A_109] {strides = array<i32>} : memref<5120xf32, #tpu.memory_space<vmem>>, vector<16xf32>,
        tpu.vector_store_idx %arg5[%get3A_108], %get3A_110 {add = true} : memref<81920xf32, #tpu.memory_space<vmem>>[vector<16xi32>], vector<16xf32>,
        %add3A_111 = arith.constant 48 : i32
        %add3A_112 = arith.addi %mul3A_93, %add3A_111 : i32
        %get3A_113 = arith.index_cast %add3A_112 : i32 to index
        %get3A_114 = tpu.vector_load %arg6[%get3A_113] {strides = array<i32>} : memref<5120xi32, #tpu.memory_space<vmem>>, vector<16xi32>,
        %get3A_115 = arith.index_cast %add3A_112 : i32 to index
        %get3A_116 = tpu.vector_load %arg8[%get3A_115] {strides = array<i32>} : memref<5120xf32, #tpu.memory_space<vmem>>, vector<16xf32>,
        tpu.vector_store_idx %arg5[%get3A_114], %get3A_116 {add = true} : memref<81920xf32, #tpu.memory_space<vmem>>[vector<16xi32>], vector<16xf32>,
        %scan3A_117 = arith.constant 0 : i32
        scf.yield %scan3A_117 : i32
      }
      %scan3A_58 = arith.constant 80 : i32
      %mul3A_59 = arith.constant 2 : i32
      %mul3A_60 = arith.muli %scan3A_31, %mul3A_59 : i32
      %add3A_61 = arith.constant 1 : i32
      %add3A_62 = arith.addi %mul3A_60, %add3A_61 : i32
      %dma_wait3A_63 = arith.constant 1 : i32
      %dma_wait3A_64 = arith.constant 0 : i32
      %dma_wait3A_65 = tpu.memref_slice %arg3[%dma_wait3A_64] : memref<40960000xi32, #tpu.memory_space<hbm>> -> memref<5120xi32, #tpu.memory_space<hbm>>
      %dma_wait3A_66 = tpu.memref_slice %arg10[%dma_wait3A_63] : memref<2x!tpu.dma_semaphore, #tpu.memory_space<semaphore_mem>> -> memref<1x!tpu.dma_semaphore, #tpu.memory_space<semaphore_mem>>
      %dma_wait3A_67 = tpu.memref_squeeze %dma_wait3A_66 : memref<1x!tpu.dma_semaphore, #tpu.memory_space<semaphore_mem>> -> memref<!tpu.dma_semaphore, #tpu.memory_space<semaphore_mem>>
      %dma_wait3A_68 = arith.constant 0 : i32
      %dma_wait3A_69 = tpu.memref_slice %arg3[%dma_wait3A_68] : memref<40960000xi32, #tpu.memory_space<hbm>> -> memref<5120xi32, #tpu.memory_space<hbm>>
      tpu.wait_dma2 semaphore(%dma_wait3A_67 : memref<!tpu.dma_semaphore, #tpu.memory_space<semaphore_mem>>) src(%dma_wait3A_69 : memref<5120xi32, #tpu.memory_space<hbm>>) dst(%arg7 : memref<5120xi32, #tpu.memory_space<vmem>>)
      %dma_wait3A_70 = arith.constant 1 : i32
      %dma_wait3A_71 = arith.constant 0 : i32
      %dma_wait3A_72 = tpu.memref_slice %arg2[%dma_wait3A_71] : memref<40960000xf32, #tpu.memory_space<hbm>> -> memref<5120xf32, #tpu.memory_space<hbm>>
      %dma_wait3A_73 = tpu.memref_slice %arg11[%dma_wait3A_70] : memref<2x!tpu.dma_semaphore, #tpu.memory_space<semaphore_mem>> -> memref<1x!tpu.dma_semaphore, #tpu.memory_space<semaphore_mem>>
      %dma_wait3A_74 = tpu.memref_squeeze %dma_wait3A_73 : memref<1x!tpu.dma_semaphore, #tpu.memory_space<semaphore_mem>> -> memref<!tpu.dma_semaphore, #tpu.memory_space<semaphore_mem>>
      %dma_wait3A_75 = arith.constant 0 : i32
      %dma_wait3A_76 = tpu.memref_slice %arg2[%dma_wait3A_75] : memref<40960000xf32, #tpu.memory_space<hbm>> -> memref<5120xf32, #tpu.memory_space<hbm>>
      tpu.wait_dma2 semaphore(%dma_wait3A_74 : memref<!tpu.dma_semaphore, #tpu.memory_space<semaphore_mem>>) src(%dma_wait3A_76 : memref<5120xf32, #tpu.memory_space<hbm>>) dst(%arg9 : memref<5120xf32, #tpu.memory_space<vmem>>)
      %lt3A_77 = arith.constant 249 : i32
      %lt3A_78 = arith.cmpi slt, %add3A_62, %lt3A_77 : i32
      %convert_element_type3A_79 = arith.extui %lt3A_78 : i1 to i32
      %cond3A_80 = arith.constant 0 : i32
      %cond3A_81 = arith.cmpi ne, %convert_element_type3A_79, %cond3A_80 : i32
      scf.if %cond3A_81 {
        %add3A_90 = arith.constant 1 : i32
        %add3A_91 = arith.addi %add3A_62, %add3A_90 : i32
        %mul3A_92 = arith.constant 5120 : i32
        %mul3A_93 = arith.muli %add3A_91, %mul3A_92 : i32
        %add3A_94 = arith.addi %mul3A_4, %mul3A_93 : i32
        %dma_start3A_95 = arith.constant 0 : i32
        %dma_start3A_96 = tpu.memref_slice %arg3[%add3A_94] : memref<40960000xi32, #tpu.memory_space<hbm>> -> memref<5120xi32, #tpu.memory_space<hbm>>
        %dma_start3A_97 = tpu.memref_slice %arg10[%dma_start3A_95] : memref<2x!tpu.dma_semaphore, #tpu.memory_space<semaphore_mem>> -> memref<1x!tpu.dma_semaphore, #tpu.memory_space<semaphore_mem>>
        %dma_start3A_98 = tpu.memref_squeeze %dma_start3A_97 : memref<1x!tpu.dma_semaphore, #tpu.memory_space<semaphore_mem>> -> memref<!tpu.dma_semaphore, #tpu.memory_space<semaphore_mem>>
        %dma_start3A_99 = tpu.memref_slice %arg3[%add3A_94] : memref<40960000xi32, #tpu.memory_space<hbm>> -> memref<5120xi32, #tpu.memory_space<hbm>>
        tpu.enqueue_dma source(%dma_start3A_99 : memref<5120xi32, #tpu.memory_space<hbm>>) target(%arg6 : memref<5120xi32, #tpu.memory_space<vmem>>) target_semaphore(%dma_start3A_98 : memref<!tpu.dma_semaphore, #tpu.memory_space<semaphore_mem>>)
        %dma_start3A_100 = arith.constant 0 : i32
        %dma_start3A_101 = tpu.memref_slice %arg2[%add3A_94] : memref<40960000xf32, #tpu.memory_space<hbm>> -> memref<5120xf32, #tpu.memory_space<hbm>>
        %dma_start3A_102 = tpu.memref_slice %arg11[%dma_start3A_100] : memref<2x!tpu.dma_semaphore, #tpu.memory_space<semaphore_mem>> -> memref<1x!tpu.dma_semaphore, #tpu.memory_space<semaphore_mem>>
        %dma_start3A_103 = tpu.memref_squeeze %dma_start3A_102 : memref<1x!tpu.dma_semaphore, #tpu.memory_space<semaphore_mem>> -> memref<!tpu.dma_semaphore, #tpu.memory_space<semaphore_mem>>
        %dma_start3A_104 = tpu.memref_slice %arg2[%add3A_94] : memref<40960000xf32, #tpu.memory_space<hbm>> -> memref<5120xf32, #tpu.memory_space<hbm>>
        tpu.enqueue_dma source(%dma_start3A_104 : memref<5120xf32, #tpu.memory_space<hbm>>) target(%arg8 : memref<5120xf32, #tpu.memory_space<vmem>>) target_semaphore(%dma_start3A_103 : memref<!tpu.dma_semaphore, #tpu.memory_space<semaphore_mem>>)
      } else {
      }
      %scan3A_82 = arith.constant 0 : i32
      %scan3A_83 = arith.constant 0 : i32
      %scan3A_84 = arith.constant 80 : i32
      %scan3A_85 = arith.addi %scan3A_83, %scan3A_84 : i32
      %scan3A_86 = arith.constant 1 : i32
      %scan3A_87 = scf.for %scan3A_90 = %scan3A_83 to %scan3A_85 step %scan3A_86 iter_args(%scan3A_91 = %scan3A_82) -> (i32)  : i32 {
        %mul3A_92 = arith.constant 64 : i32
        %mul3A_93 = arith.muli %scan3A_90, %mul3A_92 : i32
        %add3A_94 = arith.constant 0 : i32
        %add3A_95 = arith.addi %mul3A_93, %add3A_94 : i32
        %get3A = arith.index_cast %add3A_95 : i32 to index
        %get3A_96 = tpu.vector_load %arg7[%get3A] {strides = array<i32>} : memref<5120xi32, #tpu.memory_space<vmem>>, vector<16xi32>,
        %get3A_97 = arith.index_cast %add3A_95 : i32 to index
        %get3A_98 = tpu.vector_load %arg9[%get3A_97] {strides = array<i32>} : memref<5120xf32, #tpu.memory_space<vmem>>, vector<16xf32>,
        tpu.vector_store_idx %arg5[%get3A_96], %get3A_98 {add = true} : memref<81920xf32, #tpu.memory_space<vmem>>[vector<16xi32>], vector<16xf32>,
        %add3A_99 = arith.constant 16 : i32
        %add3A_100 = arith.addi %mul3A_93, %add3A_99 : i32
        %get3A_101 = arith.index_cast %add3A_100 : i32 to index
        %get3A_102 = tpu.vector_load %arg7[%get3A_101] {strides = array<i32>} : memref<5120xi32, #tpu.memory_space<vmem>>, vector<16xi32>,
        %get3A_103 = arith.index_cast %add3A_100 : i32 to index
        %get3A_104 = tpu.vector_load %arg9[%get3A_103] {strides = array<i32>} : memref<5120xf32, #tpu.memory_space<vmem>>, vector<16xf32>,
        tpu.vector_store_idx %arg5[%get3A_102], %get3A_104 {add = true} : memref<81920xf32, #tpu.memory_space<vmem>>[vector<16xi32>], vector<16xf32>,
        %add3A_105 = arith.constant 32 : i32
        %add3A_106 = arith.addi %mul3A_93, %add3A_105 : i32
        %get3A_107 = arith.index_cast %add3A_106 : i32 to index
        %get3A_108 = tpu.vector_load %arg7[%get3A_107] {strides = array<i32>} : memref<5120xi32, #tpu.memory_space<vmem>>, vector<16xi32>,
        %get3A_109 = arith.index_cast %add3A_106 : i32 to index
        %get3A_110 = tpu.vector_load %arg9[%get3A_109] {strides = array<i32>} : memref<5120xf32, #tpu.memory_space<vmem>>, vector<16xf32>,
        tpu.vector_store_idx %arg5[%get3A_108], %get3A_110 {add = true} : memref<81920xf32, #tpu.memory_space<vmem>>[vector<16xi32>], vector<16xf32>,
        %add3A_111 = arith.constant 48 : i32
        %add3A_112 = arith.addi %mul3A_93, %add3A_111 : i32
        %get3A_113 = arith.index_cast %add3A_112 : i32 to index
        %get3A_114 = tpu.vector_load %arg7[%get3A_113] {strides = array<i32>} : memref<5120xi32, #tpu.memory_space<vmem>>, vector<16xi32>,
        %get3A_115 = arith.index_cast %add3A_112 : i32 to index
        %get3A_116 = tpu.vector_load %arg9[%get3A_115] {strides = array<i32>} : memref<5120xf32, #tpu.memory_space<vmem>>, vector<16xf32>,
        tpu.vector_store_idx %arg5[%get3A_114], %get3A_116 {add = true} : memref<81920xf32, #tpu.memory_space<vmem>>[vector<16xi32>], vector<16xf32>,
        %scan3A_117 = arith.constant 0 : i32
        scf.yield %scan3A_117 : i32
      }
      %scan3A_88 = arith.constant 80 : i32
      %scan3A_89 = arith.constant 0 : i32
      scf.yield %scan3A_89 : i32
    }
    %scan3A_28 = arith.constant 125 : i32
    %mul3A_29 = arith.constant 81920 : i32
    %mul3A_30 = arith.muli %add3A, %mul3A_29 : i32
    "tpu.region"() ({
      %run_scoped3A = tpu.sem_alloc : memref<!tpu.dma_semaphore, #tpu.memory_space<semaphore_mem>>
      %dma_start3A_31 = tpu.memref_slice %arg4[%mul3A_30] : memref<2621440xf32, #tpu.memory_space<hbm>> -> memref<81920xf32, #tpu.memory_space<hbm>>
      %dma_start3A_32 = tpu.memref_slice %arg4[%mul3A_30] : memref<2621440xf32, #tpu.memory_space<hbm>> -> memref<81920xf32, #tpu.memory_space<hbm>>
      tpu.enqueue_dma source(%arg5 : memref<81920xf32, #tpu.memory_space<vmem>>) target(%dma_start3A_32 : memref<81920xf32, #tpu.memory_space<hbm>>) target_semaphore(%run_scoped3A : memref<!tpu.dma_semaphore, #tpu.memory_space<semaphore_mem>>)
      %dma_wait3A = tpu.memref_slice %arg4[%mul3A_30] : memref<2621440xf32, #tpu.memory_space<hbm>> -> memref<81920xf32, #tpu.memory_space<hbm>>
      %dma_wait3A_33 = tpu.memref_slice %arg4[%mul3A_30] : memref<2621440xf32, #tpu.memory_space<hbm>> -> memref<81920xf32, #tpu.memory_space<hbm>>
      tpu.wait_dma2 semaphore(%run_scoped3A : memref<!tpu.dma_semaphore, #tpu.memory_space<semaphore_mem>>) src(%arg5 : memref<81920xf32, #tpu.memory_space<vmem>>) dst(%dma_wait3A_33 : memref<81920xf32, #tpu.memory_space<hbm>>)
      tpu.yield
    }) : () -> ()
    return
  }
}

#map = affine_map<(d0, d1) -> (0)>
module attributes {stable_mosaic.version = 14 : i64} {
  func.func @body(%arg0: i32, %arg1: i32, %arg2: memref<2621440xf32, #tpu.memory_space<hbm>>, %arg3: memref<40960000xi32, #tpu.memory_space<hbm>>, %arg4: memref<40960000xi32, #tpu.memory_space<hbm>>, %arg5: memref<40960000xf32, #tpu.memory_space<hbm>>, %arg6: memref<40960000xf32, #tpu.memory_space<hbm>>, %arg7: memref<81920xf32, #tpu.memory_space<vmem>>, %arg8: memref<5120xi32, #tpu.memory_space<vmem>>, %arg9: memref<5120xi32, #tpu.memory_space<vmem>>, %arg10: memref<5120xi32, #tpu.memory_space<vmem>>, %arg11: memref<5120xi32, #tpu.memory_space<vmem>>, %arg12: memref<5120xf32, #tpu.memory_space<vmem>>, %arg13: memref<5120xf32, #tpu.memory_space<vmem>>, %arg14: memref<5120xf32, #tpu.memory_space<vmem>>, %arg15: memref<5120xf32, #tpu.memory_space<vmem>>, %arg16: memref<!tpu.dma_semaphore, #tpu.memory_space<semaphore_mem>>, %arg17: memref<2x!tpu.dma_semaphore, #tpu.memory_space<semaphore_mem>>, %arg18: memref<2x!tpu.dma_semaphore, #tpu.memory_space<semaphore_mem>>, %arg19: memref<2x!tpu.dma_semaphore, #tpu.memory_space<semaphore_mem>>, %arg20: memref<2x!tpu.dma_semaphore, #tpu.memory_space<semaphore_mem>>) attributes {dimension_semantics = [#tpu.dimension_semantics<core_parallel>, #tpu.dimension_semantics<subcore_parallel>], iteration_bounds = array<i64: 2, 16>, scalar_prefetch = 0 : i64, scratch_operands = 14 : i64, tpu.core_type = #tpu.core_type<sc_vector_subcore>, window_params = [{transform_indices = #map}, {transform_indices = #map}, {transform_indices = #map}, {transform_indices = #map}, {transform_indices = #map}]} {
    %mul3A = arith.constant 2 : i32
    %mul3A_0 = arith.muli %arg1, %mul3A : i32
    %add3A = arith.addi %mul3A_0, %arg0 : i32
    %mul3A_1 = arith.constant 250 : i32
    %mul3A_2 = arith.muli %add3A, %mul3A_1 : i32
    %mul3A_3 = arith.constant 5120 : i32
    %mul3A_4 = arith.muli %mul3A_2, %mul3A_3 : i32
    %mul3A_5 = arith.constant 81920 : i32
    %mul3A_6 = arith.muli %add3A, %mul3A_5 : i32
    %dma_start3A = tpu.memref_slice %arg2[%mul3A_6] : memref<2621440xf32, #tpu.memory_space<hbm>> -> memref<81920xf32, #tpu.memory_space<hbm>>
    %dma_start3A_7 = tpu.memref_slice %arg2[%mul3A_6] : memref<2621440xf32, #tpu.memory_space<hbm>> -> memref<81920xf32, #tpu.memory_space<hbm>>
    tpu.enqueue_dma source(%dma_start3A_7 : memref<81920xf32, #tpu.memory_space<hbm>>) target(%arg7 : memref<81920xf32, #tpu.memory_space<vmem>>) target_semaphore(%arg16 : memref<!tpu.dma_semaphore, #tpu.memory_space<semaphore_mem>>)
    %add3A_8 = arith.constant 0 : i32
    %add3A_9 = arith.addi %mul3A_4, %add3A_8 : i32
    %dma_start3A_10 = arith.constant 0 : i32
    %dma_start3A_11 = tpu.memref_slice %arg3[%add3A_9] : memref<40960000xi32, #tpu.memory_space<hbm>> -> memref<5120xi32, #tpu.memory_space<hbm>>
    %dma_start3A_12 = tpu.memref_slice %arg17[%dma_start3A_10] : memref<2x!tpu.dma_semaphore, #tpu.memory_space<semaphore_mem>> -> memref<1x!tpu.dma_semaphore, #tpu.memory_space<semaphore_mem>>
    %dma_start3A_13 = tpu.memref_squeeze %dma_start3A_12 : memref<1x!tpu.dma_semaphore, #tpu.memory_space<semaphore_mem>> -> memref<!tpu.dma_semaphore, #tpu.memory_space<semaphore_mem>>
    %dma_start3A_14 = tpu.memref_slice %arg3[%add3A_9] : memref<40960000xi32, #tpu.memory_space<hbm>> -> memref<5120xi32, #tpu.memory_space<hbm>>
    tpu.enqueue_dma source(%dma_start3A_14 : memref<5120xi32, #tpu.memory_space<hbm>>) target(%arg8 : memref<5120xi32, #tpu.memory_space<vmem>>) target_semaphore(%dma_start3A_13 : memref<!tpu.dma_semaphore, #tpu.memory_space<semaphore_mem>>)
    %dma_start3A_15 = arith.constant 0 : i32
    %dma_start3A_16 = tpu.memref_slice %arg4[%add3A_9] : memref<40960000xi32, #tpu.memory_space<hbm>> -> memref<5120xi32, #tpu.memory_space<hbm>>
    %dma_start3A_17 = tpu.memref_slice %arg18[%dma_start3A_15] : memref<2x!tpu.dma_semaphore, #tpu.memory_space<semaphore_mem>> -> memref<1x!tpu.dma_semaphore, #tpu.memory_space<semaphore_mem>>
    %dma_start3A_18 = tpu.memref_squeeze %dma_start3A_17 : memref<1x!tpu.dma_semaphore, #tpu.memory_space<semaphore_mem>> -> memref<!tpu.dma_semaphore, #tpu.memory_space<semaphore_mem>>
    %dma_start3A_19 = tpu.memref_slice %arg4[%add3A_9] : memref<40960000xi32, #tpu.memory_space<hbm>> -> memref<5120xi32, #tpu.memory_space<hbm>>
    tpu.enqueue_dma source(%dma_start3A_19 : memref<5120xi32, #tpu.memory_space<hbm>>) target(%arg10 : memref<5120xi32, #tpu.memory_space<vmem>>) target_semaphore(%dma_start3A_18 : memref<!tpu.dma_semaphore, #tpu.memory_space<semaphore_mem>>)
    %dma_wait3A = arith.constant 0 : i32
    %dma_wait3A_20 = tpu.memref_slice %arg2[%dma_wait3A] : memref<2621440xf32, #tpu.memory_space<hbm>> -> memref<81920xf32, #tpu.memory_space<hbm>>
    %dma_wait3A_21 = arith.constant 0 : i32
    %dma_wait3A_22 = tpu.memref_slice %arg2[%dma_wait3A_21] : memref<2621440xf32, #tpu.memory_space<hbm>> -> memref<81920xf32, #tpu.memory_space<hbm>>
    tpu.wait_dma2 semaphore(%arg16 : memref<!tpu.dma_semaphore, #tpu.memory_space<semaphore_mem>>) src(%dma_wait3A_22 : memref<81920xf32, #tpu.memory_space<hbm>>) dst(%arg7 : memref<81920xf32, #tpu.memory_space<vmem>>)
    %scan3A = arith.constant 0 : i32
    %scan3A_23 = arith.constant 0 : i32
    %scan3A_24 = arith.constant 125 : i32
    %scan3A_25 = arith.addi %scan3A_23, %scan3A_24 : i32
    %scan3A_26 = arith.constant 1 : i32
    %scan3A_27 = scf.for %scan3A_57 = %scan3A_23 to %scan3A_25 step %scan3A_26 iter_args(%scan3A_58 = %scan3A) -> (i32)  : i32 {
      %mul3A_59 = arith.constant 2 : i32
      %mul3A_60 = arith.muli %scan3A_57, %mul3A_59 : i32
      %add3A_61 = arith.constant 0 : i32
      %add3A_62 = arith.addi %mul3A_60, %add3A_61 : i32
      %dma_wait3A_63 = arith.constant 0 : i32
      %dma_wait3A_64 = arith.constant 0 : i32
      %dma_wait3A_65 = tpu.memref_slice %arg3[%dma_wait3A_64] : memref<40960000xi32, #tpu.memory_space<hbm>> -> memref<5120xi32, #tpu.memory_space<hbm>>
      %dma_wait3A_66 = tpu.memref_slice %arg17[%dma_wait3A_63] : memref<2x!tpu.dma_semaphore, #tpu.memory_space<semaphore_mem>> -> memref<1x!tpu.dma_semaphore, #tpu.memory_space<semaphore_mem>>
      %dma_wait3A_67 = tpu.memref_squeeze %dma_wait3A_66 : memref<1x!tpu.dma_semaphore, #tpu.memory_space<semaphore_mem>> -> memref<!tpu.dma_semaphore, #tpu.memory_space<semaphore_mem>>
      %dma_wait3A_68 = arith.constant 0 : i32
      %dma_wait3A_69 = tpu.memref_slice %arg3[%dma_wait3A_68] : memref<40960000xi32, #tpu.memory_space<hbm>> -> memref<5120xi32, #tpu.memory_space<hbm>>
      tpu.wait_dma2 semaphore(%dma_wait3A_67 : memref<!tpu.dma_semaphore, #tpu.memory_space<semaphore_mem>>) src(%dma_wait3A_69 : memref<5120xi32, #tpu.memory_space<hbm>>) dst(%arg8 : memref<5120xi32, #tpu.memory_space<vmem>>)
      %dma_wait3A_70 = arith.constant 0 : i32
      %dma_wait3A_71 = arith.constant 0 : i32
      %dma_wait3A_72 = tpu.memref_slice %arg4[%dma_wait3A_71] : memref<40960000xi32, #tpu.memory_space<hbm>> -> memref<5120xi32, #tpu.memory_space<hbm>>
      %dma_wait3A_73 = tpu.memref_slice %arg18[%dma_wait3A_70] : memref<2x!tpu.dma_semaphore, #tpu.memory_space<semaphore_mem>> -> memref<1x!tpu.dma_semaphore, #tpu.memory_space<semaphore_mem>>
      %dma_wait3A_74 = tpu.memref_squeeze %dma_wait3A_73 : memref<1x!tpu.dma_semaphore, #tpu.memory_space<semaphore_mem>> -> memref<!tpu.dma_semaphore, #tpu.memory_space<semaphore_mem>>
      %dma_wait3A_75 = arith.constant 0 : i32
      %dma_wait3A_76 = tpu.memref_slice %arg4[%dma_wait3A_75] : memref<40960000xi32, #tpu.memory_space<hbm>> -> memref<5120xi32, #tpu.memory_space<hbm>>
      tpu.wait_dma2 semaphore(%dma_wait3A_74 : memref<!tpu.dma_semaphore, #tpu.memory_space<semaphore_mem>>) src(%dma_wait3A_76 : memref<5120xi32, #tpu.memory_space<hbm>>) dst(%arg10 : memref<5120xi32, #tpu.memory_space<vmem>>)
      %lt3A = arith.constant 249 : i32
      %lt3A_77 = arith.cmpi slt, %add3A_62, %lt3A : i32
      %convert_element_type3A = arith.extui %lt3A_77 : i1 to i32
      %cond3A = arith.constant 0 : i32
      %cond3A_78 = arith.cmpi ne, %convert_element_type3A, %cond3A : i32
      scf.if %cond3A_78 {
        %add3A_152 = arith.constant 1 : i32
        %add3A_153 = arith.addi %add3A_62, %add3A_152 : i32
        %mul3A_154 = arith.constant 5120 : i32
        %mul3A_155 = arith.muli %add3A_153, %mul3A_154 : i32
        %add3A_156 = arith.addi %mul3A_4, %mul3A_155 : i32
        %dma_start3A_157 = arith.constant 1 : i32
        %dma_start3A_158 = tpu.memref_slice %arg3[%add3A_156] : memref<40960000xi32, #tpu.memory_space<hbm>> -> memref<5120xi32, #tpu.memory_space<hbm>>
        %dma_start3A_159 = tpu.memref_slice %arg17[%dma_start3A_157] : memref<2x!tpu.dma_semaphore, #tpu.memory_space<semaphore_mem>> -> memref<1x!tpu.dma_semaphore, #tpu.memory_space<semaphore_mem>>
        %dma_start3A_160 = tpu.memref_squeeze %dma_start3A_159 : memref<1x!tpu.dma_semaphore, #tpu.memory_space<semaphore_mem>> -> memref<!tpu.dma_semaphore, #tpu.memory_space<semaphore_mem>>
        %dma_start3A_161 = tpu.memref_slice %arg3[%add3A_156] : memref<40960000xi32, #tpu.memory_space<hbm>> -> memref<5120xi32, #tpu.memory_space<hbm>>
        tpu.enqueue_dma source(%dma_start3A_161 : memref<5120xi32, #tpu.memory_space<hbm>>) target(%arg9 : memref<5120xi32, #tpu.memory_space<vmem>>) target_semaphore(%dma_start3A_160 : memref<!tpu.dma_semaphore, #tpu.memory_space<semaphore_mem>>)
        %dma_start3A_162 = arith.constant 1 : i32
        %dma_start3A_163 = tpu.memref_slice %arg4[%add3A_156] : memref<40960000xi32, #tpu.memory_space<hbm>> -> memref<5120xi32, #tpu.memory_space<hbm>>
        %dma_start3A_164 = tpu.memref_slice %arg18[%dma_start3A_162] : memref<2x!tpu.dma_semaphore, #tpu.memory_space<semaphore_mem>> -> memref<1x!tpu.dma_semaphore, #tpu.memory_space<semaphore_mem>>
        %dma_start3A_165 = tpu.memref_squeeze %dma_start3A_164 : memref<1x!tpu.dma_semaphore, #tpu.memory_space<semaphore_mem>> -> memref<!tpu.dma_semaphore, #tpu.memory_space<semaphore_mem>>
        %dma_start3A_166 = tpu.memref_slice %arg4[%add3A_156] : memref<40960000xi32, #tpu.memory_space<hbm>> -> memref<5120xi32, #tpu.memory_space<hbm>>
        tpu.enqueue_dma source(%dma_start3A_166 : memref<5120xi32, #tpu.memory_space<hbm>>) target(%arg11 : memref<5120xi32, #tpu.memory_space<vmem>>) target_semaphore(%dma_start3A_165 : memref<!tpu.dma_semaphore, #tpu.memory_space<semaphore_mem>>)
      } else {
      }
      %ge3A = arith.constant 1 : i32
      %ge3A_79 = arith.cmpi sge, %scan3A_57, %ge3A : i32
      %convert_element_type3A_80 = arith.extui %ge3A_79 : i1 to i32
      %cond3A_81 = arith.constant 0 : i32
      %cond3A_82 = arith.cmpi ne, %convert_element_type3A_80, %cond3A_81 : i32
      scf.if %cond3A_82 {
        %dma_wait3A_152 = arith.constant 0 : i32
        %dma_wait3A_153 = arith.constant 0 : i32
        %dma_wait3A_154 = tpu.memref_slice %arg5[%dma_wait3A_153] : memref<40960000xf32, #tpu.memory_space<hbm>> -> memref<5120xf32, #tpu.memory_space<hbm>>
        %dma_wait3A_155 = tpu.memref_slice %arg19[%dma_wait3A_152] : memref<2x!tpu.dma_semaphore, #tpu.memory_space<semaphore_mem>> -> memref<1x!tpu.dma_semaphore, #tpu.memory_space<semaphore_mem>>
        %dma_wait3A_156 = tpu.memref_squeeze %dma_wait3A_155 : memref<1x!tpu.dma_semaphore, #tpu.memory_space<semaphore_mem>> -> memref<!tpu.dma_semaphore, #tpu.memory_space<semaphore_mem>>
        %dma_wait3A_157 = arith.constant 0 : i32
        %dma_wait3A_158 = tpu.memref_slice %arg5[%dma_wait3A_157] : memref<40960000xf32, #tpu.memory_space<hbm>> -> memref<5120xf32, #tpu.memory_space<hbm>>
        tpu.wait_dma2 semaphore(%dma_wait3A_156 : memref<!tpu.dma_semaphore, #tpu.memory_space<semaphore_mem>>) src(%arg12 : memref<5120xf32, #tpu.memory_space<vmem>>) dst(%dma_wait3A_158 : memref<5120xf32, #tpu.memory_space<hbm>>)
        %dma_wait3A_159 = arith.constant 0 : i32
        %dma_wait3A_160 = arith.constant 0 : i32
        %dma_wait3A_161 = tpu.memref_slice %arg6[%dma_wait3A_160] : memref<40960000xf32, #tpu.memory_space<hbm>> -> memref<5120xf32, #tpu.memory_space<hbm>>
        %dma_wait3A_162 = tpu.memref_slice %arg20[%dma_wait3A_159] : memref<2x!tpu.dma_semaphore, #tpu.memory_space<semaphore_mem>> -> memref<1x!tpu.dma_semaphore, #tpu.memory_space<semaphore_mem>>
        %dma_wait3A_163 = tpu.memref_squeeze %dma_wait3A_162 : memref<1x!tpu.dma_semaphore, #tpu.memory_space<semaphore_mem>> -> memref<!tpu.dma_semaphore, #tpu.memory_space<semaphore_mem>>
        %dma_wait3A_164 = arith.constant 0 : i32
        %dma_wait3A_165 = tpu.memref_slice %arg6[%dma_wait3A_164] : memref<40960000xf32, #tpu.memory_space<hbm>> -> memref<5120xf32, #tpu.memory_space<hbm>>
        tpu.wait_dma2 semaphore(%dma_wait3A_163 : memref<!tpu.dma_semaphore, #tpu.memory_space<semaphore_mem>>) src(%arg14 : memref<5120xf32, #tpu.memory_space<vmem>>) dst(%dma_wait3A_165 : memref<5120xf32, #tpu.memory_space<hbm>>)
      } else {
      }
      %scan3A_83 = arith.constant 0 : i32
      %scan3A_84 = arith.constant 0 : i32
      %scan3A_85 = arith.constant 80 : i32
      %scan3A_86 = arith.addi %scan3A_84, %scan3A_85 : i32
      %scan3A_87 = arith.constant 1 : i32
      %scan3A_88 = scf.for %scan3A_152 = %scan3A_84 to %scan3A_86 step %scan3A_87 iter_args(%scan3A_153 = %scan3A_83) -> (i32)  : i32 {
        %mul3A_154 = arith.constant 64 : i32
        %mul3A_155 = arith.muli %scan3A_152, %mul3A_154 : i32
        %add3A_156 = arith.constant 0 : i32
        %add3A_157 = arith.addi %mul3A_155, %add3A_156 : i32
        %get3A = arith.index_cast %add3A_157 : i32 to index
        %get3A_158 = tpu.vector_load %arg8[%get3A] {strides = array<i32>} : memref<5120xi32, #tpu.memory_space<vmem>>, vector<16xi32>,
        %gather3A = tpu.vector_load_idx %arg7[%get3A_158] : memref<81920xf32, #tpu.memory_space<vmem>>[vector<16xi32>], vector<16xf32>,
        %swap3A = arith.index_cast %add3A_157 : i32 to index
        %swap3A_159 = tpu.vector_load %arg12[%swap3A] {strides = array<i32>} : memref<5120xf32, #tpu.memory_space<vmem>>, vector<16xf32>,
        tpu.vector_store %arg12[%swap3A], %gather3A {strides = array<i32>} : memref<5120xf32, #tpu.memory_space<vmem>>, vector<16xf32>,
        %get3A_160 = arith.index_cast %add3A_157 : i32 to index
        %get3A_161 = tpu.vector_load %arg10[%get3A_160] {strides = array<i32>} : memref<5120xi32, #tpu.memory_space<vmem>>, vector<16xi32>,
        %gather3A_162 = tpu.vector_load_idx %arg7[%get3A_161] : memref<81920xf32, #tpu.memory_space<vmem>>[vector<16xi32>], vector<16xf32>,
        %swap3A_163 = arith.index_cast %add3A_157 : i32 to index
        %swap3A_164 = tpu.vector_load %arg14[%swap3A_163] {strides = array<i32>} : memref<5120xf32, #tpu.memory_space<vmem>>, vector<16xf32>,
        tpu.vector_store %arg14[%swap3A_163], %gather3A_162 {strides = array<i32>} : memref<5120xf32, #tpu.memory_space<vmem>>, vector<16xf32>,
        %add3A_165 = arith.constant 16 : i32
        %add3A_166 = arith.addi %mul3A_155, %add3A_165 : i32
        %get3A_167 = arith.index_cast %add3A_166 : i32 to index
        %get3A_168 = tpu.vector_load %arg8[%get3A_167] {strides = array<i32>} : memref<5120xi32, #tpu.memory_space<vmem>>, vector<16xi32>,
        %gather3A_169 = tpu.vector_load_idx %arg7[%get3A_168] : memref<81920xf32, #tpu.memory_space<vmem>>[vector<16xi32>], vector<16xf32>,
        %swap3A_170 = arith.index_cast %add3A_166 : i32 to index
        %swap3A_171 = tpu.vector_load %arg12[%swap3A_170] {strides = array<i32>} : memref<5120xf32, #tpu.memory_space<vmem>>, vector<16xf32>,
        tpu.vector_store %arg12[%swap3A_170], %gather3A_169 {strides = array<i32>} : memref<5120xf32, #tpu.memory_space<vmem>>, vector<16xf32>,
        %get3A_172 = arith.index_cast %add3A_166 : i32 to index
        %get3A_173 = tpu.vector_load %arg10[%get3A_172] {strides = array<i32>} : memref<5120xi32, #tpu.memory_space<vmem>>, vector<16xi32>,
        %gather3A_174 = tpu.vector_load_idx %arg7[%get3A_173] : memref<81920xf32, #tpu.memory_space<vmem>>[vector<16xi32>], vector<16xf32>,
        %swap3A_175 = arith.index_cast %add3A_166 : i32 to index
        %swap3A_176 = tpu.vector_load %arg14[%swap3A_175] {strides = array<i32>} : memref<5120xf32, #tpu.memory_space<vmem>>, vector<16xf32>,
        tpu.vector_store %arg14[%swap3A_175], %gather3A_174 {strides = array<i32>} : memref<5120xf32, #tpu.memory_space<vmem>>, vector<16xf32>,
        %add3A_177 = arith.constant 32 : i32
        %add3A_178 = arith.addi %mul3A_155, %add3A_177 : i32
        %get3A_179 = arith.index_cast %add3A_178 : i32 to index
        %get3A_180 = tpu.vector_load %arg8[%get3A_179] {strides = array<i32>} : memref<5120xi32, #tpu.memory_space<vmem>>, vector<16xi32>,
        %gather3A_181 = tpu.vector_load_idx %arg7[%get3A_180] : memref<81920xf32, #tpu.memory_space<vmem>>[vector<16xi32>], vector<16xf32>,
        %swap3A_182 = arith.index_cast %add3A_178 : i32 to index
        %swap3A_183 = tpu.vector_load %arg12[%swap3A_182] {strides = array<i32>} : memref<5120xf32, #tpu.memory_space<vmem>>, vector<16xf32>,
        tpu.vector_store %arg12[%swap3A_182], %gather3A_181 {strides = array<i32>} : memref<5120xf32, #tpu.memory_space<vmem>>, vector<16xf32>,
        %get3A_184 = arith.index_cast %add3A_178 : i32 to index
        %get3A_185 = tpu.vector_load %arg10[%get3A_184] {strides = array<i32>} : memref<5120xi32, #tpu.memory_space<vmem>>, vector<16xi32>,
        %gather3A_186 = tpu.vector_load_idx %arg7[%get3A_185] : memref<81920xf32, #tpu.memory_space<vmem>>[vector<16xi32>], vector<16xf32>,
        %swap3A_187 = arith.index_cast %add3A_178 : i32 to index
        %swap3A_188 = tpu.vector_load %arg14[%swap3A_187] {strides = array<i32>} : memref<5120xf32, #tpu.memory_space<vmem>>, vector<16xf32>,
        tpu.vector_store %arg14[%swap3A_187], %gather3A_186 {strides = array<i32>} : memref<5120xf32, #tpu.memory_space<vmem>>, vector<16xf32>,
        %add3A_189 = arith.constant 48 : i32
        %add3A_190 = arith.addi %mul3A_155, %add3A_189 : i32
        %get3A_191 = arith.index_cast %add3A_190 : i32 to index
        %get3A_192 = tpu.vector_load %arg8[%get3A_191] {strides = array<i32>} : memref<5120xi32, #tpu.memory_space<vmem>>, vector<16xi32>,
        %gather3A_193 = tpu.vector_load_idx %arg7[%get3A_192] : memref<81920xf32, #tpu.memory_space<vmem>>[vector<16xi32>], vector<16xf32>,
        %swap3A_194 = arith.index_cast %add3A_190 : i32 to index
        %swap3A_195 = tpu.vector_load %arg12[%swap3A_194] {strides = array<i32>} : memref<5120xf32, #tpu.memory_space<vmem>>, vector<16xf32>,
        tpu.vector_store %arg12[%swap3A_194], %gather3A_193 {strides = array<i32>} : memref<5120xf32, #tpu.memory_space<vmem>>, vector<16xf32>,
        %get3A_196 = arith.index_cast %add3A_190 : i32 to index
        %get3A_197 = tpu.vector_load %arg10[%get3A_196] {strides = array<i32>} : memref<5120xi32, #tpu.memory_space<vmem>>, vector<16xi32>,
        %gather3A_198 = tpu.vector_load_idx %arg7[%get3A_197] : memref<81920xf32, #tpu.memory_space<vmem>>[vector<16xi32>], vector<16xf32>,
        %swap3A_199 = arith.index_cast %add3A_190 : i32 to index
        %swap3A_200 = tpu.vector_load %arg14[%swap3A_199] {strides = array<i32>} : memref<5120xf32, #tpu.memory_space<vmem>>, vector<16xf32>,
        tpu.vector_store %arg14[%swap3A_199], %gather3A_198 {strides = array<i32>} : memref<5120xf32, #tpu.memory_space<vmem>>, vector<16xf32>,
        %scan3A_201 = arith.constant 0 : i32
        scf.yield %scan3A_201 : i32
      }
      %scan3A_89 = arith.constant 80 : i32
      %mul3A_90 = arith.constant 5120 : i32
      %mul3A_91 = arith.muli %add3A_62, %mul3A_90 : i32
      %add3A_92 = arith.addi %mul3A_4, %mul3A_91 : i32
      %dma_start3A_93 = arith.constant 0 : i32
      %dma_start3A_94 = tpu.memref_slice %arg5[%add3A_92] : memref<40960000xf32, #tpu.memory_space<hbm>> -> memref<5120xf32, #tpu.memory_space<hbm>>
      %dma_start3A_95 = tpu.memref_slice %arg19[%dma_start3A_93] : memref<2x!tpu.dma_semaphore, #tpu.memory_space<semaphore_mem>> -> memref<1x!tpu.dma_semaphore, #tpu.memory_space<semaphore_mem>>
      %dma_start3A_96 = tpu.memref_squeeze %dma_start3A_95 : memref<1x!tpu.dma_semaphore, #tpu.memory_space<semaphore_mem>> -> memref<!tpu.dma_semaphore, #tpu.memory_space<semaphore_mem>>
      %dma_start3A_97 = tpu.memref_slice %arg5[%add3A_92] : memref<40960000xf32, #tpu.memory_space<hbm>> -> memref<5120xf32, #tpu.memory_space<hbm>>
      tpu.enqueue_dma source(%arg12 : memref<5120xf32, #tpu.memory_space<vmem>>) target(%dma_start3A_97 : memref<5120xf32, #tpu.memory_space<hbm>>) target_semaphore(%dma_start3A_96 : memref<!tpu.dma_semaphore, #tpu.memory_space<semaphore_mem>>)
      %dma_start3A_98 = arith.constant 0 : i32
      %dma_start3A_99 = tpu.memref_slice %arg6[%add3A_92] : memref<40960000xf32, #tpu.memory_space<hbm>> -> memref<5120xf32, #tpu.memory_space<hbm>>
      %dma_start3A_100 = tpu.memref_slice %arg20[%dma_start3A_98] : memref<2x!tpu.dma_semaphore, #tpu.memory_space<semaphore_mem>> -> memref<1x!tpu.dma_semaphore, #tpu.memory_space<semaphore_mem>>
      %dma_start3A_101 = tpu.memref_squeeze %dma_start3A_100 : memref<1x!tpu.dma_semaphore, #tpu.memory_space<semaphore_mem>> -> memref<!tpu.dma_semaphore, #tpu.memory_space<semaphore_mem>>
      %dma_start3A_102 = tpu.memref_slice %arg6[%add3A_92] : memref<40960000xf32, #tpu.memory_space<hbm>> -> memref<5120xf32, #tpu.memory_space<hbm>>
      tpu.enqueue_dma source(%arg14 : memref<5120xf32, #tpu.memory_space<vmem>>) target(%dma_start3A_102 : memref<5120xf32, #tpu.memory_space<hbm>>) target_semaphore(%dma_start3A_101 : memref<!tpu.dma_semaphore, #tpu.memory_space<semaphore_mem>>)
      %mul3A_103 = arith.constant 2 : i32
      %mul3A_104 = arith.muli %scan3A_57, %mul3A_103 : i32
      %add3A_105 = arith.constant 1 : i32
      %add3A_106 = arith.addi %mul3A_104, %add3A_105 : i32
      %dma_wait3A_107 = arith.constant 1 : i32
      %dma_wait3A_108 = arith.constant 0 : i32
      %dma_wait3A_109 = tpu.memref_slice %arg3[%dma_wait3A_108] : memref<40960000xi32, #tpu.memory_space<hbm>> -> memref<5120xi32, #tpu.memory_space<hbm>>
      %dma_wait3A_110 = tpu.memref_slice %arg17[%dma_wait3A_107] : memref<2x!tpu.dma_semaphore, #tpu.memory_space<semaphore_mem>> -> memref<1x!tpu.dma_semaphore, #tpu.memory_space<semaphore_mem>>
      %dma_wait3A_111 = tpu.memref_squeeze %dma_wait3A_110 : memref<1x!tpu.dma_semaphore, #tpu.memory_space<semaphore_mem>> -> memref<!tpu.dma_semaphore, #tpu.memory_space<semaphore_mem>>
      %dma_wait3A_112 = arith.constant 0 : i32
      %dma_wait3A_113 = tpu.memref_slice %arg3[%dma_wait3A_112] : memref<40960000xi32, #tpu.memory_space<hbm>> -> memref<5120xi32, #tpu.memory_space<hbm>>
      tpu.wait_dma2 semaphore(%dma_wait3A_111 : memref<!tpu.dma_semaphore, #tpu.memory_space<semaphore_mem>>) src(%dma_wait3A_113 : memref<5120xi32, #tpu.memory_space<hbm>>) dst(%arg9 : memref<5120xi32, #tpu.memory_space<vmem>>)
      %dma_wait3A_114 = arith.constant 1 : i32
      %dma_wait3A_115 = arith.constant 0 : i32
      %dma_wait3A_116 = tpu.memref_slice %arg4[%dma_wait3A_115] : memref<40960000xi32, #tpu.memory_space<hbm>> -> memref<5120xi32, #tpu.memory_space<hbm>>
      %dma_wait3A_117 = tpu.memref_slice %arg18[%dma_wait3A_114] : memref<2x!tpu.dma_semaphore, #tpu.memory_space<semaphore_mem>> -> memref<1x!tpu.dma_semaphore, #tpu.memory_space<semaphore_mem>>
      %dma_wait3A_118 = tpu.memref_squeeze %dma_wait3A_117 : memref<1x!tpu.dma_semaphore, #tpu.memory_space<semaphore_mem>> -> memref<!tpu.dma_semaphore, #tpu.memory_space<semaphore_mem>>
      %dma_wait3A_119 = arith.constant 0 : i32
      %dma_wait3A_120 = tpu.memref_slice %arg4[%dma_wait3A_119] : memref<40960000xi32, #tpu.memory_space<hbm>> -> memref<5120xi32, #tpu.memory_space<hbm>>
      tpu.wait_dma2 semaphore(%dma_wait3A_118 : memref<!tpu.dma_semaphore, #tpu.memory_space<semaphore_mem>>) src(%dma_wait3A_120 : memref<5120xi32, #tpu.memory_space<hbm>>) dst(%arg11 : memref<5120xi32, #tpu.memory_space<vmem>>)
      %lt3A_121 = arith.constant 249 : i32
      %lt3A_122 = arith.cmpi slt, %add3A_106, %lt3A_121 : i32
      %convert_element_type3A_123 = arith.extui %lt3A_122 : i1 to i32
      %cond3A_124 = arith.constant 0 : i32
      %cond3A_125 = arith.cmpi ne, %convert_element_type3A_123, %cond3A_124 : i32
      scf.if %cond3A_125 {
        %add3A_152 = arith.constant 1 : i32
        %add3A_153 = arith.addi %add3A_106, %add3A_152 : i32
        %mul3A_154 = arith.constant 5120 : i32
        %mul3A_155 = arith.muli %add3A_153, %mul3A_154 : i32
        %add3A_156 = arith.addi %mul3A_4, %mul3A_155 : i32
        %dma_start3A_157 = arith.constant 0 : i32
        %dma_start3A_158 = tpu.memref_slice %arg3[%add3A_156] : memref<40960000xi32, #tpu.memory_space<hbm>> -> memref<5120xi32, #tpu.memory_space<hbm>>
        %dma_start3A_159 = tpu.memref_slice %arg17[%dma_start3A_157] : memref<2x!tpu.dma_semaphore, #tpu.memory_space<semaphore_mem>> -> memref<1x!tpu.dma_semaphore, #tpu.memory_space<semaphore_mem>>
        %dma_start3A_160 = tpu.memref_squeeze %dma_start3A_159 : memref<1x!tpu.dma_semaphore, #tpu.memory_space<semaphore_mem>> -> memref<!tpu.dma_semaphore, #tpu.memory_space<semaphore_mem>>
        %dma_start3A_161 = tpu.memref_slice %arg3[%add3A_156] : memref<40960000xi32, #tpu.memory_space<hbm>> -> memref<5120xi32, #tpu.memory_space<hbm>>
        tpu.enqueue_dma source(%dma_start3A_161 : memref<5120xi32, #tpu.memory_space<hbm>>) target(%arg8 : memref<5120xi32, #tpu.memory_space<vmem>>) target_semaphore(%dma_start3A_160 : memref<!tpu.dma_semaphore, #tpu.memory_space<semaphore_mem>>)
        %dma_start3A_162 = arith.constant 0 : i32
        %dma_start3A_163 = tpu.memref_slice %arg4[%add3A_156] : memref<40960000xi32, #tpu.memory_space<hbm>> -> memref<5120xi32, #tpu.memory_space<hbm>>
        %dma_start3A_164 = tpu.memref_slice %arg18[%dma_start3A_162] : memref<2x!tpu.dma_semaphore, #tpu.memory_space<semaphore_mem>> -> memref<1x!tpu.dma_semaphore, #tpu.memory_space<semaphore_mem>>
        %dma_start3A_165 = tpu.memref_squeeze %dma_start3A_164 : memref<1x!tpu.dma_semaphore, #tpu.memory_space<semaphore_mem>> -> memref<!tpu.dma_semaphore, #tpu.memory_space<semaphore_mem>>
        %dma_start3A_166 = tpu.memref_slice %arg4[%add3A_156] : memref<40960000xi32, #tpu.memory_space<hbm>> -> memref<5120xi32, #tpu.memory_space<hbm>>
        tpu.enqueue_dma source(%dma_start3A_166 : memref<5120xi32, #tpu.memory_space<hbm>>) target(%arg10 : memref<5120xi32, #tpu.memory_space<vmem>>) target_semaphore(%dma_start3A_165 : memref<!tpu.dma_semaphore, #tpu.memory_space<semaphore_mem>>)
      } else {
      }
      %ge3A_126 = arith.constant 1 : i32
      %ge3A_127 = arith.cmpi sge, %scan3A_57, %ge3A_126 : i32
      %convert_element_type3A_128 = arith.extui %ge3A_127 : i1 to i32
      %cond3A_129 = arith.constant 0 : i32
      %cond3A_130 = arith.cmpi ne, %convert_element_type3A_128, %cond3A_129 : i32
      scf.if %cond3A_130 {
        %dma_wait3A_152 = arith.constant 1 : i32
        %dma_wait3A_153 = arith.constant 0 : i32
        %dma_wait3A_154 = tpu.memref_slice %arg5[%dma_wait3A_153] : memref<40960000xf32, #tpu.memory_space<hbm>> -> memref<5120xf32, #tpu.memory_space<hbm>>
        %dma_wait3A_155 = tpu.memref_slice %arg19[%dma_wait3A_152] : memref<2x!tpu.dma_semaphore, #tpu.memory_space<semaphore_mem>> -> memref<1x!tpu.dma_semaphore, #tpu.memory_space<semaphore_mem>>
        %dma_wait3A_156 = tpu.memref_squeeze %dma_wait3A_155 : memref<1x!tpu.dma_semaphore, #tpu.memory_space<semaphore_mem>> -> memref<!tpu.dma_semaphore, #tpu.memory_space<semaphore_mem>>
        %dma_wait3A_157 = arith.constant 0 : i32
        %dma_wait3A_158 = tpu.memref_slice %arg5[%dma_wait3A_157] : memref<40960000xf32, #tpu.memory_space<hbm>> -> memref<5120xf32, #tpu.memory_space<hbm>>
        tpu.wait_dma2 semaphore(%dma_wait3A_156 : memref<!tpu.dma_semaphore, #tpu.memory_space<semaphore_mem>>) src(%arg13 : memref<5120xf32, #tpu.memory_space<vmem>>) dst(%dma_wait3A_158 : memref<5120xf32, #tpu.memory_space<hbm>>)
        %dma_wait3A_159 = arith.constant 1 : i32
        %dma_wait3A_160 = arith.constant 0 : i32
        %dma_wait3A_161 = tpu.memref_slice %arg6[%dma_wait3A_160] : memref<40960000xf32, #tpu.memory_space<hbm>> -> memref<5120xf32, #tpu.memory_space<hbm>>
        %dma_wait3A_162 = tpu.memref_slice %arg20[%dma_wait3A_159] : memref<2x!tpu.dma_semaphore, #tpu.memory_space<semaphore_mem>> -> memref<1x!tpu.dma_semaphore, #tpu.memory_space<semaphore_mem>>
        %dma_wait3A_163 = tpu.memref_squeeze %dma_wait3A_162 : memref<1x!tpu.dma_semaphore, #tpu.memory_space<semaphore_mem>> -> memref<!tpu.dma_semaphore, #tpu.memory_space<semaphore_mem>>
        %dma_wait3A_164 = arith.constant 0 : i32
        %dma_wait3A_165 = tpu.memref_slice %arg6[%dma_wait3A_164] : memref<40960000xf32, #tpu.memory_space<hbm>> -> memref<5120xf32, #tpu.memory_space<hbm>>
        tpu.wait_dma2 semaphore(%dma_wait3A_163 : memref<!tpu.dma_semaphore, #tpu.memory_space<semaphore_mem>>) src(%arg15 : memref<5120xf32, #tpu.memory_space<vmem>>) dst(%dma_wait3A_165 : memref<5120xf32, #tpu.memory_space<hbm>>)
      } else {
      }
      %scan3A_131 = arith.constant 0 : i32
      %scan3A_132 = arith.constant 0 : i32
      %scan3A_133 = arith.constant 80 : i32
      %scan3A_134 = arith.addi %scan3A_132, %scan3A_133 : i32
      %scan3A_135 = arith.constant 1 : i32
      %scan3A_136 = scf.for %scan3A_152 = %scan3A_132 to %scan3A_134 step %scan3A_135 iter_args(%scan3A_153 = %scan3A_131) -> (i32)  : i32 {
        %mul3A_154 = arith.constant 64 : i32
        %mul3A_155 = arith.muli %scan3A_152, %mul3A_154 : i32
        %add3A_156 = arith.constant 0 : i32
        %add3A_157 = arith.addi %mul3A_155, %add3A_156 : i32
        %get3A = arith.index_cast %add3A_157 : i32 to index
        %get3A_158 = tpu.vector_load %arg9[%get3A] {strides = array<i32>} : memref<5120xi32, #tpu.memory_space<vmem>>, vector<16xi32>,
        %gather3A = tpu.vector_load_idx %arg7[%get3A_158] : memref<81920xf32, #tpu.memory_space<vmem>>[vector<16xi32>], vector<16xf32>,
        %swap3A = arith.index_cast %add3A_157 : i32 to index
        %swap3A_159 = tpu.vector_load %arg13[%swap3A] {strides = array<i32>} : memref<5120xf32, #tpu.memory_space<vmem>>, vector<16xf32>,
        tpu.vector_store %arg13[%swap3A], %gather3A {strides = array<i32>} : memref<5120xf32, #tpu.memory_space<vmem>>, vector<16xf32>,
        %get3A_160 = arith.index_cast %add3A_157 : i32 to index
        %get3A_161 = tpu.vector_load %arg11[%get3A_160] {strides = array<i32>} : memref<5120xi32, #tpu.memory_space<vmem>>, vector<16xi32>,
        %gather3A_162 = tpu.vector_load_idx %arg7[%get3A_161] : memref<81920xf32, #tpu.memory_space<vmem>>[vector<16xi32>], vector<16xf32>,
        %swap3A_163 = arith.index_cast %add3A_157 : i32 to index
        %swap3A_164 = tpu.vector_load %arg15[%swap3A_163] {strides = array<i32>} : memref<5120xf32, #tpu.memory_space<vmem>>, vector<16xf32>,
        tpu.vector_store %arg15[%swap3A_163], %gather3A_162 {strides = array<i32>} : memref<5120xf32, #tpu.memory_space<vmem>>, vector<16xf32>,
        %add3A_165 = arith.constant 16 : i32
        %add3A_166 = arith.addi %mul3A_155, %add3A_165 : i32
        %get3A_167 = arith.index_cast %add3A_166 : i32 to index
        %get3A_168 = tpu.vector_load %arg9[%get3A_167] {strides = array<i32>} : memref<5120xi32, #tpu.memory_space<vmem>>, vector<16xi32>,
        %gather3A_169 = tpu.vector_load_idx %arg7[%get3A_168] : memref<81920xf32, #tpu.memory_space<vmem>>[vector<16xi32>], vector<16xf32>,
        %swap3A_170 = arith.index_cast %add3A_166 : i32 to index
        %swap3A_171 = tpu.vector_load %arg13[%swap3A_170] {strides = array<i32>} : memref<5120xf32, #tpu.memory_space<vmem>>, vector<16xf32>,
        tpu.vector_store %arg13[%swap3A_170], %gather3A_169 {strides = array<i32>} : memref<5120xf32, #tpu.memory_space<vmem>>, vector<16xf32>,
        %get3A_172 = arith.index_cast %add3A_166 : i32 to index
        %get3A_173 = tpu.vector_load %arg11[%get3A_172] {strides = array<i32>} : memref<5120xi32, #tpu.memory_space<vmem>>, vector<16xi32>,
        %gather3A_174 = tpu.vector_load_idx %arg7[%get3A_173] : memref<81920xf32, #tpu.memory_space<vmem>>[vector<16xi32>], vector<16xf32>,
        %swap3A_175 = arith.index_cast %add3A_166 : i32 to index
        %swap3A_176 = tpu.vector_load %arg15[%swap3A_175] {strides = array<i32>} : memref<5120xf32, #tpu.memory_space<vmem>>, vector<16xf32>,
        tpu.vector_store %arg15[%swap3A_175], %gather3A_174 {strides = array<i32>} : memref<5120xf32, #tpu.memory_space<vmem>>, vector<16xf32>,
        %add3A_177 = arith.constant 32 : i32
        %add3A_178 = arith.addi %mul3A_155, %add3A_177 : i32
        %get3A_179 = arith.index_cast %add3A_178 : i32 to index
        %get3A_180 = tpu.vector_load %arg9[%get3A_179] {strides = array<i32>} : memref<5120xi32, #tpu.memory_space<vmem>>, vector<16xi32>,
        %gather3A_181 = tpu.vector_load_idx %arg7[%get3A_180] : memref<81920xf32, #tpu.memory_space<vmem>>[vector<16xi32>], vector<16xf32>,
        %swap3A_182 = arith.index_cast %add3A_178 : i32 to index
        %swap3A_183 = tpu.vector_load %arg13[%swap3A_182] {strides = array<i32>} : memref<5120xf32, #tpu.memory_space<vmem>>, vector<16xf32>,
        tpu.vector_store %arg13[%swap3A_182], %gather3A_181 {strides = array<i32>} : memref<5120xf32, #tpu.memory_space<vmem>>, vector<16xf32>,
        %get3A_184 = arith.index_cast %add3A_178 : i32 to index
        %get3A_185 = tpu.vector_load %arg11[%get3A_184] {strides = array<i32>} : memref<5120xi32, #tpu.memory_space<vmem>>, vector<16xi32>,
        %gather3A_186 = tpu.vector_load_idx %arg7[%get3A_185] : memref<81920xf32, #tpu.memory_space<vmem>>[vector<16xi32>], vector<16xf32>,
        %swap3A_187 = arith.index_cast %add3A_178 : i32 to index
        %swap3A_188 = tpu.vector_load %arg15[%swap3A_187] {strides = array<i32>} : memref<5120xf32, #tpu.memory_space<vmem>>, vector<16xf32>,
        tpu.vector_store %arg15[%swap3A_187], %gather3A_186 {strides = array<i32>} : memref<5120xf32, #tpu.memory_space<vmem>>, vector<16xf32>,
        %add3A_189 = arith.constant 48 : i32
        %add3A_190 = arith.addi %mul3A_155, %add3A_189 : i32
        %get3A_191 = arith.index_cast %add3A_190 : i32 to index
        %get3A_192 = tpu.vector_load %arg9[%get3A_191] {strides = array<i32>} : memref<5120xi32, #tpu.memory_space<vmem>>, vector<16xi32>,
        %gather3A_193 = tpu.vector_load_idx %arg7[%get3A_192] : memref<81920xf32, #tpu.memory_space<vmem>>[vector<16xi32>], vector<16xf32>,
        %swap3A_194 = arith.index_cast %add3A_190 : i32 to index
        %swap3A_195 = tpu.vector_load %arg13[%swap3A_194] {strides = array<i32>} : memref<5120xf32, #tpu.memory_space<vmem>>, vector<16xf32>,
        tpu.vector_store %arg13[%swap3A_194], %gather3A_193 {strides = array<i32>} : memref<5120xf32, #tpu.memory_space<vmem>>, vector<16xf32>,
        %get3A_196 = arith.index_cast %add3A_190 : i32 to index
        %get3A_197 = tpu.vector_load %arg11[%get3A_196] {strides = array<i32>} : memref<5120xi32, #tpu.memory_space<vmem>>, vector<16xi32>,
        %gather3A_198 = tpu.vector_load_idx %arg7[%get3A_197] : memref<81920xf32, #tpu.memory_space<vmem>>[vector<16xi32>], vector<16xf32>,
        %swap3A_199 = arith.index_cast %add3A_190 : i32 to index
        %swap3A_200 = tpu.vector_load %arg15[%swap3A_199] {strides = array<i32>} : memref<5120xf32, #tpu.memory_space<vmem>>, vector<16xf32>,
        tpu.vector_store %arg15[%swap3A_199], %gather3A_198 {strides = array<i32>} : memref<5120xf32, #tpu.memory_space<vmem>>, vector<16xf32>,
        %scan3A_201 = arith.constant 0 : i32
        scf.yield %scan3A_201 : i32
      }
      %scan3A_137 = arith.constant 80 : i32
      %mul3A_138 = arith.constant 5120 : i32
      %mul3A_139 = arith.muli %add3A_106, %mul3A_138 : i32
      %add3A_140 = arith.addi %mul3A_4, %mul3A_139 : i32
      %dma_start3A_141 = arith.constant 1 : i32
      %dma_start3A_142 = tpu.memref_slice %arg5[%add3A_140] : memref<40960000xf32, #tpu.memory_space<hbm>> -> memref<5120xf32, #tpu.memory_space<hbm>>
      %dma_start3A_143 = tpu.memref_slice %arg19[%dma_start3A_141] : memref<2x!tpu.dma_semaphore, #tpu.memory_space<semaphore_mem>> -> memref<1x!tpu.dma_semaphore, #tpu.memory_space<semaphore_mem>>
      %dma_start3A_144 = tpu.memref_squeeze %dma_start3A_143 : memref<1x!tpu.dma_semaphore, #tpu.memory_space<semaphore_mem>> -> memref<!tpu.dma_semaphore, #tpu.memory_space<semaphore_mem>>
      %dma_start3A_145 = tpu.memref_slice %arg5[%add3A_140] : memref<40960000xf32, #tpu.memory_space<hbm>> -> memref<5120xf32, #tpu.memory_space<hbm>>
      tpu.enqueue_dma source(%arg13 : memref<5120xf32, #tpu.memory_space<vmem>>) target(%dma_start3A_145 : memref<5120xf32, #tpu.memory_space<hbm>>) target_semaphore(%dma_start3A_144 : memref<!tpu.dma_semaphore, #tpu.memory_space<semaphore_mem>>)
      %dma_start3A_146 = arith.constant 1 : i32
      %dma_start3A_147 = tpu.memref_slice %arg6[%add3A_140] : memref<40960000xf32, #tpu.memory_space<hbm>> -> memref<5120xf32, #tpu.memory_space<hbm>>
      %dma_start3A_148 = tpu.memref_slice %arg20[%dma_start3A_146] : memref<2x!tpu.dma_semaphore, #tpu.memory_space<semaphore_mem>> -> memref<1x!tpu.dma_semaphore, #tpu.memory_space<semaphore_mem>>
      %dma_start3A_149 = tpu.memref_squeeze %dma_start3A_148 : memref<1x!tpu.dma_semaphore, #tpu.memory_space<semaphore_mem>> -> memref<!tpu.dma_semaphore, #tpu.memory_space<semaphore_mem>>
      %dma_start3A_150 = tpu.memref_slice %arg6[%add3A_140] : memref<40960000xf32, #tpu.memory_space<hbm>> -> memref<5120xf32, #tpu.memory_space<hbm>>
      tpu.enqueue_dma source(%arg15 : memref<5120xf32, #tpu.memory_space<vmem>>) target(%dma_start3A_150 : memref<5120xf32, #tpu.memory_space<hbm>>) target_semaphore(%dma_start3A_149 : memref<!tpu.dma_semaphore, #tpu.memory_space<semaphore_mem>>)
      %scan3A_151 = arith.constant 0 : i32
      scf.yield %scan3A_151 : i32
    }
    %scan3A_28 = arith.constant 125 : i32
    %dma_wait3A_29 = arith.constant 0 : i32
    %dma_wait3A_30 = arith.constant 0 : i32
    %dma_wait3A_31 = tpu.memref_slice %arg5[%dma_wait3A_30] : memref<40960000xf32, #tpu.memory_space<hbm>> -> memref<5120xf32, #tpu.memory_space<hbm>>
    %dma_wait3A_32 = tpu.memref_slice %arg19[%dma_wait3A_29] : memref<2x!tpu.dma_semaphore, #tpu.memory_space<semaphore_mem>> -> memref<1x!tpu.dma_semaphore, #tpu.memory_space<semaphore_mem>>
    %dma_wait3A_33 = tpu.memref_squeeze %dma_wait3A_32 : memref<1x!tpu.dma_semaphore, #tpu.memory_space<semaphore_mem>> -> memref<!tpu.dma_semaphore, #tpu.memory_space<semaphore_mem>>
    %dma_wait3A_34 = arith.constant 0 : i32
    %dma_wait3A_35 = tpu.memref_slice %arg5[%dma_wait3A_34] : memref<40960000xf32, #tpu.memory_space<hbm>> -> memref<5120xf32, #tpu.memory_space<hbm>>
    tpu.wait_dma2 semaphore(%dma_wait3A_33 : memref<!tpu.dma_semaphore, #tpu.memory_space<semaphore_mem>>) src(%arg12 : memref<5120xf32, #tpu.memory_space<vmem>>) dst(%dma_wait3A_35 : memref<5120xf32, #tpu.memory_space<hbm>>)
    %dma_wait3A_36 = arith.constant 0 : i32
    %dma_wait3A_37 = arith.constant 0 : i32
    %dma_wait3A_38 = tpu.memref_slice %arg6[%dma_wait3A_37] : memref<40960000xf32, #tpu.memory_space<hbm>> -> memref<5120xf32, #tpu.memory_space<hbm>>
    %dma_wait3A_39 = tpu.memref_slice %arg20[%dma_wait3A_36] : memref<2x!tpu.dma_semaphore, #tpu.memory_space<semaphore_mem>> -> memref<1x!tpu.dma_semaphore, #tpu.memory_space<semaphore_mem>>
    %dma_wait3A_40 = tpu.memref_squeeze %dma_wait3A_39 : memref<1x!tpu.dma_semaphore, #tpu.memory_space<semaphore_mem>> -> memref<!tpu.dma_semaphore, #tpu.memory_space<semaphore_mem>>
    %dma_wait3A_41 = arith.constant 0 : i32
    %dma_wait3A_42 = tpu.memref_slice %arg6[%dma_wait3A_41] : memref<40960000xf32, #tpu.memory_space<hbm>> -> memref<5120xf32, #tpu.memory_space<hbm>>
    tpu.wait_dma2 semaphore(%dma_wait3A_40 : memref<!tpu.dma_semaphore, #tpu.memory_space<semaphore_mem>>) src(%arg14 : memref<5120xf32, #tpu.memory_space<vmem>>) dst(%dma_wait3A_42 : memref<5120xf32, #tpu.memory_space<hbm>>)
    %dma_wait3A_43 = arith.constant 1 : i32
    %dma_wait3A_44 = arith.constant 0 : i32
    %dma_wait3A_45 = tpu.memref_slice %arg5[%dma_wait3A_44] : memref<40960000xf32, #tpu.memory_space<hbm>> -> memref<5120xf32, #tpu.memory_space<hbm>>
    %dma_wait3A_46 = tpu.memref_slice %arg19[%dma_wait3A_43] : memref<2x!tpu.dma_semaphore, #tpu.memory_space<semaphore_mem>> -> memref<1x!tpu.dma_semaphore, #tpu.memory_space<semaphore_mem>>
    %dma_wait3A_47 = tpu.memref_squeeze %dma_wait3A_46 : memref<1x!tpu.dma_semaphore, #tpu.memory_space<semaphore_mem>> -> memref<!tpu.dma_semaphore, #tpu.memory_space<semaphore_mem>>
    %dma_wait3A_48 = arith.constant 0 : i32
    %dma_wait3A_49 = tpu.memref_slice %arg5[%dma_wait3A_48] : memref<40960000xf32, #tpu.memory_space<hbm>> -> memref<5120xf32, #tpu.memory_space<hbm>>
    tpu.wait_dma2 semaphore(%dma_wait3A_47 : memref<!tpu.dma_semaphore, #tpu.memory_space<semaphore_mem>>) src(%arg13 : memref<5120xf32, #tpu.memory_space<vmem>>) dst(%dma_wait3A_49 : memref<5120xf32, #tpu.memory_space<hbm>>)
    %dma_wait3A_50 = arith.constant 1 : i32
    %dma_wait3A_51 = arith.constant 0 : i32
    %dma_wait3A_52 = tpu.memref_slice %arg6[%dma_wait3A_51] : memref<40960000xf32, #tpu.memory_space<hbm>> -> memref<5120xf32, #tpu.memory_space<hbm>>
    %dma_wait3A_53 = tpu.memref_slice %arg20[%dma_wait3A_50] : memref<2x!tpu.dma_semaphore, #tpu.memory_space<semaphore_mem>> -> memref<1x!tpu.dma_semaphore, #tpu.memory_space<semaphore_mem>>
    %dma_wait3A_54 = tpu.memref_squeeze %dma_wait3A_53 : memref<1x!tpu.dma_semaphore, #tpu.memory_space<semaphore_mem>> -> memref<!tpu.dma_semaphore, #tpu.memory_space<semaphore_mem>>
    %dma_wait3A_55 = arith.constant 0 : i32
    %dma_wait3A_56 = tpu.memref_slice %arg6[%dma_wait3A_55] : memref<40960000xf32, #tpu.memory_space<hbm>> -> memref<5120xf32, #tpu.memory_space<hbm>>
    tpu.wait_dma2 semaphore(%dma_wait3A_54 : memref<!tpu.dma_semaphore, #tpu.memory_space<semaphore_mem>>) src(%arg15 : memref<5120xf32, #tpu.memory_space<vmem>>) dst(%dma_wait3A_56 : memref<5120xf32, #tpu.memory_space<hbm>>)
    return
  }
}

#map = affine_map<(d0, d1) -> (0)>
module attributes {stable_mosaic.version = 14 : i64} {
  func.func @body(%arg0: i32, %arg1: i32, %arg2: memref<40960000xf32, #tpu.memory_space<hbm>>, %arg3: memref<40960000xi32, #tpu.memory_space<hbm>>, %arg4: memref<2621440xf32, #tpu.memory_space<hbm>>, %arg5: memref<81920xf32, #tpu.memory_space<vmem>>, %arg6: memref<5120xi32, #tpu.memory_space<vmem>>, %arg7: memref<5120xi32, #tpu.memory_space<vmem>>, %arg8: memref<5120xf32, #tpu.memory_space<vmem>>, %arg9: memref<5120xf32, #tpu.memory_space<vmem>>, %arg10: memref<2x!tpu.dma_semaphore, #tpu.memory_space<semaphore_mem>>, %arg11: memref<2x!tpu.dma_semaphore, #tpu.memory_space<semaphore_mem>>) attributes {dimension_semantics = [#tpu.dimension_semantics<core_parallel>, #tpu.dimension_semantics<subcore_parallel>], iteration_bounds = array<i64: 2, 16>, scalar_prefetch = 0 : i64, scratch_operands = 7 : i64, tpu.core_type = #tpu.core_type<sc_vector_subcore>, window_params = [{transform_indices = #map}, {transform_indices = #map}, {transform_indices = #map}]} {
    %mul3A = arith.constant 2 : i32
    %mul3A_0 = arith.muli %arg1, %mul3A : i32
    %add3A = arith.addi %mul3A_0, %arg0 : i32
    %mul3A_1 = arith.constant 250 : i32
    %mul3A_2 = arith.muli %add3A, %mul3A_1 : i32
    %mul3A_3 = arith.constant 5120 : i32
    %mul3A_4 = arith.muli %mul3A_2, %mul3A_3 : i32
    %add3A_5 = arith.constant 0 : i32
    %add3A_6 = arith.addi %mul3A_4, %add3A_5 : i32
    %dma_start3A = arith.constant 0 : i32
    %dma_start3A_7 = tpu.memref_slice %arg3[%add3A_6] : memref<40960000xi32, #tpu.memory_space<hbm>> -> memref<5120xi32, #tpu.memory_space<hbm>>
    %dma_start3A_8 = tpu.memref_slice %arg10[%dma_start3A] : memref<2x!tpu.dma_semaphore, #tpu.memory_space<semaphore_mem>> -> memref<1x!tpu.dma_semaphore, #tpu.memory_space<semaphore_mem>>
    %dma_start3A_9 = tpu.memref_squeeze %dma_start3A_8 : memref<1x!tpu.dma_semaphore, #tpu.memory_space<semaphore_mem>> -> memref<!tpu.dma_semaphore, #tpu.memory_space<semaphore_mem>>
    %dma_start3A_10 = tpu.memref_slice %arg3[%add3A_6] : memref<40960000xi32, #tpu.memory_space<hbm>> -> memref<5120xi32, #tpu.memory_space<hbm>>
    tpu.enqueue_dma source(%dma_start3A_10 : memref<5120xi32, #tpu.memory_space<hbm>>) target(%arg6 : memref<5120xi32, #tpu.memory_space<vmem>>) target_semaphore(%dma_start3A_9 : memref<!tpu.dma_semaphore, #tpu.memory_space<semaphore_mem>>)
    %dma_start3A_11 = arith.constant 0 : i32
    %dma_start3A_12 = tpu.memref_slice %arg2[%add3A_6] : memref<40960000xf32, #tpu.memory_space<hbm>> -> memref<5120xf32, #tpu.memory_space<hbm>>
    %dma_start3A_13 = tpu.memref_slice %arg11[%dma_start3A_11] : memref<2x!tpu.dma_semaphore, #tpu.memory_space<semaphore_mem>> -> memref<1x!tpu.dma_semaphore, #tpu.memory_space<semaphore_mem>>
    %dma_start3A_14 = tpu.memref_squeeze %dma_start3A_13 : memref<1x!tpu.dma_semaphore, #tpu.memory_space<semaphore_mem>> -> memref<!tpu.dma_semaphore, #tpu.memory_space<semaphore_mem>>
    %dma_start3A_15 = tpu.memref_slice %arg2[%add3A_6] : memref<40960000xf32, #tpu.memory_space<hbm>> -> memref<5120xf32, #tpu.memory_space<hbm>>
    tpu.enqueue_dma source(%dma_start3A_15 : memref<5120xf32, #tpu.memory_space<hbm>>) target(%arg8 : memref<5120xf32, #tpu.memory_space<vmem>>) target_semaphore(%dma_start3A_14 : memref<!tpu.dma_semaphore, #tpu.memory_space<semaphore_mem>>)
    %scan3A = arith.constant 0 : i32
    %scan3A_16 = arith.constant 0 : i32
    %scan3A_17 = arith.constant 5120 : i32
    %scan3A_18 = arith.addi %scan3A_16, %scan3A_17 : i32
    %scan3A_19 = arith.constant 1 : i32
    %scan3A_20 = scf.for %scan3A_31 = %scan3A_16 to %scan3A_18 step %scan3A_19 iter_args(%scan3A_32 = %scan3A) -> (i32)  : i32 {
      %broadcast_in_dim3A = arith.constant 0.000000e+00 : f32
      %broadcast_in_dim3A_33 = vector.broadcast %broadcast_in_dim3A : f32 to vector<16xf32>
      %mul3A_34 = arith.constant 16 : i32
      %mul3A_35 = arith.muli %scan3A_31, %mul3A_34 : i32
      %swap3A = arith.index_cast %mul3A_35 : i32 to index
      %swap3A_36 = tpu.vector_load %arg5[%swap3A] {strides = array<i32>} : memref<81920xf32, #tpu.memory_space<vmem>>, vector<16xf32>,
      tpu.vector_store %arg5[%swap3A], %broadcast_in_dim3A_33 {strides = array<i32>} : memref<81920xf32, #tpu.memory_space<vmem>>, vector<16xf32>,
      %scan3A_37 = arith.constant 0 : i32
      scf.yield %scan3A_37 : i32
    }
    %scan3A_21 = arith.constant 5120 : i32
    %scan3A_22 = arith.constant 0 : i32
    %scan3A_23 = arith.constant 0 : i32
    %scan3A_24 = arith.constant 125 : i32
    %scan3A_25 = arith.addi %scan3A_23, %scan3A_24 : i32
    %scan3A_26 = arith.constant 1 : i32
    %scan3A_27 = scf.for %scan3A_31 = %scan3A_23 to %scan3A_25 step %scan3A_26 iter_args(%scan3A_32 = %scan3A_22) -> (i32)  : i32 {
      %mul3A_33 = arith.constant 2 : i32
      %mul3A_34 = arith.muli %scan3A_31, %mul3A_33 : i32
      %add3A_35 = arith.constant 0 : i32
      %add3A_36 = arith.addi %mul3A_34, %add3A_35 : i32
      %dma_wait3A = arith.constant 0 : i32
      %dma_wait3A_37 = arith.constant 0 : i32
      %dma_wait3A_38 = tpu.memref_slice %arg3[%dma_wait3A_37] : memref<40960000xi32, #tpu.memory_space<hbm>> -> memref<5120xi32, #tpu.memory_space<hbm>>
      %dma_wait3A_39 = tpu.memref_slice %arg10[%dma_wait3A] : memref<2x!tpu.dma_semaphore, #tpu.memory_space<semaphore_mem>> -> memref<1x!tpu.dma_semaphore, #tpu.memory_space<semaphore_mem>>
      %dma_wait3A_40 = tpu.memref_squeeze %dma_wait3A_39 : memref<1x!tpu.dma_semaphore, #tpu.memory_space<semaphore_mem>> -> memref<!tpu.dma_semaphore, #tpu.memory_space<semaphore_mem>>
      %dma_wait3A_41 = arith.constant 0 : i32
      %dma_wait3A_42 = tpu.memref_slice %arg3[%dma_wait3A_41] : memref<40960000xi32, #tpu.memory_space<hbm>> -> memref<5120xi32, #tpu.memory_space<hbm>>
      tpu.wait_dma2 semaphore(%dma_wait3A_40 : memref<!tpu.dma_semaphore, #tpu.memory_space<semaphore_mem>>) src(%dma_wait3A_42 : memref<5120xi32, #tpu.memory_space<hbm>>) dst(%arg6 : memref<5120xi32, #tpu.memory_space<vmem>>)
      %dma_wait3A_43 = arith.constant 0 : i32
      %dma_wait3A_44 = arith.constant 0 : i32
      %dma_wait3A_45 = tpu.memref_slice %arg2[%dma_wait3A_44] : memref<40960000xf32, #tpu.memory_space<hbm>> -> memref<5120xf32, #tpu.memory_space<hbm>>
      %dma_wait3A_46 = tpu.memref_slice %arg11[%dma_wait3A_43] : memref<2x!tpu.dma_semaphore, #tpu.memory_space<semaphore_mem>> -> memref<1x!tpu.dma_semaphore, #tpu.memory_space<semaphore_mem>>
      %dma_wait3A_47 = tpu.memref_squeeze %dma_wait3A_46 : memref<1x!tpu.dma_semaphore, #tpu.memory_space<semaphore_mem>> -> memref<!tpu.dma_semaphore, #tpu.memory_space<semaphore_mem>>
      %dma_wait3A_48 = arith.constant 0 : i32
      %dma_wait3A_49 = tpu.memref_slice %arg2[%dma_wait3A_48] : memref<40960000xf32, #tpu.memory_space<hbm>> -> memref<5120xf32, #tpu.memory_space<hbm>>
      tpu.wait_dma2 semaphore(%dma_wait3A_47 : memref<!tpu.dma_semaphore, #tpu.memory_space<semaphore_mem>>) src(%dma_wait3A_49 : memref<5120xf32, #tpu.memory_space<hbm>>) dst(%arg8 : memref<5120xf32, #tpu.memory_space<vmem>>)
      %lt3A = arith.constant 249 : i32
      %lt3A_50 = arith.cmpi slt, %add3A_36, %lt3A : i32
      %convert_element_type3A = arith.extui %lt3A_50 : i1 to i32
      %cond3A = arith.constant 0 : i32
      %cond3A_51 = arith.cmpi ne, %convert_element_type3A, %cond3A : i32
      scf.if %cond3A_51 {
        %add3A_90 = arith.constant 1 : i32
        %add3A_91 = arith.addi %add3A_36, %add3A_90 : i32
        %mul3A_92 = arith.constant 5120 : i32
        %mul3A_93 = arith.muli %add3A_91, %mul3A_92 : i32
        %add3A_94 = arith.addi %mul3A_4, %mul3A_93 : i32
        %dma_start3A_95 = arith.constant 1 : i32
        %dma_start3A_96 = tpu.memref_slice %arg3[%add3A_94] : memref<40960000xi32, #tpu.memory_space<hbm>> -> memref<5120xi32, #tpu.memory_space<hbm>>
        %dma_start3A_97 = tpu.memref_slice %arg10[%dma_start3A_95] : memref<2x!tpu.dma_semaphore, #tpu.memory_space<semaphore_mem>> -> memref<1x!tpu.dma_semaphore, #tpu.memory_space<semaphore_mem>>
        %dma_start3A_98 = tpu.memref_squeeze %dma_start3A_97 : memref<1x!tpu.dma_semaphore, #tpu.memory_space<semaphore_mem>> -> memref<!tpu.dma_semaphore, #tpu.memory_space<semaphore_mem>>
        %dma_start3A_99 = tpu.memref_slice %arg3[%add3A_94] : memref<40960000xi32, #tpu.memory_space<hbm>> -> memref<5120xi32, #tpu.memory_space<hbm>>
        tpu.enqueue_dma source(%dma_start3A_99 : memref<5120xi32, #tpu.memory_space<hbm>>) target(%arg7 : memref<5120xi32, #tpu.memory_space<vmem>>) target_semaphore(%dma_start3A_98 : memref<!tpu.dma_semaphore, #tpu.memory_space<semaphore_mem>>)
        %dma_start3A_100 = arith.constant 1 : i32
        %dma_start3A_101 = tpu.memref_slice %arg2[%add3A_94] : memref<40960000xf32, #tpu.memory_space<hbm>> -> memref<5120xf32, #tpu.memory_space<hbm>>
        %dma_start3A_102 = tpu.memref_slice %arg11[%dma_start3A_100] : memref<2x!tpu.dma_semaphore, #tpu.memory_space<semaphore_mem>> -> memref<1x!tpu.dma_semaphore, #tpu.memory_space<semaphore_mem>>
        %dma_start3A_103 = tpu.memref_squeeze %dma_start3A_102 : memref<1x!tpu.dma_semaphore, #tpu.memory_space<semaphore_mem>> -> memref<!tpu.dma_semaphore, #tpu.memory_space<semaphore_mem>>
        %dma_start3A_104 = tpu.memref_slice %arg2[%add3A_94] : memref<40960000xf32, #tpu.memory_space<hbm>> -> memref<5120xf32, #tpu.memory_space<hbm>>
        tpu.enqueue_dma source(%dma_start3A_104 : memref<5120xf32, #tpu.memory_space<hbm>>) target(%arg9 : memref<5120xf32, #tpu.memory_space<vmem>>) target_semaphore(%dma_start3A_103 : memref<!tpu.dma_semaphore, #tpu.memory_space<semaphore_mem>>)
      } else {
      }
      %scan3A_52 = arith.constant 0 : i32
      %scan3A_53 = arith.constant 0 : i32
      %scan3A_54 = arith.constant 80 : i32
      %scan3A_55 = arith.addi %scan3A_53, %scan3A_54 : i32
      %scan3A_56 = arith.constant 1 : i32
      %scan3A_57 = scf.for %scan3A_90 = %scan3A_53 to %scan3A_55 step %scan3A_56 iter_args(%scan3A_91 = %scan3A_52) -> (i32)  : i32 {
        %mul3A_92 = arith.constant 64 : i32
        %mul3A_93 = arith.muli %scan3A_90, %mul3A_92 : i32
        %add3A_94 = arith.constant 0 : i32
        %add3A_95 = arith.addi %mul3A_93, %add3A_94 : i32
        %get3A = arith.index_cast %add3A_95 : i32 to index
        %get3A_96 = tpu.vector_load %arg6[%get3A] {strides = array<i32>} : memref<5120xi32, #tpu.memory_space<vmem>>, vector<16xi32>,
        %get3A_97 = arith.index_cast %add3A_95 : i32 to index
        %get3A_98 = tpu.vector_load %arg8[%get3A_97] {strides = array<i32>} : memref<5120xf32, #tpu.memory_space<vmem>>, vector<16xf32>,
        tpu.vector_store_idx %arg5[%get3A_96], %get3A_98 {add = true} : memref<81920xf32, #tpu.memory_space<vmem>>[vector<16xi32>], vector<16xf32>,
        %add3A_99 = arith.constant 16 : i32
        %add3A_100 = arith.addi %mul3A_93, %add3A_99 : i32
        %get3A_101 = arith.index_cast %add3A_100 : i32 to index
        %get3A_102 = tpu.vector_load %arg6[%get3A_101] {strides = array<i32>} : memref<5120xi32, #tpu.memory_space<vmem>>, vector<16xi32>,
        %get3A_103 = arith.index_cast %add3A_100 : i32 to index
        %get3A_104 = tpu.vector_load %arg8[%get3A_103] {strides = array<i32>} : memref<5120xf32, #tpu.memory_space<vmem>>, vector<16xf32>,
        tpu.vector_store_idx %arg5[%get3A_102], %get3A_104 {add = true} : memref<81920xf32, #tpu.memory_space<vmem>>[vector<16xi32>], vector<16xf32>,
        %add3A_105 = arith.constant 32 : i32
        %add3A_106 = arith.addi %mul3A_93, %add3A_105 : i32
        %get3A_107 = arith.index_cast %add3A_106 : i32 to index
        %get3A_108 = tpu.vector_load %arg6[%get3A_107] {strides = array<i32>} : memref<5120xi32, #tpu.memory_space<vmem>>, vector<16xi32>,
        %get3A_109 = arith.index_cast %add3A_106 : i32 to index
        %get3A_110 = tpu.vector_load %arg8[%get3A_109] {strides = array<i32>} : memref<5120xf32, #tpu.memory_space<vmem>>, vector<16xf32>,
        tpu.vector_store_idx %arg5[%get3A_108], %get3A_110 {add = true} : memref<81920xf32, #tpu.memory_space<vmem>>[vector<16xi32>], vector<16xf32>,
        %add3A_111 = arith.constant 48 : i32
        %add3A_112 = arith.addi %mul3A_93, %add3A_111 : i32
        %get3A_113 = arith.index_cast %add3A_112 : i32 to index
        %get3A_114 = tpu.vector_load %arg6[%get3A_113] {strides = array<i32>} : memref<5120xi32, #tpu.memory_space<vmem>>, vector<16xi32>,
        %get3A_115 = arith.index_cast %add3A_112 : i32 to index
        %get3A_116 = tpu.vector_load %arg8[%get3A_115] {strides = array<i32>} : memref<5120xf32, #tpu.memory_space<vmem>>, vector<16xf32>,
        tpu.vector_store_idx %arg5[%get3A_114], %get3A_116 {add = true} : memref<81920xf32, #tpu.memory_space<vmem>>[vector<16xi32>], vector<16xf32>,
        %scan3A_117 = arith.constant 0 : i32
        scf.yield %scan3A_117 : i32
      }
      %scan3A_58 = arith.constant 80 : i32
      %mul3A_59 = arith.constant 2 : i32
      %mul3A_60 = arith.muli %scan3A_31, %mul3A_59 : i32
      %add3A_61 = arith.constant 1 : i32
      %add3A_62 = arith.addi %mul3A_60, %add3A_61 : i32
      %dma_wait3A_63 = arith.constant 1 : i32
      %dma_wait3A_64 = arith.constant 0 : i32
      %dma_wait3A_65 = tpu.memref_slice %arg3[%dma_wait3A_64] : memref<40960000xi32, #tpu.memory_space<hbm>> -> memref<5120xi32, #tpu.memory_space<hbm>>
      %dma_wait3A_66 = tpu.memref_slice %arg10[%dma_wait3A_63] : memref<2x!tpu.dma_semaphore, #tpu.memory_space<semaphore_mem>> -> memref<1x!tpu.dma_semaphore, #tpu.memory_space<semaphore_mem>>
      %dma_wait3A_67 = tpu.memref_squeeze %dma_wait3A_66 : memref<1x!tpu.dma_semaphore, #tpu.memory_space<semaphore_mem>> -> memref<!tpu.dma_semaphore, #tpu.memory_space<semaphore_mem>>
      %dma_wait3A_68 = arith.constant 0 : i32
      %dma_wait3A_69 = tpu.memref_slice %arg3[%dma_wait3A_68] : memref<40960000xi32, #tpu.memory_space<hbm>> -> memref<5120xi32, #tpu.memory_space<hbm>>
      tpu.wait_dma2 semaphore(%dma_wait3A_67 : memref<!tpu.dma_semaphore, #tpu.memory_space<semaphore_mem>>) src(%dma_wait3A_69 : memref<5120xi32, #tpu.memory_space<hbm>>) dst(%arg7 : memref<5120xi32, #tpu.memory_space<vmem>>)
      %dma_wait3A_70 = arith.constant 1 : i32
      %dma_wait3A_71 = arith.constant 0 : i32
      %dma_wait3A_72 = tpu.memref_slice %arg2[%dma_wait3A_71] : memref<40960000xf32, #tpu.memory_space<hbm>> -> memref<5120xf32, #tpu.memory_space<hbm>>
      %dma_wait3A_73 = tpu.memref_slice %arg11[%dma_wait3A_70] : memref<2x!tpu.dma_semaphore, #tpu.memory_space<semaphore_mem>> -> memref<1x!tpu.dma_semaphore, #tpu.memory_space<semaphore_mem>>
      %dma_wait3A_74 = tpu.memref_squeeze %dma_wait3A_73 : memref<1x!tpu.dma_semaphore, #tpu.memory_space<semaphore_mem>> -> memref<!tpu.dma_semaphore, #tpu.memory_space<semaphore_mem>>
      %dma_wait3A_75 = arith.constant 0 : i32
      %dma_wait3A_76 = tpu.memref_slice %arg2[%dma_wait3A_75] : memref<40960000xf32, #tpu.memory_space<hbm>> -> memref<5120xf32, #tpu.memory_space<hbm>>
      tpu.wait_dma2 semaphore(%dma_wait3A_74 : memref<!tpu.dma_semaphore, #tpu.memory_space<semaphore_mem>>) src(%dma_wait3A_76 : memref<5120xf32, #tpu.memory_space<hbm>>) dst(%arg9 : memref<5120xf32, #tpu.memory_space<vmem>>)
      %lt3A_77 = arith.constant 249 : i32
      %lt3A_78 = arith.cmpi slt, %add3A_62, %lt3A_77 : i32
      %convert_element_type3A_79 = arith.extui %lt3A_78 : i1 to i32
      %cond3A_80 = arith.constant 0 : i32
      %cond3A_81 = arith.cmpi ne, %convert_element_type3A_79, %cond3A_80 : i32
      scf.if %cond3A_81 {
        %add3A_90 = arith.constant 1 : i32
        %add3A_91 = arith.addi %add3A_62, %add3A_90 : i32
        %mul3A_92 = arith.constant 5120 : i32
        %mul3A_93 = arith.muli %add3A_91, %mul3A_92 : i32
        %add3A_94 = arith.addi %mul3A_4, %mul3A_93 : i32
        %dma_start3A_95 = arith.constant 0 : i32
        %dma_start3A_96 = tpu.memref_slice %arg3[%add3A_94] : memref<40960000xi32, #tpu.memory_space<hbm>> -> memref<5120xi32, #tpu.memory_space<hbm>>
        %dma_start3A_97 = tpu.memref_slice %arg10[%dma_start3A_95] : memref<2x!tpu.dma_semaphore, #tpu.memory_space<semaphore_mem>> -> memref<1x!tpu.dma_semaphore, #tpu.memory_space<semaphore_mem>>
        %dma_start3A_98 = tpu.memref_squeeze %dma_start3A_97 : memref<1x!tpu.dma_semaphore, #tpu.memory_space<semaphore_mem>> -> memref<!tpu.dma_semaphore, #tpu.memory_space<semaphore_mem>>
        %dma_start3A_99 = tpu.memref_slice %arg3[%add3A_94] : memref<40960000xi32, #tpu.memory_space<hbm>> -> memref<5120xi32, #tpu.memory_space<hbm>>
        tpu.enqueue_dma source(%dma_start3A_99 : memref<5120xi32, #tpu.memory_space<hbm>>) target(%arg6 : memref<5120xi32, #tpu.memory_space<vmem>>) target_semaphore(%dma_start3A_98 : memref<!tpu.dma_semaphore, #tpu.memory_space<semaphore_mem>>)
        %dma_start3A_100 = arith.constant 0 : i32
        %dma_start3A_101 = tpu.memref_slice %arg2[%add3A_94] : memref<40960000xf32, #tpu.memory_space<hbm>> -> memref<5120xf32, #tpu.memory_space<hbm>>
        %dma_start3A_102 = tpu.memref_slice %arg11[%dma_start3A_100] : memref<2x!tpu.dma_semaphore, #tpu.memory_space<semaphore_mem>> -> memref<1x!tpu.dma_semaphore, #tpu.memory_space<semaphore_mem>>
        %dma_start3A_103 = tpu.memref_squeeze %dma_start3A_102 : memref<1x!tpu.dma_semaphore, #tpu.memory_space<semaphore_mem>> -> memref<!tpu.dma_semaphore, #tpu.memory_space<semaphore_mem>>
        %dma_start3A_104 = tpu.memref_slice %arg2[%add3A_94] : memref<40960000xf32, #tpu.memory_space<hbm>> -> memref<5120xf32, #tpu.memory_space<hbm>>
        tpu.enqueue_dma source(%dma_start3A_104 : memref<5120xf32, #tpu.memory_space<hbm>>) target(%arg8 : memref<5120xf32, #tpu.memory_space<vmem>>) target_semaphore(%dma_start3A_103 : memref<!tpu.dma_semaphore, #tpu.memory_space<semaphore_mem>>)
      } else {
      }
      %scan3A_82 = arith.constant 0 : i32
      %scan3A_83 = arith.constant 0 : i32
      %scan3A_84 = arith.constant 80 : i32
      %scan3A_85 = arith.addi %scan3A_83, %scan3A_84 : i32
      %scan3A_86 = arith.constant 1 : i32
      %scan3A_87 = scf.for %scan3A_90 = %scan3A_83 to %scan3A_85 step %scan3A_86 iter_args(%scan3A_91 = %scan3A_82) -> (i32)  : i32 {
        %mul3A_92 = arith.constant 64 : i32
        %mul3A_93 = arith.muli %scan3A_90, %mul3A_92 : i32
        %add3A_94 = arith.constant 0 : i32
        %add3A_95 = arith.addi %mul3A_93, %add3A_94 : i32
        %get3A = arith.index_cast %add3A_95 : i32 to index
        %get3A_96 = tpu.vector_load %arg7[%get3A] {strides = array<i32>} : memref<5120xi32, #tpu.memory_space<vmem>>, vector<16xi32>,
        %get3A_97 = arith.index_cast %add3A_95 : i32 to index
        %get3A_98 = tpu.vector_load %arg9[%get3A_97] {strides = array<i32>} : memref<5120xf32, #tpu.memory_space<vmem>>, vector<16xf32>,
        tpu.vector_store_idx %arg5[%get3A_96], %get3A_98 {add = true} : memref<81920xf32, #tpu.memory_space<vmem>>[vector<16xi32>], vector<16xf32>,
        %add3A_99 = arith.constant 16 : i32
        %add3A_100 = arith.addi %mul3A_93, %add3A_99 : i32
        %get3A_101 = arith.index_cast %add3A_100 : i32 to index
        %get3A_102 = tpu.vector_load %arg7[%get3A_101] {strides = array<i32>} : memref<5120xi32, #tpu.memory_space<vmem>>, vector<16xi32>,
        %get3A_103 = arith.index_cast %add3A_100 : i32 to index
        %get3A_104 = tpu.vector_load %arg9[%get3A_103] {strides = array<i32>} : memref<5120xf32, #tpu.memory_space<vmem>>, vector<16xf32>,
        tpu.vector_store_idx %arg5[%get3A_102], %get3A_104 {add = true} : memref<81920xf32, #tpu.memory_space<vmem>>[vector<16xi32>], vector<16xf32>,
        %add3A_105 = arith.constant 32 : i32
        %add3A_106 = arith.addi %mul3A_93, %add3A_105 : i32
        %get3A_107 = arith.index_cast %add3A_106 : i32 to index
        %get3A_108 = tpu.vector_load %arg7[%get3A_107] {strides = array<i32>} : memref<5120xi32, #tpu.memory_space<vmem>>, vector<16xi32>,
        %get3A_109 = arith.index_cast %add3A_106 : i32 to index
        %get3A_110 = tpu.vector_load %arg9[%get3A_109] {strides = array<i32>} : memref<5120xf32, #tpu.memory_space<vmem>>, vector<16xf32>,
        tpu.vector_store_idx %arg5[%get3A_108], %get3A_110 {add = true} : memref<81920xf32, #tpu.memory_space<vmem>>[vector<16xi32>], vector<16xf32>,
        %add3A_111 = arith.constant 48 : i32
        %add3A_112 = arith.addi %mul3A_93, %add3A_111 : i32
        %get3A_113 = arith.index_cast %add3A_112 : i32 to index
        %get3A_114 = tpu.vector_load %arg7[%get3A_113] {strides = array<i32>} : memref<5120xi32, #tpu.memory_space<vmem>>, vector<16xi32>,
        %get3A_115 = arith.index_cast %add3A_112 : i32 to index
        %get3A_116 = tpu.vector_load %arg9[%get3A_115] {strides = array<i32>} : memref<5120xf32, #tpu.memory_space<vmem>>, vector<16xf32>,
        tpu.vector_store_idx %arg5[%get3A_114], %get3A_116 {add = true} : memref<81920xf32, #tpu.memory_space<vmem>>[vector<16xi32>], vector<16xf32>,
        %scan3A_117 = arith.constant 0 : i32
        scf.yield %scan3A_117 : i32
      }
      %scan3A_88 = arith.constant 80 : i32
      %scan3A_89 = arith.constant 0 : i32
      scf.yield %scan3A_89 : i32
    }
    %scan3A_28 = arith.constant 125 : i32
    %mul3A_29 = arith.constant 81920 : i32
    %mul3A_30 = arith.muli %add3A, %mul3A_29 : i32
    "tpu.region"() ({
      %run_scoped3A = tpu.sem_alloc : memref<!tpu.dma_semaphore, #tpu.memory_space<semaphore_mem>>
      %dma_start3A_31 = tpu.memref_slice %arg4[%mul3A_30] : memref<2621440xf32, #tpu.memory_space<hbm>> -> memref<81920xf32, #tpu.memory_space<hbm>>
      %dma_start3A_32 = tpu.memref_slice %arg4[%mul3A_30] : memref<2621440xf32, #tpu.memory_space<hbm>> -> memref<81920xf32, #tpu.memory_space<hbm>>
      tpu.enqueue_dma source(%arg5 : memref<81920xf32, #tpu.memory_space<vmem>>) target(%dma_start3A_32 : memref<81920xf32, #tpu.memory_space<hbm>>) target_semaphore(%run_scoped3A : memref<!tpu.dma_semaphore, #tpu.memory_space<semaphore_mem>>)
      %dma_wait3A = tpu.memref_slice %arg4[%mul3A_30] : memref<2621440xf32, #tpu.memory_space<hbm>> -> memref<81920xf32, #tpu.memory_space<hbm>>
      %dma_wait3A_33 = tpu.memref_slice %arg4[%mul3A_30] : memref<2621440xf32, #tpu.memory_space<hbm>> -> memref<81920xf32, #tpu.memory_space<hbm>>
      tpu.wait_dma2 semaphore(%run_scoped3A : memref<!tpu.dma_semaphore, #tpu.memory_space<semaphore_mem>>) src(%arg5 : memref<81920xf32, #tpu.memory_space<vmem>>) dst(%dma_wait3A_33 : memref<81920xf32, #tpu.memory_space<hbm>>)
      tpu.yield
    }) : () -> ()
    return
  }
}

#map = affine_map<(d0, d1) -> (0)>
module attributes {stable_mosaic.version = 14 : i64} {
  func.func @body(%arg0: i32, %arg1: i32, %arg2: memref<2621440xf32, #tpu.memory_space<hbm>>, %arg3: memref<40960000xi32, #tpu.memory_space<hbm>>, %arg4: memref<40960000xi32, #tpu.memory_space<hbm>>, %arg5: memref<40960000xf32, #tpu.memory_space<hbm>>, %arg6: memref<40960000xf32, #tpu.memory_space<hbm>>, %arg7: memref<81920xf32, #tpu.memory_space<vmem>>, %arg8: memref<5120xi32, #tpu.memory_space<vmem>>, %arg9: memref<5120xi32, #tpu.memory_space<vmem>>, %arg10: memref<5120xi32, #tpu.memory_space<vmem>>, %arg11: memref<5120xi32, #tpu.memory_space<vmem>>, %arg12: memref<5120xf32, #tpu.memory_space<vmem>>, %arg13: memref<5120xf32, #tpu.memory_space<vmem>>, %arg14: memref<5120xf32, #tpu.memory_space<vmem>>, %arg15: memref<5120xf32, #tpu.memory_space<vmem>>, %arg16: memref<!tpu.dma_semaphore, #tpu.memory_space<semaphore_mem>>, %arg17: memref<2x!tpu.dma_semaphore, #tpu.memory_space<semaphore_mem>>, %arg18: memref<2x!tpu.dma_semaphore, #tpu.memory_space<semaphore_mem>>, %arg19: memref<2x!tpu.dma_semaphore, #tpu.memory_space<semaphore_mem>>, %arg20: memref<2x!tpu.dma_semaphore, #tpu.memory_space<semaphore_mem>>) attributes {dimension_semantics = [#tpu.dimension_semantics<core_parallel>, #tpu.dimension_semantics<subcore_parallel>], iteration_bounds = array<i64: 2, 16>, scalar_prefetch = 0 : i64, scratch_operands = 14 : i64, tpu.core_type = #tpu.core_type<sc_vector_subcore>, window_params = [{transform_indices = #map}, {transform_indices = #map}, {transform_indices = #map}, {transform_indices = #map}, {transform_indices = #map}]} {
    %mul3A = arith.constant 2 : i32
    %mul3A_0 = arith.muli %arg1, %mul3A : i32
    %add3A = arith.addi %mul3A_0, %arg0 : i32
    %mul3A_1 = arith.constant 250 : i32
    %mul3A_2 = arith.muli %add3A, %mul3A_1 : i32
    %mul3A_3 = arith.constant 5120 : i32
    %mul3A_4 = arith.muli %mul3A_2, %mul3A_3 : i32
    %mul3A_5 = arith.constant 81920 : i32
    %mul3A_6 = arith.muli %add3A, %mul3A_5 : i32
    %dma_start3A = tpu.memref_slice %arg2[%mul3A_6] : memref<2621440xf32, #tpu.memory_space<hbm>> -> memref<81920xf32, #tpu.memory_space<hbm>>
    %dma_start3A_7 = tpu.memref_slice %arg2[%mul3A_6] : memref<2621440xf32, #tpu.memory_space<hbm>> -> memref<81920xf32, #tpu.memory_space<hbm>>
    tpu.enqueue_dma source(%dma_start3A_7 : memref<81920xf32, #tpu.memory_space<hbm>>) target(%arg7 : memref<81920xf32, #tpu.memory_space<vmem>>) target_semaphore(%arg16 : memref<!tpu.dma_semaphore, #tpu.memory_space<semaphore_mem>>)
    %add3A_8 = arith.constant 0 : i32
    %add3A_9 = arith.addi %mul3A_4, %add3A_8 : i32
    %dma_start3A_10 = arith.constant 0 : i32
    %dma_start3A_11 = tpu.memref_slice %arg3[%add3A_9] : memref<40960000xi32, #tpu.memory_space<hbm>> -> memref<5120xi32, #tpu.memory_space<hbm>>
    %dma_start3A_12 = tpu.memref_slice %arg17[%dma_start3A_10] : memref<2x!tpu.dma_semaphore, #tpu.memory_space<semaphore_mem>> -> memref<1x!tpu.dma_semaphore, #tpu.memory_space<semaphore_mem>>
    %dma_start3A_13 = tpu.memref_squeeze %dma_start3A_12 : memref<1x!tpu.dma_semaphore, #tpu.memory_space<semaphore_mem>> -> memref<!tpu.dma_semaphore, #tpu.memory_space<semaphore_mem>>
    %dma_start3A_14 = tpu.memref_slice %arg3[%add3A_9] : memref<40960000xi32, #tpu.memory_space<hbm>> -> memref<5120xi32, #tpu.memory_space<hbm>>
    tpu.enqueue_dma source(%dma_start3A_14 : memref<5120xi32, #tpu.memory_space<hbm>>) target(%arg8 : memref<5120xi32, #tpu.memory_space<vmem>>) target_semaphore(%dma_start3A_13 : memref<!tpu.dma_semaphore, #tpu.memory_space<semaphore_mem>>)
    %dma_start3A_15 = arith.constant 0 : i32
    %dma_start3A_16 = tpu.memref_slice %arg4[%add3A_9] : memref<40960000xi32, #tpu.memory_space<hbm>> -> memref<5120xi32, #tpu.memory_space<hbm>>
    %dma_start3A_17 = tpu.memref_slice %arg18[%dma_start3A_15] : memref<2x!tpu.dma_semaphore, #tpu.memory_space<semaphore_mem>> -> memref<1x!tpu.dma_semaphore, #tpu.memory_space<semaphore_mem>>
    %dma_start3A_18 = tpu.memref_squeeze %dma_start3A_17 : memref<1x!tpu.dma_semaphore, #tpu.memory_space<semaphore_mem>> -> memref<!tpu.dma_semaphore, #tpu.memory_space<semaphore_mem>>
    %dma_start3A_19 = tpu.memref_slice %arg4[%add3A_9] : memref<40960000xi32, #tpu.memory_space<hbm>> -> memref<5120xi32, #tpu.memory_space<hbm>>
    tpu.enqueue_dma source(%dma_start3A_19 : memref<5120xi32, #tpu.memory_space<hbm>>) target(%arg10 : memref<5120xi32, #tpu.memory_space<vmem>>) target_semaphore(%dma_start3A_18 : memref<!tpu.dma_semaphore, #tpu.memory_space<semaphore_mem>>)
    %dma_wait3A = arith.constant 0 : i32
    %dma_wait3A_20 = tpu.memref_slice %arg2[%dma_wait3A] : memref<2621440xf32, #tpu.memory_space<hbm>> -> memref<81920xf32, #tpu.memory_space<hbm>>
    %dma_wait3A_21 = arith.constant 0 : i32
    %dma_wait3A_22 = tpu.memref_slice %arg2[%dma_wait3A_21] : memref<2621440xf32, #tpu.memory_space<hbm>> -> memref<81920xf32, #tpu.memory_space<hbm>>
    tpu.wait_dma2 semaphore(%arg16 : memref<!tpu.dma_semaphore, #tpu.memory_space<semaphore_mem>>) src(%dma_wait3A_22 : memref<81920xf32, #tpu.memory_space<hbm>>) dst(%arg7 : memref<81920xf32, #tpu.memory_space<vmem>>)
    %scan3A = arith.constant 0 : i32
    %scan3A_23 = arith.constant 0 : i32
    %scan3A_24 = arith.constant 125 : i32
    %scan3A_25 = arith.addi %scan3A_23, %scan3A_24 : i32
    %scan3A_26 = arith.constant 1 : i32
    %scan3A_27 = scf.for %scan3A_57 = %scan3A_23 to %scan3A_25 step %scan3A_26 iter_args(%scan3A_58 = %scan3A) -> (i32)  : i32 {
      %mul3A_59 = arith.constant 2 : i32
      %mul3A_60 = arith.muli %scan3A_57, %mul3A_59 : i32
      %add3A_61 = arith.constant 0 : i32
      %add3A_62 = arith.addi %mul3A_60, %add3A_61 : i32
      %dma_wait3A_63 = arith.constant 0 : i32
      %dma_wait3A_64 = arith.constant 0 : i32
      %dma_wait3A_65 = tpu.memref_slice %arg3[%dma_wait3A_64] : memref<40960000xi32, #tpu.memory_space<hbm>> -> memref<5120xi32, #tpu.memory_space<hbm>>
      %dma_wait3A_66 = tpu.memref_slice %arg17[%dma_wait3A_63] : memref<2x!tpu.dma_semaphore, #tpu.memory_space<semaphore_mem>> -> memref<1x!tpu.dma_semaphore, #tpu.memory_space<semaphore_mem>>
      %dma_wait3A_67 = tpu.memref_squeeze %dma_wait3A_66 : memref<1x!tpu.dma_semaphore, #tpu.memory_space<semaphore_mem>> -> memref<!tpu.dma_semaphore, #tpu.memory_space<semaphore_mem>>
      %dma_wait3A_68 = arith.constant 0 : i32
      %dma_wait3A_69 = tpu.memref_slice %arg3[%dma_wait3A_68] : memref<40960000xi32, #tpu.memory_space<hbm>> -> memref<5120xi32, #tpu.memory_space<hbm>>
      tpu.wait_dma2 semaphore(%dma_wait3A_67 : memref<!tpu.dma_semaphore, #tpu.memory_space<semaphore_mem>>) src(%dma_wait3A_69 : memref<5120xi32, #tpu.memory_space<hbm>>) dst(%arg8 : memref<5120xi32, #tpu.memory_space<vmem>>)
      %dma_wait3A_70 = arith.constant 0 : i32
      %dma_wait3A_71 = arith.constant 0 : i32
      %dma_wait3A_72 = tpu.memref_slice %arg4[%dma_wait3A_71] : memref<40960000xi32, #tpu.memory_space<hbm>> -> memref<5120xi32, #tpu.memory_space<hbm>>
      %dma_wait3A_73 = tpu.memref_slice %arg18[%dma_wait3A_70] : memref<2x!tpu.dma_semaphore, #tpu.memory_space<semaphore_mem>> -> memref<1x!tpu.dma_semaphore, #tpu.memory_space<semaphore_mem>>
      %dma_wait3A_74 = tpu.memref_squeeze %dma_wait3A_73 : memref<1x!tpu.dma_semaphore, #tpu.memory_space<semaphore_mem>> -> memref<!tpu.dma_semaphore, #tpu.memory_space<semaphore_mem>>
      %dma_wait3A_75 = arith.constant 0 : i32
      %dma_wait3A_76 = tpu.memref_slice %arg4[%dma_wait3A_75] : memref<40960000xi32, #tpu.memory_space<hbm>> -> memref<5120xi32, #tpu.memory_space<hbm>>
      tpu.wait_dma2 semaphore(%dma_wait3A_74 : memref<!tpu.dma_semaphore, #tpu.memory_space<semaphore_mem>>) src(%dma_wait3A_76 : memref<5120xi32, #tpu.memory_space<hbm>>) dst(%arg10 : memref<5120xi32, #tpu.memory_space<vmem>>)
      %lt3A = arith.constant 249 : i32
      %lt3A_77 = arith.cmpi slt, %add3A_62, %lt3A : i32
      %convert_element_type3A = arith.extui %lt3A_77 : i1 to i32
      %cond3A = arith.constant 0 : i32
      %cond3A_78 = arith.cmpi ne, %convert_element_type3A, %cond3A : i32
      scf.if %cond3A_78 {
        %add3A_152 = arith.constant 1 : i32
        %add3A_153 = arith.addi %add3A_62, %add3A_152 : i32
        %mul3A_154 = arith.constant 5120 : i32
        %mul3A_155 = arith.muli %add3A_153, %mul3A_154 : i32
        %add3A_156 = arith.addi %mul3A_4, %mul3A_155 : i32
        %dma_start3A_157 = arith.constant 1 : i32
        %dma_start3A_158 = tpu.memref_slice %arg3[%add3A_156] : memref<40960000xi32, #tpu.memory_space<hbm>> -> memref<5120xi32, #tpu.memory_space<hbm>>
        %dma_start3A_159 = tpu.memref_slice %arg17[%dma_start3A_157] : memref<2x!tpu.dma_semaphore, #tpu.memory_space<semaphore_mem>> -> memref<1x!tpu.dma_semaphore, #tpu.memory_space<semaphore_mem>>
        %dma_start3A_160 = tpu.memref_squeeze %dma_start3A_159 : memref<1x!tpu.dma_semaphore, #tpu.memory_space<semaphore_mem>> -> memref<!tpu.dma_semaphore, #tpu.memory_space<semaphore_mem>>
        %dma_start3A_161 = tpu.memref_slice %arg3[%add3A_156] : memref<40960000xi32, #tpu.memory_space<hbm>> -> memref<5120xi32, #tpu.memory_space<hbm>>
        tpu.enqueue_dma source(%dma_start3A_161 : memref<5120xi32, #tpu.memory_space<hbm>>) target(%arg9 : memref<5120xi32, #tpu.memory_space<vmem>>) target_semaphore(%dma_start3A_160 : memref<!tpu.dma_semaphore, #tpu.memory_space<semaphore_mem>>)
        %dma_start3A_162 = arith.constant 1 : i32
        %dma_start3A_163 = tpu.memref_slice %arg4[%add3A_156] : memref<40960000xi32, #tpu.memory_space<hbm>> -> memref<5120xi32, #tpu.memory_space<hbm>>
        %dma_start3A_164 = tpu.memref_slice %arg18[%dma_start3A_162] : memref<2x!tpu.dma_semaphore, #tpu.memory_space<semaphore_mem>> -> memref<1x!tpu.dma_semaphore, #tpu.memory_space<semaphore_mem>>
        %dma_start3A_165 = tpu.memref_squeeze %dma_start3A_164 : memref<1x!tpu.dma_semaphore, #tpu.memory_space<semaphore_mem>> -> memref<!tpu.dma_semaphore, #tpu.memory_space<semaphore_mem>>
        %dma_start3A_166 = tpu.memref_slice %arg4[%add3A_156] : memref<40960000xi32, #tpu.memory_space<hbm>> -> memref<5120xi32, #tpu.memory_space<hbm>>
        tpu.enqueue_dma source(%dma_start3A_166 : memref<5120xi32, #tpu.memory_space<hbm>>) target(%arg11 : memref<5120xi32, #tpu.memory_space<vmem>>) target_semaphore(%dma_start3A_165 : memref<!tpu.dma_semaphore, #tpu.memory_space<semaphore_mem>>)
      } else {
      }
      %ge3A = arith.constant 1 : i32
      %ge3A_79 = arith.cmpi sge, %scan3A_57, %ge3A : i32
      %convert_element_type3A_80 = arith.extui %ge3A_79 : i1 to i32
      %cond3A_81 = arith.constant 0 : i32
      %cond3A_82 = arith.cmpi ne, %convert_element_type3A_80, %cond3A_81 : i32
      scf.if %cond3A_82 {
        %dma_wait3A_152 = arith.constant 0 : i32
        %dma_wait3A_153 = arith.constant 0 : i32
        %dma_wait3A_154 = tpu.memref_slice %arg5[%dma_wait3A_153] : memref<40960000xf32, #tpu.memory_space<hbm>> -> memref<5120xf32, #tpu.memory_space<hbm>>
        %dma_wait3A_155 = tpu.memref_slice %arg19[%dma_wait3A_152] : memref<2x!tpu.dma_semaphore, #tpu.memory_space<semaphore_mem>> -> memref<1x!tpu.dma_semaphore, #tpu.memory_space<semaphore_mem>>
        %dma_wait3A_156 = tpu.memref_squeeze %dma_wait3A_155 : memref<1x!tpu.dma_semaphore, #tpu.memory_space<semaphore_mem>> -> memref<!tpu.dma_semaphore, #tpu.memory_space<semaphore_mem>>
        %dma_wait3A_157 = arith.constant 0 : i32
        %dma_wait3A_158 = tpu.memref_slice %arg5[%dma_wait3A_157] : memref<40960000xf32, #tpu.memory_space<hbm>> -> memref<5120xf32, #tpu.memory_space<hbm>>
        tpu.wait_dma2 semaphore(%dma_wait3A_156 : memref<!tpu.dma_semaphore, #tpu.memory_space<semaphore_mem>>) src(%arg12 : memref<5120xf32, #tpu.memory_space<vmem>>) dst(%dma_wait3A_158 : memref<5120xf32, #tpu.memory_space<hbm>>)
        %dma_wait3A_159 = arith.constant 0 : i32
        %dma_wait3A_160 = arith.constant 0 : i32
        %dma_wait3A_161 = tpu.memref_slice %arg6[%dma_wait3A_160] : memref<40960000xf32, #tpu.memory_space<hbm>> -> memref<5120xf32, #tpu.memory_space<hbm>>
        %dma_wait3A_162 = tpu.memref_slice %arg20[%dma_wait3A_159] : memref<2x!tpu.dma_semaphore, #tpu.memory_space<semaphore_mem>> -> memref<1x!tpu.dma_semaphore, #tpu.memory_space<semaphore_mem>>
        %dma_wait3A_163 = tpu.memref_squeeze %dma_wait3A_162 : memref<1x!tpu.dma_semaphore, #tpu.memory_space<semaphore_mem>> -> memref<!tpu.dma_semaphore, #tpu.memory_space<semaphore_mem>>
        %dma_wait3A_164 = arith.constant 0 : i32
        %dma_wait3A_165 = tpu.memref_slice %arg6[%dma_wait3A_164] : memref<40960000xf32, #tpu.memory_space<hbm>> -> memref<5120xf32, #tpu.memory_space<hbm>>
        tpu.wait_dma2 semaphore(%dma_wait3A_163 : memref<!tpu.dma_semaphore, #tpu.memory_space<semaphore_mem>>) src(%arg14 : memref<5120xf32, #tpu.memory_space<vmem>>) dst(%dma_wait3A_165 : memref<5120xf32, #tpu.memory_space<hbm>>)
      } else {
      }
      %scan3A_83 = arith.constant 0 : i32
      %scan3A_84 = arith.constant 0 : i32
      %scan3A_85 = arith.constant 80 : i32
      %scan3A_86 = arith.addi %scan3A_84, %scan3A_85 : i32
      %scan3A_87 = arith.constant 1 : i32
      %scan3A_88 = scf.for %scan3A_152 = %scan3A_84 to %scan3A_86 step %scan3A_87 iter_args(%scan3A_153 = %scan3A_83) -> (i32)  : i32 {
        %mul3A_154 = arith.constant 64 : i32
        %mul3A_155 = arith.muli %scan3A_152, %mul3A_154 : i32
        %add3A_156 = arith.constant 0 : i32
        %add3A_157 = arith.addi %mul3A_155, %add3A_156 : i32
        %get3A = arith.index_cast %add3A_157 : i32 to index
        %get3A_158 = tpu.vector_load %arg8[%get3A] {strides = array<i32>} : memref<5120xi32, #tpu.memory_space<vmem>>, vector<16xi32>,
        %gather3A = tpu.vector_load_idx %arg7[%get3A_158] : memref<81920xf32, #tpu.memory_space<vmem>>[vector<16xi32>], vector<16xf32>,
        %swap3A = arith.index_cast %add3A_157 : i32 to index
        %swap3A_159 = tpu.vector_load %arg12[%swap3A] {strides = array<i32>} : memref<5120xf32, #tpu.memory_space<vmem>>, vector<16xf32>,
        tpu.vector_store %arg12[%swap3A], %gather3A {strides = array<i32>} : memref<5120xf32, #tpu.memory_space<vmem>>, vector<16xf32>,
        %get3A_160 = arith.index_cast %add3A_157 : i32 to index
        %get3A_161 = tpu.vector_load %arg10[%get3A_160] {strides = array<i32>} : memref<5120xi32, #tpu.memory_space<vmem>>, vector<16xi32>,
        %gather3A_162 = tpu.vector_load_idx %arg7[%get3A_161] : memref<81920xf32, #tpu.memory_space<vmem>>[vector<16xi32>], vector<16xf32>,
        %swap3A_163 = arith.index_cast %add3A_157 : i32 to index
        %swap3A_164 = tpu.vector_load %arg14[%swap3A_163] {strides = array<i32>} : memref<5120xf32, #tpu.memory_space<vmem>>, vector<16xf32>,
        tpu.vector_store %arg14[%swap3A_163], %gather3A_162 {strides = array<i32>} : memref<5120xf32, #tpu.memory_space<vmem>>, vector<16xf32>,
        %add3A_165 = arith.constant 16 : i32
        %add3A_166 = arith.addi %mul3A_155, %add3A_165 : i32
        %get3A_167 = arith.index_cast %add3A_166 : i32 to index
        %get3A_168 = tpu.vector_load %arg8[%get3A_167] {strides = array<i32>} : memref<5120xi32, #tpu.memory_space<vmem>>, vector<16xi32>,
        %gather3A_169 = tpu.vector_load_idx %arg7[%get3A_168] : memref<81920xf32, #tpu.memory_space<vmem>>[vector<16xi32>], vector<16xf32>,
        %swap3A_170 = arith.index_cast %add3A_166 : i32 to index
        %swap3A_171 = tpu.vector_load %arg12[%swap3A_170] {strides = array<i32>} : memref<5120xf32, #tpu.memory_space<vmem>>, vector<16xf32>,
        tpu.vector_store %arg12[%swap3A_170], %gather3A_169 {strides = array<i32>} : memref<5120xf32, #tpu.memory_space<vmem>>, vector<16xf32>,
        %get3A_172 = arith.index_cast %add3A_166 : i32 to index
        %get3A_173 = tpu.vector_load %arg10[%get3A_172] {strides = array<i32>} : memref<5120xi32, #tpu.memory_space<vmem>>, vector<16xi32>,
        %gather3A_174 = tpu.vector_load_idx %arg7[%get3A_173] : memref<81920xf32, #tpu.memory_space<vmem>>[vector<16xi32>], vector<16xf32>,
        %swap3A_175 = arith.index_cast %add3A_166 : i32 to index
        %swap3A_176 = tpu.vector_load %arg14[%swap3A_175] {strides = array<i32>} : memref<5120xf32, #tpu.memory_space<vmem>>, vector<16xf32>,
        tpu.vector_store %arg14[%swap3A_175], %gather3A_174 {strides = array<i32>} : memref<5120xf32, #tpu.memory_space<vmem>>, vector<16xf32>,
        %add3A_177 = arith.constant 32 : i32
        %add3A_178 = arith.addi %mul3A_155, %add3A_177 : i32
        %get3A_179 = arith.index_cast %add3A_178 : i32 to index
        %get3A_180 = tpu.vector_load %arg8[%get3A_179] {strides = array<i32>} : memref<5120xi32, #tpu.memory_space<vmem>>, vector<16xi32>,
        %gather3A_181 = tpu.vector_load_idx %arg7[%get3A_180] : memref<81920xf32, #tpu.memory_space<vmem>>[vector<16xi32>], vector<16xf32>,
        %swap3A_182 = arith.index_cast %add3A_178 : i32 to index
        %swap3A_183 = tpu.vector_load %arg12[%swap3A_182] {strides = array<i32>} : memref<5120xf32, #tpu.memory_space<vmem>>, vector<16xf32>,
        tpu.vector_store %arg12[%swap3A_182], %gather3A_181 {strides = array<i32>} : memref<5120xf32, #tpu.memory_space<vmem>>, vector<16xf32>,
        %get3A_184 = arith.index_cast %add3A_178 : i32 to index
        %get3A_185 = tpu.vector_load %arg10[%get3A_184] {strides = array<i32>} : memref<5120xi32, #tpu.memory_space<vmem>>, vector<16xi32>,
        %gather3A_186 = tpu.vector_load_idx %arg7[%get3A_185] : memref<81920xf32, #tpu.memory_space<vmem>>[vector<16xi32>], vector<16xf32>,
        %swap3A_187 = arith.index_cast %add3A_178 : i32 to index
        %swap3A_188 = tpu.vector_load %arg14[%swap3A_187] {strides = array<i32>} : memref<5120xf32, #tpu.memory_space<vmem>>, vector<16xf32>,
        tpu.vector_store %arg14[%swap3A_187], %gather3A_186 {strides = array<i32>} : memref<5120xf32, #tpu.memory_space<vmem>>, vector<16xf32>,
        %add3A_189 = arith.constant 48 : i32
        %add3A_190 = arith.addi %mul3A_155, %add3A_189 : i32
        %get3A_191 = arith.index_cast %add3A_190 : i32 to index
        %get3A_192 = tpu.vector_load %arg8[%get3A_191] {strides = array<i32>} : memref<5120xi32, #tpu.memory_space<vmem>>, vector<16xi32>,
        %gather3A_193 = tpu.vector_load_idx %arg7[%get3A_192] : memref<81920xf32, #tpu.memory_space<vmem>>[vector<16xi32>], vector<16xf32>,
        %swap3A_194 = arith.index_cast %add3A_190 : i32 to index
        %swap3A_195 = tpu.vector_load %arg12[%swap3A_194] {strides = array<i32>} : memref<5120xf32, #tpu.memory_space<vmem>>, vector<16xf32>,
        tpu.vector_store %arg12[%swap3A_194], %gather3A_193 {strides = array<i32>} : memref<5120xf32, #tpu.memory_space<vmem>>, vector<16xf32>,
        %get3A_196 = arith.index_cast %add3A_190 : i32 to index
        %get3A_197 = tpu.vector_load %arg10[%get3A_196] {strides = array<i32>} : memref<5120xi32, #tpu.memory_space<vmem>>, vector<16xi32>,
        %gather3A_198 = tpu.vector_load_idx %arg7[%get3A_197] : memref<81920xf32, #tpu.memory_space<vmem>>[vector<16xi32>], vector<16xf32>,
        %swap3A_199 = arith.index_cast %add3A_190 : i32 to index
        %swap3A_200 = tpu.vector_load %arg14[%swap3A_199] {strides = array<i32>} : memref<5120xf32, #tpu.memory_space<vmem>>, vector<16xf32>,
        tpu.vector_store %arg14[%swap3A_199], %gather3A_198 {strides = array<i32>} : memref<5120xf32, #tpu.memory_space<vmem>>, vector<16xf32>,
        %scan3A_201 = arith.constant 0 : i32
        scf.yield %scan3A_201 : i32
      }
      %scan3A_89 = arith.constant 80 : i32
      %mul3A_90 = arith.constant 5120 : i32
      %mul3A_91 = arith.muli %add3A_62, %mul3A_90 : i32
      %add3A_92 = arith.addi %mul3A_4, %mul3A_91 : i32
      %dma_start3A_93 = arith.constant 0 : i32
      %dma_start3A_94 = tpu.memref_slice %arg5[%add3A_92] : memref<40960000xf32, #tpu.memory_space<hbm>> -> memref<5120xf32, #tpu.memory_space<hbm>>
      %dma_start3A_95 = tpu.memref_slice %arg19[%dma_start3A_93] : memref<2x!tpu.dma_semaphore, #tpu.memory_space<semaphore_mem>> -> memref<1x!tpu.dma_semaphore, #tpu.memory_space<semaphore_mem>>
      %dma_start3A_96 = tpu.memref_squeeze %dma_start3A_95 : memref<1x!tpu.dma_semaphore, #tpu.memory_space<semaphore_mem>> -> memref<!tpu.dma_semaphore, #tpu.memory_space<semaphore_mem>>
      %dma_start3A_97 = tpu.memref_slice %arg5[%add3A_92] : memref<40960000xf32, #tpu.memory_space<hbm>> -> memref<5120xf32, #tpu.memory_space<hbm>>
      tpu.enqueue_dma source(%arg12 : memref<5120xf32, #tpu.memory_space<vmem>>) target(%dma_start3A_97 : memref<5120xf32, #tpu.memory_space<hbm>>) target_semaphore(%dma_start3A_96 : memref<!tpu.dma_semaphore, #tpu.memory_space<semaphore_mem>>)
      %dma_start3A_98 = arith.constant 0 : i32
      %dma_start3A_99 = tpu.memref_slice %arg6[%add3A_92] : memref<40960000xf32, #tpu.memory_space<hbm>> -> memref<5120xf32, #tpu.memory_space<hbm>>
      %dma_start3A_100 = tpu.memref_slice %arg20[%dma_start3A_98] : memref<2x!tpu.dma_semaphore, #tpu.memory_space<semaphore_mem>> -> memref<1x!tpu.dma_semaphore, #tpu.memory_space<semaphore_mem>>
      %dma_start3A_101 = tpu.memref_squeeze %dma_start3A_100 : memref<1x!tpu.dma_semaphore, #tpu.memory_space<semaphore_mem>> -> memref<!tpu.dma_semaphore, #tpu.memory_space<semaphore_mem>>
      %dma_start3A_102 = tpu.memref_slice %arg6[%add3A_92] : memref<40960000xf32, #tpu.memory_space<hbm>> -> memref<5120xf32, #tpu.memory_space<hbm>>
      tpu.enqueue_dma source(%arg14 : memref<5120xf32, #tpu.memory_space<vmem>>) target(%dma_start3A_102 : memref<5120xf32, #tpu.memory_space<hbm>>) target_semaphore(%dma_start3A_101 : memref<!tpu.dma_semaphore, #tpu.memory_space<semaphore_mem>>)
      %mul3A_103 = arith.constant 2 : i32
      %mul3A_104 = arith.muli %scan3A_57, %mul3A_103 : i32
      %add3A_105 = arith.constant 1 : i32
      %add3A_106 = arith.addi %mul3A_104, %add3A_105 : i32
      %dma_wait3A_107 = arith.constant 1 : i32
      %dma_wait3A_108 = arith.constant 0 : i32
      %dma_wait3A_109 = tpu.memref_slice %arg3[%dma_wait3A_108] : memref<40960000xi32, #tpu.memory_space<hbm>> -> memref<5120xi32, #tpu.memory_space<hbm>>
      %dma_wait3A_110 = tpu.memref_slice %arg17[%dma_wait3A_107] : memref<2x!tpu.dma_semaphore, #tpu.memory_space<semaphore_mem>> -> memref<1x!tpu.dma_semaphore, #tpu.memory_space<semaphore_mem>>
      %dma_wait3A_111 = tpu.memref_squeeze %dma_wait3A_110 : memref<1x!tpu.dma_semaphore, #tpu.memory_space<semaphore_mem>> -> memref<!tpu.dma_semaphore, #tpu.memory_space<semaphore_mem>>
      %dma_wait3A_112 = arith.constant 0 : i32
      %dma_wait3A_113 = tpu.memref_slice %arg3[%dma_wait3A_112] : memref<40960000xi32, #tpu.memory_space<hbm>> -> memref<5120xi32, #tpu.memory_space<hbm>>
      tpu.wait_dma2 semaphore(%dma_wait3A_111 : memref<!tpu.dma_semaphore, #tpu.memory_space<semaphore_mem>>) src(%dma_wait3A_113 : memref<5120xi32, #tpu.memory_space<hbm>>) dst(%arg9 : memref<5120xi32, #tpu.memory_space<vmem>>)
      %dma_wait3A_114 = arith.constant 1 : i32
      %dma_wait3A_115 = arith.constant 0 : i32
      %dma_wait3A_116 = tpu.memref_slice %arg4[%dma_wait3A_115] : memref<40960000xi32, #tpu.memory_space<hbm>> -> memref<5120xi32, #tpu.memory_space<hbm>>
      %dma_wait3A_117 = tpu.memref_slice %arg18[%dma_wait3A_114] : memref<2x!tpu.dma_semaphore, #tpu.memory_space<semaphore_mem>> -> memref<1x!tpu.dma_semaphore, #tpu.memory_space<semaphore_mem>>
      %dma_wait3A_118 = tpu.memref_squeeze %dma_wait3A_117 : memref<1x!tpu.dma_semaphore, #tpu.memory_space<semaphore_mem>> -> memref<!tpu.dma_semaphore, #tpu.memory_space<semaphore_mem>>
      %dma_wait3A_119 = arith.constant 0 : i32
      %dma_wait3A_120 = tpu.memref_slice %arg4[%dma_wait3A_119] : memref<40960000xi32, #tpu.memory_space<hbm>> -> memref<5120xi32, #tpu.memory_space<hbm>>
      tpu.wait_dma2 semaphore(%dma_wait3A_118 : memref<!tpu.dma_semaphore, #tpu.memory_space<semaphore_mem>>) src(%dma_wait3A_120 : memref<5120xi32, #tpu.memory_space<hbm>>) dst(%arg11 : memref<5120xi32, #tpu.memory_space<vmem>>)
      %lt3A_121 = arith.constant 249 : i32
      %lt3A_122 = arith.cmpi slt, %add3A_106, %lt3A_121 : i32
      %convert_element_type3A_123 = arith.extui %lt3A_122 : i1 to i32
      %cond3A_124 = arith.constant 0 : i32
      %cond3A_125 = arith.cmpi ne, %convert_element_type3A_123, %cond3A_124 : i32
      scf.if %cond3A_125 {
        %add3A_152 = arith.constant 1 : i32
        %add3A_153 = arith.addi %add3A_106, %add3A_152 : i32
        %mul3A_154 = arith.constant 5120 : i32
        %mul3A_155 = arith.muli %add3A_153, %mul3A_154 : i32
        %add3A_156 = arith.addi %mul3A_4, %mul3A_155 : i32
        %dma_start3A_157 = arith.constant 0 : i32
        %dma_start3A_158 = tpu.memref_slice %arg3[%add3A_156] : memref<40960000xi32, #tpu.memory_space<hbm>> -> memref<5120xi32, #tpu.memory_space<hbm>>
        %dma_start3A_159 = tpu.memref_slice %arg17[%dma_start3A_157] : memref<2x!tpu.dma_semaphore, #tpu.memory_space<semaphore_mem>> -> memref<1x!tpu.dma_semaphore, #tpu.memory_space<semaphore_mem>>
        %dma_start3A_160 = tpu.memref_squeeze %dma_start3A_159 : memref<1x!tpu.dma_semaphore, #tpu.memory_space<semaphore_mem>> -> memref<!tpu.dma_semaphore, #tpu.memory_space<semaphore_mem>>
        %dma_start3A_161 = tpu.memref_slice %arg3[%add3A_156] : memref<40960000xi32, #tpu.memory_space<hbm>> -> memref<5120xi32, #tpu.memory_space<hbm>>
        tpu.enqueue_dma source(%dma_start3A_161 : memref<5120xi32, #tpu.memory_space<hbm>>) target(%arg8 : memref<5120xi32, #tpu.memory_space<vmem>>) target_semaphore(%dma_start3A_160 : memref<!tpu.dma_semaphore, #tpu.memory_space<semaphore_mem>>)
        %dma_start3A_162 = arith.constant 0 : i32
        %dma_start3A_163 = tpu.memref_slice %arg4[%add3A_156] : memref<40960000xi32, #tpu.memory_space<hbm>> -> memref<5120xi32, #tpu.memory_space<hbm>>
        %dma_start3A_164 = tpu.memref_slice %arg18[%dma_start3A_162] : memref<2x!tpu.dma_semaphore, #tpu.memory_space<semaphore_mem>> -> memref<1x!tpu.dma_semaphore, #tpu.memory_space<semaphore_mem>>
        %dma_start3A_165 = tpu.memref_squeeze %dma_start3A_164 : memref<1x!tpu.dma_semaphore, #tpu.memory_space<semaphore_mem>> -> memref<!tpu.dma_semaphore, #tpu.memory_space<semaphore_mem>>
        %dma_start3A_166 = tpu.memref_slice %arg4[%add3A_156] : memref<40960000xi32, #tpu.memory_space<hbm>> -> memref<5120xi32, #tpu.memory_space<hbm>>
        tpu.enqueue_dma source(%dma_start3A_166 : memref<5120xi32, #tpu.memory_space<hbm>>) target(%arg10 : memref<5120xi32, #tpu.memory_space<vmem>>) target_semaphore(%dma_start3A_165 : memref<!tpu.dma_semaphore, #tpu.memory_space<semaphore_mem>>)
      } else {
      }
      %ge3A_126 = arith.constant 1 : i32
      %ge3A_127 = arith.cmpi sge, %scan3A_57, %ge3A_126 : i32
      %convert_element_type3A_128 = arith.extui %ge3A_127 : i1 to i32
      %cond3A_129 = arith.constant 0 : i32
      %cond3A_130 = arith.cmpi ne, %convert_element_type3A_128, %cond3A_129 : i32
      scf.if %cond3A_130 {
        %dma_wait3A_152 = arith.constant 1 : i32
        %dma_wait3A_153 = arith.constant 0 : i32
        %dma_wait3A_154 = tpu.memref_slice %arg5[%dma_wait3A_153] : memref<40960000xf32, #tpu.memory_space<hbm>> -> memref<5120xf32, #tpu.memory_space<hbm>>
        %dma_wait3A_155 = tpu.memref_slice %arg19[%dma_wait3A_152] : memref<2x!tpu.dma_semaphore, #tpu.memory_space<semaphore_mem>> -> memref<1x!tpu.dma_semaphore, #tpu.memory_space<semaphore_mem>>
        %dma_wait3A_156 = tpu.memref_squeeze %dma_wait3A_155 : memref<1x!tpu.dma_semaphore, #tpu.memory_space<semaphore_mem>> -> memref<!tpu.dma_semaphore, #tpu.memory_space<semaphore_mem>>
        %dma_wait3A_157 = arith.constant 0 : i32
        %dma_wait3A_158 = tpu.memref_slice %arg5[%dma_wait3A_157] : memref<40960000xf32, #tpu.memory_space<hbm>> -> memref<5120xf32, #tpu.memory_space<hbm>>
        tpu.wait_dma2 semaphore(%dma_wait3A_156 : memref<!tpu.dma_semaphore, #tpu.memory_space<semaphore_mem>>) src(%arg13 : memref<5120xf32, #tpu.memory_space<vmem>>) dst(%dma_wait3A_158 : memref<5120xf32, #tpu.memory_space<hbm>>)
        %dma_wait3A_159 = arith.constant 1 : i32
        %dma_wait3A_160 = arith.constant 0 : i32
        %dma_wait3A_161 = tpu.memref_slice %arg6[%dma_wait3A_160] : memref<40960000xf32, #tpu.memory_space<hbm>> -> memref<5120xf32, #tpu.memory_space<hbm>>
        %dma_wait3A_162 = tpu.memref_slice %arg20[%dma_wait3A_159] : memref<2x!tpu.dma_semaphore, #tpu.memory_space<semaphore_mem>> -> memref<1x!tpu.dma_semaphore, #tpu.memory_space<semaphore_mem>>
        %dma_wait3A_163 = tpu.memref_squeeze %dma_wait3A_162 : memref<1x!tpu.dma_semaphore, #tpu.memory_space<semaphore_mem>> -> memref<!tpu.dma_semaphore, #tpu.memory_space<semaphore_mem>>
        %dma_wait3A_164 = arith.constant 0 : i32
        %dma_wait3A_165 = tpu.memref_slice %arg6[%dma_wait3A_164] : memref<40960000xf32, #tpu.memory_space<hbm>> -> memref<5120xf32, #tpu.memory_space<hbm>>
        tpu.wait_dma2 semaphore(%dma_wait3A_163 : memref<!tpu.dma_semaphore, #tpu.memory_space<semaphore_mem>>) src(%arg15 : memref<5120xf32, #tpu.memory_space<vmem>>) dst(%dma_wait3A_165 : memref<5120xf32, #tpu.memory_space<hbm>>)
      } else {
      }
      %scan3A_131 = arith.constant 0 : i32
      %scan3A_132 = arith.constant 0 : i32
      %scan3A_133 = arith.constant 80 : i32
      %scan3A_134 = arith.addi %scan3A_132, %scan3A_133 : i32
      %scan3A_135 = arith.constant 1 : i32
      %scan3A_136 = scf.for %scan3A_152 = %scan3A_132 to %scan3A_134 step %scan3A_135 iter_args(%scan3A_153 = %scan3A_131) -> (i32)  : i32 {
        %mul3A_154 = arith.constant 64 : i32
        %mul3A_155 = arith.muli %scan3A_152, %mul3A_154 : i32
        %add3A_156 = arith.constant 0 : i32
        %add3A_157 = arith.addi %mul3A_155, %add3A_156 : i32
        %get3A = arith.index_cast %add3A_157 : i32 to index
        %get3A_158 = tpu.vector_load %arg9[%get3A] {strides = array<i32>} : memref<5120xi32, #tpu.memory_space<vmem>>, vector<16xi32>,
        %gather3A = tpu.vector_load_idx %arg7[%get3A_158] : memref<81920xf32, #tpu.memory_space<vmem>>[vector<16xi32>], vector<16xf32>,
        %swap3A = arith.index_cast %add3A_157 : i32 to index
        %swap3A_159 = tpu.vector_load %arg13[%swap3A] {strides = array<i32>} : memref<5120xf32, #tpu.memory_space<vmem>>, vector<16xf32>,
        tpu.vector_store %arg13[%swap3A], %gather3A {strides = array<i32>} : memref<5120xf32, #tpu.memory_space<vmem>>, vector<16xf32>,
        %get3A_160 = arith.index_cast %add3A_157 : i32 to index
        %get3A_161 = tpu.vector_load %arg11[%get3A_160] {strides = array<i32>} : memref<5120xi32, #tpu.memory_space<vmem>>, vector<16xi32>,
        %gather3A_162 = tpu.vector_load_idx %arg7[%get3A_161] : memref<81920xf32, #tpu.memory_space<vmem>>[vector<16xi32>], vector<16xf32>,
        %swap3A_163 = arith.index_cast %add3A_157 : i32 to index
        %swap3A_164 = tpu.vector_load %arg15[%swap3A_163] {strides = array<i32>} : memref<5120xf32, #tpu.memory_space<vmem>>, vector<16xf32>,
        tpu.vector_store %arg15[%swap3A_163], %gather3A_162 {strides = array<i32>} : memref<5120xf32, #tpu.memory_space<vmem>>, vector<16xf32>,
        %add3A_165 = arith.constant 16 : i32
        %add3A_166 = arith.addi %mul3A_155, %add3A_165 : i32
        %get3A_167 = arith.index_cast %add3A_166 : i32 to index
        %get3A_168 = tpu.vector_load %arg9[%get3A_167] {strides = array<i32>} : memref<5120xi32, #tpu.memory_space<vmem>>, vector<16xi32>,
        %gather3A_169 = tpu.vector_load_idx %arg7[%get3A_168] : memref<81920xf32, #tpu.memory_space<vmem>>[vector<16xi32>], vector<16xf32>,
        %swap3A_170 = arith.index_cast %add3A_166 : i32 to index
        %swap3A_171 = tpu.vector_load %arg13[%swap3A_170] {strides = array<i32>} : memref<5120xf32, #tpu.memory_space<vmem>>, vector<16xf32>,
        tpu.vector_store %arg13[%swap3A_170], %gather3A_169 {strides = array<i32>} : memref<5120xf32, #tpu.memory_space<vmem>>, vector<16xf32>,
        %get3A_172 = arith.index_cast %add3A_166 : i32 to index
        %get3A_173 = tpu.vector_load %arg11[%get3A_172] {strides = array<i32>} : memref<5120xi32, #tpu.memory_space<vmem>>, vector<16xi32>,
        %gather3A_174 = tpu.vector_load_idx %arg7[%get3A_173] : memref<81920xf32, #tpu.memory_space<vmem>>[vector<16xi32>], vector<16xf32>,
        %swap3A_175 = arith.index_cast %add3A_166 : i32 to index
        %swap3A_176 = tpu.vector_load %arg15[%swap3A_175] {strides = array<i32>} : memref<5120xf32, #tpu.memory_space<vmem>>, vector<16xf32>,
        tpu.vector_store %arg15[%swap3A_175], %gather3A_174 {strides = array<i32>} : memref<5120xf32, #tpu.memory_space<vmem>>, vector<16xf32>,
        %add3A_177 = arith.constant 32 : i32
        %add3A_178 = arith.addi %mul3A_155, %add3A_177 : i32
        %get3A_179 = arith.index_cast %add3A_178 : i32 to index
        %get3A_180 = tpu.vector_load %arg9[%get3A_179] {strides = array<i32>} : memref<5120xi32, #tpu.memory_space<vmem>>, vector<16xi32>,
        %gather3A_181 = tpu.vector_load_idx %arg7[%get3A_180] : memref<81920xf32, #tpu.memory_space<vmem>>[vector<16xi32>], vector<16xf32>,
        %swap3A_182 = arith.index_cast %add3A_178 : i32 to index
        %swap3A_183 = tpu.vector_load %arg13[%swap3A_182] {strides = array<i32>} : memref<5120xf32, #tpu.memory_space<vmem>>, vector<16xf32>,
        tpu.vector_store %arg13[%swap3A_182], %gather3A_181 {strides = array<i32>} : memref<5120xf32, #tpu.memory_space<vmem>>, vector<16xf32>,
        %get3A_184 = arith.index_cast %add3A_178 : i32 to index
        %get3A_185 = tpu.vector_load %arg11[%get3A_184] {strides = array<i32>} : memref<5120xi32, #tpu.memory_space<vmem>>, vector<16xi32>,
        %gather3A_186 = tpu.vector_load_idx %arg7[%get3A_185] : memref<81920xf32, #tpu.memory_space<vmem>>[vector<16xi32>], vector<16xf32>,
        %swap3A_187 = arith.index_cast %add3A_178 : i32 to index
        %swap3A_188 = tpu.vector_load %arg15[%swap3A_187] {strides = array<i32>} : memref<5120xf32, #tpu.memory_space<vmem>>, vector<16xf32>,
        tpu.vector_store %arg15[%swap3A_187], %gather3A_186 {strides = array<i32>} : memref<5120xf32, #tpu.memory_space<vmem>>, vector<16xf32>,
        %add3A_189 = arith.constant 48 : i32
        %add3A_190 = arith.addi %mul3A_155, %add3A_189 : i32
        %get3A_191 = arith.index_cast %add3A_190 : i32 to index
        %get3A_192 = tpu.vector_load %arg9[%get3A_191] {strides = array<i32>} : memref<5120xi32, #tpu.memory_space<vmem>>, vector<16xi32>,
        %gather3A_193 = tpu.vector_load_idx %arg7[%get3A_192] : memref<81920xf32, #tpu.memory_space<vmem>>[vector<16xi32>], vector<16xf32>,
        %swap3A_194 = arith.index_cast %add3A_190 : i32 to index
        %swap3A_195 = tpu.vector_load %arg13[%swap3A_194] {strides = array<i32>} : memref<5120xf32, #tpu.memory_space<vmem>>, vector<16xf32>,
        tpu.vector_store %arg13[%swap3A_194], %gather3A_193 {strides = array<i32>} : memref<5120xf32, #tpu.memory_space<vmem>>, vector<16xf32>,
        %get3A_196 = arith.index_cast %add3A_190 : i32 to index
        %get3A_197 = tpu.vector_load %arg11[%get3A_196] {strides = array<i32>} : memref<5120xi32, #tpu.memory_space<vmem>>, vector<16xi32>,
        %gather3A_198 = tpu.vector_load_idx %arg7[%get3A_197] : memref<81920xf32, #tpu.memory_space<vmem>>[vector<16xi32>], vector<16xf32>,
        %swap3A_199 = arith.index_cast %add3A_190 : i32 to index
        %swap3A_200 = tpu.vector_load %arg15[%swap3A_199] {strides = array<i32>} : memref<5120xf32, #tpu.memory_space<vmem>>, vector<16xf32>,
        tpu.vector_store %arg15[%swap3A_199], %gather3A_198 {strides = array<i32>} : memref<5120xf32, #tpu.memory_space<vmem>>, vector<16xf32>,
        %scan3A_201 = arith.constant 0 : i32
        scf.yield %scan3A_201 : i32
      }
      %scan3A_137 = arith.constant 80 : i32
      %mul3A_138 = arith.constant 5120 : i32
      %mul3A_139 = arith.muli %add3A_106, %mul3A_138 : i32
      %add3A_140 = arith.addi %mul3A_4, %mul3A_139 : i32
      %dma_start3A_141 = arith.constant 1 : i32
      %dma_start3A_142 = tpu.memref_slice %arg5[%add3A_140] : memref<40960000xf32, #tpu.memory_space<hbm>> -> memref<5120xf32, #tpu.memory_space<hbm>>
      %dma_start3A_143 = tpu.memref_slice %arg19[%dma_start3A_141] : memref<2x!tpu.dma_semaphore, #tpu.memory_space<semaphore_mem>> -> memref<1x!tpu.dma_semaphore, #tpu.memory_space<semaphore_mem>>
      %dma_start3A_144 = tpu.memref_squeeze %dma_start3A_143 : memref<1x!tpu.dma_semaphore, #tpu.memory_space<semaphore_mem>> -> memref<!tpu.dma_semaphore, #tpu.memory_space<semaphore_mem>>
      %dma_start3A_145 = tpu.memref_slice %arg5[%add3A_140] : memref<40960000xf32, #tpu.memory_space<hbm>> -> memref<5120xf32, #tpu.memory_space<hbm>>
      tpu.enqueue_dma source(%arg13 : memref<5120xf32, #tpu.memory_space<vmem>>) target(%dma_start3A_145 : memref<5120xf32, #tpu.memory_space<hbm>>) target_semaphore(%dma_start3A_144 : memref<!tpu.dma_semaphore, #tpu.memory_space<semaphore_mem>>)
      %dma_start3A_146 = arith.constant 1 : i32
      %dma_start3A_147 = tpu.memref_slice %arg6[%add3A_140] : memref<40960000xf32, #tpu.memory_space<hbm>> -> memref<5120xf32, #tpu.memory_space<hbm>>
      %dma_start3A_148 = tpu.memref_slice %arg20[%dma_start3A_146] : memref<2x!tpu.dma_semaphore, #tpu.memory_space<semaphore_mem>> -> memref<1x!tpu.dma_semaphore, #tpu.memory_space<semaphore_mem>>
      %dma_start3A_149 = tpu.memref_squeeze %dma_start3A_148 : memref<1x!tpu.dma_semaphore, #tpu.memory_space<semaphore_mem>> -> memref<!tpu.dma_semaphore, #tpu.memory_space<semaphore_mem>>
      %dma_start3A_150 = tpu.memref_slice %arg6[%add3A_140] : memref<40960000xf32, #tpu.memory_space<hbm>> -> memref<5120xf32, #tpu.memory_space<hbm>>
      tpu.enqueue_dma source(%arg15 : memref<5120xf32, #tpu.memory_space<vmem>>) target(%dma_start3A_150 : memref<5120xf32, #tpu.memory_space<hbm>>) target_semaphore(%dma_start3A_149 : memref<!tpu.dma_semaphore, #tpu.memory_space<semaphore_mem>>)
      %scan3A_151 = arith.constant 0 : i32
      scf.yield %scan3A_151 : i32
    }
    %scan3A_28 = arith.constant 125 : i32
    %dma_wait3A_29 = arith.constant 0 : i32
    %dma_wait3A_30 = arith.constant 0 : i32
    %dma_wait3A_31 = tpu.memref_slice %arg5[%dma_wait3A_30] : memref<40960000xf32, #tpu.memory_space<hbm>> -> memref<5120xf32, #tpu.memory_space<hbm>>
    %dma_wait3A_32 = tpu.memref_slice %arg19[%dma_wait3A_29] : memref<2x!tpu.dma_semaphore, #tpu.memory_space<semaphore_mem>> -> memref<1x!tpu.dma_semaphore, #tpu.memory_space<semaphore_mem>>
    %dma_wait3A_33 = tpu.memref_squeeze %dma_wait3A_32 : memref<1x!tpu.dma_semaphore, #tpu.memory_space<semaphore_mem>> -> memref<!tpu.dma_semaphore, #tpu.memory_space<semaphore_mem>>
    %dma_wait3A_34 = arith.constant 0 : i32
    %dma_wait3A_35 = tpu.memref_slice %arg5[%dma_wait3A_34] : memref<40960000xf32, #tpu.memory_space<hbm>> -> memref<5120xf32, #tpu.memory_space<hbm>>
    tpu.wait_dma2 semaphore(%dma_wait3A_33 : memref<!tpu.dma_semaphore, #tpu.memory_space<semaphore_mem>>) src(%arg12 : memref<5120xf32, #tpu.memory_space<vmem>>) dst(%dma_wait3A_35 : memref<5120xf32, #tpu.memory_space<hbm>>)
    %dma_wait3A_36 = arith.constant 0 : i32
    %dma_wait3A_37 = arith.constant 0 : i32
    %dma_wait3A_38 = tpu.memref_slice %arg6[%dma_wait3A_37] : memref<40960000xf32, #tpu.memory_space<hbm>> -> memref<5120xf32, #tpu.memory_space<hbm>>
    %dma_wait3A_39 = tpu.memref_slice %arg20[%dma_wait3A_36] : memref<2x!tpu.dma_semaphore, #tpu.memory_space<semaphore_mem>> -> memref<1x!tpu.dma_semaphore, #tpu.memory_space<semaphore_mem>>
    %dma_wait3A_40 = tpu.memref_squeeze %dma_wait3A_39 : memref<1x!tpu.dma_semaphore, #tpu.memory_space<semaphore_mem>> -> memref<!tpu.dma_semaphore, #tpu.memory_space<semaphore_mem>>
    %dma_wait3A_41 = arith.constant 0 : i32
    %dma_wait3A_42 = tpu.memref_slice %arg6[%dma_wait3A_41] : memref<40960000xf32, #tpu.memory_space<hbm>> -> memref<5120xf32, #tpu.memory_space<hbm>>
    tpu.wait_dma2 semaphore(%dma_wait3A_40 : memref<!tpu.dma_semaphore, #tpu.memory_space<semaphore_mem>>) src(%arg14 : memref<5120xf32, #tpu.memory_space<vmem>>) dst(%dma_wait3A_42 : memref<5120xf32, #tpu.memory_space<hbm>>)
    %dma_wait3A_43 = arith.constant 1 : i32
    %dma_wait3A_44 = arith.constant 0 : i32
    %dma_wait3A_45 = tpu.memref_slice %arg5[%dma_wait3A_44] : memref<40960000xf32, #tpu.memory_space<hbm>> -> memref<5120xf32, #tpu.memory_space<hbm>>
    %dma_wait3A_46 = tpu.memref_slice %arg19[%dma_wait3A_43] : memref<2x!tpu.dma_semaphore, #tpu.memory_space<semaphore_mem>> -> memref<1x!tpu.dma_semaphore, #tpu.memory_space<semaphore_mem>>
    %dma_wait3A_47 = tpu.memref_squeeze %dma_wait3A_46 : memref<1x!tpu.dma_semaphore, #tpu.memory_space<semaphore_mem>> -> memref<!tpu.dma_semaphore, #tpu.memory_space<semaphore_mem>>
    %dma_wait3A_48 = arith.constant 0 : i32
    %dma_wait3A_49 = tpu.memref_slice %arg5[%dma_wait3A_48] : memref<40960000xf32, #tpu.memory_space<hbm>> -> memref<5120xf32, #tpu.memory_space<hbm>>
    tpu.wait_dma2 semaphore(%dma_wait3A_47 : memref<!tpu.dma_semaphore, #tpu.memory_space<semaphore_mem>>) src(%arg13 : memref<5120xf32, #tpu.memory_space<vmem>>) dst(%dma_wait3A_49 : memref<5120xf32, #tpu.memory_space<hbm>>)
    %dma_wait3A_50 = arith.constant 1 : i32
    %dma_wait3A_51 = arith.constant 0 : i32
    %dma_wait3A_52 = tpu.memref_slice %arg6[%dma_wait3A_51] : memref<40960000xf32, #tpu.memory_space<hbm>> -> memref<5120xf32, #tpu.memory_space<hbm>>
    %dma_wait3A_53 = tpu.memref_slice %arg20[%dma_wait3A_50] : memref<2x!tpu.dma_semaphore, #tpu.memory_space<semaphore_mem>> -> memref<1x!tpu.dma_semaphore, #tpu.memory_space<semaphore_mem>>
    %dma_wait3A_54 = tpu.memref_squeeze %dma_wait3A_53 : memref<1x!tpu.dma_semaphore, #tpu.memory_space<semaphore_mem>> -> memref<!tpu.dma_semaphore, #tpu.memory_space<semaphore_mem>>
    %dma_wait3A_55 = arith.constant 0 : i32
    %dma_wait3A_56 = tpu.memref_slice %arg6[%dma_wait3A_55] : memref<40960000xf32, #tpu.memory_space<hbm>> -> memref<5120xf32, #tpu.memory_space<hbm>>
    tpu.wait_dma2 semaphore(%dma_wait3A_54 : memref<!tpu.dma_semaphore, #tpu.memory_space<semaphore_mem>>) src(%arg15 : memref<5120xf32, #tpu.memory_space<vmem>>) dst(%dma_wait3A_56 : memref<5120xf32, #tpu.memory_space<hbm>>)
    return
  }
}

#map = affine_map<(d0, d1) -> (0)>
module attributes {stable_mosaic.version = 14 : i64} {
  func.func @body(%arg0: i32, %arg1: i32, %arg2: memref<40960000xf32, #tpu.memory_space<hbm>>, %arg3: memref<40960000xi32, #tpu.memory_space<hbm>>, %arg4: memref<2621440xf32, #tpu.memory_space<hbm>>, %arg5: memref<81920xf32, #tpu.memory_space<vmem>>, %arg6: memref<5120xi32, #tpu.memory_space<vmem>>, %arg7: memref<5120xi32, #tpu.memory_space<vmem>>, %arg8: memref<5120xf32, #tpu.memory_space<vmem>>, %arg9: memref<5120xf32, #tpu.memory_space<vmem>>, %arg10: memref<2x!tpu.dma_semaphore, #tpu.memory_space<semaphore_mem>>, %arg11: memref<2x!tpu.dma_semaphore, #tpu.memory_space<semaphore_mem>>) attributes {dimension_semantics = [#tpu.dimension_semantics<core_parallel>, #tpu.dimension_semantics<subcore_parallel>], iteration_bounds = array<i64: 2, 16>, scalar_prefetch = 0 : i64, scratch_operands = 7 : i64, tpu.core_type = #tpu.core_type<sc_vector_subcore>, window_params = [{transform_indices = #map}, {transform_indices = #map}, {transform_indices = #map}]} {
    %mul3A = arith.constant 2 : i32
    %mul3A_0 = arith.muli %arg1, %mul3A : i32
    %add3A = arith.addi %mul3A_0, %arg0 : i32
    %mul3A_1 = arith.constant 250 : i32
    %mul3A_2 = arith.muli %add3A, %mul3A_1 : i32
    %mul3A_3 = arith.constant 5120 : i32
    %mul3A_4 = arith.muli %mul3A_2, %mul3A_3 : i32
    %add3A_5 = arith.constant 0 : i32
    %add3A_6 = arith.addi %mul3A_4, %add3A_5 : i32
    %dma_start3A = arith.constant 0 : i32
    %dma_start3A_7 = tpu.memref_slice %arg3[%add3A_6] : memref<40960000xi32, #tpu.memory_space<hbm>> -> memref<5120xi32, #tpu.memory_space<hbm>>
    %dma_start3A_8 = tpu.memref_slice %arg10[%dma_start3A] : memref<2x!tpu.dma_semaphore, #tpu.memory_space<semaphore_mem>> -> memref<1x!tpu.dma_semaphore, #tpu.memory_space<semaphore_mem>>
    %dma_start3A_9 = tpu.memref_squeeze %dma_start3A_8 : memref<1x!tpu.dma_semaphore, #tpu.memory_space<semaphore_mem>> -> memref<!tpu.dma_semaphore, #tpu.memory_space<semaphore_mem>>
    %dma_start3A_10 = tpu.memref_slice %arg3[%add3A_6] : memref<40960000xi32, #tpu.memory_space<hbm>> -> memref<5120xi32, #tpu.memory_space<hbm>>
    tpu.enqueue_dma source(%dma_start3A_10 : memref<5120xi32, #tpu.memory_space<hbm>>) target(%arg6 : memref<5120xi32, #tpu.memory_space<vmem>>) target_semaphore(%dma_start3A_9 : memref<!tpu.dma_semaphore, #tpu.memory_space<semaphore_mem>>)
    %dma_start3A_11 = arith.constant 0 : i32
    %dma_start3A_12 = tpu.memref_slice %arg2[%add3A_6] : memref<40960000xf32, #tpu.memory_space<hbm>> -> memref<5120xf32, #tpu.memory_space<hbm>>
    %dma_start3A_13 = tpu.memref_slice %arg11[%dma_start3A_11] : memref<2x!tpu.dma_semaphore, #tpu.memory_space<semaphore_mem>> -> memref<1x!tpu.dma_semaphore, #tpu.memory_space<semaphore_mem>>
    %dma_start3A_14 = tpu.memref_squeeze %dma_start3A_13 : memref<1x!tpu.dma_semaphore, #tpu.memory_space<semaphore_mem>> -> memref<!tpu.dma_semaphore, #tpu.memory_space<semaphore_mem>>
    %dma_start3A_15 = tpu.memref_slice %arg2[%add3A_6] : memref<40960000xf32, #tpu.memory_space<hbm>> -> memref<5120xf32, #tpu.memory_space<hbm>>
    tpu.enqueue_dma source(%dma_start3A_15 : memref<5120xf32, #tpu.memory_space<hbm>>) target(%arg8 : memref<5120xf32, #tpu.memory_space<vmem>>) target_semaphore(%dma_start3A_14 : memref<!tpu.dma_semaphore, #tpu.memory_space<semaphore_mem>>)
    %scan3A = arith.constant 0 : i32
    %scan3A_16 = arith.constant 0 : i32
    %scan3A_17 = arith.constant 5120 : i32
    %scan3A_18 = arith.addi %scan3A_16, %scan3A_17 : i32
    %scan3A_19 = arith.constant 1 : i32
    %scan3A_20 = scf.for %scan3A_31 = %scan3A_16 to %scan3A_18 step %scan3A_19 iter_args(%scan3A_32 = %scan3A) -> (i32)  : i32 {
      %broadcast_in_dim3A = arith.constant 0.000000e+00 : f32
      %broadcast_in_dim3A_33 = vector.broadcast %broadcast_in_dim3A : f32 to vector<16xf32>
      %mul3A_34 = arith.constant 16 : i32
      %mul3A_35 = arith.muli %scan3A_31, %mul3A_34 : i32
      %swap3A = arith.index_cast %mul3A_35 : i32 to index
      %swap3A_36 = tpu.vector_load %arg5[%swap3A] {strides = array<i32>} : memref<81920xf32, #tpu.memory_space<vmem>>, vector<16xf32>,
      tpu.vector_store %arg5[%swap3A], %broadcast_in_dim3A_33 {strides = array<i32>} : memref<81920xf32, #tpu.memory_space<vmem>>, vector<16xf32>,
      %scan3A_37 = arith.constant 0 : i32
      scf.yield %scan3A_37 : i32
    }
    %scan3A_21 = arith.constant 5120 : i32
    %scan3A_22 = arith.constant 0 : i32
    %scan3A_23 = arith.constant 0 : i32
    %scan3A_24 = arith.constant 125 : i32
    %scan3A_25 = arith.addi %scan3A_23, %scan3A_24 : i32
    %scan3A_26 = arith.constant 1 : i32
    %scan3A_27 = scf.for %scan3A_31 = %scan3A_23 to %scan3A_25 step %scan3A_26 iter_args(%scan3A_32 = %scan3A_22) -> (i32)  : i32 {
      %mul3A_33 = arith.constant 2 : i32
      %mul3A_34 = arith.muli %scan3A_31, %mul3A_33 : i32
      %add3A_35 = arith.constant 0 : i32
      %add3A_36 = arith.addi %mul3A_34, %add3A_35 : i32
      %dma_wait3A = arith.constant 0 : i32
      %dma_wait3A_37 = arith.constant 0 : i32
      %dma_wait3A_38 = tpu.memref_slice %arg3[%dma_wait3A_37] : memref<40960000xi32, #tpu.memory_space<hbm>> -> memref<5120xi32, #tpu.memory_space<hbm>>
      %dma_wait3A_39 = tpu.memref_slice %arg10[%dma_wait3A] : memref<2x!tpu.dma_semaphore, #tpu.memory_space<semaphore_mem>> -> memref<1x!tpu.dma_semaphore, #tpu.memory_space<semaphore_mem>>
      %dma_wait3A_40 = tpu.memref_squeeze %dma_wait3A_39 : memref<1x!tpu.dma_semaphore, #tpu.memory_space<semaphore_mem>> -> memref<!tpu.dma_semaphore, #tpu.memory_space<semaphore_mem>>
      %dma_wait3A_41 = arith.constant 0 : i32
      %dma_wait3A_42 = tpu.memref_slice %arg3[%dma_wait3A_41] : memref<40960000xi32, #tpu.memory_space<hbm>> -> memref<5120xi32, #tpu.memory_space<hbm>>
      tpu.wait_dma2 semaphore(%dma_wait3A_40 : memref<!tpu.dma_semaphore, #tpu.memory_space<semaphore_mem>>) src(%dma_wait3A_42 : memref<5120xi32, #tpu.memory_space<hbm>>) dst(%arg6 : memref<5120xi32, #tpu.memory_space<vmem>>)
      %dma_wait3A_43 = arith.constant 0 : i32
      %dma_wait3A_44 = arith.constant 0 : i32
      %dma_wait3A_45 = tpu.memref_slice %arg2[%dma_wait3A_44] : memref<40960000xf32, #tpu.memory_space<hbm>> -> memref<5120xf32, #tpu.memory_space<hbm>>
      %dma_wait3A_46 = tpu.memref_slice %arg11[%dma_wait3A_43] : memref<2x!tpu.dma_semaphore, #tpu.memory_space<semaphore_mem>> -> memref<1x!tpu.dma_semaphore, #tpu.memory_space<semaphore_mem>>
      %dma_wait3A_47 = tpu.memref_squeeze %dma_wait3A_46 : memref<1x!tpu.dma_semaphore, #tpu.memory_space<semaphore_mem>> -> memref<!tpu.dma_semaphore, #tpu.memory_space<semaphore_mem>>
      %dma_wait3A_48 = arith.constant 0 : i32
      %dma_wait3A_49 = tpu.memref_slice %arg2[%dma_wait3A_48] : memref<40960000xf32, #tpu.memory_space<hbm>> -> memref<5120xf32, #tpu.memory_space<hbm>>
      tpu.wait_dma2 semaphore(%dma_wait3A_47 : memref<!tpu.dma_semaphore, #tpu.memory_space<semaphore_mem>>) src(%dma_wait3A_49 : memref<5120xf32, #tpu.memory_space<hbm>>) dst(%arg8 : memref<5120xf32, #tpu.memory_space<vmem>>)
      %lt3A = arith.constant 249 : i32
      %lt3A_50 = arith.cmpi slt, %add3A_36, %lt3A : i32
      %convert_element_type3A = arith.extui %lt3A_50 : i1 to i32
      %cond3A = arith.constant 0 : i32
      %cond3A_51 = arith.cmpi ne, %convert_element_type3A, %cond3A : i32
      scf.if %cond3A_51 {
        %add3A_90 = arith.constant 1 : i32
        %add3A_91 = arith.addi %add3A_36, %add3A_90 : i32
        %mul3A_92 = arith.constant 5120 : i32
        %mul3A_93 = arith.muli %add3A_91, %mul3A_92 : i32
        %add3A_94 = arith.addi %mul3A_4, %mul3A_93 : i32
        %dma_start3A_95 = arith.constant 1 : i32
        %dma_start3A_96 = tpu.memref_slice %arg3[%add3A_94] : memref<40960000xi32, #tpu.memory_space<hbm>> -> memref<5120xi32, #tpu.memory_space<hbm>>
        %dma_start3A_97 = tpu.memref_slice %arg10[%dma_start3A_95] : memref<2x!tpu.dma_semaphore, #tpu.memory_space<semaphore_mem>> -> memref<1x!tpu.dma_semaphore, #tpu.memory_space<semaphore_mem>>
        %dma_start3A_98 = tpu.memref_squeeze %dma_start3A_97 : memref<1x!tpu.dma_semaphore, #tpu.memory_space<semaphore_mem>> -> memref<!tpu.dma_semaphore, #tpu.memory_space<semaphore_mem>>
        %dma_start3A_99 = tpu.memref_slice %arg3[%add3A_94] : memref<40960000xi32, #tpu.memory_space<hbm>> -> memref<5120xi32, #tpu.memory_space<hbm>>
        tpu.enqueue_dma source(%dma_start3A_99 : memref<5120xi32, #tpu.memory_space<hbm>>) target(%arg7 : memref<5120xi32, #tpu.memory_space<vmem>>) target_semaphore(%dma_start3A_98 : memref<!tpu.dma_semaphore, #tpu.memory_space<semaphore_mem>>)
        %dma_start3A_100 = arith.constant 1 : i32
        %dma_start3A_101 = tpu.memref_slice %arg2[%add3A_94] : memref<40960000xf32, #tpu.memory_space<hbm>> -> memref<5120xf32, #tpu.memory_space<hbm>>
        %dma_start3A_102 = tpu.memref_slice %arg11[%dma_start3A_100] : memref<2x!tpu.dma_semaphore, #tpu.memory_space<semaphore_mem>> -> memref<1x!tpu.dma_semaphore, #tpu.memory_space<semaphore_mem>>
        %dma_start3A_103 = tpu.memref_squeeze %dma_start3A_102 : memref<1x!tpu.dma_semaphore, #tpu.memory_space<semaphore_mem>> -> memref<!tpu.dma_semaphore, #tpu.memory_space<semaphore_mem>>
        %dma_start3A_104 = tpu.memref_slice %arg2[%add3A_94] : memref<40960000xf32, #tpu.memory_space<hbm>> -> memref<5120xf32, #tpu.memory_space<hbm>>
        tpu.enqueue_dma source(%dma_start3A_104 : memref<5120xf32, #tpu.memory_space<hbm>>) target(%arg9 : memref<5120xf32, #tpu.memory_space<vmem>>) target_semaphore(%dma_start3A_103 : memref<!tpu.dma_semaphore, #tpu.memory_space<semaphore_mem>>)
      } else {
      }
      %scan3A_52 = arith.constant 0 : i32
      %scan3A_53 = arith.constant 0 : i32
      %scan3A_54 = arith.constant 80 : i32
      %scan3A_55 = arith.addi %scan3A_53, %scan3A_54 : i32
      %scan3A_56 = arith.constant 1 : i32
      %scan3A_57 = scf.for %scan3A_90 = %scan3A_53 to %scan3A_55 step %scan3A_56 iter_args(%scan3A_91 = %scan3A_52) -> (i32)  : i32 {
        %mul3A_92 = arith.constant 64 : i32
        %mul3A_93 = arith.muli %scan3A_90, %mul3A_92 : i32
        %add3A_94 = arith.constant 0 : i32
        %add3A_95 = arith.addi %mul3A_93, %add3A_94 : i32
        %get3A = arith.index_cast %add3A_95 : i32 to index
        %get3A_96 = tpu.vector_load %arg6[%get3A] {strides = array<i32>} : memref<5120xi32, #tpu.memory_space<vmem>>, vector<16xi32>,
        %get3A_97 = arith.index_cast %add3A_95 : i32 to index
        %get3A_98 = tpu.vector_load %arg8[%get3A_97] {strides = array<i32>} : memref<5120xf32, #tpu.memory_space<vmem>>, vector<16xf32>,
        tpu.vector_store_idx %arg5[%get3A_96], %get3A_98 {add = true} : memref<81920xf32, #tpu.memory_space<vmem>>[vector<16xi32>], vector<16xf32>,
        %add3A_99 = arith.constant 16 : i32
        %add3A_100 = arith.addi %mul3A_93, %add3A_99 : i32
        %get3A_101 = arith.index_cast %add3A_100 : i32 to index
        %get3A_102 = tpu.vector_load %arg6[%get3A_101] {strides = array<i32>} : memref<5120xi32, #tpu.memory_space<vmem>>, vector<16xi32>,
        %get3A_103 = arith.index_cast %add3A_100 : i32 to index
        %get3A_104 = tpu.vector_load %arg8[%get3A_103] {strides = array<i32>} : memref<5120xf32, #tpu.memory_space<vmem>>, vector<16xf32>,
        tpu.vector_store_idx %arg5[%get3A_102], %get3A_104 {add = true} : memref<81920xf32, #tpu.memory_space<vmem>>[vector<16xi32>], vector<16xf32>,
        %add3A_105 = arith.constant 32 : i32
        %add3A_106 = arith.addi %mul3A_93, %add3A_105 : i32
        %get3A_107 = arith.index_cast %add3A_106 : i32 to index
        %get3A_108 = tpu.vector_load %arg6[%get3A_107] {strides = array<i32>} : memref<5120xi32, #tpu.memory_space<vmem>>, vector<16xi32>,
        %get3A_109 = arith.index_cast %add3A_106 : i32 to index
        %get3A_110 = tpu.vector_load %arg8[%get3A_109] {strides = array<i32>} : memref<5120xf32, #tpu.memory_space<vmem>>, vector<16xf32>,
        tpu.vector_store_idx %arg5[%get3A_108], %get3A_110 {add = true} : memref<81920xf32, #tpu.memory_space<vmem>>[vector<16xi32>], vector<16xf32>,
        %add3A_111 = arith.constant 48 : i32
        %add3A_112 = arith.addi %mul3A_93, %add3A_111 : i32
        %get3A_113 = arith.index_cast %add3A_112 : i32 to index
        %get3A_114 = tpu.vector_load %arg6[%get3A_113] {strides = array<i32>} : memref<5120xi32, #tpu.memory_space<vmem>>, vector<16xi32>,
        %get3A_115 = arith.index_cast %add3A_112 : i32 to index
        %get3A_116 = tpu.vector_load %arg8[%get3A_115] {strides = array<i32>} : memref<5120xf32, #tpu.memory_space<vmem>>, vector<16xf32>,
        tpu.vector_store_idx %arg5[%get3A_114], %get3A_116 {add = true} : memref<81920xf32, #tpu.memory_space<vmem>>[vector<16xi32>], vector<16xf32>,
        %scan3A_117 = arith.constant 0 : i32
        scf.yield %scan3A_117 : i32
      }
      %scan3A_58 = arith.constant 80 : i32
      %mul3A_59 = arith.constant 2 : i32
      %mul3A_60 = arith.muli %scan3A_31, %mul3A_59 : i32
      %add3A_61 = arith.constant 1 : i32
      %add3A_62 = arith.addi %mul3A_60, %add3A_61 : i32
      %dma_wait3A_63 = arith.constant 1 : i32
      %dma_wait3A_64 = arith.constant 0 : i32
      %dma_wait3A_65 = tpu.memref_slice %arg3[%dma_wait3A_64] : memref<40960000xi32, #tpu.memory_space<hbm>> -> memref<5120xi32, #tpu.memory_space<hbm>>
      %dma_wait3A_66 = tpu.memref_slice %arg10[%dma_wait3A_63] : memref<2x!tpu.dma_semaphore, #tpu.memory_space<semaphore_mem>> -> memref<1x!tpu.dma_semaphore, #tpu.memory_space<semaphore_mem>>
      %dma_wait3A_67 = tpu.memref_squeeze %dma_wait3A_66 : memref<1x!tpu.dma_semaphore, #tpu.memory_space<semaphore_mem>> -> memref<!tpu.dma_semaphore, #tpu.memory_space<semaphore_mem>>
      %dma_wait3A_68 = arith.constant 0 : i32
      %dma_wait3A_69 = tpu.memref_slice %arg3[%dma_wait3A_68] : memref<40960000xi32, #tpu.memory_space<hbm>> -> memref<5120xi32, #tpu.memory_space<hbm>>
      tpu.wait_dma2 semaphore(%dma_wait3A_67 : memref<!tpu.dma_semaphore, #tpu.memory_space<semaphore_mem>>) src(%dma_wait3A_69 : memref<5120xi32, #tpu.memory_space<hbm>>) dst(%arg7 : memref<5120xi32, #tpu.memory_space<vmem>>)
      %dma_wait3A_70 = arith.constant 1 : i32
      %dma_wait3A_71 = arith.constant 0 : i32
      %dma_wait3A_72 = tpu.memref_slice %arg2[%dma_wait3A_71] : memref<40960000xf32, #tpu.memory_space<hbm>> -> memref<5120xf32, #tpu.memory_space<hbm>>
      %dma_wait3A_73 = tpu.memref_slice %arg11[%dma_wait3A_70] : memref<2x!tpu.dma_semaphore, #tpu.memory_space<semaphore_mem>> -> memref<1x!tpu.dma_semaphore, #tpu.memory_space<semaphore_mem>>
      %dma_wait3A_74 = tpu.memref_squeeze %dma_wait3A_73 : memref<1x!tpu.dma_semaphore, #tpu.memory_space<semaphore_mem>> -> memref<!tpu.dma_semaphore, #tpu.memory_space<semaphore_mem>>
      %dma_wait3A_75 = arith.constant 0 : i32
      %dma_wait3A_76 = tpu.memref_slice %arg2[%dma_wait3A_75] : memref<40960000xf32, #tpu.memory_space<hbm>> -> memref<5120xf32, #tpu.memory_space<hbm>>
      tpu.wait_dma2 semaphore(%dma_wait3A_74 : memref<!tpu.dma_semaphore, #tpu.memory_space<semaphore_mem>>) src(%dma_wait3A_76 : memref<5120xf32, #tpu.memory_space<hbm>>) dst(%arg9 : memref<5120xf32, #tpu.memory_space<vmem>>)
      %lt3A_77 = arith.constant 249 : i32
      %lt3A_78 = arith.cmpi slt, %add3A_62, %lt3A_77 : i32
      %convert_element_type3A_79 = arith.extui %lt3A_78 : i1 to i32
      %cond3A_80 = arith.constant 0 : i32
      %cond3A_81 = arith.cmpi ne, %convert_element_type3A_79, %cond3A_80 : i32
      scf.if %cond3A_81 {
        %add3A_90 = arith.constant 1 : i32
        %add3A_91 = arith.addi %add3A_62, %add3A_90 : i32
        %mul3A_92 = arith.constant 5120 : i32
        %mul3A_93 = arith.muli %add3A_91, %mul3A_92 : i32
        %add3A_94 = arith.addi %mul3A_4, %mul3A_93 : i32
        %dma_start3A_95 = arith.constant 0 : i32
        %dma_start3A_96 = tpu.memref_slice %arg3[%add3A_94] : memref<40960000xi32, #tpu.memory_space<hbm>> -> memref<5120xi32, #tpu.memory_space<hbm>>
        %dma_start3A_97 = tpu.memref_slice %arg10[%dma_start3A_95] : memref<2x!tpu.dma_semaphore, #tpu.memory_space<semaphore_mem>> -> memref<1x!tpu.dma_semaphore, #tpu.memory_space<semaphore_mem>>
        %dma_start3A_98 = tpu.memref_squeeze %dma_start3A_97 : memref<1x!tpu.dma_semaphore, #tpu.memory_space<semaphore_mem>> -> memref<!tpu.dma_semaphore, #tpu.memory_space<semaphore_mem>>
        %dma_start3A_99 = tpu.memref_slice %arg3[%add3A_94] : memref<40960000xi32, #tpu.memory_space<hbm>> -> memref<5120xi32, #tpu.memory_space<hbm>>
        tpu.enqueue_dma source(%dma_start3A_99 : memref<5120xi32, #tpu.memory_space<hbm>>) target(%arg6 : memref<5120xi32, #tpu.memory_space<vmem>>) target_semaphore(%dma_start3A_98 : memref<!tpu.dma_semaphore, #tpu.memory_space<semaphore_mem>>)
        %dma_start3A_100 = arith.constant 0 : i32
        %dma_start3A_101 = tpu.memref_slice %arg2[%add3A_94] : memref<40960000xf32, #tpu.memory_space<hbm>> -> memref<5120xf32, #tpu.memory_space<hbm>>
        %dma_start3A_102 = tpu.memref_slice %arg11[%dma_start3A_100] : memref<2x!tpu.dma_semaphore, #tpu.memory_space<semaphore_mem>> -> memref<1x!tpu.dma_semaphore, #tpu.memory_space<semaphore_mem>>
        %dma_start3A_103 = tpu.memref_squeeze %dma_start3A_102 : memref<1x!tpu.dma_semaphore, #tpu.memory_space<semaphore_mem>> -> memref<!tpu.dma_semaphore, #tpu.memory_space<semaphore_mem>>
        %dma_start3A_104 = tpu.memref_slice %arg2[%add3A_94] : memref<40960000xf32, #tpu.memory_space<hbm>> -> memref<5120xf32, #tpu.memory_space<hbm>>
        tpu.enqueue_dma source(%dma_start3A_104 : memref<5120xf32, #tpu.memory_space<hbm>>) target(%arg8 : memref<5120xf32, #tpu.memory_space<vmem>>) target_semaphore(%dma_start3A_103 : memref<!tpu.dma_semaphore, #tpu.memory_space<semaphore_mem>>)
      } else {
      }
      %scan3A_82 = arith.constant 0 : i32
      %scan3A_83 = arith.constant 0 : i32
      %scan3A_84 = arith.constant 80 : i32
      %scan3A_85 = arith.addi %scan3A_83, %scan3A_84 : i32
      %scan3A_86 = arith.constant 1 : i32
      %scan3A_87 = scf.for %scan3A_90 = %scan3A_83 to %scan3A_85 step %scan3A_86 iter_args(%scan3A_91 = %scan3A_82) -> (i32)  : i32 {
        %mul3A_92 = arith.constant 64 : i32
        %mul3A_93 = arith.muli %scan3A_90, %mul3A_92 : i32
        %add3A_94 = arith.constant 0 : i32
        %add3A_95 = arith.addi %mul3A_93, %add3A_94 : i32
        %get3A = arith.index_cast %add3A_95 : i32 to index
        %get3A_96 = tpu.vector_load %arg7[%get3A] {strides = array<i32>} : memref<5120xi32, #tpu.memory_space<vmem>>, vector<16xi32>,
        %get3A_97 = arith.index_cast %add3A_95 : i32 to index
        %get3A_98 = tpu.vector_load %arg9[%get3A_97] {strides = array<i32>} : memref<5120xf32, #tpu.memory_space<vmem>>, vector<16xf32>,
        tpu.vector_store_idx %arg5[%get3A_96], %get3A_98 {add = true} : memref<81920xf32, #tpu.memory_space<vmem>>[vector<16xi32>], vector<16xf32>,
        %add3A_99 = arith.constant 16 : i32
        %add3A_100 = arith.addi %mul3A_93, %add3A_99 : i32
        %get3A_101 = arith.index_cast %add3A_100 : i32 to index
        %get3A_102 = tpu.vector_load %arg7[%get3A_101] {strides = array<i32>} : memref<5120xi32, #tpu.memory_space<vmem>>, vector<16xi32>,
        %get3A_103 = arith.index_cast %add3A_100 : i32 to index
        %get3A_104 = tpu.vector_load %arg9[%get3A_103] {strides = array<i32>} : memref<5120xf32, #tpu.memory_space<vmem>>, vector<16xf32>,
        tpu.vector_store_idx %arg5[%get3A_102], %get3A_104 {add = true} : memref<81920xf32, #tpu.memory_space<vmem>>[vector<16xi32>], vector<16xf32>,
        %add3A_105 = arith.constant 32 : i32
        %add3A_106 = arith.addi %mul3A_93, %add3A_105 : i32
        %get3A_107 = arith.index_cast %add3A_106 : i32 to index
        %get3A_108 = tpu.vector_load %arg7[%get3A_107] {strides = array<i32>} : memref<5120xi32, #tpu.memory_space<vmem>>, vector<16xi32>,
        %get3A_109 = arith.index_cast %add3A_106 : i32 to index
        %get3A_110 = tpu.vector_load %arg9[%get3A_109] {strides = array<i32>} : memref<5120xf32, #tpu.memory_space<vmem>>, vector<16xf32>,
        tpu.vector_store_idx %arg5[%get3A_108], %get3A_110 {add = true} : memref<81920xf32, #tpu.memory_space<vmem>>[vector<16xi32>], vector<16xf32>,
        %add3A_111 = arith.constant 48 : i32
        %add3A_112 = arith.addi %mul3A_93, %add3A_111 : i32
        %get3A_113 = arith.index_cast %add3A_112 : i32 to index
        %get3A_114 = tpu.vector_load %arg7[%get3A_113] {strides = array<i32>} : memref<5120xi32, #tpu.memory_space<vmem>>, vector<16xi32>,
        %get3A_115 = arith.index_cast %add3A_112 : i32 to index
        %get3A_116 = tpu.vector_load %arg9[%get3A_115] {strides = array<i32>} : memref<5120xf32, #tpu.memory_space<vmem>>, vector<16xf32>,
        tpu.vector_store_idx %arg5[%get3A_114], %get3A_116 {add = true} : memref<81920xf32, #tpu.memory_space<vmem>>[vector<16xi32>], vector<16xf32>,
        %scan3A_117 = arith.constant 0 : i32
        scf.yield %scan3A_117 : i32
      }
      %scan3A_88 = arith.constant 80 : i32
      %scan3A_89 = arith.constant 0 : i32
      scf.yield %scan3A_89 : i32
    }
    %scan3A_28 = arith.constant 125 : i32
    %mul3A_29 = arith.constant 81920 : i32
    %mul3A_30 = arith.muli %add3A, %mul3A_29 : i32
    "tpu.region"() ({
      %run_scoped3A = tpu.sem_alloc : memref<!tpu.dma_semaphore, #tpu.memory_space<semaphore_mem>>
      %dma_start3A_31 = tpu.memref_slice %arg4[%mul3A_30] : memref<2621440xf32, #tpu.memory_space<hbm>> -> memref<81920xf32, #tpu.memory_space<hbm>>
      %dma_start3A_32 = tpu.memref_slice %arg4[%mul3A_30] : memref<2621440xf32, #tpu.memory_space<hbm>> -> memref<81920xf32, #tpu.memory_space<hbm>>
      tpu.enqueue_dma source(%arg5 : memref<81920xf32, #tpu.memory_space<vmem>>) target(%dma_start3A_32 : memref<81920xf32, #tpu.memory_space<hbm>>) target_semaphore(%run_scoped3A : memref<!tpu.dma_semaphore, #tpu.memory_space<semaphore_mem>>)
      %dma_wait3A = tpu.memref_slice %arg4[%mul3A_30] : memref<2621440xf32, #tpu.memory_space<hbm>> -> memref<81920xf32, #tpu.memory_space<hbm>>
      %dma_wait3A_33 = tpu.memref_slice %arg4[%mul3A_30] : memref<2621440xf32, #tpu.memory_space<hbm>> -> memref<81920xf32, #tpu.memory_space<hbm>>
      tpu.wait_dma2 semaphore(%run_scoped3A : memref<!tpu.dma_semaphore, #tpu.memory_space<semaphore_mem>>) src(%arg5 : memref<81920xf32, #tpu.memory_space<vmem>>) dst(%dma_wait3A_33 : memref<81920xf32, #tpu.memory_space<hbm>>)
      tpu.yield
    }) : () -> ()
    return
  }
}

module attributes {stable_mosaic.version = 14 : i64} {
  func.func @_msg_body(%arg0: i32, %arg1: memref<32x1x8x640xf32, #tpu.memory_space<vmem>>, %arg2: memref<32x1x8x640xf32, #tpu.memory_space<vmem>>, %arg3: memref<256x256xbf16, #tpu.memory_space<vmem>>, %arg4: memref<256x256xbf16, #tpu.memory_space<vmem>>, %arg5: memref<256x1xf32, #tpu.memory_space<vmem>>, %arg6: memref<32x1x8x640xf32, #tpu.memory_space<vmem>>) attributes {dimension_semantics = [#tpu.dimension_semantics<arbitrary>], iteration_bounds = array<i64: 250>, scalar_prefetch = 0 : i64, scratch_operands = 0 : i64, tpu.core_type = #tpu.core_type<tc>, window_params = [{transform_indices = @transform_0, window_bounds = array<i64: 32, 1, 8, 640>}, {transform_indices = @transform_1, window_bounds = array<i64: 32, 1, 8, 640>}, {pipeline_mode = #tpu.pipeline_mode<synchronous>, transform_indices = @transform_2, window_bounds = array<i64: 256, 256>}, {pipeline_mode = #tpu.pipeline_mode<synchronous>, transform_indices = @transform_3, window_bounds = array<i64: 256, 256>}, {pipeline_mode = #tpu.pipeline_mode<synchronous>, transform_indices = @transform_4, window_bounds = array<i64: 256, 1>}, {transform_indices = @transform_5, window_bounds = array<i64: 32, 1, 8, 640>}]} {
    %get3A = arith.constant 0 : index
    %get3A_0 = arith.constant 0 : index
    %get3A_1 = arith.constant 0 : index
    %get3A_2 = arith.constant 0 : index
    %get3A_3 = vector.load %arg1[%get3A, %get3A_0, %get3A_1, %get3A_2] : memref<32x1x8x640xf32, #tpu.memory_space<vmem>>, vector<32x1x8x640xf32>
    %reshape3A = vector.shape_cast %get3A_3 : vector<32x1x8x640xf32> to vector<256x640xf32>
    %convert_element_type3A = arith.truncf %reshape3A : vector<256x640xf32> to vector<256x640xbf16>
    %get3A_4 = arith.constant 0 : index
    %get3A_5 = arith.constant 0 : index
    %get3A_6 = arith.constant 0 : index
    %get3A_7 = arith.constant 0 : index
    %get3A_8 = vector.load %arg2[%get3A_4, %get3A_5, %get3A_6, %get3A_7] : memref<32x1x8x640xf32, #tpu.memory_space<vmem>>, vector<32x1x8x640xf32>
    %reshape3A_9 = vector.shape_cast %get3A_8 : vector<32x1x8x640xf32> to vector<256x640xf32>
    %convert_element_type3A_10 = arith.truncf %reshape3A_9 : vector<256x640xf32> to vector<256x640xbf16>
    %get3A_11 = arith.constant 0 : index
    %get3A_12 = arith.constant 0 : index
    %get3A_13 = vector.load %arg3[%get3A_11, %get3A_12] : memref<256x256xbf16, #tpu.memory_space<vmem>>, vector<256x256xbf16>
    %dot_general3A = arith.constant dense<0.000000e+00> : vector<256x640xf32>
    %dot_general3A_14 = tpu.matmul %get3A_13, %convert_element_type3A, %dot_general3A {dimension_numbers = #tpu.dot_dimension_numbers<[1], [0], [0], [1], [0, 0, 1, 1], [], []>, transpose_lhs_hint = false} : vector<256x256xbf16>, vector<256x640xbf16>, vector<256x640xf32> -> vector<256x640xf32>
    %get3A_15 = arith.constant 0 : index
    %get3A_16 = arith.constant 0 : index
    %get3A_17 = vector.load %arg4[%get3A_15, %get3A_16] : memref<256x256xbf16, #tpu.memory_space<vmem>>, vector<256x256xbf16>
    %dot_general3A_18 = arith.constant dense<0.000000e+00> : vector<256x640xf32>
    %dot_general3A_19 = tpu.matmul %get3A_17, %convert_element_type3A_10, %dot_general3A_18 {dimension_numbers = #tpu.dot_dimension_numbers<[1], [0], [0], [1], [0, 0, 1, 1], [], []>, transpose_lhs_hint = false} : vector<256x256xbf16>, vector<256x640xbf16>, vector<256x640xf32> -> vector<256x640xf32>
    %add3A = arith.addf %dot_general3A_14, %dot_general3A_19 : vector<256x640xf32>
    %get3A_20 = arith.constant 0 : index
    %get3A_21 = arith.constant 0 : index
    %get3A_22 = vector.load %arg5[%get3A_20, %get3A_21] : memref<256x1xf32, #tpu.memory_space<vmem>>, vector<256x1xf32>
    %add3A_23 = vector.broadcast %get3A_22 : vector<256x1xf32> to vector<256x640xf32>
    %add3A_24 = arith.addf %add3A, %add3A_23 : vector<256x640xf32>
    %reshape3A_25 = vector.shape_cast %add3A_24 : vector<256x640xf32> to vector<32x1x8x640xf32>
    %swap3A = arith.constant 0 : index
    %swap3A_26 = arith.constant 0 : index
    %swap3A_27 = arith.constant 0 : index
    %swap3A_28 = arith.constant 0 : index
    %swap3A_29 = vector.load %arg6[%swap3A, %swap3A_26, %swap3A_27, %swap3A_28] : memref<32x1x8x640xf32, #tpu.memory_space<vmem>>, vector<32x1x8x640xf32>
    tpu.vector_store %arg6[%swap3A, %swap3A_26, %swap3A_27, %swap3A_28], %reshape3A_25 {strides = array<i32>} : memref<32x1x8x640xf32, #tpu.memory_space<vmem>>, vector<32x1x8x640xf32>,
    return
  }
  func.func @transform_0(%arg0: i32) -> (i32, i32, i32, i32) {
    %c0_i32 = arith.constant 0 : i32
    %c0_i32_0 = arith.constant 0 : i32
    %c0_i32_1 = arith.constant 0 : i32
    %c0_i32_2 = arith.constant 0 : i32
    return %c0_i32, %arg0, %c0_i32_0, %c0_i32_1 : i32, i32, i32, i32
  }
  func.func @transform_1(%arg0: i32) -> (i32, i32, i32, i32) {
    %c0_i32 = arith.constant 0 : i32
    %c0_i32_0 = arith.constant 0 : i32
    %c0_i32_1 = arith.constant 0 : i32
    %c0_i32_2 = arith.constant 0 : i32
    return %c0_i32, %arg0, %c0_i32_0, %c0_i32_1 : i32, i32, i32, i32
  }
  func.func @transform_2(%arg0: i32) -> (i32, i32) {
    %c0_i32 = arith.constant 0 : i32
    %c0_i32_0 = arith.constant 0 : i32
    %c0_i32_1 = arith.constant 0 : i32
    return %c0_i32, %c0_i32_0 : i32, i32
  }
  func.func @transform_3(%arg0: i32) -> (i32, i32) {
    %c0_i32 = arith.constant 0 : i32
    %c0_i32_0 = arith.constant 0 : i32
    %c0_i32_1 = arith.constant 0 : i32
    return %c0_i32, %c0_i32_0 : i32, i32
  }
  func.func @transform_4(%arg0: i32) -> (i32, i32) {
    %c0_i32 = arith.constant 0 : i32
    %c0_i32_0 = arith.constant 0 : i32
    %c0_i32_1 = arith.constant 0 : i32
    return %c0_i32, %c0_i32_0 : i32, i32
  }
  func.func @transform_5(%arg0: i32) -> (i32, i32, i32, i32) {
    %c0_i32 = arith.constant 0 : i32
    %c0_i32_0 = arith.constant 0 : i32
    %c0_i32_1 = arith.constant 0 : i32
    %c0_i32_2 = arith.constant 0 : i32
    return %c0_i32, %arg0, %c0_i32_0, %c0_i32_1 : i32, i32, i32, i32
  }
}

module attributes {stable_mosaic.version = 14 : i64} {
  func.func @_gru_body(%arg0: i32, %arg1: memref<256x1280xf32, #tpu.memory_space<vmem>>, %arg2: memref<256x1280xf32, #tpu.memory_space<vmem>>, %arg3: memref<768x256xbf16, #tpu.memory_space<vmem>>, %arg4: memref<768x256xbf16, #tpu.memory_space<vmem>>, %arg5: memref<768x1xf32, #tpu.memory_space<vmem>>, %arg6: memref<768x1xf32, #tpu.memory_space<vmem>>, %arg7: memref<256x1280xf32, #tpu.memory_space<vmem>>) attributes {dimension_semantics = [#tpu.dimension_semantics<arbitrary>], iteration_bounds = array<i64: 8>, scalar_prefetch = 0 : i64, scratch_operands = 0 : i64, tpu.core_type = #tpu.core_type<tc>, window_params = [{transform_indices = @transform_0, window_bounds = array<i64: 256, 1280>}, {transform_indices = @transform_1, window_bounds = array<i64: 256, 1280>}, {pipeline_mode = #tpu.pipeline_mode<synchronous>, transform_indices = @transform_2, window_bounds = array<i64: 768, 256>}, {pipeline_mode = #tpu.pipeline_mode<synchronous>, transform_indices = @transform_3, window_bounds = array<i64: 768, 256>}, {pipeline_mode = #tpu.pipeline_mode<synchronous>, transform_indices = @transform_4, window_bounds = array<i64: 768, 1>}, {pipeline_mode = #tpu.pipeline_mode<synchronous>, transform_indices = @transform_5, window_bounds = array<i64: 768, 1>}, {transform_indices = @transform_6, window_bounds = array<i64: 256, 1280>}]} {
    %get3A = arith.constant 0 : index
    %get3A_0 = arith.constant 0 : index
    %get3A_1 = vector.load %arg3[%get3A, %get3A_0] : memref<768x256xbf16, #tpu.memory_space<vmem>>, vector<768x256xbf16>
    %get3A_2 = arith.constant 0 : index
    %get3A_3 = arith.constant 0 : index
    %get3A_4 = vector.load %arg1[%get3A_2, %get3A_3] : memref<256x1280xf32, #tpu.memory_space<vmem>>, vector<256x1280xf32>
    %convert_element_type3A = arith.truncf %get3A_4 : vector<256x1280xf32> to vector<256x1280xbf16>
    %dot_general3A = arith.constant dense<0.000000e+00> : vector<768x1280xf32>
    %dot_general3A_5 = tpu.matmul %get3A_1, %convert_element_type3A, %dot_general3A {dimension_numbers = #tpu.dot_dimension_numbers<[1], [0], [0], [1], [0, 0, 1, 1], [], []>, transpose_lhs_hint = false} : vector<768x256xbf16>, vector<256x1280xbf16>, vector<768x1280xf32> -> vector<768x1280xf32>
    %get3A_6 = arith.constant 0 : index
    %get3A_7 = arith.constant 0 : index
    %get3A_8 = vector.load %arg5[%get3A_6, %get3A_7] : memref<768x1xf32, #tpu.memory_space<vmem>>, vector<768x1xf32>
    %add3A = vector.broadcast %get3A_8 : vector<768x1xf32> to vector<768x1280xf32>
    %add3A_9 = arith.addf %dot_general3A_5, %add3A : vector<768x1280xf32>
    %get3A_10 = arith.constant 0 : index
    %get3A_11 = arith.constant 0 : index
    %get3A_12 = vector.load %arg4[%get3A_10, %get3A_11] : memref<768x256xbf16, #tpu.memory_space<vmem>>, vector<768x256xbf16>
    %get3A_13 = arith.constant 0 : index
    %get3A_14 = arith.constant 0 : index
    %get3A_15 = vector.load %arg2[%get3A_13, %get3A_14] : memref<256x1280xf32, #tpu.memory_space<vmem>>, vector<256x1280xf32>
    %convert_element_type3A_16 = arith.truncf %get3A_15 : vector<256x1280xf32> to vector<256x1280xbf16>
    %dot_general3A_17 = arith.constant dense<0.000000e+00> : vector<768x1280xf32>
    %dot_general3A_18 = tpu.matmul %get3A_12, %convert_element_type3A_16, %dot_general3A_17 {dimension_numbers = #tpu.dot_dimension_numbers<[1], [0], [0], [1], [0, 0, 1, 1], [], []>, transpose_lhs_hint = false} : vector<768x256xbf16>, vector<256x1280xbf16>, vector<768x1280xf32> -> vector<768x1280xf32>
    %get3A_19 = arith.constant 0 : index
    %get3A_20 = arith.constant 0 : index
    %get3A_21 = vector.load %arg6[%get3A_19, %get3A_20] : memref<768x1xf32, #tpu.memory_space<vmem>>, vector<768x1xf32>
    %add3A_22 = vector.broadcast %get3A_21 : vector<768x1xf32> to vector<768x1280xf32>
    %add3A_23 = arith.addf %dot_general3A_18, %add3A_22 : vector<768x1280xf32>
    %slice3A = vector.extract_strided_slice %add3A_9 {offsets = [0, 0], sizes = [256, 1280], strides = [1, 1]} : vector<768x1280xf32> to vector<256x1280xf32>
    %slice3A_24 = vector.extract_strided_slice %add3A_23 {offsets = [0, 0], sizes = [256, 1280], strides = [1, 1]} : vector<768x1280xf32> to vector<256x1280xf32>
    %add3A_25 = arith.addf %slice3A, %slice3A_24 : vector<256x1280xf32>
    %logistic3A = arith.negf %add3A_25 : vector<256x1280xf32>
    %logistic3A_26 = math.exp %logistic3A : vector<256x1280xf32>
    %logistic3A_27 = arith.constant 1.000000e+00 : f32
    %logistic3A_28 = vector.broadcast %logistic3A_27 : f32 to vector<256x1280xf32>
    %logistic3A_29 = arith.addf %logistic3A_28, %logistic3A_26 : vector<256x1280xf32>
    %logistic3A_30 = arith.divf %logistic3A_28, %logistic3A_29 : vector<256x1280xf32>
    %slice3A_31 = vector.extract_strided_slice %add3A_9 {offsets = [256, 0], sizes = [256, 1280], strides = [1, 1]} : vector<768x1280xf32> to vector<256x1280xf32>
    %slice3A_32 = vector.extract_strided_slice %add3A_23 {offsets = [256, 0], sizes = [256, 1280], strides = [1, 1]} : vector<768x1280xf32> to vector<256x1280xf32>
    %add3A_33 = arith.addf %slice3A_31, %slice3A_32 : vector<256x1280xf32>
    %logistic3A_34 = arith.negf %add3A_33 : vector<256x1280xf32>
    %logistic3A_35 = math.exp %logistic3A_34 : vector<256x1280xf32>
    %logistic3A_36 = arith.constant 1.000000e+00 : f32
    %logistic3A_37 = vector.broadcast %logistic3A_36 : f32 to vector<256x1280xf32>
    %logistic3A_38 = arith.addf %logistic3A_37, %logistic3A_35 : vector<256x1280xf32>
    %logistic3A_39 = arith.divf %logistic3A_37, %logistic3A_38 : vector<256x1280xf32>
    %slice3A_40 = vector.extract_strided_slice %add3A_9 {offsets = [512, 0], sizes = [256, 1280], strides = [1, 1]} : vector<768x1280xf32> to vector<256x1280xf32>
    %slice3A_41 = vector.extract_strided_slice %add3A_23 {offsets = [512, 0], sizes = [256, 1280], strides = [1, 1]} : vector<768x1280xf32> to vector<256x1280xf32>
    %mul3A = arith.mulf %logistic3A_30, %slice3A_41 : vector<256x1280xf32>
    %add3A_42 = arith.addf %slice3A_40, %mul3A : vector<256x1280xf32>
    %tanh3A = math.tanh %add3A_42 : vector<256x1280xf32>
    %sub3A = arith.constant 1.000000e+00 : f32
    %sub3A_43 = vector.broadcast %sub3A : f32 to vector<256x1280xf32>
    %sub3A_44 = arith.subf %sub3A_43, %logistic3A_39 : vector<256x1280xf32>
    %mul3A_45 = arith.mulf %sub3A_44, %tanh3A : vector<256x1280xf32>
    %get3A_46 = arith.constant 0 : index
    %get3A_47 = arith.constant 0 : index
    %get3A_48 = vector.load %arg2[%get3A_46, %get3A_47] : memref<256x1280xf32, #tpu.memory_space<vmem>>, vector<256x1280xf32>
    %mul3A_49 = arith.mulf %logistic3A_39, %get3A_48 : vector<256x1280xf32>
    %add3A_50 = arith.addf %mul3A_45, %mul3A_49 : vector<256x1280xf32>
    %swap3A = arith.constant 0 : index
    %swap3A_51 = arith.constant 0 : index
    %swap3A_52 = vector.load %arg7[%swap3A, %swap3A_51] : memref<256x1280xf32, #tpu.memory_space<vmem>>, vector<256x1280xf32>
    tpu.vector_store %arg7[%swap3A, %swap3A_51], %add3A_50 {strides = array<i32>} : memref<256x1280xf32, #tpu.memory_space<vmem>>, vector<256x1280xf32>,
    return
  }
  func.func @transform_0(%arg0: i32) -> (i32, i32) {
    %c0_i32 = arith.constant 0 : i32
    %c0_i32_0 = arith.constant 0 : i32
    return %c0_i32, %arg0 : i32, i32
  }
  func.func @transform_1(%arg0: i32) -> (i32, i32) {
    %c0_i32 = arith.constant 0 : i32
    %c0_i32_0 = arith.constant 0 : i32
    return %c0_i32, %arg0 : i32, i32
  }
  func.func @transform_2(%arg0: i32) -> (i32, i32) {
    %c0_i32 = arith.constant 0 : i32
    %c0_i32_0 = arith.constant 0 : i32
    %c0_i32_1 = arith.constant 0 : i32
    return %c0_i32, %c0_i32_0 : i32, i32
  }
  func.func @transform_3(%arg0: i32) -> (i32, i32) {
    %c0_i32 = arith.constant 0 : i32
    %c0_i32_0 = arith.constant 0 : i32
    %c0_i32_1 = arith.constant 0 : i32
    return %c0_i32, %c0_i32_0 : i32, i32
  }
  func.func @transform_4(%arg0: i32) -> (i32, i32) {
    %c0_i32 = arith.constant 0 : i32
    %c0_i32_0 = arith.constant 0 : i32
    %c0_i32_1 = arith.constant 0 : i32
    return %c0_i32, %c0_i32_0 : i32, i32
  }
  func.func @transform_5(%arg0: i32) -> (i32, i32) {
    %c0_i32 = arith.constant 0 : i32
    %c0_i32_0 = arith.constant 0 : i32
    %c0_i32_1 = arith.constant 0 : i32
    return %c0_i32, %c0_i32_0 : i32, i32
  }
  func.func @transform_6(%arg0: i32) -> (i32, i32) {
    %c0_i32 = arith.constant 0 : i32
    %c0_i32_0 = arith.constant 0 : i32
    return %c0_i32, %arg0 : i32, i32
  }
}

module attributes {stable_mosaic.version = 14 : i64} {
  func.func @_head_body(%arg0: i32, %arg1: memref<256x1280xf32, #tpu.memory_space<vmem>>, %arg2: memref<256x256xf32, #tpu.memory_space<vmem>>, %arg3: memref<256x1xf32, #tpu.memory_space<vmem>>, %arg4: memref<128x256xf32, #tpu.memory_space<vmem>>, %arg5: memref<128x1xf32, #tpu.memory_space<vmem>>, %arg6: memref<1x128xf32, #tpu.memory_space<vmem>>, %arg7: memref<1x1xf32, #tpu.memory_space<vmem>>, %arg8: memref<1x1xf32, #tpu.memory_space<vmem>>, %arg9: memref<256x1xf32, #tpu.memory_space<vmem>>) attributes {dimension_semantics = [#tpu.dimension_semantics<arbitrary>], iteration_bounds = array<i64: 8>, scalar_prefetch = 0 : i64, scratch_operands = 1 : i64, tpu.core_type = #tpu.core_type<tc>, window_params = [{transform_indices = @transform_0, window_bounds = array<i64: 256, 1280>}, {pipeline_mode = #tpu.pipeline_mode<synchronous>, transform_indices = @transform_1, window_bounds = array<i64: 256, 256>}, {pipeline_mode = #tpu.pipeline_mode<synchronous>, transform_indices = @transform_2, window_bounds = array<i64: 256, 1>}, {pipeline_mode = #tpu.pipeline_mode<synchronous>, transform_indices = @transform_3, window_bounds = array<i64: 128, 256>}, {pipeline_mode = #tpu.pipeline_mode<synchronous>, transform_indices = @transform_4, window_bounds = array<i64: 128, 1>}, {pipeline_mode = #tpu.pipeline_mode<synchronous>, transform_indices = @transform_5, window_bounds = array<i64: 1, 128>}, {pipeline_mode = #tpu.pipeline_mode<synchronous>, transform_indices = @transform_6, window_bounds = array<i64: 1, 1>}, {pipeline_mode = #tpu.pipeline_mode<synchronous>, transform_indices = @transform_7, window_bounds = array<i64: 1, 1>}]} {
    %iota3A = tpu.iota {dimensions = array<i32: 0>} : vector<1280x1xi32>
    %mul3A = arith.constant 1280 : i32
    %mul3A_0 = arith.muli %arg0, %mul3A : i32
    %add3A = vector.broadcast %mul3A_0 : i32 to vector<1280x1xi32>
    %add3A_1 = arith.addi %iota3A, %add3A : vector<1280x1xi32>
    %lt3A = arith.constant 10000 : i32
    %lt3A_2 = vector.broadcast %lt3A : i32 to vector<1280x1xi32>
    %lt3A_3 = arith.cmpi slt, %add3A_1, %lt3A_2 : vector<1280x1xi32>
    %jit3A = arith.constant 1.000000e+00 : f32
    %jit3A_4 = arith.constant 0.000000e+00 : f32
    %broadcast_in_dim3A = vector.broadcast %jit3A : f32 to vector<1280x1xf32>
    %broadcast_in_dim3A_5 = vector.broadcast %jit3A_4 : f32 to vector<1280x1xf32>
    %select_n3A = arith.select %lt3A_3, %broadcast_in_dim3A, %broadcast_in_dim3A_5 : vector<1280x1xi1>, vector<1280x1xf32>
    %get3A = arith.constant 0 : index
    %get3A_6 = arith.constant 0 : index
    %get3A_7 = vector.load %arg1[%get3A, %get3A_6] : memref<256x1280xf32, #tpu.memory_space<vmem>>, vector<256x1280xf32>
    %dot_general3A = arith.constant dense<0.000000e+00> : vector<256x1xf32>
    %dot_general3A_8 = tpu.matmul %get3A_7, %select_n3A, %dot_general3A {dimension_numbers = #tpu.dot_dimension_numbers<[1], [0], [0], [1], [0, 0, 1, 1], [], []>, precision = #tpu.contract_precision<fp32>, transpose_lhs_hint = false} : vector<256x1280xf32>, vector<1280x1xf32>, vector<256x1xf32> -> vector<256x1xf32>
    %eq3A = arith.constant 0 : i32
    %eq3A_9 = arith.cmpi eq, %arg0, %eq3A : i32
    %convert_element_type3A = arith.extui %eq3A_9 : i1 to i32
    %cond3A = arith.constant 0 : i32
    %cond3A_10 = arith.cmpi ne, %convert_element_type3A, %cond3A : i32
    scf.if %cond3A_10 {
      %broadcast_in_dim3A_22 = arith.constant 0.000000e+00 : f32
      %broadcast_in_dim3A_23 = vector.broadcast %broadcast_in_dim3A_22 : f32 to vector<256x1xf32>
      %swap3A_24 = arith.constant 0 : index
      %swap3A_25 = arith.constant 0 : index
      %swap3A_26 = vector.load %arg9[%swap3A_24, %swap3A_25] : memref<256x1xf32, #tpu.memory_space<vmem>>, vector<256x1xf32>
      tpu.vector_store %arg9[%swap3A_24, %swap3A_25], %broadcast_in_dim3A_23 {strides = array<i32>} : memref<256x1xf32, #tpu.memory_space<vmem>>, vector<256x1xf32>,
    } else {
    }
    %get3A_11 = arith.constant 0 : index
    %get3A_12 = arith.constant 0 : index
    %get3A_13 = vector.load %arg9[%get3A_11, %get3A_12] : memref<256x1xf32, #tpu.memory_space<vmem>>, vector<256x1xf32>
    %add3A_14 = arith.addf %get3A_13, %dot_general3A_8 : vector<256x1xf32>
    %swap3A = arith.constant 0 : index
    %swap3A_15 = arith.constant 0 : index
    %swap3A_16 = vector.load %arg9[%swap3A, %swap3A_15] : memref<256x1xf32, #tpu.memory_space<vmem>>, vector<256x1xf32>
    tpu.vector_store %arg9[%swap3A, %swap3A_15], %add3A_14 {strides = array<i32>} : memref<256x1xf32, #tpu.memory_space<vmem>>, vector<256x1xf32>,
    %eq3A_17 = arith.constant 7 : i32
    %eq3A_18 = arith.cmpi eq, %arg0, %eq3A_17 : i32
    %convert_element_type3A_19 = arith.extui %eq3A_18 : i1 to i32
    %cond3A_20 = arith.constant 0 : i32
    %cond3A_21 = arith.cmpi ne, %convert_element_type3A_19, %cond3A_20 : i32
    scf.if %cond3A_21 {
      %get3A_22 = arith.constant 0 : index
      %get3A_23 = arith.constant 0 : index
      %get3A_24 = vector.load %arg9[%get3A_22, %get3A_23] : memref<256x1xf32, #tpu.memory_space<vmem>>, vector<256x1xf32>
      %get3A_25 = arith.constant 0 : index
      %get3A_26 = arith.constant 0 : index
      %get3A_27 = vector.load %arg2[%get3A_25, %get3A_26] : memref<256x256xf32, #tpu.memory_space<vmem>>, vector<256x256xf32>
      %convert_element_type3A_28 = arith.truncf %get3A_27 : vector<256x256xf32> to vector<256x256xbf16>
      %convert_element_type3A_29 = arith.truncf %get3A_24 : vector<256x1xf32> to vector<256x1xbf16>
      %dot_general3A_30 = arith.constant dense<0.000000e+00> : vector<256x1xf32>
      %dot_general3A_31 = tpu.matmul %convert_element_type3A_28, %convert_element_type3A_29, %dot_general3A_30 {dimension_numbers = #tpu.dot_dimension_numbers<[1], [0], [0], [1], [0, 0, 1, 1], [], []>, transpose_lhs_hint = false} : vector<256x256xbf16>, vector<256x1xbf16>, vector<256x1xf32> -> vector<256x1xf32>
      %get3A_32 = arith.constant 0 : index
      %get3A_33 = arith.constant 0 : index
      %get3A_34 = vector.load %arg3[%get3A_32, %get3A_33] : memref<256x1xf32, #tpu.memory_space<vmem>>, vector<256x1xf32>
      %add3A_35 = arith.addf %dot_general3A_31, %get3A_34 : vector<256x1xf32>
      %max3A = arith.constant 0.000000e+00 : f32
      %max3A_36 = vector.broadcast %max3A : f32 to vector<256x1xf32>
      %max3A_37 = arith.maximumf %add3A_35, %max3A_36 : vector<256x1xf32>
      %get3A_38 = arith.constant 0 : index
      %get3A_39 = arith.constant 0 : index
      %get3A_40 = vector.load %arg4[%get3A_38, %get3A_39] : memref<128x256xf32, #tpu.memory_space<vmem>>, vector<128x256xf32>
      %convert_element_type3A_41 = arith.truncf %get3A_40 : vector<128x256xf32> to vector<128x256xbf16>
      %convert_element_type3A_42 = arith.truncf %max3A_37 : vector<256x1xf32> to vector<256x1xbf16>
      %dot_general3A_43 = arith.constant dense<0.000000e+00> : vector<128x1xf32>
      %dot_general3A_44 = tpu.matmul %convert_element_type3A_41, %convert_element_type3A_42, %dot_general3A_43 {dimension_numbers = #tpu.dot_dimension_numbers<[1], [0], [0], [1], [0, 0, 1, 1], [], []>, transpose_lhs_hint = false} : vector<128x256xbf16>, vector<256x1xbf16>, vector<128x1xf32> -> vector<128x1xf32>
      %get3A_45 = arith.constant 0 : index
      %get3A_46 = arith.constant 0 : index
      %get3A_47 = vector.load %arg5[%get3A_45, %get3A_46] : memref<128x1xf32, #tpu.memory_space<vmem>>, vector<128x1xf32>
      %add3A_48 = arith.addf %dot_general3A_44, %get3A_47 : vector<128x1xf32>
      %max3A_49 = arith.constant 0.000000e+00 : f32
      %max3A_50 = vector.broadcast %max3A_49 : f32 to vector<128x1xf32>
      %max3A_51 = arith.maximumf %add3A_48, %max3A_50 : vector<128x1xf32>
      %get3A_52 = arith.constant 0 : index
      %get3A_53 = arith.constant 0 : index
      %get3A_54 = vector.load %arg6[%get3A_52, %get3A_53] : memref<1x128xf32, #tpu.memory_space<vmem>>, vector<1x128xf32>
      %convert_element_type3A_55 = arith.truncf %get3A_54 : vector<1x128xf32> to vector<1x128xbf16>
      %convert_element_type3A_56 = arith.truncf %max3A_51 : vector<128x1xf32> to vector<128x1xbf16>
      %dot_general3A_57 = arith.constant dense<0.000000e+00> : vector<1x1xf32>
      %dot_general3A_58 = tpu.matmul %convert_element_type3A_55, %convert_element_type3A_56, %dot_general3A_57 {dimension_numbers = #tpu.dot_dimension_numbers<[1], [0], [0], [1], [0, 0, 1, 1], [], []>, transpose_lhs_hint = false} : vector<1x128xbf16>, vector<128x1xbf16>, vector<1x1xf32> -> vector<1x1xf32>
      %get3A_59 = arith.constant 0 : index
      %get3A_60 = arith.constant 0 : index
      %get3A_61 = vector.load %arg7[%get3A_59, %get3A_60] : memref<1x1xf32, #tpu.memory_space<vmem>>, vector<1x1xf32>
      %add3A_62 = arith.addf %dot_general3A_58, %get3A_61 : vector<1x1xf32>
      %swap3A_63 = arith.constant 0 : index
      %swap3A_64 = arith.constant 0 : index
      %swap3A_65 = vector.load %arg8[%swap3A_63, %swap3A_64] : memref<1x1xf32, #tpu.memory_space<vmem>>, vector<1x1xf32>
      tpu.vector_store %arg8[%swap3A_63, %swap3A_64], %add3A_62 {strides = array<i32>} : memref<1x1xf32, #tpu.memory_space<vmem>>, vector<1x1xf32>,
    } else {
    }
    return
  }
  func.func @transform_0(%arg0: i32) -> (i32, i32) {
    %c0_i32 = arith.constant 0 : i32
    %c0_i32_0 = arith.constant 0 : i32
    return %c0_i32, %arg0 : i32, i32
  }
  func.func @transform_1(%arg0: i32) -> (i32, i32) {
    %c0_i32 = arith.constant 0 : i32
    %c0_i32_0 = arith.constant 0 : i32
    %c0_i32_1 = arith.constant 0 : i32
    return %c0_i32, %c0_i32_0 : i32, i32
  }
  func.func @transform_2(%arg0: i32) -> (i32, i32) {
    %c0_i32 = arith.constant 0 : i32
    %c0_i32_0 = arith.constant 0 : i32
    %c0_i32_1 = arith.constant 0 : i32
    return %c0_i32, %c0_i32_0 : i32, i32
  }
  func.func @transform_3(%arg0: i32) -> (i32, i32) {
    %c0_i32 = arith.constant 0 : i32
    %c0_i32_0 = arith.constant 0 : i32
    %c0_i32_1 = arith.constant 0 : i32
    return %c0_i32, %c0_i32_0 : i32, i32
  }
  func.func @transform_4(%arg0: i32) -> (i32, i32) {
    %c0_i32 = arith.constant 0 : i32
    %c0_i32_0 = arith.constant 0 : i32
    %c0_i32_1 = arith.constant 0 : i32
    return %c0_i32, %c0_i32_0 : i32, i32
  }
  func.func @transform_5(%arg0: i32) -> (i32, i32) {
    %c0_i32 = arith.constant 0 : i32
    %c0_i32_0 = arith.constant 0 : i32
    %c0_i32_1 = arith.constant 0 : i32
    return %c0_i32, %c0_i32_0 : i32, i32
  }
  func.func @transform_6(%arg0: i32) -> (i32, i32) {
    %c0_i32 = arith.constant 0 : i32
    %c0_i32_0 = arith.constant 0 : i32
    %c0_i32_1 = arith.constant 0 : i32
    return %c0_i32, %c0_i32_0 : i32, i32
  }
  func.func @transform_7(%arg0: i32) -> (i32, i32) {
    %c0_i32 = arith.constant 0 : i32
    %c0_i32_0 = arith.constant 0 : i32
    %c0_i32_1 = arith.constant 0 : i32
    return %c0_i32, %c0_i32_0 : i32, i32
  }
}

</mosaic_0001>

<sc_bundles>
// kernel: kernel.19.cloned.1.call-start
scs
__scs_entry_jumppad:
0x0: {  	(pc) =	sbr.rel $0x88, $3  }
0x1: {  	(tag) =	ssettag $0x0;
	lr =	simm.s32 $0x1  }
0x2: {  	[smem:$0x3F93] =	sst lr;
	_ =	strace $0xD0000000  }
0x3: {  	_ = 	snop  }
0x4: {  	_ = 	snop  }
0x5: {  	_ = 	snop  }
0x6: {  	_ = 	snop  }
0x7: {  	_ = 	snop  }
__scs_overlays_trampoline_lowered:
0x8: {  	[smem:$0x3FA2] =	sst s0  }
0x9: {  	[smem:$0x3FA3] =	sst s1  }
0xa: {  	[smem:$0x3FA4] =	sst s2  }
0xb: {  	[smem:$0x3FA5] =	sst s3  }
0xc: {  	[smem:$0x3FA6] =	sst s4  }
0xd: {  	[smem:$0x3FA7] =	sst s5  }
0xe: {  	[smem:$0x3FA8] =	sst s6  }
0xf: {  	[smem:$0x3FA9] =	sst s7  }
0x10: {  	[smem:$0x3FAA] =	sst s8  }
0x11: {  	[smem:$0x3FAB] =	sst s9;
	s0 =	simm.s32 @!p0 $0x0  }
0x12: {  	s1 =	sld [smem:$0x3F91];
	s0 =	simm.s32 @p0 $0x1  }
0x13: {  	[smem:$0x3FAC] =	sst s0;
	s0 =	simm.s32 @!p1 $0x0  }
0x14: {  	s2 =	sld [smem:$0x3F90];
	s0 =	simm.s32 @p1 $0x1  }
0x15: {  	[smem:$0x3FAD] =	sst s0;
	s0 =	simm.s32 @!p2 $0x0  }
0x16: {  	s3 =	sld [smem:$0x3FDB];
	s0 =	simm.s32 @p2 $0x1  }
0x17: {  	s4 =	simm.s32 $0x1BF5;
	[smem:$0x3FAF] =	sst s0  }
0x18: {  	s0 =	sld [smem:$0x3F92];
	_ =	swait.ge [sflag:s4], $0x0  }
0x19: {  	s7 =	sld [smem:$0x3F93]  }
0x1a: {  	s8 =	sadd.s32 $0xFFFFE003, lr  }
0x1b: {  	s9 =	sadd.s32 $0xFFFFFEF7, lr;
	s5 =	simm.s32 $0xFFFFFFFF;
	p2 =	slt.u32 s8, $0xFFFFF086  }
0x1c: {  	p1 =	slt.u32 s9, $0xF7A;
	s5 =	simm.s32 @!p2 $0x0  }
0x1d: {  	s5 =	simm.s32 @p1 $0x1;
	p0 =	seq.s32 s7, s2  }
0x1e: {  	s7 =	smul.u32 @!p0 $0xF7A, s2;
	p2 =	seq.s32 @!p0 s5, $0x0  }
0x1f: {  	s9 =	smul.u32 $0xF7A, s1;
	s8 =	simm.s32 @!p0 $0x1BF5;
	p2 =	por !p2, p0  }
0x20: {  	[sflag:s8] =	ssyncset.s32 @!p0 $0xFFFFF086;
	s6 =	sadd.s32 @!p0 s3, s7;
	s7 =	simm.s32 @!p0 $0x108  }
0x21: {  	s3 =	sadd.s32 s3, s9;
	s6 =	sadd.s32 @!p0 $0x88, s6;
	s7 =	simm.s32 @p2 $0x1082  }
0x22: {  	[simem:s7], [sflag:s8] =	dma.local @!p0 [hbm:s6], $0xF7A  }
0x23: {  	s9 =	sor.u32 $0xD0000000, s2;
	s6 =	simm.s32 $0x108;
	_ =	swait.ge @!p0 [sflag:s8], $0x0  }
0x24: {  	s3 =	sadd.s32 $0x88, s3;
	s6 =	simm.s32 @!p1 $0x1082;
	[sflag:s4] =	ssyncset.s32 $0xFFFFF086  }
0x25: {  	[simem:s6], [sflag:s4] =	dma.local [hbm:s3], $0xF7A  }
0x26: {  	[smem:$0x3F93] =	sst s1;
	(tag) =	ssettag s2;
	_ =	strace s9  }
0x27: {  	s1 =	sld [smem:$0x3FA3]  }
0x28: {  	s2 =	sld [smem:$0x3FA4]  }
0x29: {  	s4 =	sld [smem:$0x3FA6]  }
0x2a: {  	p0 =	seq.s32 s5, $0x0;
	s5 =	sld [smem:$0x3FA7]  }
0x2b: {  	s6 =	sld [smem:$0x3FA8]  }
0x2c: {  	s7 =	sld [smem:$0x3FA9]  }
0x2d: {  	s3 =	simm.s32 $0x108;
	s8 =	sld [smem:$0x3FAA]  }
0x2e: {  	s3 =	simm.s32 @!p0 $0x1082;
	s9 =	sld [smem:$0x3FAB]  }
0x2f: {  	lr =	sadd.s32 s0, s3;
	s0 =	sld [smem:$0x3FA2]  }
0x30: {  	s3 =	sld [smem:$0x3FA5]  }
0x31: {  	[smem:$0x3FAE] =	sst s10  }
0x32: {  	s10 =	sld [smem:$0x3FAC];
	_ =	sdelay $0x3  }
0x33: {  	p0 =	seq.s32 s10, $0x1;
	s10 =	sld [smem:$0x3FAE];
	_ =	sdelay $0x3  }
0x34: {  	[smem:$0x3FAE] =	sst s10  }
0x35: {  	s10 =	sld [smem:$0x3FAD];
	_ =	sdelay $0x3  }
0x36: {  	p1 =	seq.s32 s10, $0x1;
	s10 =	sld [smem:$0x3FAE];
	_ =	sdelay $0x3  }
0x37: {  	[smem:$0x3FAE] =	sst s10  }
0x38: {  	s10 =	sld [smem:$0x3FAF]  }
0x39: {  	_ = 	snop;
	(pc) =	sbr.ind lr, $3  }
0x3a: {  	_ = 	snop  }
0x3b: {  	_ = 	snop  }
0x3c: {  	p2 =	seq.s32 s10, $0x1;
	s10 =	sld [smem:$0x3FAE]  }
0x3d: {  	_ =	shalt  }
0x3e: {  	_ =	shalt  }
0x3f: {  	_ =	shalt  }
0x40: {  	_ =	shalt  }
0x41: {  	_ =	shalt  }
0x42: {  	_ =	shalt  }
0x43: {  	_ =	shalt  }
0x44: {  	_ =	shalt  }
0x45: {  	_ =	shalt  }
0x46: {  	_ =	shalt  }
0x47: {  	_ =	shalt  }
0x48: {  	_ =	shalt  }
0x49: {  	_ =	shalt  }
0x4a: {  	_ =	shalt  }
0x4b: {  	_ =	shalt  }
0x4c: {  	_ =	shalt  }
0x4d: {  	_ =	shalt  }
0x4e: {  	_ =	shalt  }
0x4f: {  	_ =	shalt  }
0x50: {  	_ =	shalt  }
0x51: {  	_ =	shalt  }
0x52: {  	_ =	shalt  }
0x53: {  	_ =	shalt  }
0x54: {  	_ =	shalt  }
0x55: {  	_ =	shalt  }
0x56: {  	_ =	shalt  }
0x57: {  	_ =	shalt  }
0x58: {  	_ =	shalt  }
0x59: {  	_ =	shalt  }
0x5a: {  	_ =	shalt  }
0x5b: {  	_ =	shalt  }
0x5c: {  	_ =	shalt  }
0x5d: {  	_ =	shalt  }
0x5e: {  	_ =	shalt  }
0x5f: {  	_ =	shalt  }
0x60: {  	_ =	shalt  }
0x61: {  	_ =	shalt  }
0x62: {  	_ =	shalt  }
0x63: {  	_ =	shalt  }
0x64: {  	_ =	shalt  }
0x65: {  	_ =	shalt  }
0x66: {  	_ =	shalt  }
0x67: {  	_ =	shalt  }
0x68: {  	_ =	shalt  }
0x69: {  	_ =	shalt  }
0x6a: {  	_ =	shalt  }
0x6b: {  	_ =	shalt  }
0x6c: {  	_ =	shalt  }
0x6d: {  	_ =	shalt  }
0x6e: {  	_ =	shalt  }
0x6f: {  	_ =	shalt  }
0x70: {  	_ =	shalt  }
0x71: {  	_ =	shalt  }
0x72: {  	_ =	shalt  }
0x73: {  	_ =	shalt  }
0x74: {  	_ =	shalt  }
0x75: {  	_ =	shalt  }
0x76: {  	_ =	shalt  }
0x77: {  	_ =	shalt  }
0x78: {  	_ =	shalt  }
0x79: {  	_ =	shalt  }
0x7a: {  	_ =	shalt  }
0x7b: {  	_ =	shalt  }
0x7c: {  	_ =	shalt  }
0x7d: {  	_ =	shalt  }
0x7e: {  	_ =	shalt  }
0x7f: {  	_ =	shalt  }
0x80: {  	_ =	shalt  }
0x81: {  	_ =	shalt  }
0x82: {  	_ =	shalt  }
0x83: {  	_ =	shalt  }
0x84: {  	_ =	shalt  }
0x85: {  	_ =	shalt  }
0x86: {  	_ =	shalt  }
0x87: {  	_ =	shalt  }
.Lfunc_end0:
.L_simem_size_0:
called_computation.2_lowered:
.L_overlay_start_0:
0x88: {  	s2 =	sld [smem:$0x3FD9]  }
0x89: {  	s3 =	sld [smem:$0x3FFE];
	_ =	sdelay $0x1  }
0x8a: {  	s1 =	srdreg.scid  }
0x8b: {  	s0 =	sand.u32 $0x1, s1  }
0x8c: {  	s16 =	sshll.u32 s0, $0xA;
	s2 =	sadd.s32 s3, s2  }
0x8d: {  	s2 =	sadd.s32 s2, s16  }
0x8e: {  	[smem:$0x3FBA] =	sst s2  }
0x8f: {  	_ = 	snop  }
0x90: {  	(tm) =	ssettm $0x1  }
0x91: {  	s17 =	sld [smem:$0x3FFB];
	_ =	sdelay $0x3  }
0x92: {  	_ =	strace s17  }
0x93: {  	s2 =	sld [smem:$0x3FFC];
	_ =	sdelay $0x3  }
0x94: {  	_ =	strace s2  }
0x95: {  	s2 =	sld [smem:$0x3FFD];
	_ =	sdelay $0x3  }
0x96: {  	_ =	strace s2  }
0x97: {  	_ =	strace $0x8FFFFFFF  }
0x98: {  	s18 =	sld [smem:$0x3FDB];
	_ =	sdelay $0x1  }
0x99: {  	s19 =	simm.s32 $_scs_section_size  }
0x9a: {  	s4 =	simm.s32 $_size__tile_overlayer_lowered;
	s5 =	simm.s32 $_tile_overlayer_lowered  }
0x9b: {  	s22 =	simm.s32 $0x1BFF;
	s21 =	sshll.u32 s5, $0x1;
	s2 =	sadd.s32 s19, s18  }
0x9c: {  	s6 =	simm.s32 $0x0;
	s20 =	sshll.u32 s4, $0x1;
	s4 =	sadd.s32 s21, s2  }
0x9d: {  	[timem:s6], [sflag:s22] =	dma.local [hbm:s4], s20  }
0x9e: {  	_ =	swait.ge [sflag:s22], s20  }
0x9f: {  	s3 =	ssub.s32 $0x0, s20;
	[sflag:s22] =	ssyncset.done $0x0  }
0xa0: {  	[sflag:s22] =	ssyncadd.s32 s3;
	_ =	sdelay $0x1  }
0xa1: {  	s23 =	simm.s32 $0x1B8B  }
0xa2: {  	_ =	swait.ge [sflag:s23], $0x1  }
0xa3: {  	[sflag:s23] =	ssyncset.done $0x0  }
0xa4: {  	s25 =	simm.s32 $0x1B8E;
	s24 =	sld [smem:$0x3FFE];
	[sflag:s23] =	ssyncadd.s32 $0xFFFFFFFF  }
0xa5: {  	s26 =	simm.s32 $execute0_lowered;
	[smem:$0x3FD2] =	sst s25  }
0xa6: {  	s4 =	sshll.u32 s26, $0x1;
	_ =	strace $0x8000004C;
	[dreg:$0x1] =	wrdreg $0xFFFFFFFF  }
0xa7: {  	s28 =	simm.s32 $_size_execute0_lowered;
	s2 =	sadd.s32 s2, s4;
	[dreg:$0x0] =	wrdreg $0x0  }
0xa8: {  	s4 =	sshll.u32 s28, $0x1;
	[dreg:$0x2] =	wrdreg s2  }
0xa9: {  	[dreg:$0x3] =	wrdreg s4  }
0xaa: {  	[dreg:$0x4] =	wrdreg $0xC0  }
0xab: {  	_ =	task [dreg:s6], $0x5FFFF  }
0xac: {  	[dreg:$0x1] =	wrdreg $0xFFFFFFFF  }
0xad: {  	[dreg:$0x0] =	wrdreg $0x60  }
0xae: {  	[dreg:$0x2] =	wrdreg s24  }
0xaf: {  	[dreg:$0x3] =	wrdreg $0x9  }
0xb0: {  	_ =	task.clear_ibuf [dreg:s6], $0x4FFFF;
	_ =	strace $0x9000004C  }
0xb1: {  	s29 =	simm.s32 $0x9;
	_ =	strace $0x8000004E  }
0xb2: {  	_ =	swait.ge [sflag:s29], $0x1  }
0xb3: {  	[sflag:s29] =	ssyncadd.s32 $0xFFFFFFFF  }
0xb4: {  	_ =	strace $0x9000004E  }
0xb5: {  	_ =	sfence  }
0xb6: {  	s30 =	sld [smem:$0x0];
	_ =	sdelay $0x2  }
0xb7: {  	s31 =	sshll.u32 s1, $0xD;
	s1 =	sshrl.u32 s1, $0x2  }
0xb8: {  	s3 =	sand.u32 $0x4000, s31;
	s1 =	sadd.s32 s1, s30  }
0xb9: {  	s0 =	sor.u32 s3, s0;
	s1 =	sshll.u32 s1, $0x11  }
0xba: {  	s0 =	sor.u32 s1, s0  }
0xbb: {  	s0 =	sadd.s32 $0x8F2B, s0  }
0xbc: {  	[sflag:s0] =	ssyncadd.remote.s32 $0x1  }
0xbd: {  	_ =	sfence.sel $0xFFFF  }
0xbe: {  	[dreg:$0x0] =	wrdreg $0xFFFFFFFF;
	(pc) =	sbr.abs _section_cstart, $3  }
0xbf: {  	[dreg:$0x1] =	wrdreg $0xFFFFFFFF  }
0xc0: {  	_ =	task.clear_ibuf [dreg:s6], $0x2FFFF;
	_ =	strace $0x9FFFFFFF  }
0xc1: {  	(tm) =	ssettm $0x7FFFFFFF  }
tec
execute0_lowered:
.L_overlay_start_1:
0x0: {  	(tag) =	ssettag $0x1  }
0x1: {  	s0 =	srdreg.scid  }
0x2: {  	s1 =	stileid.u32;
	s7 =	rddreg [dreg:$0x0]  }
0x3: {  	s2 =	simm.s32 $0x0;
	s16 =	simm.s32 $0x1;
	s17 =	simm.s32 $0x2  }
0x4: {  	s18 =	simm.s32 $0x4;
	s19 =	simm.s32 $0x15400;
	s20 =	simm.s32 $0x17C00  }
0x5: {  	s21 =	simm.s32 $0x19000;
	s22 =	simm.s32 $0x1B800;
	s23 =	simm.s32 $0x3  }
0x6: {  	s28 =	simm.s32 $0x6;
	s29 =	simm.s32 $0x8;
	s30 =	simm.s32 $0x7  }
0x7: {  	s31 =	simm.s32 $0x9;
	s0 =	sand.u32 $0x1, s0;
	s1 =	sshll.u32 s1, $0x1  }
0x8: {  	[smem:$0x7FF] =	sst s2;
	s5 =	sadd.s32 $0x9400, s7;
	s1 =	sor.u32 s0, s1  }
0x9: {  	s6 =	sadd.s32 $0x9CD400, s7;
	s0 =	ssub.s32 $0x2, s0;
	s3 =	smul.u32 $0x2800, s1  }
0xa: {  	_ =	strace $0x8000004D;
	s4 =	smul.u32 $0x138800, s1;
	s24 =	sshrl.u32 s0, $0x1  }
0xb: {  	s0 =	ssub.s32 s0, s24;
	s24 =	simm.s32 $0x5;
	s8 =	sadd.s32 s3, s7  }
0xc: {  	s3 =	sadd.s32 $0x4EB400, s7;
	s7 =	sadd.s32 $0xEAF400, s7;
	s25 =	sshrl.u32 s4, $0x3  }
0xd: {  	s11 =	sadd.s32 $0x1400, s4;
	s12 =	sadd.s32 $0x2800, s4;
	s8 =	sadd.s32 $0x13E1400, s8  }
0xe: {  	s13 =	smax.u32 s0, $0x1;
	s26 =	sadd.s32 s3, s25;
	[dreg:$0x2] =	wrdreg s8  }
0xf: {  	s1 =	sadd.s32 s5, s25;
	s25 =	simm.s32 $0x1A400;
	[dreg:$0x3] =	wrdreg s26  }
0x10: {  	[dreg:$0x4] =	wrdreg s1;
	s26 =	simm.s32 $0x1CC00;
	s1 =	simm.s32 $0x0  }
.LBB2_1:
0x11: {  	s0 =	rddreg [dreg:$0x2]  }
0x12: {  	[tilespmem:s2], [sflag:$0x1] =	stream.linear.gather [hbm4b:s0+s2], $0x14000, $0x38;
	[tilespmem:$0x1E000] =	vst v63  }
0x13: {  	s10 =	rddreg [dreg:$0x3];
	s8 =	simm.s32 $0x14000  }
0x14: {  	[tilespmem:s8], [sflag:$0x2] =	stream.linear.gather [hbm4b:s10+s2], $0x1400, $0x38;
	[tilespmem:$0x1E000] =	vst v63  }
0x15: {  	s14 =	rddreg [dreg:$0x4];
	s15 =	simm.s32 $0x16800  }
0x16: {  	[tilespmem:s15], [sflag:$0x4] =	stream.linear.gather [hbm4b:s14+s2], $0x1400, $0x38;
	[tilespmem:$0x1E000] =	vst v63  }
0x17: {  	_ =	swait.ge [sflag:s16], $0x14000  }
0x18: {  	[sflag:s16] =	ssyncset.done $0x0  }
0x19: {  	s0 =	simm.s32 $0x0;
	[sflag:s16] =	ssyncadd.s32 $0xFFFEC000  }
.LBB2_2:
0x1a: {  	_ =	swait.ge [sflag:s17], $0x1400  }
0x1b: {  	s14 =	smul.u32 $0x2800, s0;
	[sflag:s17] =	ssyncset.done $0x0  }
0x1c: {  	[sflag:s17] =	ssyncadd.s32 $0xFFFFEC00  }
0x1d: {  	s8 =	sadd.s32 s14, s11;
	_ =	swait.ge [sflag:s18], $0x1400  }
0x1e: {  	s8 =	sshrl.u32 s8, $0x3;
	[sflag:s18] =	ssyncset.done $0x0  }
0x1f: {  	s9 =	sadd.s32 s3, s8;
	[sflag:s18] =	ssyncadd.s32 $0xFFFFEC00  }
0x20: {  	[tilespmem:s19], [sflag:$0x3] =	stream.linear.gather [hbm4b:s9+s2], $0x1400, $0x38;
	[tilespmem:$0x1E000] =	vst v63  }
0x21: {  	p0 =	seq.s32 s0, $0x0;
	s8 =	sadd.s32 s5, s8  }
0x22: {  	[tilespmem:s20], [sflag:$0x5] =	stream.linear.gather [hbm4b:s8+s2], $0x1400, $0x38;
	[tilespmem:$0x1E000] =	vst v63  }
0x23: {  	s8 =	simm.s32 @!p0 $0x6  }
0x24: {  	_ =	swait.ge @!p0 [sflag:s8], $0x1400  }
0x25: {  	[sflag:s8] =	ssyncset.done @!p0 $0x0  }
0x26: {  	[sflag:s8] =	ssyncadd.s32 @!p0 $0xFFFFEC00;
	s8 =	simm.s32 @!p0 $0x8  }
0x27: {  	_ =	swait.ge @!p0 [sflag:s8], $0x1400  }
0x28: {  	[sflag:s8] =	ssyncset.done @!p0 $0x0  }
0x29: {  	[sflag:s8] =	ssyncadd.s32 @!p0 $0xFFFFEC00;
	s8 =	simm.s32 $0x0  }
0x2a: {  	v0 =	vld [tilespmem:s8+$0x14000];
	_ =	sdelay $0x5  }
0x2b: {  	v1 =	vld [tilespmem:s8+$0x16800];
	_ =	sdelay $0x1  }
0x2c: {  	v0 =	vld.idx.msk [tilespmem:v0+s2+$0x0], $0xffff;
	_ =	sdelay $0x4  }
0x2d: {  	[tilespmem:s8+$0x19000] =	vst v0;
	v0 =	vld [tilespmem:s8+$0x14010]  }
0x2e: {  	v1 =	vld.idx.msk [tilespmem:v1+s2+$0x0], $0xffff;
	_ =	sdelay $0x4  }
0x2f: {  	[tilespmem:s8+$0x1B800] =	vst v1;
	v1 =	vld [tilespmem:s8+$0x16810];
	_ =	sdelay $0x1  }
0x30: {  	v0 =	vld.idx.msk [tilespmem:v0+s2+$0x0], $0xffff;
	_ =	sdelay $0x4  }
0x31: {  	[tilespmem:s8+$0x19010] =	vst v0;
	v0 =	vld [tilespmem:s8+$0x14020]  }
0x32: {  	v1 =	vld.idx.msk [tilespmem:v1+s2+$0x0], $0xffff;
	_ =	sdelay $0x4  }
0x33: {  	[tilespmem:s8+$0x1B810] =	vst v1;
	v1 =	vld [tilespmem:s8+$0x16820];
	_ =	sdelay $0x1  }
0x34: {  	v0 =	vld.idx.msk [tilespmem:v0+s2+$0x0], $0xffff;
	_ =	sdelay $0x4  }
0x35: {  	v2 =	vld [tilespmem:s8+$0x14030];
	[tilespmem:s8+$0x19020] =	vst v0  }
0x36: {  	v0 =	vld.idx.msk [tilespmem:v1+s2+$0x0], $0xffff;
	_ =	sdelay $0x4  }
0x37: {  	[tilespmem:s8+$0x1B820] =	vst v0;
	v0 =	vld [tilespmem:s8+$0x16830];
	_ =	sdelay $0x1  }
0x38: {  	v1 =	vld.idx.msk [tilespmem:v2+s2+$0x0], $0xffff;
	_ =	sdelay $0x3  }
0x39: {  	s15 =	sshll.u32 s0, $0x1;
	s10 =	simm.s32 $0x40;
	s9 =	simm.s32 $0x200  }
.LBB2_3:
0x3a: {  	p1 =	sne.s32 s9, $0x4F00;
	v2 =	vld [tilespmem:s10+$0x14000];
	[tilespmem:s8+$0x19030] =	vst v1  }
0x3b: {  	v0 =	vld.idx.msk [tilespmem:v0+s2+$0x0], $0xffff;
	_ =	sdelay $0x5  }
0x3c: {  	v1 =	vld [tilespmem:s10+$0x16800];
	[tilespmem:s8+$0x1B830] =	vst v0;
	s8 =	smov.u32 s10  }
0x3d: {  	v0 =	vld.idx.msk [tilespmem:v2+s2+$0x0], $0xffff;
	_ =	sdelay $0x5  }
0x3e: {  	[tilespmem:s8+$0x19000] =	vst v0;
	v0 =	vld [tilespmem:s8+$0x14010]  }
0x3f: {  	v1 =	vld.idx.msk [tilespmem:v1+s2+$0x0], $0xffff;
	_ =	sdelay $0x5  }
0x40: {  	[tilespmem:s8+$0x1B800] =	vst v1;
	v1 =	vld [tilespmem:s8+$0x16810]  }
0x41: {  	v0 =	vld.idx.msk [tilespmem:v0+s2+$0x0], $0xffff;
	_ =	sdelay $0x5  }
0x42: {  	[tilespmem:s8+$0x19010] =	vst v0;
	v0 =	vld [tilespmem:s8+$0x14020]  }
0x43: {  	v1 =	vld.idx.msk [tilespmem:v1+s2+$0x0], $0xffff;
	_ =	sdelay $0x5  }
0x44: {  	[tilespmem:s8+$0x1B810] =	vst v1;
	v1 =	vld [tilespmem:s8+$0x16820]  }
0x45: {  	v0 =	vld.idx.msk [tilespmem:v0+s2+$0x0], $0xffff;
	_ =	sdelay $0x5  }
0x46: {  	[tilespmem:s8+$0x19020] =	vst v0;
	v2 =	vld [tilespmem:s8+$0x14030]  }
0x47: {  	v0 =	vld.idx.msk [tilespmem:v1+s2+$0x0], $0xffff;
	_ =	sdelay $0x5  }
0x48: {  	[tilespmem:s8+$0x1B820] =	vst v0;
	v0 =	vld [tilespmem:s8+$0x16830]  }
0x49: {  	v1 =	vld.idx.msk [tilespmem:v2+s2+$0x0], $0xffff  }
.Ltmp0:
0x4a: {  	(pc) =	sbr.rel @p1 .LBB2_3-.Ltmp0, $2  }
0x4b: {  	_ =	sdelay $0x2  }
0x4c: {  	s10 =	sshra.s32 s9, $0x2;
	s9 =	sadd.s32 $0x100, s9  }
0x4d: {  	_ =	sdelay $0x1  }
0x4e: {  	v2 =	vld [tilespmem:s10+$0x14000]  }
0x4f: {  	[tilespmem:s8+$0x19030] =	vst v1  }
0x50: {  	v0 =	vld.idx.msk [tilespmem:v0+s2+$0x0], $0xffff;
	_ =	sdelay $0x3  }
0x51: {  	v1 =	vld [tilespmem:s10+$0x16800]  }
0x52: {  	[tilespmem:s8+$0x1B830] =	vst v0  }
0x53: {  	v0 =	vld.idx.msk [tilespmem:v2+s2+$0x0], $0xffff;
	_ =	sdelay $0x4  }
0x54: {  	[tilespmem:s10+$0x19000] =	vst v0;
	v0 =	vld [tilespmem:s10+$0x14010]  }
0x55: {  	v1 =	vld.idx.msk [tilespmem:v1+s2+$0x0], $0xffff;
	_ =	sdelay $0x4  }
0x56: {  	[tilespmem:s10+$0x1B800] =	vst v1;
	v1 =	vld [tilespmem:s10+$0x16810];
	_ =	sdelay $0x1  }
0x57: {  	v0 =	vld.idx.msk [tilespmem:v0+s2+$0x0], $0xffff;
	_ =	sdelay $0x4  }
0x58: {  	[tilespmem:s10+$0x19010] =	vst v0;
	v0 =	vld [tilespmem:s10+$0x14020]  }
0x59: {  	v1 =	vld.idx.msk [tilespmem:v1+s2+$0x0], $0xffff;
	_ =	sdelay $0x4  }
0x5a: {  	[tilespmem:s10+$0x1B810] =	vst v1;
	v1 =	vld [tilespmem:s10+$0x16820];
	_ =	sdelay $0x1  }
0x5b: {  	v0 =	vld.idx.msk [tilespmem:v0+s2+$0x0], $0xffff;
	_ =	sdelay $0x4  }
0x5c: {  	[tilespmem:s10+$0x19020] =	vst v0;
	v0 =	vld [tilespmem:s10+$0x14030]  }
0x5d: {  	v1 =	vld.idx.msk [tilespmem:v1+s2+$0x0], $0xffff;
	_ =	sdelay $0x4  }
0x5e: {  	[tilespmem:s10+$0x1B820] =	vst v1;
	v1 =	vld [tilespmem:s10+$0x16830];
	_ =	sdelay $0x1  }
0x5f: {  	v0 =	vld.idx.msk [tilespmem:v0+s2+$0x0], $0xffff;
	_ =	sdelay $0x4  }
0x60: {  	[tilespmem:s10+$0x19030] =	vst v0  }
0x61: {  	v0 =	vld.idx.msk [tilespmem:v1+s2+$0x0], $0xffff;
	_ =	sdelay $0x2  }
0x62: {  	s9 =	sadd.s32 s4, s14  }
0x63: {  	s8 =	sshrl.u32 s9, $0x3  }
0x64: {  	s9 =	sadd.s32 s6, s8;
	[tilespmem:s10+$0x1B830] =	vst v0  }
0x65: {  	[hbm4b:s9+s2] =	stream.linear.scatter [tilespmem:s21], [sflag:$0x6], $0x1400, $0x38;
	[tilespmem:$0x1E000] =	vst v63  }
0x66: {  	s8 =	sadd.s32 s7, s8  }
0x67: {  	[hbm4b:s8+s2] =	stream.linear.scatter [tilespmem:s22], [sflag:$0x8], $0x1400, $0x38;
	[tilespmem:$0x1E000] =	vst v63  }
0x68: {  	_ =	swait.ge [sflag:s23], $0x1400  }
0x69: {  	s15 =	sor.u32 $0x1, s15;
	[sflag:s23] =	ssyncset.done $0x0  }
0x6a: {  	p1 =	sgt.u32 s15, $0xF8;
	[sflag:s23] =	ssyncadd.s32 $0xFFFFEC00  }
0x6b: {  	s8 =	sadd.s32 @!p1 s14, s12;
	_ =	swait.ge [sflag:s24], $0x1400  }
0x6c: {  	s10 =	simm.s32 @!p1 $0x0;
	s8 =	sshrl.u32 @!p1 s8, $0x3;
	[sflag:s24] =	ssyncset.done $0x0  }
0x6d: {  	s14 =	simm.s32 @!p1 $0x14000;
	s9 =	sadd.s32 @!p1 s3, s8;
	[sflag:s24] =	ssyncadd.s32 $0xFFFFEC00  }
0x6e: {  	[tilespmem:s14], [sflag:$0x2] =	stream.linear.gather @!p1 [hbm4b:s9+s10], $0x1400, $0x38;
	[tilespmem:$0x1E000] =	vst v63  }
0x6f: {  	s8 =	sadd.s32 @!p1 s5, s8;
	s9 =	simm.s32 @!p1 $0x16800  }
0x70: {  	[tilespmem:s9], [sflag:$0x4] =	stream.linear.gather @!p1 [hbm4b:s8+s10], $0x1400, $0x38;
	[tilespmem:$0x1E000] =	vst v63  }
0x71: {  	s8 =	simm.s32 @!p0 $0x7  }
0x72: {  	_ =	swait.ge @!p0 [sflag:s8], $0x1400  }
0x73: {  	[sflag:s8] =	ssyncset.done @!p0 $0x0  }
0x74: {  	[sflag:s8] =	ssyncadd.s32 @!p0 $0xFFFFEC00;
	s8 =	simm.s32 @!p0 $0x9  }
0x75: {  	_ =	swait.ge @!p0 [sflag:s8], $0x1400  }
0x76: {  	[sflag:s8] =	ssyncset.done @!p0 $0x0  }
0x77: {  	[sflag:s8] =	ssyncadd.s32 @!p0 $0xFFFFEC00;
	s8 =	simm.s32 $0x0  }
0x78: {  	v0 =	vld [tilespmem:s8+$0x15400];
	_ =	sdelay $0x5  }
0x79: {  	v1 =	vld [tilespmem:s8+$0x17C00];
	_ =	sdelay $0x1  }
0x7a: {  	v0 =	vld.idx.msk [tilespmem:v0+s2+$0x0], $0xffff;
	_ =	sdelay $0x4  }
0x7b: {  	[tilespmem:s8+$0x1A400] =	vst v0;
	v0 =	vld [tilespmem:s8+$0x15410]  }
0x7c: {  	v1 =	vld.idx.msk [tilespmem:v1+s2+$0x0], $0xffff;
	_ =	sdelay $0x4  }
0x7d: {  	[tilespmem:s8+$0x1CC00] =	vst v1;
	v1 =	vld [tilespmem:s8+$0x17C10];
	_ =	sdelay $0x1  }
0x7e: {  	v0 =	vld.idx.msk [tilespmem:v0+s2+$0x0], $0xffff;
	_ =	sdelay $0x4  }
0x7f: {  	[tilespmem:s8+$0x1A410] =	vst v0;
	v0 =	vld [tilespmem:s8+$0x15420]  }
0x80: {  	v1 =	vld.idx.msk [tilespmem:v1+s2+$0x0], $0xffff;
	_ =	sdelay $0x4  }
0x81: {  	[tilespmem:s8+$0x1CC10] =	vst v1;
	v1 =	vld [tilespmem:s8+$0x17C20];
	_ =	sdelay $0x1  }
0x82: {  	v0 =	vld.idx.msk [tilespmem:v0+s2+$0x0], $0xffff;
	_ =	sdelay $0x4  }
0x83: {  	v2 =	vld [tilespmem:s8+$0x15430];
	[tilespmem:s8+$0x1A420] =	vst v0  }
0x84: {  	v0 =	vld.idx.msk [tilespmem:v1+s2+$0x0], $0xffff;
	_ =	sdelay $0x4  }
0x85: {  	[tilespmem:s8+$0x1CC20] =	vst v0;
	v0 =	vld [tilespmem:s8+$0x17C30];
	_ =	sdelay $0x1  }
0x86: {  	v1 =	vld.idx.msk [tilespmem:v2+s2+$0x0], $0xffff;
	_ =	sdelay $0x3  }
0x87: {  	s14 =	simm.s32 $0x40;
	s9 =	simm.s32 $0x200  }
.LBB2_5:
0x88: {  	p0 =	sne.s32 s9, $0x4F00;
	v2 =	vld [tilespmem:s14+$0x15400];
	[tilespmem:s8+$0x1A430] =	vst v1  }
0x89: {  	v0 =	vld.idx.msk [tilespmem:v0+s2+$0x0], $0xffff;
	_ =	sdelay $0x5  }
0x8a: {  	v1 =	vld [tilespmem:s14+$0x17C00];
	[tilespmem:s8+$0x1CC30] =	vst v0;
	s8 =	smov.u32 s14  }
0x8b: {  	v0 =	vld.idx.msk [tilespmem:v2+s2+$0x0], $0xffff;
	_ =	sdelay $0x5  }
0x8c: {  	[tilespmem:s8+$0x1A400] =	vst v0;
	v0 =	vld [tilespmem:s8+$0x15410]  }
0x8d: {  	v1 =	vld.idx.msk [tilespmem:v1+s2+$0x0], $0xffff;
	_ =	sdelay $0x5  }
0x8e: {  	[tilespmem:s8+$0x1CC00] =	vst v1;
	v1 =	vld [tilespmem:s8+$0x17C10]  }
0x8f: {  	v0 =	vld.idx.msk [tilespmem:v0+s2+$0x0], $0xffff;
	_ =	sdelay $0x5  }
0x90: {  	[tilespmem:s8+$0x1A410] =	vst v0;
	v0 =	vld [tilespmem:s8+$0x15420]  }
0x91: {  	v1 =	vld.idx.msk [tilespmem:v1+s2+$0x0], $0xffff;
	_ =	sdelay $0x5  }
0x92: {  	[tilespmem:s8+$0x1CC10] =	vst v1;
	v1 =	vld [tilespmem:s8+$0x17C20]  }
0x93: {  	v0 =	vld.idx.msk [tilespmem:v0+s2+$0x0], $0xffff;
	_ =	sdelay $0x5  }
0x94: {  	[tilespmem:s8+$0x1A420] =	vst v0;
	v2 =	vld [tilespmem:s8+$0x15430]  }
0x95: {  	v0 =	vld.idx.msk [tilespmem:v1+s2+$0x0], $0xffff;
	_ =	sdelay $0x5  }
0x96: {  	[tilespmem:s8+$0x1CC20] =	vst v0;
	v0 =	vld [tilespmem:s8+$0x17C30]  }
0x97: {  	v1 =	vld.idx.msk [tilespmem:v2+s2+$0x0], $0xffff  }
.Ltmp1:
0x98: {  	(pc) =	sbr.rel @p0 .LBB2_5-.Ltmp1, $2  }
0x99: {  	_ =	sdelay $0x2  }
0x9a: {  	s14 =	sshra.s32 s9, $0x2;
	s9 =	sadd.s32 $0x100, s9  }
0x9b: {  	_ =	sdelay $0x1  }
0x9c: {  	v2 =	vld [tilespmem:s14+$0x15400]  }
0x9d: {  	[tilespmem:s8+$0x1A430] =	vst v1  }
0x9e: {  	v0 =	vld.idx.msk [tilespmem:v0+s2+$0x0], $0xffff;
	_ =	sdelay $0x3  }
0x9f: {  	v1 =	vld [tilespmem:s14+$0x17C00]  }
0xa0: {  	[tilespmem:s8+$0x1CC30] =	vst v0  }
0xa1: {  	v0 =	vld.idx.msk [tilespmem:v2+s2+$0x0], $0xffff;
	_ =	sdelay $0x3  }
0xa2: {  	v58 =	vld [tilespmem:s14+$0x15410]  }
0xa3: {  	[tilespmem:s14+$0x1A400] =	vst v0  }
0xa4: {  	v1 =	vld.idx.msk [tilespmem:v1+s2+$0x0], $0xffff;
	_ =	sdelay $0x3  }
0xa5: {  	v59 =	vld [tilespmem:s14+$0x17C10]  }
0xa6: {  	[tilespmem:s14+$0x1CC00] =	vst v1  }
0xa7: {  	v0 =	vld.idx.msk [tilespmem:v58+s2+$0x0], $0xffff;
	_ =	sdelay $0x3  }
0xa8: {  	v60 =	vld [tilespmem:s14+$0x15420]  }
0xa9: {  	[tilespmem:s14+$0x1A410] =	vst v0  }
0xaa: {  	v1 =	vld.idx.msk [tilespmem:v59+s2+$0x0], $0xffff;
	_ =	sdelay $0x3  }
0xab: {  	v61 =	vld [tilespmem:s14+$0x17C20]  }
0xac: {  	[tilespmem:s14+$0x1CC10] =	vst v1  }
0xad: {  	v0 =	vld.idx.msk [tilespmem:v60+s2+$0x0], $0xffff;
	_ =	sdelay $0x3  }
0xae: {  	v62 =	vld [tilespmem:s14+$0x15430]  }
0xaf: {  	[tilespmem:s14+$0x1A420] =	vst v0  }
0xb0: {  	v1 =	vld.idx.msk [tilespmem:v61+s2+$0x0], $0xffff;
	_ =	sdelay $0x3  }
0xb1: {  	v63 =	vld [tilespmem:s14+$0x17C30]  }
0xb2: {  	[tilespmem:s14+$0x1CC20] =	vst v1  }
0xb3: {  	v0 =	vld.idx.msk [tilespmem:v62+s2+$0x0], $0xffff;
	_ =	sdelay $0x4  }
0xb4: {  	[tilespmem:s14+$0x1A430] =	vst v0  }
0xb5: {  	v0 =	vld.idx.msk [tilespmem:v63+s2+$0x0], $0xffff  }
0xb6: {  	s15 =	smul.u32 $0x1400, s15  }
0xb7: {  	s0 =	sadd.s32 $0x1, s0  }
0xb8: {  	p0 =	sne.s32 s0, $0x7D;
	s8 =	sadd.s32 s4, s15  }
.Ltmp2:
0xb9: {  	s8 =	sshrl.u32 s8, $0x3;
	(pc) =	sbr.rel @p0 .LBB2_2-.Ltmp2, $4  }
0xba: {  	s9 =	sadd.s32 s6, s8;
	[tilespmem:s14+$0x1CC30] =	vst v0  }
0xbb: {  	[hbm4b:s9+s2] =	stream.linear.scatter [tilespmem:s25], [sflag:$0x7], $0x1400, $0x38;
	[tilespmem:$0x1E000] =	vst v63  }
0xbc: {  	s8 =	sadd.s32 s7, s8  }
0xbd: {  	[hbm4b:s8+s2] =	stream.linear.scatter [tilespmem:s26], [sflag:$0x9], $0x1400, $0x38;
	[tilespmem:$0x1E000] =	vst v63  }
0xbe: {  	_ =	swait.ge [sflag:s28], $0x1400  }
0xbf: {  	[sflag:s28] =	ssyncset.done $0x0  }
0xc0: {  	[sflag:s28] =	ssyncadd.s32 $0xFFFFEC00  }
0xc1: {  	_ =	swait.ge [sflag:s29], $0x1400  }
0xc2: {  	[sflag:s29] =	ssyncset.done $0x0  }
0xc3: {  	s1 =	sadd.s32 $0x1, s1;
	[sflag:s29] =	ssyncadd.s32 $0xFFFFEC00  }
0xc4: {  	p0 =	sne.s32 s1, s13;
	_ =	swait.ge [sflag:s30], $0x1400  }
.Ltmp3:
0xc5: {  	[sflag:s30] =	ssyncset.done $0x0;
	(pc) =	sbr.rel @p0 .LBB2_1-.Ltmp3, $4  }
0xc6: {  	[sflag:s30] =	ssyncadd.s32 $0xFFFFEC00  }
0xc7: {  	_ =	swait.ge [sflag:s31], $0x1400  }
0xc8: {  	[sflag:s31] =	ssyncset.done $0x0  }
0xc9: {  	[sflag:s31] =	ssyncadd.s32 $0xFFFFEC00  }
0xca: {  	_ =	sfence.sel $0x180000  }
0xcb: {  	[bflag:$0x0] =	sbarrier.arrive $0xFFFF  }
0xcc: {  	_ =	strace $0x9000004D  }
0xcd: {  	s0 =	stileid.u32;
	[bflag:$0x2] =	sbarrier.arrive $0xFFFF  }
0xce: {  	p0 =	sne.s32 s0, $0x0;
	s0 =	rddreg [dreg:$0x1]  }
0xcf: {  	s0 =	sadd.s32 @!p0 $0x100000, s0  }
0xd0: {  	[sflag:s0] =	ssyncadd.tile.s32 @!p0 $0x1;
	_ =	shalt  }
.Lfunc_end2:
_tile_overlayer_lowered:
.L_overlay_start_2:
0xd1: {  	(tag) =	ssettag $0x2  }
0xd2: {  	s0 =	rddreg [dreg:$0x0];
	s2 =	stileid.u32  }
0xd3: {  	s1 =	rddreg [dreg:$0x1];
	p0 =	sne.s32 s2, $0x0  }
0xd4: {  	s3 =	rddreg [dreg:$0x2];
	[bflag:$0x3] =	sbarrier.arrive $0xFFFF;
	s2 =	simm.s32 @!p0 $0x1C0A  }
0xd5: {  	[timem:s3], [sflag:s2] =	dma.local @!p0 [hbm:s0], s1  }
0xd6: {  	s0 =	simm.s32 @!p0 $0xA  }
0xd7: {  	_ =	swait.ge @!p0 [sflag:s0], s1  }
0xd8: {  	s1 =	ssub.s32 @!p0 $0x0, s1;
	[sflag:s0] =	ssyncset.done @!p0 $0x0  }
0xd9: {  	[sflag:s0] =	ssyncadd.s32 @!p0 s1  }
0xda: {  	[bflag:$0x3] =	sbarrier.arrive $0xFFFF  }
0xdb: {  	_ =	shalt  }

// kernel: kernel.22.cloned.1.call-start
scs
__scs_entry_jumppad:
0x0: {  	(pc) =	sbr.rel $0x88, $3  }
0x1: {  	(tag) =	ssettag $0x0;
	lr =	simm.s32 $0x1  }
0x2: {  	[smem:$0x3F93] =	sst lr;
	_ =	strace $0xD0000000  }
0x3: {  	_ = 	snop  }
0x4: {  	_ = 	snop  }
0x5: {  	_ = 	snop  }
0x6: {  	_ = 	snop  }
0x7: {  	_ = 	snop  }
__scs_overlays_trampoline_lowered:
0x8: {  	[smem:$0x3FA2] =	sst s0  }
0x9: {  	[smem:$0x3FA3] =	sst s1  }
0xa: {  	[smem:$0x3FA4] =	sst s2  }
0xb: {  	[smem:$0x3FA5] =	sst s3  }
0xc: {  	[smem:$0x3FA6] =	sst s4  }
0xd: {  	[smem:$0x3FA7] =	sst s5  }
0xe: {  	[smem:$0x3FA8] =	sst s6  }
0xf: {  	[smem:$0x3FA9] =	sst s7  }
0x10: {  	[smem:$0x3FAA] =	sst s8  }
0x11: {  	[smem:$0x3FAB] =	sst s9;
	s0 =	simm.s32 @!p0 $0x0  }
0x12: {  	s1 =	sld [smem:$0x3F91];
	s0 =	simm.s32 @p0 $0x1  }
0x13: {  	[smem:$0x3FAC] =	sst s0;
	s0 =	simm.s32 @!p1 $0x0  }
0x14: {  	s2 =	sld [smem:$0x3F90];
	s0 =	simm.s32 @p1 $0x1  }
0x15: {  	[smem:$0x3FAD] =	sst s0;
	s0 =	simm.s32 @!p2 $0x0  }
0x16: {  	s3 =	sld [smem:$0x3FDB];
	s0 =	simm.s32 @p2 $0x1  }
0x17: {  	s4 =	simm.s32 $0x1BF5;
	[smem:$0x3FAF] =	sst s0  }
0x18: {  	s0 =	sld [smem:$0x3F92];
	_ =	swait.ge [sflag:s4], $0x0  }
0x19: {  	s7 =	sld [smem:$0x3F93]  }
0x1a: {  	s8 =	sadd.s32 $0xFFFFE003, lr  }
0x1b: {  	s9 =	sadd.s32 $0xFFFFFEF7, lr;
	s5 =	simm.s32 $0xFFFFFFFF;
	p2 =	slt.u32 s8, $0xFFFFF086  }
0x1c: {  	p1 =	slt.u32 s9, $0xF7A;
	s5 =	simm.s32 @!p2 $0x0  }
0x1d: {  	s5 =	simm.s32 @p1 $0x1;
	p0 =	seq.s32 s7, s2  }
0x1e: {  	s7 =	smul.u32 @!p0 $0xF7A, s2;
	p2 =	seq.s32 @!p0 s5, $0x0  }
0x1f: {  	s9 =	smul.u32 $0xF7A, s1;
	s8 =	simm.s32 @!p0 $0x1BF5;
	p2 =	por !p2, p0  }
0x20: {  	[sflag:s8] =	ssyncset.s32 @!p0 $0xFFFFF086;
	s6 =	sadd.s32 @!p0 s3, s7;
	s7 =	simm.s32 @!p0 $0x108  }
0x21: {  	s3 =	sadd.s32 s3, s9;
	s6 =	sadd.s32 @!p0 $0x88, s6;
	s7 =	simm.s32 @p2 $0x1082  }
0x22: {  	[simem:s7], [sflag:s8] =	dma.local @!p0 [hbm:s6], $0xF7A  }
0x23: {  	s9 =	sor.u32 $0xD0000000, s2;
	s6 =	simm.s32 $0x108;
	_ =	swait.ge @!p0 [sflag:s8], $0x0  }
0x24: {  	s3 =	sadd.s32 $0x88, s3;
	s6 =	simm.s32 @!p1 $0x1082;
	[sflag:s4] =	ssyncset.s32 $0xFFFFF086  }
0x25: {  	[simem:s6], [sflag:s4] =	dma.local [hbm:s3], $0xF7A  }
0x26: {  	[smem:$0x3F93] =	sst s1;
	(tag) =	ssettag s2;
	_ =	strace s9  }
0x27: {  	s1 =	sld [smem:$0x3FA3]  }
0x28: {  	s2 =	sld [smem:$0x3FA4]  }
0x29: {  	s4 =	sld [smem:$0x3FA6]  }
0x2a: {  	p0 =	seq.s32 s5, $0x0;
	s5 =	sld [smem:$0x3FA7]  }
0x2b: {  	s6 =	sld [smem:$0x3FA8]  }
0x2c: {  	s7 =	sld [smem:$0x3FA9]  }
0x2d: {  	s3 =	simm.s32 $0x108;
	s8 =	sld [smem:$0x3FAA]  }
0x2e: {  	s3 =	simm.s32 @!p0 $0x1082;
	s9 =	sld [smem:$0x3FAB]  }
0x2f: {  	lr =	sadd.s32 s0, s3;
	s0 =	sld [smem:$0x3FA2]  }
0x30: {  	s3 =	sld [smem:$0x3FA5]  }
0x31: {  	[smem:$0x3FAE] =	sst s10  }
0x32: {  	s10 =	sld [smem:$0x3FAC];
	_ =	sdelay $0x3  }
0x33: {  	p0 =	seq.s32 s10, $0x1;
	s10 =	sld [smem:$0x3FAE];
	_ =	sdelay $0x3  }
0x34: {  	[smem:$0x3FAE] =	sst s10  }
0x35: {  	s10 =	sld [smem:$0x3FAD];
	_ =	sdelay $0x3  }
0x36: {  	p1 =	seq.s32 s10, $0x1;
	s10 =	sld [smem:$0x3FAE];
	_ =	sdelay $0x3  }
0x37: {  	[smem:$0x3FAE] =	sst s10  }
0x38: {  	s10 =	sld [smem:$0x3FAF]  }
0x39: {  	_ = 	snop;
	(pc) =	sbr.ind lr, $3  }
0x3a: {  	_ = 	snop  }
0x3b: {  	_ = 	snop  }
0x3c: {  	p2 =	seq.s32 s10, $0x1;
	s10 =	sld [smem:$0x3FAE]  }
0x3d: {  	_ =	shalt  }
0x3e: {  	_ =	shalt  }
0x3f: {  	_ =	shalt  }
0x40: {  	_ =	shalt  }
0x41: {  	_ =	shalt  }
0x42: {  	_ =	shalt  }
0x43: {  	_ =	shalt  }
0x44: {  	_ =	shalt  }
0x45: {  	_ =	shalt  }
0x46: {  	_ =	shalt  }
0x47: {  	_ =	shalt  }
0x48: {  	_ =	shalt  }
0x49: {  	_ =	shalt  }
0x4a: {  	_ =	shalt  }
0x4b: {  	_ =	shalt  }
0x4c: {  	_ =	shalt  }
0x4d: {  	_ =	shalt  }
0x4e: {  	_ =	shalt  }
0x4f: {  	_ =	shalt  }
0x50: {  	_ =	shalt  }
0x51: {  	_ =	shalt  }
0x52: {  	_ =	shalt  }
0x53: {  	_ =	shalt  }
0x54: {  	_ =	shalt  }
0x55: {  	_ =	shalt  }
0x56: {  	_ =	shalt  }
0x57: {  	_ =	shalt  }
0x58: {  	_ =	shalt  }
0x59: {  	_ =	shalt  }
0x5a: {  	_ =	shalt  }
0x5b: {  	_ =	shalt  }
0x5c: {  	_ =	shalt  }
0x5d: {  	_ =	shalt  }
0x5e: {  	_ =	shalt  }
0x5f: {  	_ =	shalt  }
0x60: {  	_ =	shalt  }
0x61: {  	_ =	shalt  }
0x62: {  	_ =	shalt  }
0x63: {  	_ =	shalt  }
0x64: {  	_ =	shalt  }
0x65: {  	_ =	shalt  }
0x66: {  	_ =	shalt  }
0x67: {  	_ =	shalt  }
0x68: {  	_ =	shalt  }
0x69: {  	_ =	shalt  }
0x6a: {  	_ =	shalt  }
0x6b: {  	_ =	shalt  }
0x6c: {  	_ =	shalt  }
0x6d: {  	_ =	shalt  }
0x6e: {  	_ =	shalt  }
0x6f: {  	_ =	shalt  }
0x70: {  	_ =	shalt  }
0x71: {  	_ =	shalt  }
0x72: {  	_ =	shalt  }
0x73: {  	_ =	shalt  }
0x74: {  	_ =	shalt  }
0x75: {  	_ =	shalt  }
0x76: {  	_ =	shalt  }
0x77: {  	_ =	shalt  }
0x78: {  	_ =	shalt  }
0x79: {  	_ =	shalt  }
0x7a: {  	_ =	shalt  }
0x7b: {  	_ =	shalt  }
0x7c: {  	_ =	shalt  }
0x7d: {  	_ =	shalt  }
0x7e: {  	_ =	shalt  }
0x7f: {  	_ =	shalt  }
0x80: {  	_ =	shalt  }
0x81: {  	_ =	shalt  }
0x82: {  	_ =	shalt  }
0x83: {  	_ =	shalt  }
0x84: {  	_ =	shalt  }
0x85: {  	_ =	shalt  }
0x86: {  	_ =	shalt  }
0x87: {  	_ =	shalt  }
.Lfunc_end0:
.L_simem_size_0:
called_computation.3_lowered:
.L_overlay_start_0:
0x88: {  	s2 =	sld [smem:$0x3FD9]  }
0x89: {  	s3 =	sld [smem:$0x3FFE];
	_ =	sdelay $0x1  }
0x8a: {  	s1 =	srdreg.scid  }
0x8b: {  	s0 =	sand.u32 $0x1, s1  }
0x8c: {  	s16 =	sshll.u32 s0, $0xA;
	s2 =	sadd.s32 s3, s2  }
0x8d: {  	s2 =	sadd.s32 s2, s16  }
0x8e: {  	[smem:$0x3FBA] =	sst s2  }
0x8f: {  	_ = 	snop  }
0x90: {  	(tm) =	ssettm $0x1  }
0x91: {  	s17 =	sld [smem:$0x3FFB];
	_ =	sdelay $0x3  }
0x92: {  	_ =	strace s17  }
0x93: {  	s2 =	sld [smem:$0x3FFC];
	_ =	sdelay $0x3  }
0x94: {  	_ =	strace s2  }
0x95: {  	s2 =	sld [smem:$0x3FFD];
	_ =	sdelay $0x3  }
0x96: {  	_ =	strace s2  }
0x97: {  	_ =	strace $0x8FFFFFFF  }
0x98: {  	s18 =	sld [smem:$0x3FDB];
	_ =	sdelay $0x1  }
0x99: {  	s19 =	simm.s32 $_scs_section_size  }
0x9a: {  	s4 =	simm.s32 $_size__tile_overlayer_lowered;
	s5 =	simm.s32 $_tile_overlayer_lowered  }
0x9b: {  	s22 =	simm.s32 $0x1BFF;
	s21 =	sshll.u32 s5, $0x1;
	s2 =	sadd.s32 s19, s18  }
0x9c: {  	s6 =	simm.s32 $0x0;
	s20 =	sshll.u32 s4, $0x1;
	s4 =	sadd.s32 s21, s2  }
0x9d: {  	[timem:s6], [sflag:s22] =	dma.local [hbm:s4], s20  }
0x9e: {  	_ =	swait.ge [sflag:s22], s20  }
0x9f: {  	s3 =	ssub.s32 $0x0, s20;
	[sflag:s22] =	ssyncset.done $0x0  }
0xa0: {  	[sflag:s22] =	ssyncadd.s32 s3;
	_ =	sdelay $0x1  }
0xa1: {  	s23 =	simm.s32 $0x1B8B  }
0xa2: {  	_ =	swait.ge [sflag:s23], $0x1  }
0xa3: {  	[sflag:s23] =	ssyncset.done $0x0  }
0xa4: {  	s25 =	simm.s32 $0x1B8E;
	s24 =	sld [smem:$0x3FFE];
	[sflag:s23] =	ssyncadd.s32 $0xFFFFFFFF  }
0xa5: {  	s26 =	simm.s32 $execute0_lowered;
	[smem:$0x3FD2] =	sst s25  }
0xa6: {  	s4 =	sshll.u32 s26, $0x1;
	_ =	strace $0x8000004F;
	[dreg:$0x1] =	wrdreg $0xFFFFFFFF  }
0xa7: {  	s28 =	simm.s32 $_size_execute0_lowered;
	s2 =	sadd.s32 s2, s4;
	[dreg:$0x0] =	wrdreg $0x0  }
0xa8: {  	s4 =	sshll.u32 s28, $0x1;
	[dreg:$0x2] =	wrdreg s2  }
0xa9: {  	[dreg:$0x3] =	wrdreg s4  }
0xaa: {  	[dreg:$0x4] =	wrdreg $0xC0  }
0xab: {  	_ =	task [dreg:s6], $0x5FFFF  }
0xac: {  	[dreg:$0x1] =	wrdreg $0xFFFFFFFF  }
0xad: {  	[dreg:$0x0] =	wrdreg $0x60  }
0xae: {  	[dreg:$0x2] =	wrdreg s24  }
0xaf: {  	[dreg:$0x3] =	wrdreg $0x9  }
0xb0: {  	_ =	task.clear_ibuf [dreg:s6], $0x4FFFF;
	_ =	strace $0x9000004F  }
0xb1: {  	s29 =	simm.s32 $0x9;
	_ =	strace $0x80000051  }
0xb2: {  	_ =	swait.ge [sflag:s29], $0x1  }
0xb3: {  	[sflag:s29] =	ssyncadd.s32 $0xFFFFFFFF  }
0xb4: {  	_ =	strace $0x90000051  }
0xb5: {  	_ =	sfence  }
0xb6: {  	s30 =	sld [smem:$0x0];
	_ =	sdelay $0x2  }
0xb7: {  	s31 =	sshll.u32 s1, $0xD;
	s1 =	sshrl.u32 s1, $0x2  }
0xb8: {  	s3 =	sand.u32 $0x4000, s31;
	s1 =	sadd.s32 s1, s30  }
0xb9: {  	s0 =	sor.u32 s3, s0;
	s1 =	sshll.u32 s1, $0x11  }
0xba: {  	s0 =	sor.u32 s1, s0  }
0xbb: {  	s0 =	sadd.s32 $0x8F2B, s0  }
0xbc: {  	[sflag:s0] =	ssyncadd.remote.s32 $0x1  }
0xbd: {  	_ =	sfence.sel $0xFFFF  }
0xbe: {  	[dreg:$0x0] =	wrdreg $0xFFFFFFFF;
	(pc) =	sbr.abs _section_cstart, $3  }
0xbf: {  	[dreg:$0x1] =	wrdreg $0xFFFFFFFF  }
0xc0: {  	_ =	task.clear_ibuf [dreg:s6], $0x2FFFF;
	_ =	strace $0x9FFFFFFF  }
0xc1: {  	(tm) =	ssettm $0x7FFFFFFF  }
tec
execute0_lowered:
.L_overlay_start_1:
0x0: {  	(tag) =	ssettag $0x1  }
0x1: {  	s5 =	rddreg [dreg:$0x0]  }
0x2: {  	s0 =	rddreg [dreg:$0x1]  }
0x3: {  	s3 =	srdreg.scid;
	s1 =	stileid.u32;
	s2 =	simm.s32 $0x0  }
0x4: {  	s13 =	simm.s32 $0x1;
	s14 =	simm.s32 $0x3;
	s15 =	simm.s32 $0x15400  }
0x5: {  	s16 =	simm.s32 $0x17C00;
	s17 =	simm.s32 $0x2;
	s18 =	simm.s32 $0x4  }
0x6: {  	s19 =	simm.s32 $0x5;
	s4 =	sand.u32 $0x1, s3;
	s31 =	sshll.u32 s1, $0x1  }
0x7: {  	s20 =	simm.s32 $0x0;
	[smem:$0x7FF] =	sst s2;
	s6 =	sor.u32 s4, s31  }
0x8: {  	s3 =	sadd.s32 $0x9CD400, s5;
	s7 =	ssub.s32 $0x2, s4;
	s8 =	smul.u32 $0x138800, s6  }
0x9: {  	_ =	strace $0x80000050;
	s6 =	smul.u32 $0x2800, s6;
	s9 =	sshrl.u32 s7, $0x1  }
0xa: {  	s4 =	sadd.s32 $0x4EB400, s5;
	s12 =	ssub.s32 s7, s9;
	s10 =	sshrl.u32 s8, $0x3  }
0xb: {  	s11 =	sadd.s32 s6, s5;
	s7 =	sadd.s32 $0x1400, s8;
	s8 =	sadd.s32 $0x2800, s8  }
0xc: {  	s5 =	sadd.s32 s4, s10;
	s6 =	sadd.s32 s3, s10;
	s9 =	sadd.s32 $0x13E1400, s11  }
0xd: {  	v0 =	vimm.f32 $0.0e+00;
	s10 =	smax.u32 s12, $0x1;
	s11 =	simm.s32 $0x14000;
	s12 =	simm.s32 $0x16800  }
.LBB2_1:
0xe: {  	[tilespmem:s11], [sflag:$0x1] =	stream.linear.gather [hbm4b:s5+s2], $0x1400, $0x38;
	[tilespmem:$0x19000] =	vst v63  }
0xf: {  	s21 =	simm.s32 $0x40;
	s22 =	simm.s32 $0x0  }
0x10: {  	[tilespmem:s12], [sflag:$0x3] =	stream.linear.gather [hbm4b:s6+s2], $0x1400, $0x38;
	[tilespmem:$0x19000] =	vst v63  }
.LBB2_2:
0x11: {  	p0 =	sne.s32 s21, $0x4FFC0;
	[tilespmem:s22+$0x0] =	vst v0;
	s22 =	smov.u32 s21;
	s21 =	sadd.s32 $0x40, s21  }
.Ltmp0:
0x12: {  	(pc) =	sbr.rel @p0 .LBB2_2-.Ltmp0, $2  }
0x13: {  	_ =	sdelay $0x2  }
0x14: {  	s22 =	sshra.s32 s22, $0x2  }
0x15: {  	[tilespmem:s22+$0x0] =	vst v0;
	s21 =	simm.s32 $0x0;
	s22 =	simm.s32 $0x0  }
.LBB2_4:
0x16: {  	_ =	swait.ge [sflag:s13], $0x1400  }
0x17: {  	s23 =	smul.u32 $0x2800, s22;
	[sflag:s13] =	ssyncset.done $0x0  }
0x18: {  	[sflag:s13] =	ssyncadd.s32 $0xFFFFEC00  }
0x19: {  	s24 =	sadd.s32 s23, s7;
	_ =	swait.ge [sflag:s14], $0x1400  }
0x1a: {  	s24 =	sshrl.u32 s24, $0x3;
	[sflag:s14] =	ssyncset.done $0x0  }
0x1b: {  	s25 =	sadd.s32 s4, s24;
	[sflag:s14] =	ssyncadd.s32 $0xFFFFEC00  }
0x1c: {  	[tilespmem:s15], [sflag:$0x2] =	stream.linear.gather [hbm4b:s25+s21], $0x1400, $0x38;
	[tilespmem:$0x19000] =	vst v63  }
0x1d: {  	s24 =	sadd.s32 s3, s24  }
0x1e: {  	[tilespmem:s16], [sflag:$0x4] =	stream.linear.gather [hbm4b:s24+s21], $0x1400, $0x38;
	[tilespmem:$0x19000] =	vst v63  }
0x1f: {  	s24 =	simm.s32 $0x0  }
.LBB2_5:
0x20: {  	s25 =	sshra.s32 s24, $0x2  }
0x21: {  	v1 =	vld [tilespmem:s25+$0x14000];
	_ =	sdelay $0x2  }
0x22: {  	v2 =	vld [tilespmem:s25+$0x16800];
	_ =	sdelay $0x4  }
0x23: {  	[tilespmem:v1+s2+$0x0] =	vst.idx.add.f32.msk $0xffff, v2  }
0x24: {  	v1 =	vld [tilespmem:s25+$0x14010];
	_ =	sdelay $0x2  }
0x25: {  	v2 =	vld [tilespmem:s25+$0x16810];
	_ =	sdelay $0x4  }
0x26: {  	[tilespmem:v1+s2+$0x0] =	vst.idx.add.f32.msk $0xffff, v2  }
0x27: {  	v1 =	vld [tilespmem:s25+$0x14020];
	_ =	sdelay $0x2  }
0x28: {  	v2 =	vld [tilespmem:s25+$0x16820];
	_ =	sdelay $0x4  }
0x29: {  	[tilespmem:v1+s2+$0x0] =	vst.idx.add.f32.msk $0xffff, v2  }
0x2a: {  	v1 =	vld [tilespmem:s25+$0x14030];
	_ =	sdelay $0x2  }
0x2b: {  	p0 =	sne.s32 s24, $0x4F00;
	v2 =	vld [tilespmem:s25+$0x16830]  }
.Ltmp1:
0x2c: {  	_ = 	snop;
	(pc) =	sbr.rel @p0 .LBB2_5-.Ltmp1, $2  }
0x2d: {  	_ =	sdelay $0x2  }
0x2e: {  	s24 =	sadd.s32 $0x100, s24;
	[tilespmem:v1+s2+$0x0] =	vst.idx.add.f32.msk $0xffff, v2  }
0x2f: {  	_ =	swait.ge [sflag:s17], $0x1400  }
0x30: {  	[sflag:s17] =	ssyncset.done $0x0  }
0x31: {  	p0 =	sgt.u32 s22, $0x7B;
	[sflag:s17] =	ssyncadd.s32 $0xFFFFEC00  }
0x32: {  	s23 =	sadd.s32 @!p0 s23, s8;
	_ =	swait.ge [sflag:s18], $0x1400  }
0x33: {  	s25 =	simm.s32 @!p0 $0x0;
	s23 =	sshrl.u32 @!p0 s23, $0x3;
	[sflag:s18] =	ssyncset.done $0x0  }
0x34: {  	s26 =	simm.s32 @!p0 $0x14000;
	s24 =	sadd.s32 @!p0 s4, s23;
	[sflag:s18] =	ssyncadd.s32 $0xFFFFEC00  }
0x35: {  	[tilespmem:s26], [sflag:$0x1] =	stream.linear.gather @!p0 [hbm4b:s24+s25], $0x1400, $0x38;
	[tilespmem:$0x19000] =	vst v63  }
0x36: {  	s23 =	sadd.s32 @!p0 s3, s23;
	s24 =	simm.s32 @!p0 $0x16800  }
0x37: {  	[tilespmem:s24], [sflag:$0x3] =	stream.linear.gather @!p0 [hbm4b:s23+s25], $0x1400, $0x38;
	[tilespmem:$0x19000] =	vst v63  }
0x38: {  	s23 =	simm.s32 $0x0  }
.LBB2_7:
0x39: {  	s24 =	sshra.s32 s23, $0x2  }
0x3a: {  	v1 =	vld [tilespmem:s24+$0x15400];
	_ =	sdelay $0x2  }
0x3b: {  	v2 =	vld [tilespmem:s24+$0x17C00];
	_ =	sdelay $0x4  }
0x3c: {  	[tilespmem:v1+s2+$0x0] =	vst.idx.add.f32.msk $0xffff, v2  }
0x3d: {  	v1 =	vld [tilespmem:s24+$0x15410];
	_ =	sdelay $0x2  }
0x3e: {  	v2 =	vld [tilespmem:s24+$0x17C10];
	_ =	sdelay $0x4  }
0x3f: {  	[tilespmem:v1+s2+$0x0] =	vst.idx.add.f32.msk $0xffff, v2  }
0x40: {  	v1 =	vld [tilespmem:s24+$0x15420];
	_ =	sdelay $0x2  }
0x41: {  	v2 =	vld [tilespmem:s24+$0x17C20];
	_ =	sdelay $0x4  }
0x42: {  	[tilespmem:v1+s2+$0x0] =	vst.idx.add.f32.msk $0xffff, v2  }
0x43: {  	v1 =	vld [tilespmem:s24+$0x15430];
	_ =	sdelay $0x2  }
0x44: {  	p0 =	sne.s32 s23, $0x4F00;
	v2 =	vld [tilespmem:s24+$0x17C30]  }
.Ltmp2:
0x45: {  	_ = 	snop;
	(pc) =	sbr.rel @p0 .LBB2_7-.Ltmp2, $2  }
0x46: {  	_ =	sdelay $0x2  }
0x47: {  	s23 =	sadd.s32 $0x100, s23;
	[tilespmem:v1+s2+$0x0] =	vst.idx.add.f32.msk $0xffff, v2  }
0x48: {  	s22 =	sadd.s32 $0x1, s22  }
0x49: {  	p0 =	sne.s32 s22, $0x7D  }
.Ltmp3:
0x4a: {  	_ = 	snop;
	(pc) =	sbr.rel @p0 .LBB2_4-.Ltmp3, $1  }
0x4b: {  	_ =	sdelay $0x3  }
0x4c: {  	s20 =	sadd.s32 $0x1, s20  }
0x4d: {  	p0 =	sne.s32 s20, s10  }
.Ltmp4:
0x4e: {  	_ = 	snop;
	(pc) =	sbr.rel @p0 .LBB2_1-.Ltmp4, $4  }
0x4f: {  	[hbm4b:s9+s2] =	stream.linear.scatter [tilespmem:s2], [sflag:$0x5], $0x14000, $0x38;
	[tilespmem:$0x19000] =	vst v63  }
0x50: {  	_ =	swait.ge [sflag:s19], $0x14000  }
0x51: {  	[sflag:s19] =	ssyncset.done $0x0  }
0x52: {  	[sflag:s19] =	ssyncadd.s32 $0xFFFEC000  }
0x53: {  	_ =	sfence.sel $0x180000  }
0x54: {  	[bflag:$0x0] =	sbarrier.arrive $0xFFFF  }
0x55: {  	p0 =	sne.s32 s1, $0x0;
	_ =	strace $0x90000050  }
0x56: {  	s0 =	sadd.s32 @!p0 $0x100000, s0;
	[bflag:$0x2] =	sbarrier.arrive $0xFFFF  }
0x57: {  	[sflag:s0] =	ssyncadd.tile.s32 @!p0 $0x1;
	_ =	shalt  }
.Lfunc_end2:
_tile_overlayer_lowered:
.L_overlay_start_2:
0x58: {  	(tag) =	ssettag $0x2  }
0x59: {  	s0 =	rddreg [dreg:$0x0];
	s2 =	stileid.u32  }
0x5a: {  	s1 =	rddreg [dreg:$0x1];
	p0 =	sne.s32 s2, $0x0  }
0x5b: {  	s3 =	rddreg [dreg:$0x2];
	[bflag:$0x3] =	sbarrier.arrive $0xFFFF;
	s2 =	simm.s32 @!p0 $0x1C05  }
0x5c: {  	[timem:s3], [sflag:s2] =	dma.local @!p0 [hbm:s0], s1  }
0x5d: {  	s0 =	simm.s32 @!p0 $0x5  }
0x5e: {  	_ =	swait.ge @!p0 [sflag:s0], s1  }
0x5f: {  	s1 =	ssub.s32 @!p0 $0x0, s1;
	[sflag:s0] =	ssyncset.done @!p0 $0x0  }
0x60: {  	[sflag:s0] =	ssyncadd.s32 @!p0 s1  }
0x61: {  	[bflag:$0x3] =	sbarrier.arrive $0xFFFF  }
0x62: {  	_ =	shalt  }

// kernel: kernel.25.cloned.1.call-start
scs
__scs_entry_jumppad:
0x0: {  	(pc) =	sbr.rel $0x88, $3  }
0x1: {  	(tag) =	ssettag $0x0;
	lr =	simm.s32 $0x1  }
0x2: {  	[smem:$0x3F93] =	sst lr;
	_ =	strace $0xD0000000  }
0x3: {  	_ = 	snop  }
0x4: {  	_ = 	snop  }
0x5: {  	_ = 	snop  }
0x6: {  	_ = 	snop  }
0x7: {  	_ = 	snop  }
__scs_overlays_trampoline_lowered:
0x8: {  	[smem:$0x3FA2] =	sst s0  }
0x9: {  	[smem:$0x3FA3] =	sst s1  }
0xa: {  	[smem:$0x3FA4] =	sst s2  }
0xb: {  	[smem:$0x3FA5] =	sst s3  }
0xc: {  	[smem:$0x3FA6] =	sst s4  }
0xd: {  	[smem:$0x3FA7] =	sst s5  }
0xe: {  	[smem:$0x3FA8] =	sst s6  }
0xf: {  	[smem:$0x3FA9] =	sst s7  }
0x10: {  	[smem:$0x3FAA] =	sst s8  }
0x11: {  	[smem:$0x3FAB] =	sst s9;
	s0 =	simm.s32 @!p0 $0x0  }
0x12: {  	s1 =	sld [smem:$0x3F91];
	s0 =	simm.s32 @p0 $0x1  }
0x13: {  	[smem:$0x3FAC] =	sst s0;
	s0 =	simm.s32 @!p1 $0x0  }
0x14: {  	s2 =	sld [smem:$0x3F90];
	s0 =	simm.s32 @p1 $0x1  }
0x15: {  	[smem:$0x3FAD] =	sst s0;
	s0 =	simm.s32 @!p2 $0x0  }
0x16: {  	s3 =	sld [smem:$0x3FDB];
	s0 =	simm.s32 @p2 $0x1  }
0x17: {  	s4 =	simm.s32 $0x1BF5;
	[smem:$0x3FAF] =	sst s0  }
0x18: {  	s0 =	sld [smem:$0x3F92];
	_ =	swait.ge [sflag:s4], $0x0  }
0x19: {  	s7 =	sld [smem:$0x3F93]  }
0x1a: {  	s8 =	sadd.s32 $0xFFFFE003, lr  }
0x1b: {  	s9 =	sadd.s32 $0xFFFFFEF7, lr;
	s5 =	simm.s32 $0xFFFFFFFF;
	p2 =	slt.u32 s8, $0xFFFFF086  }
0x1c: {  	p1 =	slt.u32 s9, $0xF7A;
	s5 =	simm.s32 @!p2 $0x0  }
0x1d: {  	s5 =	simm.s32 @p1 $0x1;
	p0 =	seq.s32 s7, s2  }
0x1e: {  	s7 =	smul.u32 @!p0 $0xF7A, s2;
	p2 =	seq.s32 @!p0 s5, $0x0  }
0x1f: {  	s9 =	smul.u32 $0xF7A, s1;
	s8 =	simm.s32 @!p0 $0x1BF5;
	p2 =	por !p2, p0  }
0x20: {  	[sflag:s8] =	ssyncset.s32 @!p0 $0xFFFFF086;
	s6 =	sadd.s32 @!p0 s3, s7;
	s7 =	simm.s32 @!p0 $0x108  }
0x21: {  	s3 =	sadd.s32 s3, s9;
	s6 =	sadd.s32 @!p0 $0x88, s6;
	s7 =	simm.s32 @p2 $0x1082  }
0x22: {  	[simem:s7], [sflag:s8] =	dma.local @!p0 [hbm:s6], $0xF7A  }
0x23: {  	s9 =	sor.u32 $0xD0000000, s2;
	s6 =	simm.s32 $0x108;
	_ =	swait.ge @!p0 [sflag:s8], $0x0  }
0x24: {  	s3 =	sadd.s32 $0x88, s3;
	s6 =	simm.s32 @!p1 $0x1082;
	[sflag:s4] =	ssyncset.s32 $0xFFFFF086  }
0x25: {  	[simem:s6], [sflag:s4] =	dma.local [hbm:s3], $0xF7A  }
0x26: {  	[smem:$0x3F93] =	sst s1;
	(tag) =	ssettag s2;
	_ =	strace s9  }
0x27: {  	s1 =	sld [smem:$0x3FA3]  }
0x28: {  	s2 =	sld [smem:$0x3FA4]  }
0x29: {  	s4 =	sld [smem:$0x3FA6]  }
0x2a: {  	p0 =	seq.s32 s5, $0x0;
	s5 =	sld [smem:$0x3FA7]  }
0x2b: {  	s6 =	sld [smem:$0x3FA8]  }
0x2c: {  	s7 =	sld [smem:$0x3FA9]  }
0x2d: {  	s3 =	simm.s32 $0x108;
	s8 =	sld [smem:$0x3FAA]  }
0x2e: {  	s3 =	simm.s32 @!p0 $0x1082;
	s9 =	sld [smem:$0x3FAB]  }
0x2f: {  	lr =	sadd.s32 s0, s3;
	s0 =	sld [smem:$0x3FA2]  }
0x30: {  	s3 =	sld [smem:$0x3FA5]  }
0x31: {  	[smem:$0x3FAE] =	sst s10  }
0x32: {  	s10 =	sld [smem:$0x3FAC];
	_ =	sdelay $0x3  }
0x33: {  	p0 =	seq.s32 s10, $0x1;
	s10 =	sld [smem:$0x3FAE];
	_ =	sdelay $0x3  }
0x34: {  	[smem:$0x3FAE] =	sst s10  }
0x35: {  	s10 =	sld [smem:$0x3FAD];
	_ =	sdelay $0x3  }
0x36: {  	p1 =	seq.s32 s10, $0x1;
	s10 =	sld [smem:$0x3FAE];
	_ =	sdelay $0x3  }
0x37: {  	[smem:$0x3FAE] =	sst s10  }
0x38: {  	s10 =	sld [smem:$0x3FAF]  }
0x39: {  	_ = 	snop;
	(pc) =	sbr.ind lr, $3  }
0x3a: {  	_ = 	snop  }
0x3b: {  	_ = 	snop  }
0x3c: {  	p2 =	seq.s32 s10, $0x1;
	s10 =	sld [smem:$0x3FAE]  }
0x3d: {  	_ =	shalt  }
0x3e: {  	_ =	shalt  }
0x3f: {  	_ =	shalt  }
0x40: {  	_ =	shalt  }
0x41: {  	_ =	shalt  }
0x42: {  	_ =	shalt  }
0x43: {  	_ =	shalt  }
0x44: {  	_ =	shalt  }
0x45: {  	_ =	shalt  }
0x46: {  	_ =	shalt  }
0x47: {  	_ =	shalt  }
0x48: {  	_ =	shalt  }
0x49: {  	_ =	shalt  }
0x4a: {  	_ =	shalt  }
0x4b: {  	_ =	shalt  }
0x4c: {  	_ =	shalt  }
0x4d: {  	_ =	shalt  }
0x4e: {  	_ =	shalt  }
0x4f: {  	_ =	shalt  }
0x50: {  	_ =	shalt  }
0x51: {  	_ =	shalt  }
0x52: {  	_ =	shalt  }
0x53: {  	_ =	shalt  }
0x54: {  	_ =	shalt  }
0x55: {  	_ =	shalt  }
0x56: {  	_ =	shalt  }
0x57: {  	_ =	shalt  }
0x58: {  	_ =	shalt  }
0x59: {  	_ =	shalt  }
0x5a: {  	_ =	shalt  }
0x5b: {  	_ =	shalt  }
0x5c: {  	_ =	shalt  }
0x5d: {  	_ =	shalt  }
0x5e: {  	_ =	shalt  }
0x5f: {  	_ =	shalt  }
0x60: {  	_ =	shalt  }
0x61: {  	_ =	shalt  }
0x62: {  	_ =	shalt  }
0x63: {  	_ =	shalt  }
0x64: {  	_ =	shalt  }
0x65: {  	_ =	shalt  }
0x66: {  	_ =	shalt  }
0x67: {  	_ =	shalt  }
0x68: {  	_ =	shalt  }
0x69: {  	_ =	shalt  }
0x6a: {  	_ =	shalt  }
0x6b: {  	_ =	shalt  }
0x6c: {  	_ =	shalt  }
0x6d: {  	_ =	shalt  }
0x6e: {  	_ =	shalt  }
0x6f: {  	_ =	shalt  }
0x70: {  	_ =	shalt  }
0x71: {  	_ =	shalt  }
0x72: {  	_ =	shalt  }
0x73: {  	_ =	shalt  }
0x74: {  	_ =	shalt  }
0x75: {  	_ =	shalt  }
0x76: {  	_ =	shalt  }
0x77: {  	_ =	shalt  }
0x78: {  	_ =	shalt  }
0x79: {  	_ =	shalt  }
0x7a: {  	_ =	shalt  }
0x7b: {  	_ =	shalt  }
0x7c: {  	_ =	shalt  }
0x7d: {  	_ =	shalt  }
0x7e: {  	_ =	shalt  }
0x7f: {  	_ =	shalt  }
0x80: {  	_ =	shalt  }
0x81: {  	_ =	shalt  }
0x82: {  	_ =	shalt  }
0x83: {  	_ =	shalt  }
0x84: {  	_ =	shalt  }
0x85: {  	_ =	shalt  }
0x86: {  	_ =	shalt  }
0x87: {  	_ =	shalt  }
.Lfunc_end0:
.L_simem_size_0:
called_computation.4_lowered:
.L_overlay_start_0:
0x88: {  	s2 =	sld [smem:$0x3FD9]  }
0x89: {  	s3 =	sld [smem:$0x3FFE];
	_ =	sdelay $0x1  }
0x8a: {  	s1 =	srdreg.scid  }
0x8b: {  	s0 =	sand.u32 $0x1, s1  }
0x8c: {  	s16 =	sshll.u32 s0, $0xA;
	s2 =	sadd.s32 s3, s2  }
0x8d: {  	s2 =	sadd.s32 s2, s16  }
0x8e: {  	[smem:$0x3FBA] =	sst s2  }
0x8f: {  	_ = 	snop  }
0x90: {  	(tm) =	ssettm $0x1  }
0x91: {  	s17 =	sld [smem:$0x3FFB];
	_ =	sdelay $0x3  }
0x92: {  	_ =	strace s17  }
0x93: {  	s2 =	sld [smem:$0x3FFC];
	_ =	sdelay $0x3  }
0x94: {  	_ =	strace s2  }
0x95: {  	s2 =	sld [smem:$0x3FFD];
	_ =	sdelay $0x3  }
0x96: {  	_ =	strace s2  }
0x97: {  	_ =	strace $0x8FFFFFFF  }
0x98: {  	s18 =	sld [smem:$0x3FDB];
	_ =	sdelay $0x1  }
0x99: {  	s19 =	simm.s32 $_scs_section_size  }
0x9a: {  	s4 =	simm.s32 $_size__tile_overlayer_lowered;
	s5 =	simm.s32 $_tile_overlayer_lowered  }
0x9b: {  	s22 =	simm.s32 $0x1BFF;
	s21 =	sshll.u32 s5, $0x1;
	s2 =	sadd.s32 s19, s18  }
0x9c: {  	s6 =	simm.s32 $0x0;
	s20 =	sshll.u32 s4, $0x1;
	s4 =	sadd.s32 s21, s2  }
0x9d: {  	[timem:s6], [sflag:s22] =	dma.local [hbm:s4], s20  }
0x9e: {  	_ =	swait.ge [sflag:s22], s20  }
0x9f: {  	s3 =	ssub.s32 $0x0, s20;
	[sflag:s22] =	ssyncset.done $0x0  }
0xa0: {  	[sflag:s22] =	ssyncadd.s32 s3;
	_ =	sdelay $0x1  }
0xa1: {  	s23 =	simm.s32 $0x1B8B  }
0xa2: {  	_ =	swait.ge [sflag:s23], $0x1  }
0xa3: {  	[sflag:s23] =	ssyncset.done $0x0  }
0xa4: {  	s25 =	simm.s32 $0x1B8E;
	s24 =	sld [smem:$0x3FFE];
	[sflag:s23] =	ssyncadd.s32 $0xFFFFFFFF  }
0xa5: {  	s26 =	simm.s32 $execute0_lowered;
	[smem:$0x3FD2] =	sst s25  }
0xa6: {  	s4 =	sshll.u32 s26, $0x1;
	_ =	strace $0x80000052;
	[dreg:$0x1] =	wrdreg $0xFFFFFFFF  }
0xa7: {  	s28 =	simm.s32 $_size_execute0_lowered;
	s2 =	sadd.s32 s2, s4;
	[dreg:$0x0] =	wrdreg $0x0  }
0xa8: {  	s4 =	sshll.u32 s28, $0x1;
	[dreg:$0x2] =	wrdreg s2  }
0xa9: {  	[dreg:$0x3] =	wrdreg s4  }
0xaa: {  	[dreg:$0x4] =	wrdreg $0xC0  }
0xab: {  	_ =	task [dreg:s6], $0x5FFFF  }
0xac: {  	[dreg:$0x1] =	wrdreg $0xFFFFFFFF  }
0xad: {  	[dreg:$0x0] =	wrdreg $0x60  }
0xae: {  	[dreg:$0x2] =	wrdreg s24  }
0xaf: {  	[dreg:$0x3] =	wrdreg $0x9  }
0xb0: {  	_ =	task.clear_ibuf [dreg:s6], $0x4FFFF;
	_ =	strace $0x90000052  }
0xb1: {  	s29 =	simm.s32 $0x9;
	_ =	strace $0x80000054  }
0xb2: {  	_ =	swait.ge [sflag:s29], $0x1  }
0xb3: {  	[sflag:s29] =	ssyncadd.s32 $0xFFFFFFFF  }
0xb4: {  	_ =	strace $0x90000054  }
0xb5: {  	_ =	sfence  }
0xb6: {  	s30 =	sld [smem:$0x0];
	_ =	sdelay $0x2  }
0xb7: {  	s31 =	sshll.u32 s1, $0xD;
	s1 =	sshrl.u32 s1, $0x2  }
0xb8: {  	s3 =	sand.u32 $0x4000, s31;
	s1 =	sadd.s32 s1, s30  }
0xb9: {  	s0 =	sor.u32 s3, s0;
	s1 =	sshll.u32 s1, $0x11  }
0xba: {  	s0 =	sor.u32 s1, s0  }
0xbb: {  	s0 =	sadd.s32 $0x8F2B, s0  }
0xbc: {  	[sflag:s0] =	ssyncadd.remote.s32 $0x1  }
0xbd: {  	_ =	sfence.sel $0xFFFF  }
0xbe: {  	[dreg:$0x0] =	wrdreg $0xFFFFFFFF;
	(pc) =	sbr.abs _section_cstart, $3  }
0xbf: {  	[dreg:$0x1] =	wrdreg $0xFFFFFFFF  }
0xc0: {  	_ =	task.clear_ibuf [dreg:s6], $0x2FFFF;
	_ =	strace $0x9FFFFFFF  }
0xc1: {  	(tm) =	ssettm $0x7FFFFFFF  }
tec
execute0_lowered:
.L_overlay_start_1:
0x0: {  	(tag) =	ssettag $0x1  }
0x1: {  	s0 =	srdreg.scid  }
0x2: {  	s1 =	stileid.u32;
	s7 =	rddreg [dreg:$0x0]  }
0x3: {  	s2 =	simm.s32 $0x0;
	s16 =	simm.s32 $0x1;
	s17 =	simm.s32 $0x2  }
0x4: {  	s18 =	simm.s32 $0x4;
	s19 =	simm.s32 $0x15400;
	s20 =	simm.s32 $0x17C00  }
0x5: {  	s21 =	simm.s32 $0x19000;
	s22 =	simm.s32 $0x1B800;
	s23 =	simm.s32 $0x3  }
0x6: {  	s28 =	simm.s32 $0x6;
	s29 =	simm.s32 $0x8;
	s30 =	simm.s32 $0x7  }
0x7: {  	s31 =	simm.s32 $0x9;
	s0 =	sand.u32 $0x1, s0;
	s1 =	sshll.u32 s1, $0x1  }
0x8: {  	[smem:$0x7FF] =	sst s2;
	s5 =	sadd.s32 $0x9400, s7;
	s1 =	sor.u32 s0, s1  }
0x9: {  	s6 =	sadd.s32 $0xEBB400, s7;
	s0 =	ssub.s32 $0x2, s0;
	s3 =	smul.u32 $0x2800, s1  }
0xa: {  	_ =	strace $0x80000053;
	s4 =	smul.u32 $0x138800, s1;
	s24 =	sshrl.u32 s0, $0x1  }
0xb: {  	s0 =	ssub.s32 s0, s24;
	s24 =	simm.s32 $0x5;
	s8 =	sadd.s32 s3, s7  }
0xc: {  	s3 =	sadd.s32 $0x4EB400, s7;
	s7 =	sadd.s32 $0x1434400, s7;
	s25 =	sshrl.u32 s4, $0x3  }
0xd: {  	s11 =	sadd.s32 $0x1400, s4;
	s12 =	sadd.s32 $0x2800, s4;
	s8 =	sadd.s32 $0xA1D400, s8  }
0xe: {  	s13 =	smax.u32 s0, $0x1;
	s26 =	sadd.s32 s3, s25;
	[dreg:$0x2] =	wrdreg s8  }
0xf: {  	s1 =	sadd.s32 s5, s25;
	s25 =	simm.s32 $0x1A400;
	[dreg:$0x3] =	wrdreg s26  }
0x10: {  	[dreg:$0x4] =	wrdreg s1;
	s26 =	simm.s32 $0x1CC00;
	s1 =	simm.s32 $0x0  }
.LBB2_1:
0x11: {  	s0 =	rddreg [dreg:$0x2]  }
0x12: {  	[tilespmem:s2], [sflag:$0x1] =	stream.linear.gather [hbm4b:s0+s2], $0x14000, $0x38;
	[tilespmem:$0x1E000] =	vst v63  }
0x13: {  	s10 =	rddreg [dreg:$0x3];
	s8 =	simm.s32 $0x14000  }
0x14: {  	[tilespmem:s8], [sflag:$0x2] =	stream.linear.gather [hbm4b:s10+s2], $0x1400, $0x38;
	[tilespmem:$0x1E000] =	vst v63  }
0x15: {  	s14 =	rddreg [dreg:$0x4];
	s15 =	simm.s32 $0x16800  }
0x16: {  	[tilespmem:s15], [sflag:$0x4] =	stream.linear.gather [hbm4b:s14+s2], $0x1400, $0x38;
	[tilespmem:$0x1E000] =	vst v63  }
0x17: {  	_ =	swait.ge [sflag:s16], $0x14000  }
0x18: {  	[sflag:s16] =	ssyncset.done $0x0  }
0x19: {  	s0 =	simm.s32 $0x0;
	[sflag:s16] =	ssyncadd.s32 $0xFFFEC000  }
.LBB2_2:
0x1a: {  	_ =	swait.ge [sflag:s17], $0x1400  }
0x1b: {  	s14 =	smul.u32 $0x2800, s0;
	[sflag:s17] =	ssyncset.done $0x0  }
0x1c: {  	[sflag:s17] =	ssyncadd.s32 $0xFFFFEC00  }
0x1d: {  	s8 =	sadd.s32 s14, s11;
	_ =	swait.ge [sflag:s18], $0x1400  }
0x1e: {  	s8 =	sshrl.u32 s8, $0x3;
	[sflag:s18] =	ssyncset.done $0x0  }
0x1f: {  	s9 =	sadd.s32 s3, s8;
	[sflag:s18] =	ssyncadd.s32 $0xFFFFEC00  }
0x20: {  	[tilespmem:s19], [sflag:$0x3] =	stream.linear.gather [hbm4b:s9+s2], $0x1400, $0x38;
	[tilespmem:$0x1E000] =	vst v63  }
0x21: {  	p0 =	seq.s32 s0, $0x0;
	s8 =	sadd.s32 s5, s8  }
0x22: {  	[tilespmem:s20], [sflag:$0x5] =	stream.linear.gather [hbm4b:s8+s2], $0x1400, $0x38;
	[tilespmem:$0x1E000] =	vst v63  }
0x23: {  	s8 =	simm.s32 @!p0 $0x6  }
0x24: {  	_ =	swait.ge @!p0 [sflag:s8], $0x1400  }
0x25: {  	[sflag:s8] =	ssyncset.done @!p0 $0x0  }
0x26: {  	[sflag:s8] =	ssyncadd.s32 @!p0 $0xFFFFEC00;
	s8 =	simm.s32 @!p0 $0x8  }
0x27: {  	_ =	swait.ge @!p0 [sflag:s8], $0x1400  }
0x28: {  	[sflag:s8] =	ssyncset.done @!p0 $0x0  }
0x29: {  	[sflag:s8] =	ssyncadd.s32 @!p0 $0xFFFFEC00;
	s8 =	simm.s32 $0x0  }
0x2a: {  	v0 =	vld [tilespmem:s8+$0x14000];
	_ =	sdelay $0x5  }
0x2b: {  	v1 =	vld [tilespmem:s8+$0x16800];
	_ =	sdelay $0x1  }
0x2c: {  	v0 =	vld.idx.msk [tilespmem:v0+s2+$0x0], $0xffff;
	_ =	sdelay $0x4  }
0x2d: {  	[tilespmem:s8+$0x19000] =	vst v0;
	v0 =	vld [tilespmem:s8+$0x14010]  }
0x2e: {  	v1 =	vld.idx.msk [tilespmem:v1+s2+$0x0], $0xffff;
	_ =	sdelay $0x4  }
0x2f: {  	[tilespmem:s8+$0x1B800] =	vst v1;
	v1 =	vld [tilespmem:s8+$0x16810];
	_ =	sdelay $0x1  }
0x30: {  	v0 =	vld.idx.msk [tilespmem:v0+s2+$0x0], $0xffff;
	_ =	sdelay $0x4  }
0x31: {  	[tilespmem:s8+$0x19010] =	vst v0;
	v0 =	vld [tilespmem:s8+$0x14020]  }
0x32: {  	v1 =	vld.idx.msk [tilespmem:v1+s2+$0x0], $0xffff;
	_ =	sdelay $0x4  }
0x33: {  	[tilespmem:s8+$0x1B810] =	vst v1;
	v1 =	vld [tilespmem:s8+$0x16820];
	_ =	sdelay $0x1  }
0x34: {  	v0 =	vld.idx.msk [tilespmem:v0+s2+$0x0], $0xffff;
	_ =	sdelay $0x4  }
0x35: {  	v2 =	vld [tilespmem:s8+$0x14030];
	[tilespmem:s8+$0x19020] =	vst v0  }
0x36: {  	v0 =	vld.idx.msk [tilespmem:v1+s2+$0x0], $0xffff;
	_ =	sdelay $0x4  }
0x37: {  	[tilespmem:s8+$0x1B820] =	vst v0;
	v0 =	vld [tilespmem:s8+$0x16830];
	_ =	sdelay $0x1  }
0x38: {  	v1 =	vld.idx.msk [tilespmem:v2+s2+$0x0], $0xffff;
	_ =	sdelay $0x3  }
0x39: {  	s15 =	sshll.u32 s0, $0x1;
	s10 =	simm.s32 $0x40;
	s9 =	simm.s32 $0x200  }
.LBB2_3:
0x3a: {  	p1 =	sne.s32 s9, $0x4F00;
	v2 =	vld [tilespmem:s10+$0x14000];
	[tilespmem:s8+$0x19030] =	vst v1  }
0x3b: {  	v0 =	vld.idx.msk [tilespmem:v0+s2+$0x0], $0xffff;
	_ =	sdelay $0x5  }
0x3c: {  	v1 =	vld [tilespmem:s10+$0x16800];
	[tilespmem:s8+$0x1B830] =	vst v0;
	s8 =	smov.u32 s10  }
0x3d: {  	v0 =	vld.idx.msk [tilespmem:v2+s2+$0x0], $0xffff;
	_ =	sdelay $0x5  }
0x3e: {  	[tilespmem:s8+$0x19000] =	vst v0;
	v0 =	vld [tilespmem:s8+$0x14010]  }
0x3f: {  	v1 =	vld.idx.msk [tilespmem:v1+s2+$0x0], $0xffff;
	_ =	sdelay $0x5  }
0x40: {  	[tilespmem:s8+$0x1B800] =	vst v1;
	v1 =	vld [tilespmem:s8+$0x16810]  }
0x41: {  	v0 =	vld.idx.msk [tilespmem:v0+s2+$0x0], $0xffff;
	_ =	sdelay $0x5  }
0x42: {  	[tilespmem:s8+$0x19010] =	vst v0;
	v0 =	vld [tilespmem:s8+$0x14020]  }
0x43: {  	v1 =	vld.idx.msk [tilespmem:v1+s2+$0x0], $0xffff;
	_ =	sdelay $0x5  }
0x44: {  	[tilespmem:s8+$0x1B810] =	vst v1;
	v1 =	vld [tilespmem:s8+$0x16820]  }
0x45: {  	v0 =	vld.idx.msk [tilespmem:v0+s2+$0x0], $0xffff;
	_ =	sdelay $0x5  }
0x46: {  	[tilespmem:s8+$0x19020] =	vst v0;
	v2 =	vld [tilespmem:s8+$0x14030]  }
0x47: {  	v0 =	vld.idx.msk [tilespmem:v1+s2+$0x0], $0xffff;
	_ =	sdelay $0x5  }
0x48: {  	[tilespmem:s8+$0x1B820] =	vst v0;
	v0 =	vld [tilespmem:s8+$0x16830]  }
0x49: {  	v1 =	vld.idx.msk [tilespmem:v2+s2+$0x0], $0xffff  }
.Ltmp0:
0x4a: {  	(pc) =	sbr.rel @p1 .LBB2_3-.Ltmp0, $2  }
0x4b: {  	_ =	sdelay $0x2  }
0x4c: {  	s10 =	sshra.s32 s9, $0x2;
	s9 =	sadd.s32 $0x100, s9  }
0x4d: {  	_ =	sdelay $0x1  }
0x4e: {  	v2 =	vld [tilespmem:s10+$0x14000]  }
0x4f: {  	[tilespmem:s8+$0x19030] =	vst v1  }
0x50: {  	v0 =	vld.idx.msk [tilespmem:v0+s2+$0x0], $0xffff;
	_ =	sdelay $0x3  }
0x51: {  	v1 =	vld [tilespmem:s10+$0x16800]  }
0x52: {  	[tilespmem:s8+$0x1B830] =	vst v0  }
0x53: {  	v0 =	vld.idx.msk [tilespmem:v2+s2+$0x0], $0xffff;
	_ =	sdelay $0x4  }
0x54: {  	[tilespmem:s10+$0x19000] =	vst v0;
	v0 =	vld [tilespmem:s10+$0x14010]  }
0x55: {  	v1 =	vld.idx.msk [tilespmem:v1+s2+$0x0], $0xffff;
	_ =	sdelay $0x4  }
0x56: {  	[tilespmem:s10+$0x1B800] =	vst v1;
	v1 =	vld [tilespmem:s10+$0x16810];
	_ =	sdelay $0x1  }
0x57: {  	v0 =	vld.idx.msk [tilespmem:v0+s2+$0x0], $0xffff;
	_ =	sdelay $0x4  }
0x58: {  	[tilespmem:s10+$0x19010] =	vst v0;
	v0 =	vld [tilespmem:s10+$0x14020]  }
0x59: {  	v1 =	vld.idx.msk [tilespmem:v1+s2+$0x0], $0xffff;
	_ =	sdelay $0x4  }
0x5a: {  	[tilespmem:s10+$0x1B810] =	vst v1;
	v1 =	vld [tilespmem:s10+$0x16820];
	_ =	sdelay $0x1  }
0x5b: {  	v0 =	vld.idx.msk [tilespmem:v0+s2+$0x0], $0xffff;
	_ =	sdelay $0x4  }
0x5c: {  	[tilespmem:s10+$0x19020] =	vst v0;
	v0 =	vld [tilespmem:s10+$0x14030]  }
0x5d: {  	v1 =	vld.idx.msk [tilespmem:v1+s2+$0x0], $0xffff;
	_ =	sdelay $0x4  }
0x5e: {  	[tilespmem:s10+$0x1B820] =	vst v1;
	v1 =	vld [tilespmem:s10+$0x16830];
	_ =	sdelay $0x1  }
0x5f: {  	v0 =	vld.idx.msk [tilespmem:v0+s2+$0x0], $0xffff;
	_ =	sdelay $0x4  }
0x60: {  	[tilespmem:s10+$0x19030] =	vst v0  }
0x61: {  	v0 =	vld.idx.msk [tilespmem:v1+s2+$0x0], $0xffff;
	_ =	sdelay $0x2  }
0x62: {  	s9 =	sadd.s32 s4, s14  }
0x63: {  	s8 =	sshrl.u32 s9, $0x3  }
0x64: {  	s9 =	sadd.s32 s6, s8;
	[tilespmem:s10+$0x1B830] =	vst v0  }
0x65: {  	[hbm4b:s9+s2] =	stream.linear.scatter [tilespmem:s21], [sflag:$0x6], $0x1400, $0x38;
	[tilespmem:$0x1E000] =	vst v63  }
0x66: {  	s8 =	sadd.s32 s7, s8  }
0x67: {  	[hbm4b:s8+s2] =	stream.linear.scatter [tilespmem:s22], [sflag:$0x8], $0x1400, $0x38;
	[tilespmem:$0x1E000] =	vst v63  }
0x68: {  	_ =	swait.ge [sflag:s23], $0x1400  }
0x69: {  	s15 =	sor.u32 $0x1, s15;
	[sflag:s23] =	ssyncset.done $0x0  }
0x6a: {  	p1 =	sgt.u32 s15, $0xF8;
	[sflag:s23] =	ssyncadd.s32 $0xFFFFEC00  }
0x6b: {  	s8 =	sadd.s32 @!p1 s14, s12;
	_ =	swait.ge [sflag:s24], $0x1400  }
0x6c: {  	s10 =	simm.s32 @!p1 $0x0;
	s8 =	sshrl.u32 @!p1 s8, $0x3;
	[sflag:s24] =	ssyncset.done $0x0  }
0x6d: {  	s14 =	simm.s32 @!p1 $0x14000;
	s9 =	sadd.s32 @!p1 s3, s8;
	[sflag:s24] =	ssyncadd.s32 $0xFFFFEC00  }
0x6e: {  	[tilespmem:s14], [sflag:$0x2] =	stream.linear.gather @!p1 [hbm4b:s9+s10], $0x1400, $0x38;
	[tilespmem:$0x1E000] =	vst v63  }
0x6f: {  	s8 =	sadd.s32 @!p1 s5, s8;
	s9 =	simm.s32 @!p1 $0x16800  }
0x70: {  	[tilespmem:s9], [sflag:$0x4] =	stream.linear.gather @!p1 [hbm4b:s8+s10], $0x1400, $0x38;
	[tilespmem:$0x1E000] =	vst v63  }
0x71: {  	s8 =	simm.s32 @!p0 $0x7  }
0x72: {  	_ =	swait.ge @!p0 [sflag:s8], $0x1400  }
0x73: {  	[sflag:s8] =	ssyncset.done @!p0 $0x0  }
0x74: {  	[sflag:s8] =	ssyncadd.s32 @!p0 $0xFFFFEC00;
	s8 =	simm.s32 @!p0 $0x9  }
0x75: {  	_ =	swait.ge @!p0 [sflag:s8], $0x1400  }
0x76: {  	[sflag:s8] =	ssyncset.done @!p0 $0x0  }
0x77: {  	[sflag:s8] =	ssyncadd.s32 @!p0 $0xFFFFEC00;
	s8 =	simm.s32 $0x0  }
0x78: {  	v0 =	vld [tilespmem:s8+$0x15400];
	_ =	sdelay $0x5  }
0x79: {  	v1 =	vld [tilespmem:s8+$0x17C00];
	_ =	sdelay $0x1  }
0x7a: {  	v0 =	vld.idx.msk [tilespmem:v0+s2+$0x0], $0xffff;
	_ =	sdelay $0x4  }
0x7b: {  	[tilespmem:s8+$0x1A400] =	vst v0;
	v0 =	vld [tilespmem:s8+$0x15410]  }
0x7c: {  	v1 =	vld.idx.msk [tilespmem:v1+s2+$0x0], $0xffff;
	_ =	sdelay $0x4  }
0x7d: {  	[tilespmem:s8+$0x1CC00] =	vst v1;
	v1 =	vld [tilespmem:s8+$0x17C10];
	_ =	sdelay $0x1  }
0x7e: {  	v0 =	vld.idx.msk [tilespmem:v0+s2+$0x0], $0xffff;
	_ =	sdelay $0x4  }
0x7f: {  	[tilespmem:s8+$0x1A410] =	vst v0;
	v0 =	vld [tilespmem:s8+$0x15420]  }
0x80: {  	v1 =	vld.idx.msk [tilespmem:v1+s2+$0x0], $0xffff;
	_ =	sdelay $0x4  }
0x81: {  	[tilespmem:s8+$0x1CC10] =	vst v1;
	v1 =	vld [tilespmem:s8+$0x17C20];
	_ =	sdelay $0x1  }
0x82: {  	v0 =	vld.idx.msk [tilespmem:v0+s2+$0x0], $0xffff;
	_ =	sdelay $0x4  }
0x83: {  	v2 =	vld [tilespmem:s8+$0x15430];
	[tilespmem:s8+$0x1A420] =	vst v0  }
0x84: {  	v0 =	vld.idx.msk [tilespmem:v1+s2+$0x0], $0xffff;
	_ =	sdelay $0x4  }
0x85: {  	[tilespmem:s8+$0x1CC20] =	vst v0;
	v0 =	vld [tilespmem:s8+$0x17C30];
	_ =	sdelay $0x1  }
0x86: {  	v1 =	vld.idx.msk [tilespmem:v2+s2+$0x0], $0xffff;
	_ =	sdelay $0x3  }
0x87: {  	s14 =	simm.s32 $0x40;
	s9 =	simm.s32 $0x200  }
.LBB2_5:
0x88: {  	p0 =	sne.s32 s9, $0x4F00;
	v2 =	vld [tilespmem:s14+$0x15400];
	[tilespmem:s8+$0x1A430] =	vst v1  }
0x89: {  	v0 =	vld.idx.msk [tilespmem:v0+s2+$0x0], $0xffff;
	_ =	sdelay $0x5  }
0x8a: {  	v1 =	vld [tilespmem:s14+$0x17C00];
	[tilespmem:s8+$0x1CC30] =	vst v0;
	s8 =	smov.u32 s14  }
0x8b: {  	v0 =	vld.idx.msk [tilespmem:v2+s2+$0x0], $0xffff;
	_ =	sdelay $0x5  }
0x8c: {  	[tilespmem:s8+$0x1A400] =	vst v0;
	v0 =	vld [tilespmem:s8+$0x15410]  }
0x8d: {  	v1 =	vld.idx.msk [tilespmem:v1+s2+$0x0], $0xffff;
	_ =	sdelay $0x5  }
0x8e: {  	[tilespmem:s8+$0x1CC00] =	vst v1;
	v1 =	vld [tilespmem:s8+$0x17C10]  }
0x8f: {  	v0 =	vld.idx.msk [tilespmem:v0+s2+$0x0], $0xffff;
	_ =	sdelay $0x5  }
0x90: {  	[tilespmem:s8+$0x1A410] =	vst v0;
	v0 =	vld [tilespmem:s8+$0x15420]  }
0x91: {  	v1 =	vld.idx.msk [tilespmem:v1+s2+$0x0], $0xffff;
	_ =	sdelay $0x5  }
0x92: {  	[tilespmem:s8+$0x1CC10] =	vst v1;
	v1 =	vld [tilespmem:s8+$0x17C20]  }
0x93: {  	v0 =	vld.idx.msk [tilespmem:v0+s2+$0x0], $0xffff;
	_ =	sdelay $0x5  }
0x94: {  	[tilespmem:s8+$0x1A420] =	vst v0;
	v2 =	vld [tilespmem:s8+$0x15430]  }
0x95: {  	v0 =	vld.idx.msk [tilespmem:v1+s2+$0x0], $0xffff;
	_ =	sdelay $0x5  }
0x96: {  	[tilespmem:s8+$0x1CC20] =	vst v0;
	v0 =	vld [tilespmem:s8+$0x17C30]  }
0x97: {  	v1 =	vld.idx.msk [tilespmem:v2+s2+$0x0], $0xffff  }
.Ltmp1:
0x98: {  	(pc) =	sbr.rel @p0 .LBB2_5-.Ltmp1, $2  }
0x99: {  	_ =	sdelay $0x2  }
0x9a: {  	s14 =	sshra.s32 s9, $0x2;
	s9 =	sadd.s32 $0x100, s9  }
0x9b: {  	_ =	sdelay $0x1  }
0x9c: {  	v2 =	vld [tilespmem:s14+$0x15400]  }
0x9d: {  	[tilespmem:s8+$0x1A430] =	vst v1  }
0x9e: {  	v0 =	vld.idx.msk [tilespmem:v0+s2+$0x0], $0xffff;
	_ =	sdelay $0x3  }
0x9f: {  	v1 =	vld [tilespmem:s14+$0x17C00]  }
0xa0: {  	[tilespmem:s8+$0x1CC30] =	vst v0  }
0xa1: {  	v0 =	vld.idx.msk [tilespmem:v2+s2+$0x0], $0xffff;
	_ =	sdelay $0x3  }
0xa2: {  	v58 =	vld [tilespmem:s14+$0x15410]  }
0xa3: {  	[tilespmem:s14+$0x1A400] =	vst v0  }
0xa4: {  	v1 =	vld.idx.msk [tilespmem:v1+s2+$0x0], $0xffff;
	_ =	sdelay $0x3  }
0xa5: {  	v59 =	vld [tilespmem:s14+$0x17C10]  }
0xa6: {  	[tilespmem:s14+$0x1CC00] =	vst v1  }
0xa7: {  	v0 =	vld.idx.msk [tilespmem:v58+s2+$0x0], $0xffff;
	_ =	sdelay $0x3  }
0xa8: {  	v60 =	vld [tilespmem:s14+$0x15420]  }
0xa9: {  	[tilespmem:s14+$0x1A410] =	vst v0  }
0xaa: {  	v1 =	vld.idx.msk [tilespmem:v59+s2+$0x0], $0xffff;
	_ =	sdelay $0x3  }
0xab: {  	v61 =	vld [tilespmem:s14+$0x17C20]  }
0xac: {  	[tilespmem:s14+$0x1CC10] =	vst v1  }
0xad: {  	v0 =	vld.idx.msk [tilespmem:v60+s2+$0x0], $0xffff;
	_ =	sdelay $0x3  }
0xae: {  	v62 =	vld [tilespmem:s14+$0x15430]  }
0xaf: {  	[tilespmem:s14+$0x1A420] =	vst v0  }
0xb0: {  	v1 =	vld.idx.msk [tilespmem:v61+s2+$0x0], $0xffff;
	_ =	sdelay $0x3  }
0xb1: {  	v63 =	vld [tilespmem:s14+$0x17C30]  }
0xb2: {  	[tilespmem:s14+$0x1CC20] =	vst v1  }
0xb3: {  	v0 =	vld.idx.msk [tilespmem:v62+s2+$0x0], $0xffff;
	_ =	sdelay $0x4  }
0xb4: {  	[tilespmem:s14+$0x1A430] =	vst v0  }
0xb5: {  	v0 =	vld.idx.msk [tilespmem:v63+s2+$0x0], $0xffff  }
0xb6: {  	s15 =	smul.u32 $0x1400, s15  }
0xb7: {  	s0 =	sadd.s32 $0x1, s0  }
0xb8: {  	p0 =	sne.s32 s0, $0x7D;
	s8 =	sadd.s32 s4, s15  }
.Ltmp2:
0xb9: {  	s8 =	sshrl.u32 s8, $0x3;
	(pc) =	sbr.rel @p0 .LBB2_2-.Ltmp2, $4  }
0xba: {  	s9 =	sadd.s32 s6, s8;
	[tilespmem:s14+$0x1CC30] =	vst v0  }
0xbb: {  	[hbm4b:s9+s2] =	stream.linear.scatter [tilespmem:s25], [sflag:$0x7], $0x1400, $0x38;
	[tilespmem:$0x1E000] =	vst v63  }
0xbc: {  	s8 =	sadd.s32 s7, s8  }
0xbd: {  	[hbm4b:s8+s2] =	stream.linear.scatter [tilespmem:s26], [sflag:$0x9], $0x1400, $0x38;
	[tilespmem:$0x1E000] =	vst v63  }
0xbe: {  	_ =	swait.ge [sflag:s28], $0x1400  }
0xbf: {  	[sflag:s28] =	ssyncset.done $0x0  }
0xc0: {  	[sflag:s28] =	ssyncadd.s32 $0xFFFFEC00  }
0xc1: {  	_ =	swait.ge [sflag:s29], $0x1400  }
0xc2: {  	[sflag:s29] =	ssyncset.done $0x0  }
0xc3: {  	s1 =	sadd.s32 $0x1, s1;
	[sflag:s29] =	ssyncadd.s32 $0xFFFFEC00  }
0xc4: {  	p0 =	sne.s32 s1, s13;
	_ =	swait.ge [sflag:s30], $0x1400  }
.Ltmp3:
0xc5: {  	[sflag:s30] =	ssyncset.done $0x0;
	(pc) =	sbr.rel @p0 .LBB2_1-.Ltmp3, $4  }
0xc6: {  	[sflag:s30] =	ssyncadd.s32 $0xFFFFEC00  }
0xc7: {  	_ =	swait.ge [sflag:s31], $0x1400  }
0xc8: {  	[sflag:s31] =	ssyncset.done $0x0  }
0xc9: {  	[sflag:s31] =	ssyncadd.s32 $0xFFFFEC00  }
0xca: {  	_ =	sfence.sel $0x180000  }
0xcb: {  	[bflag:$0x0] =	sbarrier.arrive $0xFFFF  }
0xcc: {  	_ =	strace $0x90000053  }
0xcd: {  	s0 =	stileid.u32;
	[bflag:$0x2] =	sbarrier.arrive $0xFFFF  }
0xce: {  	p0 =	sne.s32 s0, $0x0;
	s0 =	rddreg [dreg:$0x1]  }
0xcf: {  	s0 =	sadd.s32 @!p0 $0x100000, s0  }
0xd0: {  	[sflag:s0] =	ssyncadd.tile.s32 @!p0 $0x1;
	_ =	shalt  }
.Lfunc_end2:
_tile_overlayer_lowered:
.L_overlay_start_2:
0xd1: {  	(tag) =	ssettag $0x2  }
0xd2: {  	s0 =	rddreg [dreg:$0x0];
	s2 =	stileid.u32  }
0xd3: {  	s1 =	rddreg [dreg:$0x1];
	p0 =	sne.s32 s2, $0x0  }
0xd4: {  	s3 =	rddreg [dreg:$0x2];
	[bflag:$0x3] =	sbarrier.arrive $0xFFFF;
	s2 =	simm.s32 @!p0 $0x1C0A  }
0xd5: {  	[timem:s3], [sflag:s2] =	dma.local @!p0 [hbm:s0], s1  }
0xd6: {  	s0 =	simm.s32 @!p0 $0xA  }
0xd7: {  	_ =	swait.ge @!p0 [sflag:s0], s1  }
0xd8: {  	s1 =	ssub.s32 @!p0 $0x0, s1;
	[sflag:s0] =	ssyncset.done @!p0 $0x0  }
0xd9: {  	[sflag:s0] =	ssyncadd.s32 @!p0 s1  }
0xda: {  	[bflag:$0x3] =	sbarrier.arrive $0xFFFF  }
0xdb: {  	_ =	shalt  }

// kernel: kernel.28.cloned.1.call-start
scs
__scs_entry_jumppad:
0x0: {  	(pc) =	sbr.rel $0x88, $3  }
0x1: {  	(tag) =	ssettag $0x0;
	lr =	simm.s32 $0x1  }
0x2: {  	[smem:$0x3F93] =	sst lr;
	_ =	strace $0xD0000000  }
0x3: {  	_ = 	snop  }
0x4: {  	_ = 	snop  }
0x5: {  	_ = 	snop  }
0x6: {  	_ = 	snop  }
0x7: {  	_ = 	snop  }
__scs_overlays_trampoline_lowered:
0x8: {  	[smem:$0x3FA2] =	sst s0  }
0x9: {  	[smem:$0x3FA3] =	sst s1  }
0xa: {  	[smem:$0x3FA4] =	sst s2  }
0xb: {  	[smem:$0x3FA5] =	sst s3  }
0xc: {  	[smem:$0x3FA6] =	sst s4  }
0xd: {  	[smem:$0x3FA7] =	sst s5  }
0xe: {  	[smem:$0x3FA8] =	sst s6  }
0xf: {  	[smem:$0x3FA9] =	sst s7  }
0x10: {  	[smem:$0x3FAA] =	sst s8  }
0x11: {  	[smem:$0x3FAB] =	sst s9;
	s0 =	simm.s32 @!p0 $0x0  }
0x12: {  	s1 =	sld [smem:$0x3F91];
	s0 =	simm.s32 @p0 $0x1  }
0x13: {  	[smem:$0x3FAC] =	sst s0;
	s0 =	simm.s32 @!p1 $0x0  }
0x14: {  	s2 =	sld [smem:$0x3F90];
	s0 =	simm.s32 @p1 $0x1  }
0x15: {  	[smem:$0x3FAD] =	sst s0;
	s0 =	simm.s32 @!p2 $0x0  }
0x16: {  	s3 =	sld [smem:$0x3FDB];
	s0 =	simm.s32 @p2 $0x1  }
0x17: {  	s4 =	simm.s32 $0x1BF5;
	[smem:$0x3FAF] =	sst s0  }
0x18: {  	s0 =	sld [smem:$0x3F92];
	_ =	swait.ge [sflag:s4], $0x0  }
0x19: {  	s7 =	sld [smem:$0x3F93]  }
0x1a: {  	s8 =	sadd.s32 $0xFFFFE003, lr  }
0x1b: {  	s9 =	sadd.s32 $0xFFFFFEF7, lr;
	s5 =	simm.s32 $0xFFFFFFFF;
	p2 =	slt.u32 s8, $0xFFFFF086  }
0x1c: {  	p1 =	slt.u32 s9, $0xF7A;
	s5 =	simm.s32 @!p2 $0x0  }
0x1d: {  	s5 =	simm.s32 @p1 $0x1;
	p0 =	seq.s32 s7, s2  }
0x1e: {  	s7 =	smul.u32 @!p0 $0xF7A, s2;
	p2 =	seq.s32 @!p0 s5, $0x0  }
0x1f: {  	s9 =	smul.u32 $0xF7A, s1;
	s8 =	simm.s32 @!p0 $0x1BF5;
	p2 =	por !p2, p0  }
0x20: {  	[sflag:s8] =	ssyncset.s32 @!p0 $0xFFFFF086;
	s6 =	sadd.s32 @!p0 s3, s7;
	s7 =	simm.s32 @!p0 $0x108  }
0x21: {  	s3 =	sadd.s32 s3, s9;
	s6 =	sadd.s32 @!p0 $0x88, s6;
	s7 =	simm.s32 @p2 $0x1082  }
0x22: {  	[simem:s7], [sflag:s8] =	dma.local @!p0 [hbm:s6], $0xF7A  }
0x23: {  	s9 =	sor.u32 $0xD0000000, s2;
	s6 =	simm.s32 $0x108;
	_ =	swait.ge @!p0 [sflag:s8], $0x0  }
0x24: {  	s3 =	sadd.s32 $0x88, s3;
	s6 =	simm.s32 @!p1 $0x1082;
	[sflag:s4] =	ssyncset.s32 $0xFFFFF086  }
0x25: {  	[simem:s6], [sflag:s4] =	dma.local [hbm:s3], $0xF7A  }
0x26: {  	[smem:$0x3F93] =	sst s1;
	(tag) =	ssettag s2;
	_ =	strace s9  }
0x27: {  	s1 =	sld [smem:$0x3FA3]  }
0x28: {  	s2 =	sld [smem:$0x3FA4]  }
0x29: {  	s4 =	sld [smem:$0x3FA6]  }
0x2a: {  	p0 =	seq.s32 s5, $0x0;
	s5 =	sld [smem:$0x3FA7]  }
0x2b: {  	s6 =	sld [smem:$0x3FA8]  }
0x2c: {  	s7 =	sld [smem:$0x3FA9]  }
0x2d: {  	s3 =	simm.s32 $0x108;
	s8 =	sld [smem:$0x3FAA]  }
0x2e: {  	s3 =	simm.s32 @!p0 $0x1082;
	s9 =	sld [smem:$0x3FAB]  }
0x2f: {  	lr =	sadd.s32 s0, s3;
	s0 =	sld [smem:$0x3FA2]  }
0x30: {  	s3 =	sld [smem:$0x3FA5]  }
0x31: {  	[smem:$0x3FAE] =	sst s10  }
0x32: {  	s10 =	sld [smem:$0x3FAC];
	_ =	sdelay $0x3  }
0x33: {  	p0 =	seq.s32 s10, $0x1;
	s10 =	sld [smem:$0x3FAE];
	_ =	sdelay $0x3  }
0x34: {  	[smem:$0x3FAE] =	sst s10  }
0x35: {  	s10 =	sld [smem:$0x3FAD];
	_ =	sdelay $0x3  }
0x36: {  	p1 =	seq.s32 s10, $0x1;
	s10 =	sld [smem:$0x3FAE];
	_ =	sdelay $0x3  }
0x37: {  	[smem:$0x3FAE] =	sst s10  }
0x38: {  	s10 =	sld [smem:$0x3FAF]  }
0x39: {  	_ = 	snop;
	(pc) =	sbr.ind lr, $3  }
0x3a: {  	_ = 	snop  }
0x3b: {  	_ = 	snop  }
0x3c: {  	p2 =	seq.s32 s10, $0x1;
	s10 =	sld [smem:$0x3FAE]  }
0x3d: {  	_ =	shalt  }
0x3e: {  	_ =	shalt  }
0x3f: {  	_ =	shalt  }
0x40: {  	_ =	shalt  }
0x41: {  	_ =	shalt  }
0x42: {  	_ =	shalt  }
0x43: {  	_ =	shalt  }
0x44: {  	_ =	shalt  }
0x45: {  	_ =	shalt  }
0x46: {  	_ =	shalt  }
0x47: {  	_ =	shalt  }
0x48: {  	_ =	shalt  }
0x49: {  	_ =	shalt  }
0x4a: {  	_ =	shalt  }
0x4b: {  	_ =	shalt  }
0x4c: {  	_ =	shalt  }
0x4d: {  	_ =	shalt  }
0x4e: {  	_ =	shalt  }
0x4f: {  	_ =	shalt  }
0x50: {  	_ =	shalt  }
0x51: {  	_ =	shalt  }
0x52: {  	_ =	shalt  }
0x53: {  	_ =	shalt  }
0x54: {  	_ =	shalt  }
0x55: {  	_ =	shalt  }
0x56: {  	_ =	shalt  }
0x57: {  	_ =	shalt  }
0x58: {  	_ =	shalt  }
0x59: {  	_ =	shalt  }
0x5a: {  	_ =	shalt  }
0x5b: {  	_ =	shalt  }
0x5c: {  	_ =	shalt  }
0x5d: {  	_ =	shalt  }
0x5e: {  	_ =	shalt  }
0x5f: {  	_ =	shalt  }
0x60: {  	_ =	shalt  }
0x61: {  	_ =	shalt  }
0x62: {  	_ =	shalt  }
0x63: {  	_ =	shalt  }
0x64: {  	_ =	shalt  }
0x65: {  	_ =	shalt  }
0x66: {  	_ =	shalt  }
0x67: {  	_ =	shalt  }
0x68: {  	_ =	shalt  }
0x69: {  	_ =	shalt  }
0x6a: {  	_ =	shalt  }
0x6b: {  	_ =	shalt  }
0x6c: {  	_ =	shalt  }
0x6d: {  	_ =	shalt  }
0x6e: {  	_ =	shalt  }
0x6f: {  	_ =	shalt  }
0x70: {  	_ =	shalt  }
0x71: {  	_ =	shalt  }
0x72: {  	_ =	shalt  }
0x73: {  	_ =	shalt  }
0x74: {  	_ =	shalt  }
0x75: {  	_ =	shalt  }
0x76: {  	_ =	shalt  }
0x77: {  	_ =	shalt  }
0x78: {  	_ =	shalt  }
0x79: {  	_ =	shalt  }
0x7a: {  	_ =	shalt  }
0x7b: {  	_ =	shalt  }
0x7c: {  	_ =	shalt  }
0x7d: {  	_ =	shalt  }
0x7e: {  	_ =	shalt  }
0x7f: {  	_ =	shalt  }
0x80: {  	_ =	shalt  }
0x81: {  	_ =	shalt  }
0x82: {  	_ =	shalt  }
0x83: {  	_ =	shalt  }
0x84: {  	_ =	shalt  }
0x85: {  	_ =	shalt  }
0x86: {  	_ =	shalt  }
0x87: {  	_ =	shalt  }
.Lfunc_end0:
.L_simem_size_0:
called_computation.5_lowered:
.L_overlay_start_0:
0x88: {  	s2 =	sld [smem:$0x3FD9]  }
0x89: {  	s3 =	sld [smem:$0x3FFE];
	_ =	sdelay $0x1  }
0x8a: {  	s1 =	srdreg.scid  }
0x8b: {  	s0 =	sand.u32 $0x1, s1  }
0x8c: {  	s16 =	sshll.u32 s0, $0xA;
	s2 =	sadd.s32 s3, s2  }
0x8d: {  	s2 =	sadd.s32 s2, s16  }
0x8e: {  	[smem:$0x3FBA] =	sst s2  }
0x8f: {  	_ = 	snop  }
0x90: {  	(tm) =	ssettm $0x1  }
0x91: {  	s17 =	sld [smem:$0x3FFB];
	_ =	sdelay $0x3  }
0x92: {  	_ =	strace s17  }
0x93: {  	s2 =	sld [smem:$0x3FFC];
	_ =	sdelay $0x3  }
0x94: {  	_ =	strace s2  }
0x95: {  	s2 =	sld [smem:$0x3FFD];
	_ =	sdelay $0x3  }
0x96: {  	_ =	strace s2  }
0x97: {  	_ =	strace $0x8FFFFFFF  }
0x98: {  	s18 =	sld [smem:$0x3FDB];
	_ =	sdelay $0x1  }
0x99: {  	s19 =	simm.s32 $_scs_section_size  }
0x9a: {  	s4 =	simm.s32 $_size__tile_overlayer_lowered;
	s5 =	simm.s32 $_tile_overlayer_lowered  }
0x9b: {  	s22 =	simm.s32 $0x1BFF;
	s21 =	sshll.u32 s5, $0x1;
	s2 =	sadd.s32 s19, s18  }
0x9c: {  	s6 =	simm.s32 $0x0;
	s20 =	sshll.u32 s4, $0x1;
	s4 =	sadd.s32 s21, s2  }
0x9d: {  	[timem:s6], [sflag:s22] =	dma.local [hbm:s4], s20  }
0x9e: {  	_ =	swait.ge [sflag:s22], s20  }
0x9f: {  	s3 =	ssub.s32 $0x0, s20;
	[sflag:s22] =	ssyncset.done $0x0  }
0xa0: {  	[sflag:s22] =	ssyncadd.s32 s3;
	_ =	sdelay $0x1  }
0xa1: {  	s23 =	simm.s32 $0x1B8B  }
0xa2: {  	_ =	swait.ge [sflag:s23], $0x1  }
0xa3: {  	[sflag:s23] =	ssyncset.done $0x0  }
0xa4: {  	s25 =	simm.s32 $0x1B8E;
	s24 =	sld [smem:$0x3FFE];
	[sflag:s23] =	ssyncadd.s32 $0xFFFFFFFF  }
0xa5: {  	s26 =	simm.s32 $execute0_lowered;
	[smem:$0x3FD2] =	sst s25  }
0xa6: {  	s4 =	sshll.u32 s26, $0x1;
	_ =	strace $0x80000055;
	[dreg:$0x1] =	wrdreg $0xFFFFFFFF  }
0xa7: {  	s28 =	simm.s32 $_size_execute0_lowered;
	s2 =	sadd.s32 s2, s4;
	[dreg:$0x0] =	wrdreg $0x0  }
0xa8: {  	s4 =	sshll.u32 s28, $0x1;
	[dreg:$0x2] =	wrdreg s2  }
0xa9: {  	[dreg:$0x3] =	wrdreg s4  }
0xaa: {  	[dreg:$0x4] =	wrdreg $0xC0  }
0xab: {  	_ =	task [dreg:s6], $0x5FFFF  }
0xac: {  	[dreg:$0x1] =	wrdreg $0xFFFFFFFF  }
0xad: {  	[dreg:$0x0] =	wrdreg $0x60  }
0xae: {  	[dreg:$0x2] =	wrdreg s24  }
0xaf: {  	[dreg:$0x3] =	wrdreg $0x9  }
0xb0: {  	_ =	task.clear_ibuf [dreg:s6], $0x4FFFF;
	_ =	strace $0x90000055  }
0xb1: {  	s29 =	simm.s32 $0x9;
	_ =	strace $0x80000057  }
0xb2: {  	_ =	swait.ge [sflag:s29], $0x1  }
0xb3: {  	[sflag:s29] =	ssyncadd.s32 $0xFFFFFFFF  }
0xb4: {  	_ =	strace $0x90000057  }
0xb5: {  	_ =	sfence  }
0xb6: {  	s30 =	sld [smem:$0x0];
	_ =	sdelay $0x2  }
0xb7: {  	s31 =	sshll.u32 s1, $0xD;
	s1 =	sshrl.u32 s1, $0x2  }
0xb8: {  	s3 =	sand.u32 $0x4000, s31;
	s1 =	sadd.s32 s1, s30  }
0xb9: {  	s0 =	sor.u32 s3, s0;
	s1 =	sshll.u32 s1, $0x11  }
0xba: {  	s0 =	sor.u32 s1, s0  }
0xbb: {  	s0 =	sadd.s32 $0x8F2B, s0  }
0xbc: {  	[sflag:s0] =	ssyncadd.remote.s32 $0x1  }
0xbd: {  	_ =	sfence.sel $0xFFFF  }
0xbe: {  	[dreg:$0x0] =	wrdreg $0xFFFFFFFF;
	(pc) =	sbr.abs _section_cstart, $3  }
0xbf: {  	[dreg:$0x1] =	wrdreg $0xFFFFFFFF  }
0xc0: {  	_ =	task.clear_ibuf [dreg:s6], $0x2FFFF;
	_ =	strace $0x9FFFFFFF  }
0xc1: {  	(tm) =	ssettm $0x7FFFFFFF  }
tec
execute0_lowered:
.L_overlay_start_1:
0x0: {  	(tag) =	ssettag $0x1  }
0x1: {  	s5 =	rddreg [dreg:$0x0]  }
0x2: {  	s0 =	rddreg [dreg:$0x1]  }
0x3: {  	s3 =	srdreg.scid;
	s1 =	stileid.u32;
	s2 =	simm.s32 $0x0  }
0x4: {  	s13 =	simm.s32 $0x1;
	s14 =	simm.s32 $0x3;
	s15 =	simm.s32 $0x15400  }
0x5: {  	s16 =	simm.s32 $0x17C00;
	s17 =	simm.s32 $0x2;
	s18 =	simm.s32 $0x4  }
0x6: {  	s19 =	simm.s32 $0x5;
	s4 =	sand.u32 $0x1, s3;
	s31 =	sshll.u32 s1, $0x1  }
0x7: {  	s20 =	simm.s32 $0x0;
	[smem:$0x7FF] =	sst s2;
	s6 =	sor.u32 s4, s31  }
0x8: {  	s3 =	sadd.s32 $0xEBB400, s5;
	s7 =	ssub.s32 $0x2, s4;
	s8 =	smul.u32 $0x138800, s6  }
0x9: {  	_ =	strace $0x80000056;
	s6 =	smul.u32 $0x2800, s6;
	s9 =	sshrl.u32 s7, $0x1  }
0xa: {  	s4 =	sadd.s32 $0x4EB400, s5;
	s12 =	ssub.s32 s7, s9;
	s10 =	sshrl.u32 s8, $0x3  }
0xb: {  	s11 =	sadd.s32 s6, s5;
	s7 =	sadd.s32 $0x1400, s8;
	s8 =	sadd.s32 $0x2800, s8  }
0xc: {  	s5 =	sadd.s32 s4, s10;
	s6 =	sadd.s32 s3, s10;
	s9 =	sadd.s32 $0x139D400, s11  }
0xd: {  	v0 =	vimm.f32 $0.0e+00;
	s10 =	smax.u32 s12, $0x1;
	s11 =	simm.s32 $0x14000;
	s12 =	simm.s32 $0x16800  }
.LBB2_1:
0xe: {  	[tilespmem:s11], [sflag:$0x1] =	stream.linear.gather [hbm4b:s5+s2], $0x1400, $0x38;
	[tilespmem:$0x19000] =	vst v63  }
0xf: {  	s21 =	simm.s32 $0x40;
	s22 =	simm.s32 $0x0  }
0x10: {  	[tilespmem:s12], [sflag:$0x3] =	stream.linear.gather [hbm4b:s6+s2], $0x1400, $0x38;
	[tilespmem:$0x19000] =	vst v63  }
.LBB2_2:
0x11: {  	p0 =	sne.s32 s21, $0x4FFC0;
	[tilespmem:s22+$0x0] =	vst v0;
	s22 =	smov.u32 s21;
	s21 =	sadd.s32 $0x40, s21  }
.Ltmp0:
0x12: {  	(pc) =	sbr.rel @p0 .LBB2_2-.Ltmp0, $2  }
0x13: {  	_ =	sdelay $0x2  }
0x14: {  	s22 =	sshra.s32 s22, $0x2  }
0x15: {  	[tilespmem:s22+$0x0] =	vst v0;
	s21 =	simm.s32 $0x0;
	s22 =	simm.s32 $0x0  }
.LBB2_4:
0x16: {  	_ =	swait.ge [sflag:s13], $0x1400  }
0x17: {  	s23 =	smul.u32 $0x2800, s22;
	[sflag:s13] =	ssyncset.done $0x0  }
0x18: {  	[sflag:s13] =	ssyncadd.s32 $0xFFFFEC00  }
0x19: {  	s24 =	sadd.s32 s23, s7;
	_ =	swait.ge [sflag:s14], $0x1400  }
0x1a: {  	s24 =	sshrl.u32 s24, $0x3;
	[sflag:s14] =	ssyncset.done $0x0  }
0x1b: {  	s25 =	sadd.s32 s4, s24;
	[sflag:s14] =	ssyncadd.s32 $0xFFFFEC00  }
0x1c: {  	[tilespmem:s15], [sflag:$0x2] =	stream.linear.gather [hbm4b:s25+s21], $0x1400, $0x38;
	[tilespmem:$0x19000] =	vst v63  }
0x1d: {  	s24 =	sadd.s32 s3, s24  }
0x1e: {  	[tilespmem:s16], [sflag:$0x4] =	stream.linear.gather [hbm4b:s24+s21], $0x1400, $0x38;
	[tilespmem:$0x19000] =	vst v63  }
0x1f: {  	s24 =	simm.s32 $0x0  }
.LBB2_5:
0x20: {  	s25 =	sshra.s32 s24, $0x2  }
0x21: {  	v1 =	vld [tilespmem:s25+$0x14000];
	_ =	sdelay $0x2  }
0x22: {  	v2 =	vld [tilespmem:s25+$0x16800];
	_ =	sdelay $0x4  }
0x23: {  	[tilespmem:v1+s2+$0x0] =	vst.idx.add.f32.msk $0xffff, v2  }
0x24: {  	v1 =	vld [tilespmem:s25+$0x14010];
	_ =	sdelay $0x2  }
0x25: {  	v2 =	vld [tilespmem:s25+$0x16810];
	_ =	sdelay $0x4  }
0x26: {  	[tilespmem:v1+s2+$0x0] =	vst.idx.add.f32.msk $0xffff, v2  }
0x27: {  	v1 =	vld [tilespmem:s25+$0x14020];
	_ =	sdelay $0x2  }
0x28: {  	v2 =	vld [tilespmem:s25+$0x16820];
	_ =	sdelay $0x4  }
0x29: {  	[tilespmem:v1+s2+$0x0] =	vst.idx.add.f32.msk $0xffff, v2  }
0x2a: {  	v1 =	vld [tilespmem:s25+$0x14030];
	_ =	sdelay $0x2  }
0x2b: {  	p0 =	sne.s32 s24, $0x4F00;
	v2 =	vld [tilespmem:s25+$0x16830]  }
.Ltmp1:
0x2c: {  	_ = 	snop;
	(pc) =	sbr.rel @p0 .LBB2_5-.Ltmp1, $2  }
0x2d: {  	_ =	sdelay $0x2  }
0x2e: {  	s24 =	sadd.s32 $0x100, s24;
	[tilespmem:v1+s2+$0x0] =	vst.idx.add.f32.msk $0xffff, v2  }
0x2f: {  	_ =	swait.ge [sflag:s17], $0x1400  }
0x30: {  	[sflag:s17] =	ssyncset.done $0x0  }
0x31: {  	p0 =	sgt.u32 s22, $0x7B;
	[sflag:s17] =	ssyncadd.s32 $0xFFFFEC00  }
0x32: {  	s23 =	sadd.s32 @!p0 s23, s8;
	_ =	swait.ge [sflag:s18], $0x1400  }
0x33: {  	s25 =	simm.s32 @!p0 $0x0;
	s23 =	sshrl.u32 @!p0 s23, $0x3;
	[sflag:s18] =	ssyncset.done $0x0  }
0x34: {  	s26 =	simm.s32 @!p0 $0x14000;
	s24 =	sadd.s32 @!p0 s4, s23;
	[sflag:s18] =	ssyncadd.s32 $0xFFFFEC00  }
0x35: {  	[tilespmem:s26], [sflag:$0x1] =	stream.linear.gather @!p0 [hbm4b:s24+s25], $0x1400, $0x38;
	[tilespmem:$0x19000] =	vst v63  }
0x36: {  	s23 =	sadd.s32 @!p0 s3, s23;
	s24 =	simm.s32 @!p0 $0x16800  }
0x37: {  	[tilespmem:s24], [sflag:$0x3] =	stream.linear.gather @!p0 [hbm4b:s23+s25], $0x1400, $0x38;
	[tilespmem:$0x19000] =	vst v63  }
0x38: {  	s23 =	simm.s32 $0x0  }
.LBB2_7:
0x39: {  	s24 =	sshra.s32 s23, $0x2  }
0x3a: {  	v1 =	vld [tilespmem:s24+$0x15400];
	_ =	sdelay $0x2  }
0x3b: {  	v2 =	vld [tilespmem:s24+$0x17C00];
	_ =	sdelay $0x4  }
0x3c: {  	[tilespmem:v1+s2+$0x0] =	vst.idx.add.f32.msk $0xffff, v2  }
0x3d: {  	v1 =	vld [tilespmem:s24+$0x15410];
	_ =	sdelay $0x2  }
0x3e: {  	v2 =	vld [tilespmem:s24+$0x17C10];
	_ =	sdelay $0x4  }
0x3f: {  	[tilespmem:v1+s2+$0x0] =	vst.idx.add.f32.msk $0xffff, v2  }
0x40: {  	v1 =	vld [tilespmem:s24+$0x15420];
	_ =	sdelay $0x2  }
0x41: {  	v2 =	vld [tilespmem:s24+$0x17C20];
	_ =	sdelay $0x4  }
0x42: {  	[tilespmem:v1+s2+$0x0] =	vst.idx.add.f32.msk $0xffff, v2  }
0x43: {  	v1 =	vld [tilespmem:s24+$0x15430];
	_ =	sdelay $0x2  }
0x44: {  	p0 =	sne.s32 s23, $0x4F00;
	v2 =	vld [tilespmem:s24+$0x17C30]  }
.Ltmp2:
0x45: {  	_ = 	snop;
	(pc) =	sbr.rel @p0 .LBB2_7-.Ltmp2, $2  }
0x46: {  	_ =	sdelay $0x2  }
0x47: {  	s23 =	sadd.s32 $0x100, s23;
	[tilespmem:v1+s2+$0x0] =	vst.idx.add.f32.msk $0xffff, v2  }
0x48: {  	s22 =	sadd.s32 $0x1, s22  }
0x49: {  	p0 =	sne.s32 s22, $0x7D  }
.Ltmp3:
0x4a: {  	_ = 	snop;
	(pc) =	sbr.rel @p0 .LBB2_4-.Ltmp3, $1  }
0x4b: {  	_ =	sdelay $0x3  }
0x4c: {  	s20 =	sadd.s32 $0x1, s20  }
0x4d: {  	p0 =	sne.s32 s20, s10  }
.Ltmp4:
0x4e: {  	_ = 	snop;
	(pc) =	sbr.rel @p0 .LBB2_1-.Ltmp4, $4  }
0x4f: {  	[hbm4b:s9+s2] =	stream.linear.scatter [tilespmem:s2], [sflag:$0x5], $0x14000, $0x38;
	[tilespmem:$0x19000] =	vst v63  }
0x50: {  	_ =	swait.ge [sflag:s19], $0x14000  }
0x51: {  	[sflag:s19] =	ssyncset.done $0x0  }
0x52: {  	[sflag:s19] =	ssyncadd.s32 $0xFFFEC000  }
0x53: {  	_ =	sfence.sel $0x180000  }
0x54: {  	[bflag:$0x0] =	sbarrier.arrive $0xFFFF  }
0x55: {  	p0 =	sne.s32 s1, $0x0;
	_ =	strace $0x90000056  }
0x56: {  	s0 =	sadd.s32 @!p0 $0x100000, s0;
	[bflag:$0x2] =	sbarrier.arrive $0xFFFF  }
0x57: {  	[sflag:s0] =	ssyncadd.tile.s32 @!p0 $0x1;
	_ =	shalt  }
.Lfunc_end2:
_tile_overlayer_lowered:
.L_overlay_start_2:
0x58: {  	(tag) =	ssettag $0x2  }
0x59: {  	s0 =	rddreg [dreg:$0x0];
	s2 =	stileid.u32  }
0x5a: {  	s1 =	rddreg [dreg:$0x1];
	p0 =	sne.s32 s2, $0x0  }
0x5b: {  	s3 =	rddreg [dreg:$0x2];
	[bflag:$0x3] =	sbarrier.arrive $0xFFFF;
	s2 =	simm.s32 @!p0 $0x1C05  }
0x5c: {  	[timem:s3], [sflag:s2] =	dma.local @!p0 [hbm:s0], s1  }
0x5d: {  	s0 =	simm.s32 @!p0 $0x5  }
0x5e: {  	_ =	swait.ge @!p0 [sflag:s0], s1  }
0x5f: {  	s1 =	ssub.s32 @!p0 $0x0, s1;
	[sflag:s0] =	ssyncset.done @!p0 $0x0  }
0x60: {  	[sflag:s0] =	ssyncadd.s32 @!p0 s1  }
0x61: {  	[bflag:$0x3] =	sbarrier.arrive $0xFFFF  }
0x62: {  	_ =	shalt  }

// kernel: kernel.31.cloned.1.call-start
scs
__scs_entry_jumppad:
0x0: {  	(pc) =	sbr.rel $0x88, $3  }
0x1: {  	(tag) =	ssettag $0x0;
	lr =	simm.s32 $0x1  }
0x2: {  	[smem:$0x3F93] =	sst lr;
	_ =	strace $0xD0000000  }
0x3: {  	_ = 	snop  }
0x4: {  	_ = 	snop  }
0x5: {  	_ = 	snop  }
0x6: {  	_ = 	snop  }
0x7: {  	_ = 	snop  }
__scs_overlays_trampoline_lowered:
0x8: {  	[smem:$0x3FA2] =	sst s0  }
0x9: {  	[smem:$0x3FA3] =	sst s1  }
0xa: {  	[smem:$0x3FA4] =	sst s2  }
0xb: {  	[smem:$0x3FA5] =	sst s3  }
0xc: {  	[smem:$0x3FA6] =	sst s4  }
0xd: {  	[smem:$0x3FA7] =	sst s5  }
0xe: {  	[smem:$0x3FA8] =	sst s6  }
0xf: {  	[smem:$0x3FA9] =	sst s7  }
0x10: {  	[smem:$0x3FAA] =	sst s8  }
0x11: {  	[smem:$0x3FAB] =	sst s9;
	s0 =	simm.s32 @!p0 $0x0  }
0x12: {  	s1 =	sld [smem:$0x3F91];
	s0 =	simm.s32 @p0 $0x1  }
0x13: {  	[smem:$0x3FAC] =	sst s0;
	s0 =	simm.s32 @!p1 $0x0  }
0x14: {  	s2 =	sld [smem:$0x3F90];
	s0 =	simm.s32 @p1 $0x1  }
0x15: {  	[smem:$0x3FAD] =	sst s0;
	s0 =	simm.s32 @!p2 $0x0  }
0x16: {  	s3 =	sld [smem:$0x3FDB];
	s0 =	simm.s32 @p2 $0x1  }
0x17: {  	s4 =	simm.s32 $0x1BF5;
	[smem:$0x3FAF] =	sst s0  }
0x18: {  	s0 =	sld [smem:$0x3F92];
	_ =	swait.ge [sflag:s4], $0x0  }
0x19: {  	s7 =	sld [smem:$0x3F93]  }
0x1a: {  	s8 =	sadd.s32 $0xFFFFE003, lr  }
0x1b: {  	s9 =	sadd.s32 $0xFFFFFEF7, lr;
	s5 =	simm.s32 $0xFFFFFFFF;
	p2 =	slt.u32 s8, $0xFFFFF086  }
0x1c: {  	p1 =	slt.u32 s9, $0xF7A;
	s5 =	simm.s32 @!p2 $0x0  }
0x1d: {  	s5 =	simm.s32 @p1 $0x1;
	p0 =	seq.s32 s7, s2  }
0x1e: {  	s7 =	smul.u32 @!p0 $0xF7A, s2;
	p2 =	seq.s32 @!p0 s5, $0x0  }
0x1f: {  	s9 =	smul.u32 $0xF7A, s1;
	s8 =	simm.s32 @!p0 $0x1BF5;
	p2 =	por !p2, p0  }
0x20: {  	[sflag:s8] =	ssyncset.s32 @!p0 $0xFFFFF086;
	s6 =	sadd.s32 @!p0 s3, s7;
	s7 =	simm.s32 @!p0 $0x108  }
0x21: {  	s3 =	sadd.s32 s3, s9;
	s6 =	sadd.s32 @!p0 $0x88, s6;
	s7 =	simm.s32 @p2 $0x1082  }
0x22: {  	[simem:s7], [sflag:s8] =	dma.local @!p0 [hbm:s6], $0xF7A  }
0x23: {  	s9 =	sor.u32 $0xD0000000, s2;
	s6 =	simm.s32 $0x108;
	_ =	swait.ge @!p0 [sflag:s8], $0x0  }
0x24: {  	s3 =	sadd.s32 $0x88, s3;
	s6 =	simm.s32 @!p1 $0x1082;
	[sflag:s4] =	ssyncset.s32 $0xFFFFF086  }
0x25: {  	[simem:s6], [sflag:s4] =	dma.local [hbm:s3], $0xF7A  }
0x26: {  	[smem:$0x3F93] =	sst s1;
	(tag) =	ssettag s2;
	_ =	strace s9  }
0x27: {  	s1 =	sld [smem:$0x3FA3]  }
0x28: {  	s2 =	sld [smem:$0x3FA4]  }
0x29: {  	s4 =	sld [smem:$0x3FA6]  }
0x2a: {  	p0 =	seq.s32 s5, $0x0;
	s5 =	sld [smem:$0x3FA7]  }
0x2b: {  	s6 =	sld [smem:$0x3FA8]  }
0x2c: {  	s7 =	sld [smem:$0x3FA9]  }
0x2d: {  	s3 =	simm.s32 $0x108;
	s8 =	sld [smem:$0x3FAA]  }
0x2e: {  	s3 =	simm.s32 @!p0 $0x1082;
	s9 =	sld [smem:$0x3FAB]  }
0x2f: {  	lr =	sadd.s32 s0, s3;
	s0 =	sld [smem:$0x3FA2]  }
0x30: {  	s3 =	sld [smem:$0x3FA5]  }
0x31: {  	[smem:$0x3FAE] =	sst s10  }
0x32: {  	s10 =	sld [smem:$0x3FAC];
	_ =	sdelay $0x3  }
0x33: {  	p0 =	seq.s32 s10, $0x1;
	s10 =	sld [smem:$0x3FAE];
	_ =	sdelay $0x3  }
0x34: {  	[smem:$0x3FAE] =	sst s10  }
0x35: {  	s10 =	sld [smem:$0x3FAD];
	_ =	sdelay $0x3  }
0x36: {  	p1 =	seq.s32 s10, $0x1;
	s10 =	sld [smem:$0x3FAE];
	_ =	sdelay $0x3  }
0x37: {  	[smem:$0x3FAE] =	sst s10  }
0x38: {  	s10 =	sld [smem:$0x3FAF]  }
0x39: {  	_ = 	snop;
	(pc) =	sbr.ind lr, $3  }
0x3a: {  	_ = 	snop  }
0x3b: {  	_ = 	snop  }
0x3c: {  	p2 =	seq.s32 s10, $0x1;
	s10 =	sld [smem:$0x3FAE]  }
0x3d: {  	_ =	shalt  }
0x3e: {  	_ =	shalt  }
0x3f: {  	_ =	shalt  }
0x40: {  	_ =	shalt  }
0x41: {  	_ =	shalt  }
0x42: {  	_ =	shalt  }
0x43: {  	_ =	shalt  }
0x44: {  	_ =	shalt  }
0x45: {  	_ =	shalt  }
0x46: {  	_ =	shalt  }
0x47: {  	_ =	shalt  }
0x48: {  	_ =	shalt  }
0x49: {  	_ =	shalt  }
0x4a: {  	_ =	shalt  }
0x4b: {  	_ =	shalt  }
0x4c: {  	_ =	shalt  }
0x4d: {  	_ =	shalt  }
0x4e: {  	_ =	shalt  }
0x4f: {  	_ =	shalt  }
0x50: {  	_ =	shalt  }
0x51: {  	_ =	shalt  }
0x52: {  	_ =	shalt  }
0x53: {  	_ =	shalt  }
0x54: {  	_ =	shalt  }
0x55: {  	_ =	shalt  }
0x56: {  	_ =	shalt  }
0x57: {  	_ =	shalt  }
0x58: {  	_ =	shalt  }
0x59: {  	_ =	shalt  }
0x5a: {  	_ =	shalt  }
0x5b: {  	_ =	shalt  }
0x5c: {  	_ =	shalt  }
0x5d: {  	_ =	shalt  }
0x5e: {  	_ =	shalt  }
0x5f: {  	_ =	shalt  }
0x60: {  	_ =	shalt  }
0x61: {  	_ =	shalt  }
0x62: {  	_ =	shalt  }
0x63: {  	_ =	shalt  }
0x64: {  	_ =	shalt  }
0x65: {  	_ =	shalt  }
0x66: {  	_ =	shalt  }
0x67: {  	_ =	shalt  }
0x68: {  	_ =	shalt  }
0x69: {  	_ =	shalt  }
0x6a: {  	_ =	shalt  }
0x6b: {  	_ =	shalt  }
0x6c: {  	_ =	shalt  }
0x6d: {  	_ =	shalt  }
0x6e: {  	_ =	shalt  }
0x6f: {  	_ =	shalt  }
0x70: {  	_ =	shalt  }
0x71: {  	_ =	shalt  }
0x72: {  	_ =	shalt  }
0x73: {  	_ =	shalt  }
0x74: {  	_ =	shalt  }
0x75: {  	_ =	shalt  }
0x76: {  	_ =	shalt  }
0x77: {  	_ =	shalt  }
0x78: {  	_ =	shalt  }
0x79: {  	_ =	shalt  }
0x7a: {  	_ =	shalt  }
0x7b: {  	_ =	shalt  }
0x7c: {  	_ =	shalt  }
0x7d: {  	_ =	shalt  }
0x7e: {  	_ =	shalt  }
0x7f: {  	_ =	shalt  }
0x80: {  	_ =	shalt  }
0x81: {  	_ =	shalt  }
0x82: {  	_ =	shalt  }
0x83: {  	_ =	shalt  }
0x84: {  	_ =	shalt  }
0x85: {  	_ =	shalt  }
0x86: {  	_ =	shalt  }
0x87: {  	_ =	shalt  }
.Lfunc_end0:
.L_simem_size_0:
called_computation.6_lowered:
.L_overlay_start_0:
0x88: {  	s2 =	sld [smem:$0x3FD9]  }
0x89: {  	s3 =	sld [smem:$0x3FFE];
	_ =	sdelay $0x1  }
0x8a: {  	s1 =	srdreg.scid  }
0x8b: {  	s0 =	sand.u32 $0x1, s1  }
0x8c: {  	s16 =	sshll.u32 s0, $0xA;
	s2 =	sadd.s32 s3, s2  }
0x8d: {  	s2 =	sadd.s32 s2, s16  }
0x8e: {  	[smem:$0x3FBA] =	sst s2  }
0x8f: {  	_ = 	snop  }
0x90: {  	(tm) =	ssettm $0x1  }
0x91: {  	s17 =	sld [smem:$0x3FFB];
	_ =	sdelay $0x3  }
0x92: {  	_ =	strace s17  }
0x93: {  	s2 =	sld [smem:$0x3FFC];
	_ =	sdelay $0x3  }
0x94: {  	_ =	strace s2  }
0x95: {  	s2 =	sld [smem:$0x3FFD];
	_ =	sdelay $0x3  }
0x96: {  	_ =	strace s2  }
0x97: {  	_ =	strace $0x8FFFFFFF  }
0x98: {  	s18 =	sld [smem:$0x3FDB];
	_ =	sdelay $0x1  }
0x99: {  	s19 =	simm.s32 $_scs_section_size  }
0x9a: {  	s4 =	simm.s32 $_size__tile_overlayer_lowered;
	s5 =	simm.s32 $_tile_overlayer_lowered  }
0x9b: {  	s22 =	simm.s32 $0x1BFF;
	s21 =	sshll.u32 s5, $0x1;
	s2 =	sadd.s32 s19, s18  }
0x9c: {  	s6 =	simm.s32 $0x0;
	s20 =	sshll.u32 s4, $0x1;
	s4 =	sadd.s32 s21, s2  }
0x9d: {  	[timem:s6], [sflag:s22] =	dma.local [hbm:s4], s20  }
0x9e: {  	_ =	swait.ge [sflag:s22], s20  }
0x9f: {  	s3 =	ssub.s32 $0x0, s20;
	[sflag:s22] =	ssyncset.done $0x0  }
0xa0: {  	[sflag:s22] =	ssyncadd.s32 s3;
	_ =	sdelay $0x1  }
0xa1: {  	s23 =	simm.s32 $0x1B8B  }
0xa2: {  	_ =	swait.ge [sflag:s23], $0x1  }
0xa3: {  	[sflag:s23] =	ssyncset.done $0x0  }
0xa4: {  	s25 =	simm.s32 $0x1B8E;
	s24 =	sld [smem:$0x3FFE];
	[sflag:s23] =	ssyncadd.s32 $0xFFFFFFFF  }
0xa5: {  	s26 =	simm.s32 $execute0_lowered;
	[smem:$0x3FD2] =	sst s25  }
0xa6: {  	s4 =	sshll.u32 s26, $0x1;
	_ =	strace $0x80000058;
	[dreg:$0x1] =	wrdreg $0xFFFFFFFF  }
0xa7: {  	s28 =	simm.s32 $_size_execute0_lowered;
	s2 =	sadd.s32 s2, s4;
	[dreg:$0x0] =	wrdreg $0x0  }
0xa8: {  	s4 =	sshll.u32 s28, $0x1;
	[dreg:$0x2] =	wrdreg s2  }
0xa9: {  	[dreg:$0x3] =	wrdreg s4  }
0xaa: {  	[dreg:$0x4] =	wrdreg $0xC0  }
0xab: {  	_ =	task [dreg:s6], $0x5FFFF  }
0xac: {  	[dreg:$0x1] =	wrdreg $0xFFFFFFFF  }
0xad: {  	[dreg:$0x0] =	wrdreg $0x60  }
0xae: {  	[dreg:$0x2] =	wrdreg s24  }
0xaf: {  	[dreg:$0x3] =	wrdreg $0x9  }
0xb0: {  	_ =	task.clear_ibuf [dreg:s6], $0x4FFFF;
	_ =	strace $0x90000058  }
0xb1: {  	s29 =	simm.s32 $0x9;
	_ =	strace $0x8000005A  }
0xb2: {  	_ =	swait.ge [sflag:s29], $0x1  }
0xb3: {  	[sflag:s29] =	ssyncadd.s32 $0xFFFFFFFF  }
0xb4: {  	_ =	strace $0x9000005A  }
0xb5: {  	_ =	sfence  }
0xb6: {  	s30 =	sld [smem:$0x0];
	_ =	sdelay $0x2  }
0xb7: {  	s31 =	sshll.u32 s1, $0xD;
	s1 =	sshrl.u32 s1, $0x2  }
0xb8: {  	s3 =	sand.u32 $0x4000, s31;
	s1 =	sadd.s32 s1, s30  }
0xb9: {  	s0 =	sor.u32 s3, s0;
	s1 =	sshll.u32 s1, $0x11  }
0xba: {  	s0 =	sor.u32 s1, s0  }
0xbb: {  	s0 =	sadd.s32 $0x8F2B, s0  }
0xbc: {  	[sflag:s0] =	ssyncadd.remote.s32 $0x1  }
0xbd: {  	_ =	sfence.sel $0xFFFF  }
0xbe: {  	[dreg:$0x0] =	wrdreg $0xFFFFFFFF;
	(pc) =	sbr.abs _section_cstart, $3  }
0xbf: {  	[dreg:$0x1] =	wrdreg $0xFFFFFFFF  }
0xc0: {  	_ =	task.clear_ibuf [dreg:s6], $0x2FFFF;
	_ =	strace $0x9FFFFFFF  }
0xc1: {  	(tm) =	ssettm $0x7FFFFFFF  }
tec
execute0_lowered:
.L_overlay_start_1:
0x0: {  	(tag) =	ssettag $0x1  }
0x1: {  	s0 =	srdreg.scid  }
0x2: {  	s1 =	stileid.u32;
	s7 =	rddreg [dreg:$0x0]  }
0x3: {  	s2 =	simm.s32 $0x0;
	s16 =	simm.s32 $0x1;
	s17 =	simm.s32 $0x2  }
0x4: {  	s18 =	simm.s32 $0x4;
	s19 =	simm.s32 $0x15400;
	s20 =	simm.s32 $0x17C00  }
0x5: {  	s21 =	simm.s32 $0x19000;
	s22 =	simm.s32 $0x1B800;
	s23 =	simm.s32 $0x3  }
0x6: {  	s28 =	simm.s32 $0x6;
	s29 =	simm.s32 $0x8;
	s30 =	simm.s32 $0x7  }
0x7: {  	s31 =	simm.s32 $0x9;
	s0 =	sand.u32 $0x1, s0;
	s1 =	sshll.u32 s1, $0x1  }
0x8: {  	[smem:$0x7FF] =	sst s2;
	s5 =	sadd.s32 $0x9400, s7;
	s1 =	sor.u32 s0, s1  }
0x9: {  	s6 =	sadd.s32 $0xEBB400, s7;
	s0 =	ssub.s32 $0x2, s0;
	s3 =	smul.u32 $0x2800, s1  }
0xa: {  	_ =	strace $0x80000059;
	s4 =	smul.u32 $0x138800, s1;
	s24 =	sshrl.u32 s0, $0x1  }
0xb: {  	s0 =	ssub.s32 s0, s24;
	s24 =	simm.s32 $0x5;
	s8 =	sadd.s32 s3, s7  }
0xc: {  	s3 =	sadd.s32 $0x4EB400, s7;
	s7 =	sadd.s32 $0x1434400, s7;
	s25 =	sshrl.u32 s4, $0x3  }
0xd: {  	s11 =	sadd.s32 $0x1400, s4;
	s12 =	sadd.s32 $0x2800, s4;
	s8 =	sadd.s32 $0xA1D400, s8  }
0xe: {  	s13 =	smax.u32 s0, $0x1;
	s26 =	sadd.s32 s3, s25;
	[dreg:$0x2] =	wrdreg s8  }
0xf: {  	s1 =	sadd.s32 s5, s25;
	s25 =	simm.s32 $0x1A400;
	[dreg:$0x3] =	wrdreg s26  }
0x10: {  	[dreg:$0x4] =	wrdreg s1;
	s26 =	simm.s32 $0x1CC00;
	s1 =	simm.s32 $0x0  }
.LBB2_1:
0x11: {  	s0 =	rddreg [dreg:$0x2]  }
0x12: {  	[tilespmem:s2], [sflag:$0x1] =	stream.linear.gather [hbm4b:s0+s2], $0x14000, $0x38;
	[tilespmem:$0x1E000] =	vst v63  }
0x13: {  	s10 =	rddreg [dreg:$0x3];
	s8 =	simm.s32 $0x14000  }
0x14: {  	[tilespmem:s8], [sflag:$0x2] =	stream.linear.gather [hbm4b:s10+s2], $0x1400, $0x38;
	[tilespmem:$0x1E000] =	vst v63  }
0x15: {  	s14 =	rddreg [dreg:$0x4];
	s15 =	simm.s32 $0x16800  }
0x16: {  	[tilespmem:s15], [sflag:$0x4] =	stream.linear.gather [hbm4b:s14+s2], $0x1400, $0x38;
	[tilespmem:$0x1E000] =	vst v63  }
0x17: {  	_ =	swait.ge [sflag:s16], $0x14000  }
0x18: {  	[sflag:s16] =	ssyncset.done $0x0  }
0x19: {  	s0 =	simm.s32 $0x0;
	[sflag:s16] =	ssyncadd.s32 $0xFFFEC000  }
.LBB2_2:
0x1a: {  	_ =	swait.ge [sflag:s17], $0x1400  }
0x1b: {  	s14 =	smul.u32 $0x2800, s0;
	[sflag:s17] =	ssyncset.done $0x0  }
0x1c: {  	[sflag:s17] =	ssyncadd.s32 $0xFFFFEC00  }
0x1d: {  	s8 =	sadd.s32 s14, s11;
	_ =	swait.ge [sflag:s18], $0x1400  }
0x1e: {  	s8 =	sshrl.u32 s8, $0x3;
	[sflag:s18] =	ssyncset.done $0x0  }
0x1f: {  	s9 =	sadd.s32 s3, s8;
	[sflag:s18] =	ssyncadd.s32 $0xFFFFEC00  }
0x20: {  	[tilespmem:s19], [sflag:$0x3] =	stream.linear.gather [hbm4b:s9+s2], $0x1400, $0x38;
	[tilespmem:$0x1E000] =	vst v63  }
0x21: {  	p0 =	seq.s32 s0, $0x0;
	s8 =	sadd.s32 s5, s8  }
0x22: {  	[tilespmem:s20], [sflag:$0x5] =	stream.linear.gather [hbm4b:s8+s2], $0x1400, $0x38;
	[tilespmem:$0x1E000] =	vst v63  }
0x23: {  	s8 =	simm.s32 @!p0 $0x6  }
0x24: {  	_ =	swait.ge @!p0 [sflag:s8], $0x1400  }
0x25: {  	[sflag:s8] =	ssyncset.done @!p0 $0x0  }
0x26: {  	[sflag:s8] =	ssyncadd.s32 @!p0 $0xFFFFEC00;
	s8 =	simm.s32 @!p0 $0x8  }
0x27: {  	_ =	swait.ge @!p0 [sflag:s8], $0x1400  }
0x28: {  	[sflag:s8] =	ssyncset.done @!p0 $0x0  }
0x29: {  	[sflag:s8] =	ssyncadd.s32 @!p0 $0xFFFFEC00;
	s8 =	simm.s32 $0x0  }
0x2a: {  	v0 =	vld [tilespmem:s8+$0x14000];
	_ =	sdelay $0x5  }
0x2b: {  	v1 =	vld [tilespmem:s8+$0x16800];
	_ =	sdelay $0x1  }
0x2c: {  	v0 =	vld.idx.msk [tilespmem:v0+s2+$0x0], $0xffff;
	_ =	sdelay $0x4  }
0x2d: {  	[tilespmem:s8+$0x19000] =	vst v0;
	v0 =	vld [tilespmem:s8+$0x14010]  }
0x2e: {  	v1 =	vld.idx.msk [tilespmem:v1+s2+$0x0], $0xffff;
	_ =	sdelay $0x4  }
0x2f: {  	[tilespmem:s8+$0x1B800] =	vst v1;
	v1 =	vld [tilespmem:s8+$0x16810];
	_ =	sdelay $0x1  }
0x30: {  	v0 =	vld.idx.msk [tilespmem:v0+s2+$0x0], $0xffff;
	_ =	sdelay $0x4  }
0x31: {  	[tilespmem:s8+$0x19010] =	vst v0;
	v0 =	vld [tilespmem:s8+$0x14020]  }
0x32: {  	v1 =	vld.idx.msk [tilespmem:v1+s2+$0x0], $0xffff;
	_ =	sdelay $0x4  }
0x33: {  	[tilespmem:s8+$0x1B810] =	vst v1;
	v1 =	vld [tilespmem:s8+$0x16820];
	_ =	sdelay $0x1  }
0x34: {  	v0 =	vld.idx.msk [tilespmem:v0+s2+$0x0], $0xffff;
	_ =	sdelay $0x4  }
0x35: {  	v2 =	vld [tilespmem:s8+$0x14030];
	[tilespmem:s8+$0x19020] =	vst v0  }
0x36: {  	v0 =	vld.idx.msk [tilespmem:v1+s2+$0x0], $0xffff;
	_ =	sdelay $0x4  }
0x37: {  	[tilespmem:s8+$0x1B820] =	vst v0;
	v0 =	vld [tilespmem:s8+$0x16830];
	_ =	sdelay $0x1  }
0x38: {  	v1 =	vld.idx.msk [tilespmem:v2+s2+$0x0], $0xffff;
	_ =	sdelay $0x3  }
0x39: {  	s15 =	sshll.u32 s0, $0x1;
	s10 =	simm.s32 $0x40;
	s9 =	simm.s32 $0x200  }
.LBB2_3:
0x3a: {  	p1 =	sne.s32 s9, $0x4F00;
	v2 =	vld [tilespmem:s10+$0x14000];
	[tilespmem:s8+$0x19030] =	vst v1  }
0x3b: {  	v0 =	vld.idx.msk [tilespmem:v0+s2+$0x0], $0xffff;
	_ =	sdelay $0x5  }
0x3c: {  	v1 =	vld [tilespmem:s10+$0x16800];
	[tilespmem:s8+$0x1B830] =	vst v0;
	s8 =	smov.u32 s10  }
0x3d: {  	v0 =	vld.idx.msk [tilespmem:v2+s2+$0x0], $0xffff;
	_ =	sdelay $0x5  }
0x3e: {  	[tilespmem:s8+$0x19000] =	vst v0;
	v0 =	vld [tilespmem:s8+$0x14010]  }
0x3f: {  	v1 =	vld.idx.msk [tilespmem:v1+s2+$0x0], $0xffff;
	_ =	sdelay $0x5  }
0x40: {  	[tilespmem:s8+$0x1B800] =	vst v1;
	v1 =	vld [tilespmem:s8+$0x16810]  }
0x41: {  	v0 =	vld.idx.msk [tilespmem:v0+s2+$0x0], $0xffff;
	_ =	sdelay $0x5  }
0x42: {  	[tilespmem:s8+$0x19010] =	vst v0;
	v0 =	vld [tilespmem:s8+$0x14020]  }
0x43: {  	v1 =	vld.idx.msk [tilespmem:v1+s2+$0x0], $0xffff;
	_ =	sdelay $0x5  }
0x44: {  	[tilespmem:s8+$0x1B810] =	vst v1;
	v1 =	vld [tilespmem:s8+$0x16820]  }
0x45: {  	v0 =	vld.idx.msk [tilespmem:v0+s2+$0x0], $0xffff;
	_ =	sdelay $0x5  }
0x46: {  	[tilespmem:s8+$0x19020] =	vst v0;
	v2 =	vld [tilespmem:s8+$0x14030]  }
0x47: {  	v0 =	vld.idx.msk [tilespmem:v1+s2+$0x0], $0xffff;
	_ =	sdelay $0x5  }
0x48: {  	[tilespmem:s8+$0x1B820] =	vst v0;
	v0 =	vld [tilespmem:s8+$0x16830]  }
0x49: {  	v1 =	vld.idx.msk [tilespmem:v2+s2+$0x0], $0xffff  }
.Ltmp0:
0x4a: {  	(pc) =	sbr.rel @p1 .LBB2_3-.Ltmp0, $2  }
0x4b: {  	_ =	sdelay $0x2  }
0x4c: {  	s10 =	sshra.s32 s9, $0x2;
	s9 =	sadd.s32 $0x100, s9  }
0x4d: {  	_ =	sdelay $0x1  }
0x4e: {  	v2 =	vld [tilespmem:s10+$0x14000]  }
0x4f: {  	[tilespmem:s8+$0x19030] =	vst v1  }
0x50: {  	v0 =	vld.idx.msk [tilespmem:v0+s2+$0x0], $0xffff;
	_ =	sdelay $0x3  }
0x51: {  	v1 =	vld [tilespmem:s10+$0x16800]  }
0x52: {  	[tilespmem:s8+$0x1B830] =	vst v0  }
0x53: {  	v0 =	vld.idx.msk [tilespmem:v2+s2+$0x0], $0xffff;
	_ =	sdelay $0x4  }
0x54: {  	[tilespmem:s10+$0x19000] =	vst v0;
	v0 =	vld [tilespmem:s10+$0x14010]  }
0x55: {  	v1 =	vld.idx.msk [tilespmem:v1+s2+$0x0], $0xffff;
	_ =	sdelay $0x4  }
0x56: {  	[tilespmem:s10+$0x1B800] =	vst v1;
	v1 =	vld [tilespmem:s10+$0x16810];
	_ =	sdelay $0x1  }
0x57: {  	v0 =	vld.idx.msk [tilespmem:v0+s2+$0x0], $0xffff;
	_ =	sdelay $0x4  }
0x58: {  	[tilespmem:s10+$0x19010] =	vst v0;
	v0 =	vld [tilespmem:s10+$0x14020]  }
0x59: {  	v1 =	vld.idx.msk [tilespmem:v1+s2+$0x0], $0xffff;
	_ =	sdelay $0x4  }
0x5a: {  	[tilespmem:s10+$0x1B810] =	vst v1;
	v1 =	vld [tilespmem:s10+$0x16820];
	_ =	sdelay $0x1  }
0x5b: {  	v0 =	vld.idx.msk [tilespmem:v0+s2+$0x0], $0xffff;
	_ =	sdelay $0x4  }
0x5c: {  	[tilespmem:s10+$0x19020] =	vst v0;
	v0 =	vld [tilespmem:s10+$0x14030]  }
0x5d: {  	v1 =	vld.idx.msk [tilespmem:v1+s2+$0x0], $0xffff;
	_ =	sdelay $0x4  }
0x5e: {  	[tilespmem:s10+$0x1B820] =	vst v1;
	v1 =	vld [tilespmem:s10+$0x16830];
	_ =	sdelay $0x1  }
0x5f: {  	v0 =	vld.idx.msk [tilespmem:v0+s2+$0x0], $0xffff;
	_ =	sdelay $0x4  }
0x60: {  	[tilespmem:s10+$0x19030] =	vst v0  }
0x61: {  	v0 =	vld.idx.msk [tilespmem:v1+s2+$0x0], $0xffff;
	_ =	sdelay $0x2  }
0x62: {  	s9 =	sadd.s32 s4, s14  }
0x63: {  	s8 =	sshrl.u32 s9, $0x3  }
0x64: {  	s9 =	sadd.s32 s6, s8;
	[tilespmem:s10+$0x1B830] =	vst v0  }
0x65: {  	[hbm4b:s9+s2] =	stream.linear.scatter [tilespmem:s21], [sflag:$0x6], $0x1400, $0x38;
	[tilespmem:$0x1E000] =	vst v63  }
0x66: {  	s8 =	sadd.s32 s7, s8  }
0x67: {  	[hbm4b:s8+s2] =	stream.linear.scatter [tilespmem:s22], [sflag:$0x8], $0x1400, $0x38;
	[tilespmem:$0x1E000] =	vst v63  }
0x68: {  	_ =	swait.ge [sflag:s23], $0x1400  }
0x69: {  	s15 =	sor.u32 $0x1, s15;
	[sflag:s23] =	ssyncset.done $0x0  }
0x6a: {  	p1 =	sgt.u32 s15, $0xF8;
	[sflag:s23] =	ssyncadd.s32 $0xFFFFEC00  }
0x6b: {  	s8 =	sadd.s32 @!p1 s14, s12;
	_ =	swait.ge [sflag:s24], $0x1400  }
0x6c: {  	s10 =	simm.s32 @!p1 $0x0;
	s8 =	sshrl.u32 @!p1 s8, $0x3;
	[sflag:s24] =	ssyncset.done $0x0  }
0x6d: {  	s14 =	simm.s32 @!p1 $0x14000;
	s9 =	sadd.s32 @!p1 s3, s8;
	[sflag:s24] =	ssyncadd.s32 $0xFFFFEC00  }
0x6e: {  	[tilespmem:s14], [sflag:$0x2] =	stream.linear.gather @!p1 [hbm4b:s9+s10], $0x1400, $0x38;
	[tilespmem:$0x1E000] =	vst v63  }
0x6f: {  	s8 =	sadd.s32 @!p1 s5, s8;
	s9 =	simm.s32 @!p1 $0x16800  }
0x70: {  	[tilespmem:s9], [sflag:$0x4] =	stream.linear.gather @!p1 [hbm4b:s8+s10], $0x1400, $0x38;
	[tilespmem:$0x1E000] =	vst v63  }
0x71: {  	s8 =	simm.s32 @!p0 $0x7  }
0x72: {  	_ =	swait.ge @!p0 [sflag:s8], $0x1400  }
0x73: {  	[sflag:s8] =	ssyncset.done @!p0 $0x0  }
0x74: {  	[sflag:s8] =	ssyncadd.s32 @!p0 $0xFFFFEC00;
	s8 =	simm.s32 @!p0 $0x9  }
0x75: {  	_ =	swait.ge @!p0 [sflag:s8], $0x1400  }
0x76: {  	[sflag:s8] =	ssyncset.done @!p0 $0x0  }
0x77: {  	[sflag:s8] =	ssyncadd.s32 @!p0 $0xFFFFEC00;
	s8 =	simm.s32 $0x0  }
0x78: {  	v0 =	vld [tilespmem:s8+$0x15400];
	_ =	sdelay $0x5  }
0x79: {  	v1 =	vld [tilespmem:s8+$0x17C00];
	_ =	sdelay $0x1  }
0x7a: {  	v0 =	vld.idx.msk [tilespmem:v0+s2+$0x0], $0xffff;
	_ =	sdelay $0x4  }
0x7b: {  	[tilespmem:s8+$0x1A400] =	vst v0;
	v0 =	vld [tilespmem:s8+$0x15410]  }
0x7c: {  	v1 =	vld.idx.msk [tilespmem:v1+s2+$0x0], $0xffff;
	_ =	sdelay $0x4  }
0x7d: {  	[tilespmem:s8+$0x1CC00] =	vst v1;
	v1 =	vld [tilespmem:s8+$0x17C10];
	_ =	sdelay $0x1  }
0x7e: {  	v0 =	vld.idx.msk [tilespmem:v0+s2+$0x0], $0xffff;
	_ =	sdelay $0x4  }
0x7f: {  	[tilespmem:s8+$0x1A410] =	vst v0;
	v0 =	vld [tilespmem:s8+$0x15420]  }
0x80: {  	v1 =	vld.idx.msk [tilespmem:v1+s2+$0x0], $0xffff;
	_ =	sdelay $0x4  }
0x81: {  	[tilespmem:s8+$0x1CC10] =	vst v1;
	v1 =	vld [tilespmem:s8+$0x17C20];
	_ =	sdelay $0x1  }
0x82: {  	v0 =	vld.idx.msk [tilespmem:v0+s2+$0x0], $0xffff;
	_ =	sdelay $0x4  }
0x83: {  	v2 =	vld [tilespmem:s8+$0x15430];
	[tilespmem:s8+$0x1A420] =	vst v0  }
0x84: {  	v0 =	vld.idx.msk [tilespmem:v1+s2+$0x0], $0xffff;
	_ =	sdelay $0x4  }
0x85: {  	[tilespmem:s8+$0x1CC20] =	vst v0;
	v0 =	vld [tilespmem:s8+$0x17C30];
	_ =	sdelay $0x1  }
0x86: {  	v1 =	vld.idx.msk [tilespmem:v2+s2+$0x0], $0xffff;
	_ =	sdelay $0x3  }
0x87: {  	s14 =	simm.s32 $0x40;
	s9 =	simm.s32 $0x200  }
.LBB2_5:
0x88: {  	p0 =	sne.s32 s9, $0x4F00;
	v2 =	vld [tilespmem:s14+$0x15400];
	[tilespmem:s8+$0x1A430] =	vst v1  }
0x89: {  	v0 =	vld.idx.msk [tilespmem:v0+s2+$0x0], $0xffff;
	_ =	sdelay $0x5  }
0x8a: {  	v1 =	vld [tilespmem:s14+$0x17C00];
	[tilespmem:s8+$0x1CC30] =	vst v0;
	s8 =	smov.u32 s14  }
0x8b: {  	v0 =	vld.idx.msk [tilespmem:v2+s2+$0x0], $0xffff;
	_ =	sdelay $0x5  }
0x8c: {  	[tilespmem:s8+$0x1A400] =	vst v0;
	v0 =	vld [tilespmem:s8+$0x15410]  }
0x8d: {  	v1 =	vld.idx.msk [tilespmem:v1+s2+$0x0], $0xffff;
	_ =	sdelay $0x5  }
0x8e: {  	[tilespmem:s8+$0x1CC00] =	vst v1;
	v1 =	vld [tilespmem:s8+$0x17C10]  }
0x8f: {  	v0 =	vld.idx.msk [tilespmem:v0+s2+$0x0], $0xffff;
	_ =	sdelay $0x5  }
0x90: {  	[tilespmem:s8+$0x1A410] =	vst v0;
	v0 =	vld [tilespmem:s8+$0x15420]  }
0x91: {  	v1 =	vld.idx.msk [tilespmem:v1+s2+$0x0], $0xffff;
	_ =	sdelay $0x5  }
0x92: {  	[tilespmem:s8+$0x1CC10] =	vst v1;
	v1 =	vld [tilespmem:s8+$0x17C20]  }
0x93: {  	v0 =	vld.idx.msk [tilespmem:v0+s2+$0x0], $0xffff;
	_ =	sdelay $0x5  }
0x94: {  	[tilespmem:s8+$0x1A420] =	vst v0;
	v2 =	vld [tilespmem:s8+$0x15430]  }
0x95: {  	v0 =	vld.idx.msk [tilespmem:v1+s2+$0x0], $0xffff;
	_ =	sdelay $0x5  }
0x96: {  	[tilespmem:s8+$0x1CC20] =	vst v0;
	v0 =	vld [tilespmem:s8+$0x17C30]  }
0x97: {  	v1 =	vld.idx.msk [tilespmem:v2+s2+$0x0], $0xffff  }
.Ltmp1:
0x98: {  	(pc) =	sbr.rel @p0 .LBB2_5-.Ltmp1, $2  }
0x99: {  	_ =	sdelay $0x2  }
0x9a: {  	s14 =	sshra.s32 s9, $0x2;
	s9 =	sadd.s32 $0x100, s9  }
0x9b: {  	_ =	sdelay $0x1  }
0x9c: {  	v2 =	vld [tilespmem:s14+$0x15400]  }
0x9d: {  	[tilespmem:s8+$0x1A430] =	vst v1  }
0x9e: {  	v0 =	vld.idx.msk [tilespmem:v0+s2+$0x0], $0xffff;
	_ =	sdelay $0x3  }
0x9f: {  	v1 =	vld [tilespmem:s14+$0x17C00]  }
0xa0: {  	[tilespmem:s8+$0x1CC30] =	vst v0  }
0xa1: {  	v0 =	vld.idx.msk [tilespmem:v2+s2+$0x0], $0xffff;
	_ =	sdelay $0x3  }
0xa2: {  	v58 =	vld [tilespmem:s14+$0x15410]  }
0xa3: {  	[tilespmem:s14+$0x1A400] =	vst v0  }
0xa4: {  	v1 =	vld.idx.msk [tilespmem:v1+s2+$0x0], $0xffff;
	_ =	sdelay $0x3  }
0xa5: {  	v59 =	vld [tilespmem:s14+$0x17C10]  }
0xa6: {  	[tilespmem:s14+$0x1CC00] =	vst v1  }
0xa7: {  	v0 =	vld.idx.msk [tilespmem:v58+s2+$0x0], $0xffff;
	_ =	sdelay $0x3  }
0xa8: {  	v60 =	vld [tilespmem:s14+$0x15420]  }
0xa9: {  	[tilespmem:s14+$0x1A410] =	vst v0  }
0xaa: {  	v1 =	vld.idx.msk [tilespmem:v59+s2+$0x0], $0xffff;
	_ =	sdelay $0x3  }
0xab: {  	v61 =	vld [tilespmem:s14+$0x17C20]  }
0xac: {  	[tilespmem:s14+$0x1CC10] =	vst v1  }
0xad: {  	v0 =	vld.idx.msk [tilespmem:v60+s2+$0x0], $0xffff;
	_ =	sdelay $0x3  }
0xae: {  	v62 =	vld [tilespmem:s14+$0x15430]  }
0xaf: {  	[tilespmem:s14+$0x1A420] =	vst v0  }
0xb0: {  	v1 =	vld.idx.msk [tilespmem:v61+s2+$0x0], $0xffff;
	_ =	sdelay $0x3  }
0xb1: {  	v63 =	vld [tilespmem:s14+$0x17C30]  }
0xb2: {  	[tilespmem:s14+$0x1CC20] =	vst v1  }
0xb3: {  	v0 =	vld.idx.msk [tilespmem:v62+s2+$0x0], $0xffff;
	_ =	sdelay $0x4  }
0xb4: {  	[tilespmem:s14+$0x1A430] =	vst v0  }
0xb5: {  	v0 =	vld.idx.msk [tilespmem:v63+s2+$0x0], $0xffff  }
0xb6: {  	s15 =	smul.u32 $0x1400, s15  }
0xb7: {  	s0 =	sadd.s32 $0x1, s0  }
0xb8: {  	p0 =	sne.s32 s0, $0x7D;
	s8 =	sadd.s32 s4, s15  }
.Ltmp2:
0xb9: {  	s8 =	sshrl.u32 s8, $0x3;
	(pc) =	sbr.rel @p0 .LBB2_2-.Ltmp2, $4  }
0xba: {  	s9 =	sadd.s32 s6, s8;
	[tilespmem:s14+$0x1CC30] =	vst v0  }
0xbb: {  	[hbm4b:s9+s2] =	stream.linear.scatter [tilespmem:s25], [sflag:$0x7], $0x1400, $0x38;
	[tilespmem:$0x1E000] =	vst v63  }
0xbc: {  	s8 =	sadd.s32 s7, s8  }
0xbd: {  	[hbm4b:s8+s2] =	stream.linear.scatter [tilespmem:s26], [sflag:$0x9], $0x1400, $0x38;
	[tilespmem:$0x1E000] =	vst v63  }
0xbe: {  	_ =	swait.ge [sflag:s28], $0x1400  }
0xbf: {  	[sflag:s28] =	ssyncset.done $0x0  }
0xc0: {  	[sflag:s28] =	ssyncadd.s32 $0xFFFFEC00  }
0xc1: {  	_ =	swait.ge [sflag:s29], $0x1400  }
0xc2: {  	[sflag:s29] =	ssyncset.done $0x0  }
0xc3: {  	s1 =	sadd.s32 $0x1, s1;
	[sflag:s29] =	ssyncadd.s32 $0xFFFFEC00  }
0xc4: {  	p0 =	sne.s32 s1, s13;
	_ =	swait.ge [sflag:s30], $0x1400  }
.Ltmp3:
0xc5: {  	[sflag:s30] =	ssyncset.done $0x0;
	(pc) =	sbr.rel @p0 .LBB2_1-.Ltmp3, $4  }
0xc6: {  	[sflag:s30] =	ssyncadd.s32 $0xFFFFEC00  }
0xc7: {  	_ =	swait.ge [sflag:s31], $0x1400  }
0xc8: {  	[sflag:s31] =	ssyncset.done $0x0  }
0xc9: {  	[sflag:s31] =	ssyncadd.s32 $0xFFFFEC00  }
0xca: {  	_ =	sfence.sel $0x180000  }
0xcb: {  	[bflag:$0x0] =	sbarrier.arrive $0xFFFF  }
0xcc: {  	_ =	strace $0x90000059  }
0xcd: {  	s0 =	stileid.u32;
	[bflag:$0x2] =	sbarrier.arrive $0xFFFF  }
0xce: {  	p0 =	sne.s32 s0, $0x0;
	s0 =	rddreg [dreg:$0x1]  }
0xcf: {  	s0 =	sadd.s32 @!p0 $0x100000, s0  }
0xd0: {  	[sflag:s0] =	ssyncadd.tile.s32 @!p0 $0x1;
	_ =	shalt  }
.Lfunc_end2:
_tile_overlayer_lowered:
.L_overlay_start_2:
0xd1: {  	(tag) =	ssettag $0x2  }
0xd2: {  	s0 =	rddreg [dreg:$0x0];
	s2 =	stileid.u32  }
0xd3: {  	s1 =	rddreg [dreg:$0x1];
	p0 =	sne.s32 s2, $0x0  }
0xd4: {  	s3 =	rddreg [dreg:$0x2];
	[bflag:$0x3] =	sbarrier.arrive $0xFFFF;
	s2 =	simm.s32 @!p0 $0x1C0A  }
0xd5: {  	[timem:s3], [sflag:s2] =	dma.local @!p0 [hbm:s0], s1  }
0xd6: {  	s0 =	simm.s32 @!p0 $0xA  }
0xd7: {  	_ =	swait.ge @!p0 [sflag:s0], s1  }
0xd8: {  	s1 =	ssub.s32 @!p0 $0x0, s1;
	[sflag:s0] =	ssyncset.done @!p0 $0x0  }
0xd9: {  	[sflag:s0] =	ssyncadd.s32 @!p0 s1  }
0xda: {  	[bflag:$0x3] =	sbarrier.arrive $0xFFFF  }
0xdb: {  	_ =	shalt  }

// kernel: kernel.34.cloned.1.call-start
scs
__scs_entry_jumppad:
0x0: {  	(pc) =	sbr.rel $0x88, $3  }
0x1: {  	(tag) =	ssettag $0x0;
	lr =	simm.s32 $0x1  }
0x2: {  	[smem:$0x3F93] =	sst lr;
	_ =	strace $0xD0000000  }
0x3: {  	_ = 	snop  }
0x4: {  	_ = 	snop  }
0x5: {  	_ = 	snop  }
0x6: {  	_ = 	snop  }
0x7: {  	_ = 	snop  }
__scs_overlays_trampoline_lowered:
0x8: {  	[smem:$0x3FA2] =	sst s0  }
0x9: {  	[smem:$0x3FA3] =	sst s1  }
0xa: {  	[smem:$0x3FA4] =	sst s2  }
0xb: {  	[smem:$0x3FA5] =	sst s3  }
0xc: {  	[smem:$0x3FA6] =	sst s4  }
0xd: {  	[smem:$0x3FA7] =	sst s5  }
0xe: {  	[smem:$0x3FA8] =	sst s6  }
0xf: {  	[smem:$0x3FA9] =	sst s7  }
0x10: {  	[smem:$0x3FAA] =	sst s8  }
0x11: {  	[smem:$0x3FAB] =	sst s9;
	s0 =	simm.s32 @!p0 $0x0  }
0x12: {  	s1 =	sld [smem:$0x3F91];
	s0 =	simm.s32 @p0 $0x1  }
0x13: {  	[smem:$0x3FAC] =	sst s0;
	s0 =	simm.s32 @!p1 $0x0  }
0x14: {  	s2 =	sld [smem:$0x3F90];
	s0 =	simm.s32 @p1 $0x1  }
0x15: {  	[smem:$0x3FAD] =	sst s0;
	s0 =	simm.s32 @!p2 $0x0  }
0x16: {  	s3 =	sld [smem:$0x3FDB];
	s0 =	simm.s32 @p2 $0x1  }
0x17: {  	s4 =	simm.s32 $0x1BF5;
	[smem:$0x3FAF] =	sst s0  }
0x18: {  	s0 =	sld [smem:$0x3F92];
	_ =	swait.ge [sflag:s4], $0x0  }
0x19: {  	s7 =	sld [smem:$0x3F93]  }
0x1a: {  	s8 =	sadd.s32 $0xFFFFE003, lr  }
0x1b: {  	s9 =	sadd.s32 $0xFFFFFEF7, lr;
	s5 =	simm.s32 $0xFFFFFFFF;
	p2 =	slt.u32 s8, $0xFFFFF086  }
0x1c: {  	p1 =	slt.u32 s9, $0xF7A;
	s5 =	simm.s32 @!p2 $0x0  }
0x1d: {  	s5 =	simm.s32 @p1 $0x1;
	p0 =	seq.s32 s7, s2  }
0x1e: {  	s7 =	smul.u32 @!p0 $0xF7A, s2;
	p2 =	seq.s32 @!p0 s5, $0x0  }
0x1f: {  	s9 =	smul.u32 $0xF7A, s1;
	s8 =	simm.s32 @!p0 $0x1BF5;
	p2 =	por !p2, p0  }
0x20: {  	[sflag:s8] =	ssyncset.s32 @!p0 $0xFFFFF086;
	s6 =	sadd.s32 @!p0 s3, s7;
	s7 =	simm.s32 @!p0 $0x108  }
0x21: {  	s3 =	sadd.s32 s3, s9;
	s6 =	sadd.s32 @!p0 $0x88, s6;
	s7 =	simm.s32 @p2 $0x1082  }
0x22: {  	[simem:s7], [sflag:s8] =	dma.local @!p0 [hbm:s6], $0xF7A  }
0x23: {  	s9 =	sor.u32 $0xD0000000, s2;
	s6 =	simm.s32 $0x108;
	_ =	swait.ge @!p0 [sflag:s8], $0x0  }
0x24: {  	s3 =	sadd.s32 $0x88, s3;
	s6 =	simm.s32 @!p1 $0x1082;
	[sflag:s4] =	ssyncset.s32 $0xFFFFF086  }
0x25: {  	[simem:s6], [sflag:s4] =	dma.local [hbm:s3], $0xF7A  }
0x26: {  	[smem:$0x3F93] =	sst s1;
	(tag) =	ssettag s2;
	_ =	strace s9  }
0x27: {  	s1 =	sld [smem:$0x3FA3]  }
0x28: {  	s2 =	sld [smem:$0x3FA4]  }
0x29: {  	s4 =	sld [smem:$0x3FA6]  }
0x2a: {  	p0 =	seq.s32 s5, $0x0;
	s5 =	sld [smem:$0x3FA7]  }
0x2b: {  	s6 =	sld [smem:$0x3FA8]  }
0x2c: {  	s7 =	sld [smem:$0x3FA9]  }
0x2d: {  	s3 =	simm.s32 $0x108;
	s8 =	sld [smem:$0x3FAA]  }
0x2e: {  	s3 =	simm.s32 @!p0 $0x1082;
	s9 =	sld [smem:$0x3FAB]  }
0x2f: {  	lr =	sadd.s32 s0, s3;
	s0 =	sld [smem:$0x3FA2]  }
0x30: {  	s3 =	sld [smem:$0x3FA5]  }
0x31: {  	[smem:$0x3FAE] =	sst s10  }
0x32: {  	s10 =	sld [smem:$0x3FAC];
	_ =	sdelay $0x3  }
0x33: {  	p0 =	seq.s32 s10, $0x1;
	s10 =	sld [smem:$0x3FAE];
	_ =	sdelay $0x3  }
0x34: {  	[smem:$0x3FAE] =	sst s10  }
0x35: {  	s10 =	sld [smem:$0x3FAD];
	_ =	sdelay $0x3  }
0x36: {  	p1 =	seq.s32 s10, $0x1;
	s10 =	sld [smem:$0x3FAE];
	_ =	sdelay $0x3  }
0x37: {  	[smem:$0x3FAE] =	sst s10  }
0x38: {  	s10 =	sld [smem:$0x3FAF]  }
0x39: {  	_ = 	snop;
	(pc) =	sbr.ind lr, $3  }
0x3a: {  	_ = 	snop  }
0x3b: {  	_ = 	snop  }
0x3c: {  	p2 =	seq.s32 s10, $0x1;
	s10 =	sld [smem:$0x3FAE]  }
0x3d: {  	_ =	shalt  }
0x3e: {  	_ =	shalt  }
0x3f: {  	_ =	shalt  }
0x40: {  	_ =	shalt  }
0x41: {  	_ =	shalt  }
0x42: {  	_ =	shalt  }
0x43: {  	_ =	shalt  }
0x44: {  	_ =	shalt  }
0x45: {  	_ =	shalt  }
0x46: {  	_ =	shalt  }
0x47: {  	_ =	shalt  }
0x48: {  	_ =	shalt  }
0x49: {  	_ =	shalt  }
0x4a: {  	_ =	shalt  }
0x4b: {  	_ =	shalt  }
0x4c: {  	_ =	shalt  }
0x4d: {  	_ =	shalt  }
0x4e: {  	_ =	shalt  }
0x4f: {  	_ =	shalt  }
0x50: {  	_ =	shalt  }
0x51: {  	_ =	shalt  }
0x52: {  	_ =	shalt  }
0x53: {  	_ =	shalt  }
0x54: {  	_ =	shalt  }
0x55: {  	_ =	shalt  }
0x56: {  	_ =	shalt  }
0x57: {  	_ =	shalt  }
0x58: {  	_ =	shalt  }
0x59: {  	_ =	shalt  }
0x5a: {  	_ =	shalt  }
0x5b: {  	_ =	shalt  }
0x5c: {  	_ =	shalt  }
0x5d: {  	_ =	shalt  }
0x5e: {  	_ =	shalt  }
0x5f: {  	_ =	shalt  }
0x60: {  	_ =	shalt  }
0x61: {  	_ =	shalt  }
0x62: {  	_ =	shalt  }
0x63: {  	_ =	shalt  }
0x64: {  	_ =	shalt  }
0x65: {  	_ =	shalt  }
0x66: {  	_ =	shalt  }
0x67: {  	_ =	shalt  }
0x68: {  	_ =	shalt  }
0x69: {  	_ =	shalt  }
0x6a: {  	_ =	shalt  }
0x6b: {  	_ =	shalt  }
0x6c: {  	_ =	shalt  }
0x6d: {  	_ =	shalt  }
0x6e: {  	_ =	shalt  }
0x6f: {  	_ =	shalt  }
0x70: {  	_ =	shalt  }
0x71: {  	_ =	shalt  }
0x72: {  	_ =	shalt  }
0x73: {  	_ =	shalt  }
0x74: {  	_ =	shalt  }
0x75: {  	_ =	shalt  }
0x76: {  	_ =	shalt  }
0x77: {  	_ =	shalt  }
0x78: {  	_ =	shalt  }
0x79: {  	_ =	shalt  }
0x7a: {  	_ =	shalt  }
0x7b: {  	_ =	shalt  }
0x7c: {  	_ =	shalt  }
0x7d: {  	_ =	shalt  }
0x7e: {  	_ =	shalt  }
0x7f: {  	_ =	shalt  }
0x80: {  	_ =	shalt  }
0x81: {  	_ =	shalt  }
0x82: {  	_ =	shalt  }
0x83: {  	_ =	shalt  }
0x84: {  	_ =	shalt  }
0x85: {  	_ =	shalt  }
0x86: {  	_ =	shalt  }
0x87: {  	_ =	shalt  }
.Lfunc_end0:
.L_simem_size_0:
called_computation.7_lowered:
.L_overlay_start_0:
0x88: {  	s2 =	sld [smem:$0x3FD9]  }
0x89: {  	s3 =	sld [smem:$0x3FFE];
	_ =	sdelay $0x1  }
0x8a: {  	s1 =	srdreg.scid  }
0x8b: {  	s0 =	sand.u32 $0x1, s1  }
0x8c: {  	s16 =	sshll.u32 s0, $0xA;
	s2 =	sadd.s32 s3, s2  }
0x8d: {  	s2 =	sadd.s32 s2, s16  }
0x8e: {  	[smem:$0x3FBA] =	sst s2  }
0x8f: {  	_ = 	snop  }
0x90: {  	(tm) =	ssettm $0x1  }
0x91: {  	s17 =	sld [smem:$0x3FFB];
	_ =	sdelay $0x3  }
0x92: {  	_ =	strace s17  }
0x93: {  	s2 =	sld [smem:$0x3FFC];
	_ =	sdelay $0x3  }
0x94: {  	_ =	strace s2  }
0x95: {  	s2 =	sld [smem:$0x3FFD];
	_ =	sdelay $0x3  }
0x96: {  	_ =	strace s2  }
0x97: {  	_ =	strace $0x8FFFFFFF  }
0x98: {  	s18 =	sld [smem:$0x3FDB];
	_ =	sdelay $0x1  }
0x99: {  	s19 =	simm.s32 $_scs_section_size  }
0x9a: {  	s4 =	simm.s32 $_size__tile_overlayer_lowered;
	s5 =	simm.s32 $_tile_overlayer_lowered  }
0x9b: {  	s22 =	simm.s32 $0x1BFF;
	s21 =	sshll.u32 s5, $0x1;
	s2 =	sadd.s32 s19, s18  }
0x9c: {  	s6 =	simm.s32 $0x0;
	s20 =	sshll.u32 s4, $0x1;
	s4 =	sadd.s32 s21, s2  }
0x9d: {  	[timem:s6], [sflag:s22] =	dma.local [hbm:s4], s20  }
0x9e: {  	_ =	swait.ge [sflag:s22], s20  }
0x9f: {  	s3 =	ssub.s32 $0x0, s20;
	[sflag:s22] =	ssyncset.done $0x0  }
0xa0: {  	[sflag:s22] =	ssyncadd.s32 s3;
	_ =	sdelay $0x1  }
0xa1: {  	s23 =	simm.s32 $0x1B8B  }
0xa2: {  	_ =	swait.ge [sflag:s23], $0x1  }
0xa3: {  	[sflag:s23] =	ssyncset.done $0x0  }
0xa4: {  	s25 =	simm.s32 $0x1B8E;
	s24 =	sld [smem:$0x3FFE];
	[sflag:s23] =	ssyncadd.s32 $0xFFFFFFFF  }
0xa5: {  	s26 =	simm.s32 $execute0_lowered;
	[smem:$0x3FD2] =	sst s25  }
0xa6: {  	s4 =	sshll.u32 s26, $0x1;
	_ =	strace $0x8000005B;
	[dreg:$0x1] =	wrdreg $0xFFFFFFFF  }
0xa7: {  	s28 =	simm.s32 $_size_execute0_lowered;
	s2 =	sadd.s32 s2, s4;
	[dreg:$0x0] =	wrdreg $0x0  }
0xa8: {  	s4 =	sshll.u32 s28, $0x1;
	[dreg:$0x2] =	wrdreg s2  }
0xa9: {  	[dreg:$0x3] =	wrdreg s4  }
0xaa: {  	[dreg:$0x4] =	wrdreg $0xC0  }
0xab: {  	_ =	task [dreg:s6], $0x5FFFF  }
0xac: {  	[dreg:$0x1] =	wrdreg $0xFFFFFFFF  }
0xad: {  	[dreg:$0x0] =	wrdreg $0x60  }
0xae: {  	[dreg:$0x2] =	wrdreg s24  }
0xaf: {  	[dreg:$0x3] =	wrdreg $0x9  }
0xb0: {  	_ =	task.clear_ibuf [dreg:s6], $0x4FFFF;
	_ =	strace $0x9000005B  }
0xb1: {  	s29 =	simm.s32 $0x9;
	_ =	strace $0x8000005D  }
0xb2: {  	_ =	swait.ge [sflag:s29], $0x1  }
0xb3: {  	[sflag:s29] =	ssyncadd.s32 $0xFFFFFFFF  }
0xb4: {  	_ =	strace $0x9000005D  }
0xb5: {  	_ =	sfence  }
0xb6: {  	s30 =	sld [smem:$0x0];
	_ =	sdelay $0x2  }
0xb7: {  	s31 =	sshll.u32 s1, $0xD;
	s1 =	sshrl.u32 s1, $0x2  }
0xb8: {  	s3 =	sand.u32 $0x4000, s31;
	s1 =	sadd.s32 s1, s30  }
0xb9: {  	s0 =	sor.u32 s3, s0;
	s1 =	sshll.u32 s1, $0x11  }
0xba: {  	s0 =	sor.u32 s1, s0  }
0xbb: {  	s0 =	sadd.s32 $0x8F2B, s0  }
0xbc: {  	[sflag:s0] =	ssyncadd.remote.s32 $0x1  }
0xbd: {  	_ =	sfence.sel $0xFFFF  }
0xbe: {  	[dreg:$0x0] =	wrdreg $0xFFFFFFFF;
	(pc) =	sbr.abs _section_cstart, $3  }
0xbf: {  	[dreg:$0x1] =	wrdreg $0xFFFFFFFF  }
0xc0: {  	_ =	task.clear_ibuf [dreg:s6], $0x2FFFF;
	_ =	strace $0x9FFFFFFF  }
0xc1: {  	(tm) =	ssettm $0x7FFFFFFF  }
tec
execute0_lowered:
.L_overlay_start_1:
0x0: {  	(tag) =	ssettag $0x1  }
0x1: {  	s5 =	rddreg [dreg:$0x0]  }
0x2: {  	s0 =	rddreg [dreg:$0x1]  }
0x3: {  	s3 =	srdreg.scid;
	s1 =	stileid.u32;
	s2 =	simm.s32 $0x0  }
0x4: {  	s13 =	simm.s32 $0x1;
	s14 =	simm.s32 $0x3;
	s15 =	simm.s32 $0x15400  }
0x5: {  	s16 =	simm.s32 $0x17C00;
	s17 =	simm.s32 $0x2;
	s18 =	simm.s32 $0x4  }
0x6: {  	s19 =	simm.s32 $0x5;
	s4 =	sand.u32 $0x1, s3;
	s31 =	sshll.u32 s1, $0x1  }
0x7: {  	s20 =	simm.s32 $0x0;
	[smem:$0x7FF] =	sst s2;
	s6 =	sor.u32 s4, s31  }
0x8: {  	s3 =	sadd.s32 $0xEBB400, s5;
	s7 =	ssub.s32 $0x2, s4;
	s8 =	smul.u32 $0x138800, s6  }
0x9: {  	_ =	strace $0x8000005C;
	s6 =	smul.u32 $0x2800, s6;
	s9 =	sshrl.u32 s7, $0x1  }
0xa: {  	s4 =	sadd.s32 $0x4EB400, s5;
	s12 =	ssub.s32 s7, s9;
	s10 =	sshrl.u32 s8, $0x3  }
0xb: {  	s11 =	sadd.s32 s6, s5;
	s7 =	sadd.s32 $0x1400, s8;
	s8 =	sadd.s32 $0x2800, s8  }
0xc: {  	s5 =	sadd.s32 s4, s10;
	s6 =	sadd.s32 s3, s10;
	s9 =	sadd.s32 $0x139D400, s11  }
0xd: {  	v0 =	vimm.f32 $0.0e+00;
	s10 =	smax.u32 s12, $0x1;
	s11 =	simm.s32 $0x14000;
	s12 =	simm.s32 $0x16800  }
.LBB2_1:
0xe: {  	[tilespmem:s11], [sflag:$0x1] =	stream.linear.gather [hbm4b:s5+s2], $0x1400, $0x38;
	[tilespmem:$0x19000] =	vst v63  }
0xf: {  	s21 =	simm.s32 $0x40;
	s22 =	simm.s32 $0x0  }
0x10: {  	[tilespmem:s12], [sflag:$0x3] =	stream.linear.gather [hbm4b:s6+s2], $0x1400, $0x38;
	[tilespmem:$0x19000] =	vst v63  }
.LBB2_2:
0x11: {  	p0 =	sne.s32 s21, $0x4FFC0;
	[tilespmem:s22+$0x0] =	vst v0;
	s22 =	smov.u32 s21;
	s21 =	sadd.s32 $0x40, s21  }
.Ltmp0:
0x12: {  	(pc) =	sbr.rel @p0 .LBB2_2-.Ltmp0, $2  }
0x13: {  	_ =	sdelay $0x2  }
0x14: {  	s22 =	sshra.s32 s22, $0x2  }
0x15: {  	[tilespmem:s22+$0x0] =	vst v0;
	s21 =	simm.s32 $0x0;
	s22 =	simm.s32 $0x0  }
.LBB2_4:
0x16: {  	_ =	swait.ge [sflag:s13], $0x1400  }
0x17: {  	s23 =	smul.u32 $0x2800, s22;
	[sflag:s13] =	ssyncset.done $0x0  }
0x18: {  	[sflag:s13] =	ssyncadd.s32 $0xFFFFEC00  }
0x19: {  	s24 =	sadd.s32 s23, s7;
	_ =	swait.ge [sflag:s14], $0x1400  }
0x1a: {  	s24 =	sshrl.u32 s24, $0x3;
	[sflag:s14] =	ssyncset.done $0x0  }
0x1b: {  	s25 =	sadd.s32 s4, s24;
	[sflag:s14] =	ssyncadd.s32 $0xFFFFEC00  }
0x1c: {  	[tilespmem:s15], [sflag:$0x2] =	stream.linear.gather [hbm4b:s25+s21], $0x1400, $0x38;
	[tilespmem:$0x19000] =	vst v63  }
0x1d: {  	s24 =	sadd.s32 s3, s24  }
0x1e: {  	[tilespmem:s16], [sflag:$0x4] =	stream.linear.gather [hbm4b:s24+s21], $0x1400, $0x38;
	[tilespmem:$0x19000] =	vst v63  }
0x1f: {  	s24 =	simm.s32 $0x0  }
.LBB2_5:
0x20: {  	s25 =	sshra.s32 s24, $0x2  }
0x21: {  	v1 =	vld [tilespmem:s25+$0x14000];
	_ =	sdelay $0x2  }
0x22: {  	v2 =	vld [tilespmem:s25+$0x16800];
	_ =	sdelay $0x4  }
0x23: {  	[tilespmem:v1+s2+$0x0] =	vst.idx.add.f32.msk $0xffff, v2  }
0x24: {  	v1 =	vld [tilespmem:s25+$0x14010];
	_ =	sdelay $0x2  }
0x25: {  	v2 =	vld [tilespmem:s25+$0x16810];
	_ =	sdelay $0x4  }
0x26: {  	[tilespmem:v1+s2+$0x0] =	vst.idx.add.f32.msk $0xffff, v2  }
0x27: {  	v1 =	vld [tilespmem:s25+$0x14020];
	_ =	sdelay $0x2  }
0x28: {  	v2 =	vld [tilespmem:s25+$0x16820];
	_ =	sdelay $0x4  }
0x29: {  	[tilespmem:v1+s2+$0x0] =	vst.idx.add.f32.msk $0xffff, v2  }
0x2a: {  	v1 =	vld [tilespmem:s25+$0x14030];
	_ =	sdelay $0x2  }
0x2b: {  	p0 =	sne.s32 s24, $0x4F00;
	v2 =	vld [tilespmem:s25+$0x16830]  }
.Ltmp1:
0x2c: {  	_ = 	snop;
	(pc) =	sbr.rel @p0 .LBB2_5-.Ltmp1, $2  }
0x2d: {  	_ =	sdelay $0x2  }
0x2e: {  	s24 =	sadd.s32 $0x100, s24;
	[tilespmem:v1+s2+$0x0] =	vst.idx.add.f32.msk $0xffff, v2  }
0x2f: {  	_ =	swait.ge [sflag:s17], $0x1400  }
0x30: {  	[sflag:s17] =	ssyncset.done $0x0  }
0x31: {  	p0 =	sgt.u32 s22, $0x7B;
	[sflag:s17] =	ssyncadd.s32 $0xFFFFEC00  }
0x32: {  	s23 =	sadd.s32 @!p0 s23, s8;
	_ =	swait.ge [sflag:s18], $0x1400  }
0x33: {  	s25 =	simm.s32 @!p0 $0x0;
	s23 =	sshrl.u32 @!p0 s23, $0x3;
	[sflag:s18] =	ssyncset.done $0x0  }
0x34: {  	s26 =	simm.s32 @!p0 $0x14000;
	s24 =	sadd.s32 @!p0 s4, s23;
	[sflag:s18] =	ssyncadd.s32 $0xFFFFEC00  }
0x35: {  	[tilespmem:s26], [sflag:$0x1] =	stream.linear.gather @!p0 [hbm4b:s24+s25], $0x1400, $0x38;
	[tilespmem:$0x19000] =	vst v63  }
0x36: {  	s23 =	sadd.s32 @!p0 s3, s23;
	s24 =	simm.s32 @!p0 $0x16800  }
0x37: {  	[tilespmem:s24], [sflag:$0x3] =	stream.linear.gather @!p0 [hbm4b:s23+s25], $0x1400, $0x38;
	[tilespmem:$0x19000] =	vst v63  }
0x38: {  	s23 =	simm.s32 $0x0  }
.LBB2_7:
0x39: {  	s24 =	sshra.s32 s23, $0x2  }
0x3a: {  	v1 =	vld [tilespmem:s24+$0x15400];
	_ =	sdelay $0x2  }
0x3b: {  	v2 =	vld [tilespmem:s24+$0x17C00];
	_ =	sdelay $0x4  }
0x3c: {  	[tilespmem:v1+s2+$0x0] =	vst.idx.add.f32.msk $0xffff, v2  }
0x3d: {  	v1 =	vld [tilespmem:s24+$0x15410];
	_ =	sdelay $0x2  }
0x3e: {  	v2 =	vld [tilespmem:s24+$0x17C10];
	_ =	sdelay $0x4  }
0x3f: {  	[tilespmem:v1+s2+$0x0] =	vst.idx.add.f32.msk $0xffff, v2  }
0x40: {  	v1 =	vld [tilespmem:s24+$0x15420];
	_ =	sdelay $0x2  }
0x41: {  	v2 =	vld [tilespmem:s24+$0x17C20];
	_ =	sdelay $0x4  }
0x42: {  	[tilespmem:v1+s2+$0x0] =	vst.idx.add.f32.msk $0xffff, v2  }
0x43: {  	v1 =	vld [tilespmem:s24+$0x15430];
	_ =	sdelay $0x2  }
0x44: {  	p0 =	sne.s32 s23, $0x4F00;
	v2 =	vld [tilespmem:s24+$0x17C30]  }
.Ltmp2:
0x45: {  	_ = 	snop;
	(pc) =	sbr.rel @p0 .LBB2_7-.Ltmp2, $2  }
0x46: {  	_ =	sdelay $0x2  }
0x47: {  	s23 =	sadd.s32 $0x100, s23;
	[tilespmem:v1+s2+$0x0] =	vst.idx.add.f32.msk $0xffff, v2  }
0x48: {  	s22 =	sadd.s32 $0x1, s22  }
0x49: {  	p0 =	sne.s32 s22, $0x7D  }
.Ltmp3:
0x4a: {  	_ = 	snop;
	(pc) =	sbr.rel @p0 .LBB2_4-.Ltmp3, $1  }
0x4b: {  	_ =	sdelay $0x3  }
0x4c: {  	s20 =	sadd.s32 $0x1, s20  }
0x4d: {  	p0 =	sne.s32 s20, s10  }
.Ltmp4:
0x4e: {  	_ = 	snop;
	(pc) =	sbr.rel @p0 .LBB2_1-.Ltmp4, $4  }
0x4f: {  	[hbm4b:s9+s2] =	stream.linear.scatter [tilespmem:s2], [sflag:$0x5], $0x14000, $0x38;
	[tilespmem:$0x19000] =	vst v63  }
0x50: {  	_ =	swait.ge [sflag:s19], $0x14000  }
0x51: {  	[sflag:s19] =	ssyncset.done $0x0  }
0x52: {  	[sflag:s19] =	ssyncadd.s32 $0xFFFEC000  }
0x53: {  	_ =	sfence.sel $0x180000  }
0x54: {  	[bflag:$0x0] =	sbarrier.arrive $0xFFFF  }
0x55: {  	p0 =	sne.s32 s1, $0x0;
	_ =	strace $0x9000005C  }
0x56: {  	s0 =	sadd.s32 @!p0 $0x100000, s0;
	[bflag:$0x2] =	sbarrier.arrive $0xFFFF  }
0x57: {  	[sflag:s0] =	ssyncadd.tile.s32 @!p0 $0x1;
	_ =	shalt  }
.Lfunc_end2:
_tile_overlayer_lowered:
.L_overlay_start_2:
0x58: {  	(tag) =	ssettag $0x2  }
0x59: {  	s0 =	rddreg [dreg:$0x0];
	s2 =	stileid.u32  }
0x5a: {  	s1 =	rddreg [dreg:$0x1];
	p0 =	sne.s32 s2, $0x0  }
0x5b: {  	s3 =	rddreg [dreg:$0x2];
	[bflag:$0x3] =	sbarrier.arrive $0xFFFF;
	s2 =	simm.s32 @!p0 $0x1C05  }
0x5c: {  	[timem:s3], [sflag:s2] =	dma.local @!p0 [hbm:s0], s1  }
0x5d: {  	s0 =	simm.s32 @!p0 $0x5  }
0x5e: {  	_ =	swait.ge @!p0 [sflag:s0], s1  }
0x5f: {  	s1 =	ssub.s32 @!p0 $0x0, s1;
	[sflag:s0] =	ssyncset.done @!p0 $0x0  }
0x60: {  	[sflag:s0] =	ssyncadd.s32 @!p0 s1  }
0x61: {  	[bflag:$0x3] =	sbarrier.arrive $0xFFFF  }
0x62: {  	_ =	shalt  }

// kernel: kernel.37.cloned.1.call-start
scs
__scs_entry_jumppad:
0x0: {  	(pc) =	sbr.rel $0x88, $3  }
0x1: {  	(tag) =	ssettag $0x0;
	lr =	simm.s32 $0x1  }
0x2: {  	[smem:$0x3F93] =	sst lr;
	_ =	strace $0xD0000000  }
0x3: {  	_ = 	snop  }
0x4: {  	_ = 	snop  }
0x5: {  	_ = 	snop  }
0x6: {  	_ = 	snop  }
0x7: {  	_ = 	snop  }
__scs_overlays_trampoline_lowered:
0x8: {  	[smem:$0x3FA2] =	sst s0  }
0x9: {  	[smem:$0x3FA3] =	sst s1  }
0xa: {  	[smem:$0x3FA4] =	sst s2  }
0xb: {  	[smem:$0x3FA5] =	sst s3  }
0xc: {  	[smem:$0x3FA6] =	sst s4  }
0xd: {  	[smem:$0x3FA7] =	sst s5  }
0xe: {  	[smem:$0x3FA8] =	sst s6  }
0xf: {  	[smem:$0x3FA9] =	sst s7  }
0x10: {  	[smem:$0x3FAA] =	sst s8  }
0x11: {  	[smem:$0x3FAB] =	sst s9;
	s0 =	simm.s32 @!p0 $0x0  }
0x12: {  	s1 =	sld [smem:$0x3F91];
	s0 =	simm.s32 @p0 $0x1  }
0x13: {  	[smem:$0x3FAC] =	sst s0;
	s0 =	simm.s32 @!p1 $0x0  }
0x14: {  	s2 =	sld [smem:$0x3F90];
	s0 =	simm.s32 @p1 $0x1  }
0x15: {  	[smem:$0x3FAD] =	sst s0;
	s0 =	simm.s32 @!p2 $0x0  }
0x16: {  	s3 =	sld [smem:$0x3FDB];
	s0 =	simm.s32 @p2 $0x1  }
0x17: {  	s4 =	simm.s32 $0x1BF5;
	[smem:$0x3FAF] =	sst s0  }
0x18: {  	s0 =	sld [smem:$0x3F92];
	_ =	swait.ge [sflag:s4], $0x0  }
0x19: {  	s7 =	sld [smem:$0x3F93]  }
0x1a: {  	s8 =	sadd.s32 $0xFFFFE003, lr  }
0x1b: {  	s9 =	sadd.s32 $0xFFFFFEF7, lr;
	s5 =	simm.s32 $0xFFFFFFFF;
	p2 =	slt.u32 s8, $0xFFFFF086  }
0x1c: {  	p1 =	slt.u32 s9, $0xF7A;
	s5 =	simm.s32 @!p2 $0x0  }
0x1d: {  	s5 =	simm.s32 @p1 $0x1;
	p0 =	seq.s32 s7, s2  }
0x1e: {  	s7 =	smul.u32 @!p0 $0xF7A, s2;
	p2 =	seq.s32 @!p0 s5, $0x0  }
0x1f: {  	s9 =	smul.u32 $0xF7A, s1;
	s8 =	simm.s32 @!p0 $0x1BF5;
	p2 =	por !p2, p0  }
0x20: {  	[sflag:s8] =	ssyncset.s32 @!p0 $0xFFFFF086;
	s6 =	sadd.s32 @!p0 s3, s7;
	s7 =	simm.s32 @!p0 $0x108  }
0x21: {  	s3 =	sadd.s32 s3, s9;
	s6 =	sadd.s32 @!p0 $0x88, s6;
	s7 =	simm.s32 @p2 $0x1082  }
0x22: {  	[simem:s7], [sflag:s8] =	dma.local @!p0 [hbm:s6], $0xF7A  }
0x23: {  	s9 =	sor.u32 $0xD0000000, s2;
	s6 =	simm.s32 $0x108;
	_ =	swait.ge @!p0 [sflag:s8], $0x0  }
0x24: {  	s3 =	sadd.s32 $0x88, s3;
	s6 =	simm.s32 @!p1 $0x1082;
	[sflag:s4] =	ssyncset.s32 $0xFFFFF086  }
0x25: {  	[simem:s6], [sflag:s4] =	dma.local [hbm:s3], $0xF7A  }
0x26: {  	[smem:$0x3F93] =	sst s1;
	(tag) =	ssettag s2;
	_ =	strace s9  }
0x27: {  	s1 =	sld [smem:$0x3FA3]  }
0x28: {  	s2 =	sld [smem:$0x3FA4]  }
0x29: {  	s4 =	sld [smem:$0x3FA6]  }
0x2a: {  	p0 =	seq.s32 s5, $0x0;
	s5 =	sld [smem:$0x3FA7]  }
0x2b: {  	s6 =	sld [smem:$0x3FA8]  }
0x2c: {  	s7 =	sld [smem:$0x3FA9]  }
0x2d: {  	s3 =	simm.s32 $0x108;
	s8 =	sld [smem:$0x3FAA]  }
0x2e: {  	s3 =	simm.s32 @!p0 $0x1082;
	s9 =	sld [smem:$0x3FAB]  }
0x2f: {  	lr =	sadd.s32 s0, s3;
	s0 =	sld [smem:$0x3FA2]  }
0x30: {  	s3 =	sld [smem:$0x3FA5]  }
0x31: {  	[smem:$0x3FAE] =	sst s10  }
0x32: {  	s10 =	sld [smem:$0x3FAC];
	_ =	sdelay $0x3  }
0x33: {  	p0 =	seq.s32 s10, $0x1;
	s10 =	sld [smem:$0x3FAE];
	_ =	sdelay $0x3  }
0x34: {  	[smem:$0x3FAE] =	sst s10  }
0x35: {  	s10 =	sld [smem:$0x3FAD];
	_ =	sdelay $0x3  }
0x36: {  	p1 =	seq.s32 s10, $0x1;
	s10 =	sld [smem:$0x3FAE];
	_ =	sdelay $0x3  }
0x37: {  	[smem:$0x3FAE] =	sst s10  }
0x38: {  	s10 =	sld [smem:$0x3FAF]  }
0x39: {  	_ = 	snop;
	(pc) =	sbr.ind lr, $3  }
0x3a: {  	_ = 	snop  }
0x3b: {  	_ = 	snop  }
0x3c: {  	p2 =	seq.s32 s10, $0x1;
	s10 =	sld [smem:$0x3FAE]  }
0x3d: {  	_ =	shalt  }
0x3e: {  	_ =	shalt  }
0x3f: {  	_ =	shalt  }
0x40: {  	_ =	shalt  }
0x41: {  	_ =	shalt  }
0x42: {  	_ =	shalt  }
0x43: {  	_ =	shalt  }
0x44: {  	_ =	shalt  }
0x45: {  	_ =	shalt  }
0x46: {  	_ =	shalt  }
0x47: {  	_ =	shalt  }
0x48: {  	_ =	shalt  }
0x49: {  	_ =	shalt  }
0x4a: {  	_ =	shalt  }
0x4b: {  	_ =	shalt  }
0x4c: {  	_ =	shalt  }
0x4d: {  	_ =	shalt  }
0x4e: {  	_ =	shalt  }
0x4f: {  	_ =	shalt  }
0x50: {  	_ =	shalt  }
0x51: {  	_ =	shalt  }
0x52: {  	_ =	shalt  }
0x53: {  	_ =	shalt  }
0x54: {  	_ =	shalt  }
0x55: {  	_ =	shalt  }
0x56: {  	_ =	shalt  }
0x57: {  	_ =	shalt  }
0x58: {  	_ =	shalt  }
0x59: {  	_ =	shalt  }
0x5a: {  	_ =	shalt  }
0x5b: {  	_ =	shalt  }
0x5c: {  	_ =	shalt  }
0x5d: {  	_ =	shalt  }
0x5e: {  	_ =	shalt  }
0x5f: {  	_ =	shalt  }
0x60: {  	_ =	shalt  }
0x61: {  	_ =	shalt  }
0x62: {  	_ =	shalt  }
0x63: {  	_ =	shalt  }
0x64: {  	_ =	shalt  }
0x65: {  	_ =	shalt  }
0x66: {  	_ =	shalt  }
0x67: {  	_ =	shalt  }
0x68: {  	_ =	shalt  }
0x69: {  	_ =	shalt  }
0x6a: {  	_ =	shalt  }
0x6b: {  	_ =	shalt  }
0x6c: {  	_ =	shalt  }
0x6d: {  	_ =	shalt  }
0x6e: {  	_ =	shalt  }
0x6f: {  	_ =	shalt  }
0x70: {  	_ =	shalt  }
0x71: {  	_ =	shalt  }
0x72: {  	_ =	shalt  }
0x73: {  	_ =	shalt  }
0x74: {  	_ =	shalt  }
0x75: {  	_ =	shalt  }
0x76: {  	_ =	shalt  }
0x77: {  	_ =	shalt  }
0x78: {  	_ =	shalt  }
0x79: {  	_ =	shalt  }
0x7a: {  	_ =	shalt  }
0x7b: {  	_ =	shalt  }
0x7c: {  	_ =	shalt  }
0x7d: {  	_ =	shalt  }
0x7e: {  	_ =	shalt  }
0x7f: {  	_ =	shalt  }
0x80: {  	_ =	shalt  }
0x81: {  	_ =	shalt  }
0x82: {  	_ =	shalt  }
0x83: {  	_ =	shalt  }
0x84: {  	_ =	shalt  }
0x85: {  	_ =	shalt  }
0x86: {  	_ =	shalt  }
0x87: {  	_ =	shalt  }
.Lfunc_end0:
.L_simem_size_0:
called_computation.8_lowered:
.L_overlay_start_0:
0x88: {  	s2 =	sld [smem:$0x3FD9]  }
0x89: {  	s3 =	sld [smem:$0x3FFE];
	_ =	sdelay $0x1  }
0x8a: {  	s1 =	srdreg.scid  }
0x8b: {  	s0 =	sand.u32 $0x1, s1  }
0x8c: {  	s16 =	sshll.u32 s0, $0xA;
	s2 =	sadd.s32 s3, s2  }
0x8d: {  	s2 =	sadd.s32 s2, s16  }
0x8e: {  	[smem:$0x3FBA] =	sst s2  }
0x8f: {  	_ = 	snop  }
0x90: {  	(tm) =	ssettm $0x1  }
0x91: {  	s17 =	sld [smem:$0x3FFB];
	_ =	sdelay $0x3  }
0x92: {  	_ =	strace s17  }
0x93: {  	s2 =	sld [smem:$0x3FFC];
	_ =	sdelay $0x3  }
0x94: {  	_ =	strace s2  }
0x95: {  	s2 =	sld [smem:$0x3FFD];
	_ =	sdelay $0x3  }
0x96: {  	_ =	strace s2  }
0x97: {  	_ =	strace $0x8FFFFFFF  }
0x98: {  	s18 =	sld [smem:$0x3FDB];
	_ =	sdelay $0x1  }
0x99: {  	s19 =	simm.s32 $_scs_section_size  }
0x9a: {  	s4 =	simm.s32 $_size__tile_overlayer_lowered;
	s5 =	simm.s32 $_tile_overlayer_lowered  }
0x9b: {  	s22 =	simm.s32 $0x1BFF;
	s21 =	sshll.u32 s5, $0x1;
	s2 =	sadd.s32 s19, s18  }
0x9c: {  	s6 =	simm.s32 $0x0;
	s20 =	sshll.u32 s4, $0x1;
	s4 =	sadd.s32 s21, s2  }
0x9d: {  	[timem:s6], [sflag:s22] =	dma.local [hbm:s4], s20  }
0x9e: {  	_ =	swait.ge [sflag:s22], s20  }
0x9f: {  	s3 =	ssub.s32 $0x0, s20;
	[sflag:s22] =	ssyncset.done $0x0  }
0xa0: {  	[sflag:s22] =	ssyncadd.s32 s3;
	_ =	sdelay $0x1  }
0xa1: {  	s23 =	simm.s32 $0x1B8B  }
0xa2: {  	_ =	swait.ge [sflag:s23], $0x1  }
0xa3: {  	[sflag:s23] =	ssyncset.done $0x0  }
0xa4: {  	s25 =	simm.s32 $0x1B8E;
	s24 =	sld [smem:$0x3FFE];
	[sflag:s23] =	ssyncadd.s32 $0xFFFFFFFF  }
0xa5: {  	s26 =	simm.s32 $execute0_lowered;
	[smem:$0x3FD2] =	sst s25  }
0xa6: {  	s4 =	sshll.u32 s26, $0x1;
	_ =	strace $0x8000005E;
	[dreg:$0x1] =	wrdreg $0xFFFFFFFF  }
0xa7: {  	s28 =	simm.s32 $_size_execute0_lowered;
	s2 =	sadd.s32 s2, s4;
	[dreg:$0x0] =	wrdreg $0x0  }
0xa8: {  	s4 =	sshll.u32 s28, $0x1;
	[dreg:$0x2] =	wrdreg s2  }
0xa9: {  	[dreg:$0x3] =	wrdreg s4  }
0xaa: {  	[dreg:$0x4] =	wrdreg $0xC0  }
0xab: {  	_ =	task [dreg:s6], $0x5FFFF  }
0xac: {  	[dreg:$0x1] =	wrdreg $0xFFFFFFFF  }
0xad: {  	[dreg:$0x0] =	wrdreg $0x60  }
0xae: {  	[dreg:$0x2] =	wrdreg s24  }
0xaf: {  	[dreg:$0x3] =	wrdreg $0x9  }
0xb0: {  	_ =	task.clear_ibuf [dreg:s6], $0x4FFFF;
	_ =	strace $0x9000005E  }
0xb1: {  	s29 =	simm.s32 $0x9;
	_ =	strace $0x80000060  }
0xb2: {  	_ =	swait.ge [sflag:s29], $0x1  }
0xb3: {  	[sflag:s29] =	ssyncadd.s32 $0xFFFFFFFF  }
0xb4: {  	_ =	strace $0x90000060  }
0xb5: {  	_ =	sfence  }
0xb6: {  	s30 =	sld [smem:$0x0];
	_ =	sdelay $0x2  }
0xb7: {  	s31 =	sshll.u32 s1, $0xD;
	s1 =	sshrl.u32 s1, $0x2  }
0xb8: {  	s3 =	sand.u32 $0x4000, s31;
	s1 =	sadd.s32 s1, s30  }
0xb9: {  	s0 =	sor.u32 s3, s0;
	s1 =	sshll.u32 s1, $0x11  }
0xba: {  	s0 =	sor.u32 s1, s0  }
0xbb: {  	s0 =	sadd.s32 $0x8F2B, s0  }
0xbc: {  	[sflag:s0] =	ssyncadd.remote.s32 $0x1  }
0xbd: {  	_ =	sfence.sel $0xFFFF  }
0xbe: {  	[dreg:$0x0] =	wrdreg $0xFFFFFFFF;
	(pc) =	sbr.abs _section_cstart, $3  }
0xbf: {  	[dreg:$0x1] =	wrdreg $0xFFFFFFFF  }
0xc0: {  	_ =	task.clear_ibuf [dreg:s6], $0x2FFFF;
	_ =	strace $0x9FFFFFFF  }
0xc1: {  	(tm) =	ssettm $0x7FFFFFFF  }
tec
execute0_lowered:
.L_overlay_start_1:
0x0: {  	(tag) =	ssettag $0x1  }
0x1: {  	s0 =	srdreg.scid  }
0x2: {  	s1 =	stileid.u32;
	s7 =	rddreg [dreg:$0x0]  }
0x3: {  	s2 =	simm.s32 $0x0;
	s16 =	simm.s32 $0x1;
	s17 =	simm.s32 $0x2  }
0x4: {  	s18 =	simm.s32 $0x4;
	s19 =	simm.s32 $0x15400;
	s20 =	simm.s32 $0x17C00  }
0x5: {  	s21 =	simm.s32 $0x19000;
	s22 =	simm.s32 $0x1B800;
	s23 =	simm.s32 $0x3  }
0x6: {  	s28 =	simm.s32 $0x6;
	s29 =	simm.s32 $0x8;
	s30 =	simm.s32 $0x7  }
0x7: {  	s31 =	simm.s32 $0x9;
	s0 =	sand.u32 $0x1, s0;
	s1 =	sshll.u32 s1, $0x1  }
0x8: {  	[smem:$0x7FF] =	sst s2;
	s5 =	sadd.s32 $0x9400, s7;
	s1 =	sor.u32 s0, s1  }
0x9: {  	s6 =	sadd.s32 $0xEBB400, s7;
	s0 =	ssub.s32 $0x2, s0;
	s3 =	smul.u32 $0x2800, s1  }
0xa: {  	_ =	strace $0x8000005F;
	s4 =	smul.u32 $0x138800, s1;
	s24 =	sshrl.u32 s0, $0x1  }
0xb: {  	s0 =	ssub.s32 s0, s24;
	s24 =	simm.s32 $0x5;
	s8 =	sadd.s32 s3, s7  }
0xc: {  	s3 =	sadd.s32 $0x4EB400, s7;
	s7 =	sadd.s32 $0x1434400, s7;
	s25 =	sshrl.u32 s4, $0x3  }
0xd: {  	s11 =	sadd.s32 $0x1400, s4;
	s12 =	sadd.s32 $0x2800, s4;
	s8 =	sadd.s32 $0xA1D400, s8  }
0xe: {  	s13 =	smax.u32 s0, $0x1;
	s26 =	sadd.s32 s3, s25;
	[dreg:$0x2] =	wrdreg s8  }
0xf: {  	s1 =	sadd.s32 s5, s25;
	s25 =	simm.s32 $0x1A400;
	[dreg:$0x3] =	wrdreg s26  }
0x10: {  	[dreg:$0x4] =	wrdreg s1;
	s26 =	simm.s32 $0x1CC00;
	s1 =	simm.s32 $0x0  }
.LBB2_1:
0x11: {  	s0 =	rddreg [dreg:$0x2]  }
0x12: {  	[tilespmem:s2], [sflag:$0x1] =	stream.linear.gather [hbm4b:s0+s2], $0x14000, $0x38;
	[tilespmem:$0x1E000] =	vst v63  }
0x13: {  	s10 =	rddreg [dreg:$0x3];
	s8 =	simm.s32 $0x14000  }
0x14: {  	[tilespmem:s8], [sflag:$0x2] =	stream.linear.gather [hbm4b:s10+s2], $0x1400, $0x38;
	[tilespmem:$0x1E000] =	vst v63  }
0x15: {  	s14 =	rddreg [dreg:$0x4];
	s15 =	simm.s32 $0x16800  }
0x16: {  	[tilespmem:s15], [sflag:$0x4] =	stream.linear.gather [hbm4b:s14+s2], $0x1400, $0x38;
	[tilespmem:$0x1E000] =	vst v63  }
0x17: {  	_ =	swait.ge [sflag:s16], $0x14000  }
0x18: {  	[sflag:s16] =	ssyncset.done $0x0  }
0x19: {  	s0 =	simm.s32 $0x0;
	[sflag:s16] =	ssyncadd.s32 $0xFFFEC000  }
.LBB2_2:
0x1a: {  	_ =	swait.ge [sflag:s17], $0x1400  }
0x1b: {  	s14 =	smul.u32 $0x2800, s0;
	[sflag:s17] =	ssyncset.done $0x0  }
0x1c: {  	[sflag:s17] =	ssyncadd.s32 $0xFFFFEC00  }
0x1d: {  	s8 =	sadd.s32 s14, s11;
	_ =	swait.ge [sflag:s18], $0x1400  }
0x1e: {  	s8 =	sshrl.u32 s8, $0x3;
	[sflag:s18] =	ssyncset.done $0x0  }
0x1f: {  	s9 =	sadd.s32 s3, s8;
	[sflag:s18] =	ssyncadd.s32 $0xFFFFEC00  }
0x20: {  	[tilespmem:s19], [sflag:$0x3] =	stream.linear.gather [hbm4b:s9+s2], $0x1400, $0x38;
	[tilespmem:$0x1E000] =	vst v63  }
0x21: {  	p0 =	seq.s32 s0, $0x0;
	s8 =	sadd.s32 s5, s8  }
0x22: {  	[tilespmem:s20], [sflag:$0x5] =	stream.linear.gather [hbm4b:s8+s2], $0x1400, $0x38;
	[tilespmem:$0x1E000] =	vst v63  }
0x23: {  	s8 =	simm.s32 @!p0 $0x6  }
0x24: {  	_ =	swait.ge @!p0 [sflag:s8], $0x1400  }
0x25: {  	[sflag:s8] =	ssyncset.done @!p0 $0x0  }
0x26: {  	[sflag:s8] =	ssyncadd.s32 @!p0 $0xFFFFEC00;
	s8 =	simm.s32 @!p0 $0x8  }
0x27: {  	_ =	swait.ge @!p0 [sflag:s8], $0x1400  }
0x28: {  	[sflag:s8] =	ssyncset.done @!p0 $0x0  }
0x29: {  	[sflag:s8] =	ssyncadd.s32 @!p0 $0xFFFFEC00;
	s8 =	simm.s32 $0x0  }
0x2a: {  	v0 =	vld [tilespmem:s8+$0x14000];
	_ =	sdelay $0x5  }
0x2b: {  	v1 =	vld [tilespmem:s8+$0x16800];
	_ =	sdelay $0x1  }
0x2c: {  	v0 =	vld.idx.msk [tilespmem:v0+s2+$0x0], $0xffff;
	_ =	sdelay $0x4  }
0x2d: {  	[tilespmem:s8+$0x19000] =	vst v0;
	v0 =	vld [tilespmem:s8+$0x14010]  }
0x2e: {  	v1 =	vld.idx.msk [tilespmem:v1+s2+$0x0], $0xffff;
	_ =	sdelay $0x4  }
0x2f: {  	[tilespmem:s8+$0x1B800] =	vst v1;
	v1 =	vld [tilespmem:s8+$0x16810];
	_ =	sdelay $0x1  }
0x30: {  	v0 =	vld.idx.msk [tilespmem:v0+s2+$0x0], $0xffff;
	_ =	sdelay $0x4  }
0x31: {  	[tilespmem:s8+$0x19010] =	vst v0;
	v0 =	vld [tilespmem:s8+$0x14020]  }
0x32: {  	v1 =	vld.idx.msk [tilespmem:v1+s2+$0x0], $0xffff;
	_ =	sdelay $0x4  }
0x33: {  	[tilespmem:s8+$0x1B810] =	vst v1;
	v1 =	vld [tilespmem:s8+$0x16820];
	_ =	sdelay $0x1  }
0x34: {  	v0 =	vld.idx.msk [tilespmem:v0+s2+$0x0], $0xffff;
	_ =	sdelay $0x4  }
0x35: {  	v2 =	vld [tilespmem:s8+$0x14030];
	[tilespmem:s8+$0x19020] =	vst v0  }
0x36: {  	v0 =	vld.idx.msk [tilespmem:v1+s2+$0x0], $0xffff;
	_ =	sdelay $0x4  }
0x37: {  	[tilespmem:s8+$0x1B820] =	vst v0;
	v0 =	vld [tilespmem:s8+$0x16830];
	_ =	sdelay $0x1  }
0x38: {  	v1 =	vld.idx.msk [tilespmem:v2+s2+$0x0], $0xffff;
	_ =	sdelay $0x3  }
0x39: {  	s15 =	sshll.u32 s0, $0x1;
	s10 =	simm.s32 $0x40;
	s9 =	simm.s32 $0x200  }
.LBB2_3:
0x3a: {  	p1 =	sne.s32 s9, $0x4F00;
	v2 =	vld [tilespmem:s10+$0x14000];
	[tilespmem:s8+$0x19030] =	vst v1  }
0x3b: {  	v0 =	vld.idx.msk [tilespmem:v0+s2+$0x0], $0xffff;
	_ =	sdelay $0x5  }
0x3c: {  	v1 =	vld [tilespmem:s10+$0x16800];
	[tilespmem:s8+$0x1B830] =	vst v0;
	s8 =	smov.u32 s10  }
0x3d: {  	v0 =	vld.idx.msk [tilespmem:v2+s2+$0x0], $0xffff;
	_ =	sdelay $0x5  }
0x3e: {  	[tilespmem:s8+$0x19000] =	vst v0;
	v0 =	vld [tilespmem:s8+$0x14010]  }
0x3f: {  	v1 =	vld.idx.msk [tilespmem:v1+s2+$0x0], $0xffff;
	_ =	sdelay $0x5  }
0x40: {  	[tilespmem:s8+$0x1B800] =	vst v1;
	v1 =	vld [tilespmem:s8+$0x16810]  }
0x41: {  	v0 =	vld.idx.msk [tilespmem:v0+s2+$0x0], $0xffff;
	_ =	sdelay $0x5  }
0x42: {  	[tilespmem:s8+$0x19010] =	vst v0;
	v0 =	vld [tilespmem:s8+$0x14020]  }
0x43: {  	v1 =	vld.idx.msk [tilespmem:v1+s2+$0x0], $0xffff;
	_ =	sdelay $0x5  }
0x44: {  	[tilespmem:s8+$0x1B810] =	vst v1;
	v1 =	vld [tilespmem:s8+$0x16820]  }
0x45: {  	v0 =	vld.idx.msk [tilespmem:v0+s2+$0x0], $0xffff;
	_ =	sdelay $0x5  }
0x46: {  	[tilespmem:s8+$0x19020] =	vst v0;
	v2 =	vld [tilespmem:s8+$0x14030]  }
0x47: {  	v0 =	vld.idx.msk [tilespmem:v1+s2+$0x0], $0xffff;
	_ =	sdelay $0x5  }
0x48: {  	[tilespmem:s8+$0x1B820] =	vst v0;
	v0 =	vld [tilespmem:s8+$0x16830]  }
0x49: {  	v1 =	vld.idx.msk [tilespmem:v2+s2+$0x0], $0xffff  }
.Ltmp0:
0x4a: {  	(pc) =	sbr.rel @p1 .LBB2_3-.Ltmp0, $2  }
0x4b: {  	_ =	sdelay $0x2  }
0x4c: {  	s10 =	sshra.s32 s9, $0x2;
	s9 =	sadd.s32 $0x100, s9  }
0x4d: {  	_ =	sdelay $0x1  }
0x4e: {  	v2 =	vld [tilespmem:s10+$0x14000]  }
0x4f: {  	[tilespmem:s8+$0x19030] =	vst v1  }
0x50: {  	v0 =	vld.idx.msk [tilespmem:v0+s2+$0x0], $0xffff;
	_ =	sdelay $0x3  }
0x51: {  	v1 =	vld [tilespmem:s10+$0x16800]  }
0x52: {  	[tilespmem:s8+$0x1B830] =	vst v0  }
0x53: {  	v0 =	vld.idx.msk [tilespmem:v2+s2+$0x0], $0xffff;
	_ =	sdelay $0x4  }
0x54: {  	[tilespmem:s10+$0x19000] =	vst v0;
	v0 =	vld [tilespmem:s10+$0x14010]  }
0x55: {  	v1 =	vld.idx.msk [tilespmem:v1+s2+$0x0], $0xffff;
	_ =	sdelay $0x4  }
0x56: {  	[tilespmem:s10+$0x1B800] =	vst v1;
	v1 =	vld [tilespmem:s10+$0x16810];
	_ =	sdelay $0x1  }
0x57: {  	v0 =	vld.idx.msk [tilespmem:v0+s2+$0x0], $0xffff;
	_ =	sdelay $0x4  }
0x58: {  	[tilespmem:s10+$0x19010] =	vst v0;
	v0 =	vld [tilespmem:s10+$0x14020]  }
0x59: {  	v1 =	vld.idx.msk [tilespmem:v1+s2+$0x0], $0xffff;
	_ =	sdelay $0x4  }
0x5a: {  	[tilespmem:s10+$0x1B810] =	vst v1;
	v1 =	vld [tilespmem:s10+$0x16820];
	_ =	sdelay $0x1  }
0x5b: {  	v0 =	vld.idx.msk [tilespmem:v0+s2+$0x0], $0xffff;
	_ =	sdelay $0x4  }
0x5c: {  	[tilespmem:s10+$0x19020] =	vst v0;
	v0 =	vld [tilespmem:s10+$0x14030]  }
0x5d: {  	v1 =	vld.idx.msk [tilespmem:v1+s2+$0x0], $0xffff;
	_ =	sdelay $0x4  }
0x5e: {  	[tilespmem:s10+$0x1B820] =	vst v1;
	v1 =	vld [tilespmem:s10+$0x16830];
	_ =	sdelay $0x1  }
0x5f: {  	v0 =	vld.idx.msk [tilespmem:v0+s2+$0x0], $0xffff;
	_ =	sdelay $0x4  }
0x60: {  	[tilespmem:s10+$0x19030] =	vst v0  }
0x61: {  	v0 =	vld.idx.msk [tilespmem:v1+s2+$0x0], $0xffff;
	_ =	sdelay $0x2  }
0x62: {  	s9 =	sadd.s32 s4, s14  }
0x63: {  	s8 =	sshrl.u32 s9, $0x3  }
0x64: {  	s9 =	sadd.s32 s6, s8;
	[tilespmem:s10+$0x1B830] =	vst v0  }
0x65: {  	[hbm4b:s9+s2] =	stream.linear.scatter [tilespmem:s21], [sflag:$0x6], $0x1400, $0x38;
	[tilespmem:$0x1E000] =	vst v63  }
0x66: {  	s8 =	sadd.s32 s7, s8  }
0x67: {  	[hbm4b:s8+s2] =	stream.linear.scatter [tilespmem:s22], [sflag:$0x8], $0x1400, $0x38;
	[tilespmem:$0x1E000] =	vst v63  }
0x68: {  	_ =	swait.ge [sflag:s23], $0x1400  }
0x69: {  	s15 =	sor.u32 $0x1, s15;
	[sflag:s23] =	ssyncset.done $0x0  }
0x6a: {  	p1 =	sgt.u32 s15, $0xF8;
	[sflag:s23] =	ssyncadd.s32 $0xFFFFEC00  }
0x6b: {  	s8 =	sadd.s32 @!p1 s14, s12;
	_ =	swait.ge [sflag:s24], $0x1400  }
0x6c: {  	s10 =	simm.s32 @!p1 $0x0;
	s8 =	sshrl.u32 @!p1 s8, $0x3;
	[sflag:s24] =	ssyncset.done $0x0  }
0x6d: {  	s14 =	simm.s32 @!p1 $0x14000;
	s9 =	sadd.s32 @!p1 s3, s8;
	[sflag:s24] =	ssyncadd.s32 $0xFFFFEC00  }
0x6e: {  	[tilespmem:s14], [sflag:$0x2] =	stream.linear.gather @!p1 [hbm4b:s9+s10], $0x1400, $0x38;
	[tilespmem:$0x1E000] =	vst v63  }
0x6f: {  	s8 =	sadd.s32 @!p1 s5, s8;
	s9 =	simm.s32 @!p1 $0x16800  }
0x70: {  	[tilespmem:s9], [sflag:$0x4] =	stream.linear.gather @!p1 [hbm4b:s8+s10], $0x1400, $0x38;
	[tilespmem:$0x1E000] =	vst v63  }
0x71: {  	s8 =	simm.s32 @!p0 $0x7  }
0x72: {  	_ =	swait.ge @!p0 [sflag:s8], $0x1400  }
0x73: {  	[sflag:s8] =	ssyncset.done @!p0 $0x0  }
0x74: {  	[sflag:s8] =	ssyncadd.s32 @!p0 $0xFFFFEC00;
	s8 =	simm.s32 @!p0 $0x9  }
0x75: {  	_ =	swait.ge @!p0 [sflag:s8], $0x1400  }
0x76: {  	[sflag:s8] =	ssyncset.done @!p0 $0x0  }
0x77: {  	[sflag:s8] =	ssyncadd.s32 @!p0 $0xFFFFEC00;
	s8 =	simm.s32 $0x0  }
0x78: {  	v0 =	vld [tilespmem:s8+$0x15400];
	_ =	sdelay $0x5  }
0x79: {  	v1 =	vld [tilespmem:s8+$0x17C00];
	_ =	sdelay $0x1  }
0x7a: {  	v0 =	vld.idx.msk [tilespmem:v0+s2+$0x0], $0xffff;
	_ =	sdelay $0x4  }
0x7b: {  	[tilespmem:s8+$0x1A400] =	vst v0;
	v0 =	vld [tilespmem:s8+$0x15410]  }
0x7c: {  	v1 =	vld.idx.msk [tilespmem:v1+s2+$0x0], $0xffff;
	_ =	sdelay $0x4  }
0x7d: {  	[tilespmem:s8+$0x1CC00] =	vst v1;
	v1 =	vld [tilespmem:s8+$0x17C10];
	_ =	sdelay $0x1  }
0x7e: {  	v0 =	vld.idx.msk [tilespmem:v0+s2+$0x0], $0xffff;
	_ =	sdelay $0x4  }
0x7f: {  	[tilespmem:s8+$0x1A410] =	vst v0;
	v0 =	vld [tilespmem:s8+$0x15420]  }
0x80: {  	v1 =	vld.idx.msk [tilespmem:v1+s2+$0x0], $0xffff;
	_ =	sdelay $0x4  }
0x81: {  	[tilespmem:s8+$0x1CC10] =	vst v1;
	v1 =	vld [tilespmem:s8+$0x17C20];
	_ =	sdelay $0x1  }
0x82: {  	v0 =	vld.idx.msk [tilespmem:v0+s2+$0x0], $0xffff;
	_ =	sdelay $0x4  }
0x83: {  	v2 =	vld [tilespmem:s8+$0x15430];
	[tilespmem:s8+$0x1A420] =	vst v0  }
0x84: {  	v0 =	vld.idx.msk [tilespmem:v1+s2+$0x0], $0xffff;
	_ =	sdelay $0x4  }
0x85: {  	[tilespmem:s8+$0x1CC20] =	vst v0;
	v0 =	vld [tilespmem:s8+$0x17C30];
	_ =	sdelay $0x1  }
0x86: {  	v1 =	vld.idx.msk [tilespmem:v2+s2+$0x0], $0xffff;
	_ =	sdelay $0x3  }
0x87: {  	s14 =	simm.s32 $0x40;
	s9 =	simm.s32 $0x200  }
.LBB2_5:
0x88: {  	p0 =	sne.s32 s9, $0x4F00;
	v2 =	vld [tilespmem:s14+$0x15400];
	[tilespmem:s8+$0x1A430] =	vst v1  }
0x89: {  	v0 =	vld.idx.msk [tilespmem:v0+s2+$0x0], $0xffff;
	_ =	sdelay $0x5  }
0x8a: {  	v1 =	vld [tilespmem:s14+$0x17C00];
	[tilespmem:s8+$0x1CC30] =	vst v0;
	s8 =	smov.u32 s14  }
0x8b: {  	v0 =	vld.idx.msk [tilespmem:v2+s2+$0x0], $0xffff;
	_ =	sdelay $0x5  }
0x8c: {  	[tilespmem:s8+$0x1A400] =	vst v0;
	v0 =	vld [tilespmem:s8+$0x15410]  }
0x8d: {  	v1 =	vld.idx.msk [tilespmem:v1+s2+$0x0], $0xffff;
	_ =	sdelay $0x5  }
0x8e: {  	[tilespmem:s8+$0x1CC00] =	vst v1;
	v1 =	vld [tilespmem:s8+$0x17C10]  }
0x8f: {  	v0 =	vld.idx.msk [tilespmem:v0+s2+$0x0], $0xffff;
	_ =	sdelay $0x5  }
0x90: {  	[tilespmem:s8+$0x1A410] =	vst v0;
	v0 =	vld [tilespmem:s8+$0x15420]  }
0x91: {  	v1 =	vld.idx.msk [tilespmem:v1+s2+$0x0], $0xffff;
	_ =	sdelay $0x5  }
0x92: {  	[tilespmem:s8+$0x1CC10] =	vst v1;
	v1 =	vld [tilespmem:s8+$0x17C20]  }
0x93: {  	v0 =	vld.idx.msk [tilespmem:v0+s2+$0x0], $0xffff;
	_ =	sdelay $0x5  }
0x94: {  	[tilespmem:s8+$0x1A420] =	vst v0;
	v2 =	vld [tilespmem:s8+$0x15430]  }
0x95: {  	v0 =	vld.idx.msk [tilespmem:v1+s2+$0x0], $0xffff;
	_ =	sdelay $0x5  }
0x96: {  	[tilespmem:s8+$0x1CC20] =	vst v0;
	v0 =	vld [tilespmem:s8+$0x17C30]  }
0x97: {  	v1 =	vld.idx.msk [tilespmem:v2+s2+$0x0], $0xffff  }
.Ltmp1:
0x98: {  	(pc) =	sbr.rel @p0 .LBB2_5-.Ltmp1, $2  }
0x99: {  	_ =	sdelay $0x2  }
0x9a: {  	s14 =	sshra.s32 s9, $0x2;
	s9 =	sadd.s32 $0x100, s9  }
0x9b: {  	_ =	sdelay $0x1  }
0x9c: {  	v2 =	vld [tilespmem:s14+$0x15400]  }
0x9d: {  	[tilespmem:s8+$0x1A430] =	vst v1  }
0x9e: {  	v0 =	vld.idx.msk [tilespmem:v0+s2+$0x0], $0xffff;
	_ =	sdelay $0x3  }
0x9f: {  	v1 =	vld [tilespmem:s14+$0x17C00]  }
0xa0: {  	[tilespmem:s8+$0x1CC30] =	vst v0  }
0xa1: {  	v0 =	vld.idx.msk [tilespmem:v2+s2+$0x0], $0xffff;
	_ =	sdelay $0x3  }
0xa2: {  	v58 =	vld [tilespmem:s14+$0x15410]  }
0xa3: {  	[tilespmem:s14+$0x1A400] =	vst v0  }
0xa4: {  	v1 =	vld.idx.msk [tilespmem:v1+s2+$0x0], $0xffff;
	_ =	sdelay $0x3  }
0xa5: {  	v59 =	vld [tilespmem:s14+$0x17C10]  }
0xa6: {  	[tilespmem:s14+$0x1CC00] =	vst v1  }
0xa7: {  	v0 =	vld.idx.msk [tilespmem:v58+s2+$0x0], $0xffff;
	_ =	sdelay $0x3  }
0xa8: {  	v60 =	vld [tilespmem:s14+$0x15420]  }
0xa9: {  	[tilespmem:s14+$0x1A410] =	vst v0  }
0xaa: {  	v1 =	vld.idx.msk [tilespmem:v59+s2+$0x0], $0xffff;
	_ =	sdelay $0x3  }
0xab: {  	v61 =	vld [tilespmem:s14+$0x17C20]  }
0xac: {  	[tilespmem:s14+$0x1CC10] =	vst v1  }
0xad: {  	v0 =	vld.idx.msk [tilespmem:v60+s2+$0x0], $0xffff;
	_ =	sdelay $0x3  }
0xae: {  	v62 =	vld [tilespmem:s14+$0x15430]  }
0xaf: {  	[tilespmem:s14+$0x1A420] =	vst v0  }
0xb0: {  	v1 =	vld.idx.msk [tilespmem:v61+s2+$0x0], $0xffff;
	_ =	sdelay $0x3  }
0xb1: {  	v63 =	vld [tilespmem:s14+$0x17C30]  }
0xb2: {  	[tilespmem:s14+$0x1CC20] =	vst v1  }
0xb3: {  	v0 =	vld.idx.msk [tilespmem:v62+s2+$0x0], $0xffff;
	_ =	sdelay $0x4  }
0xb4: {  	[tilespmem:s14+$0x1A430] =	vst v0  }
0xb5: {  	v0 =	vld.idx.msk [tilespmem:v63+s2+$0x0], $0xffff  }
0xb6: {  	s15 =	smul.u32 $0x1400, s15  }
0xb7: {  	s0 =	sadd.s32 $0x1, s0  }
0xb8: {  	p0 =	sne.s32 s0, $0x7D;
	s8 =	sadd.s32 s4, s15  }
.Ltmp2:
0xb9: {  	s8 =	sshrl.u32 s8, $0x3;
	(pc) =	sbr.rel @p0 .LBB2_2-.Ltmp2, $4  }
0xba: {  	s9 =	sadd.s32 s6, s8;
	[tilespmem:s14+$0x1CC30] =	vst v0  }
0xbb: {  	[hbm4b:s9+s2] =	stream.linear.scatter [tilespmem:s25], [sflag:$0x7], $0x1400, $0x38;
	[tilespmem:$0x1E000] =	vst v63  }
0xbc: {  	s8 =	sadd.s32 s7, s8  }
0xbd: {  	[hbm4b:s8+s2] =	stream.linear.scatter [tilespmem:s26], [sflag:$0x9], $0x1400, $0x38;
	[tilespmem:$0x1E000] =	vst v63  }
0xbe: {  	_ =	swait.ge [sflag:s28], $0x1400  }
0xbf: {  	[sflag:s28] =	ssyncset.done $0x0  }
0xc0: {  	[sflag:s28] =	ssyncadd.s32 $0xFFFFEC00  }
0xc1: {  	_ =	swait.ge [sflag:s29], $0x1400  }
0xc2: {  	[sflag:s29] =	ssyncset.done $0x0  }
0xc3: {  	s1 =	sadd.s32 $0x1, s1;
	[sflag:s29] =	ssyncadd.s32 $0xFFFFEC00  }
0xc4: {  	p0 =	sne.s32 s1, s13;
	_ =	swait.ge [sflag:s30], $0x1400  }
.Ltmp3:
0xc5: {  	[sflag:s30] =	ssyncset.done $0x0;
	(pc) =	sbr.rel @p0 .LBB2_1-.Ltmp3, $4  }
0xc6: {  	[sflag:s30] =	ssyncadd.s32 $0xFFFFEC00  }
0xc7: {  	_ =	swait.ge [sflag:s31], $0x1400  }
0xc8: {  	[sflag:s31] =	ssyncset.done $0x0  }
0xc9: {  	[sflag:s31] =	ssyncadd.s32 $0xFFFFEC00  }
0xca: {  	_ =	sfence.sel $0x180000  }
0xcb: {  	[bflag:$0x0] =	sbarrier.arrive $0xFFFF  }
0xcc: {  	_ =	strace $0x9000005F  }
0xcd: {  	s0 =	stileid.u32;
	[bflag:$0x2] =	sbarrier.arrive $0xFFFF  }
0xce: {  	p0 =	sne.s32 s0, $0x0;
	s0 =	rddreg [dreg:$0x1]  }
0xcf: {  	s0 =	sadd.s32 @!p0 $0x100000, s0  }
0xd0: {  	[sflag:s0] =	ssyncadd.tile.s32 @!p0 $0x1;
	_ =	shalt  }
.Lfunc_end2:
_tile_overlayer_lowered:
.L_overlay_start_2:
0xd1: {  	(tag) =	ssettag $0x2  }
0xd2: {  	s0 =	rddreg [dreg:$0x0];
	s2 =	stileid.u32  }
0xd3: {  	s1 =	rddreg [dreg:$0x1];
	p0 =	sne.s32 s2, $0x0  }
0xd4: {  	s3 =	rddreg [dreg:$0x2];
	[bflag:$0x3] =	sbarrier.arrive $0xFFFF;
	s2 =	simm.s32 @!p0 $0x1C0A  }
0xd5: {  	[timem:s3], [sflag:s2] =	dma.local @!p0 [hbm:s0], s1  }
0xd6: {  	s0 =	simm.s32 @!p0 $0xA  }
0xd7: {  	_ =	swait.ge @!p0 [sflag:s0], s1  }
0xd8: {  	s1 =	ssub.s32 @!p0 $0x0, s1;
	[sflag:s0] =	ssyncset.done @!p0 $0x0  }
0xd9: {  	[sflag:s0] =	ssyncadd.s32 @!p0 s1  }
0xda: {  	[bflag:$0x3] =	sbarrier.arrive $0xFFFF  }
0xdb: {  	_ =	shalt  }

// kernel: kernel.40.cloned.1.call-start
scs
__scs_entry_jumppad:
0x0: {  	(pc) =	sbr.rel $0x88, $3  }
0x1: {  	(tag) =	ssettag $0x0;
	lr =	simm.s32 $0x1  }
0x2: {  	[smem:$0x3F93] =	sst lr;
	_ =	strace $0xD0000000  }
0x3: {  	_ = 	snop  }
0x4: {  	_ = 	snop  }
0x5: {  	_ = 	snop  }
0x6: {  	_ = 	snop  }
0x7: {  	_ = 	snop  }
__scs_overlays_trampoline_lowered:
0x8: {  	[smem:$0x3FA2] =	sst s0  }
0x9: {  	[smem:$0x3FA3] =	sst s1  }
0xa: {  	[smem:$0x3FA4] =	sst s2  }
0xb: {  	[smem:$0x3FA5] =	sst s3  }
0xc: {  	[smem:$0x3FA6] =	sst s4  }
0xd: {  	[smem:$0x3FA7] =	sst s5  }
0xe: {  	[smem:$0x3FA8] =	sst s6  }
0xf: {  	[smem:$0x3FA9] =	sst s7  }
0x10: {  	[smem:$0x3FAA] =	sst s8  }
0x11: {  	[smem:$0x3FAB] =	sst s9;
	s0 =	simm.s32 @!p0 $0x0  }
0x12: {  	s1 =	sld [smem:$0x3F91];
	s0 =	simm.s32 @p0 $0x1  }
0x13: {  	[smem:$0x3FAC] =	sst s0;
	s0 =	simm.s32 @!p1 $0x0  }
0x14: {  	s2 =	sld [smem:$0x3F90];
	s0 =	simm.s32 @p1 $0x1  }
0x15: {  	[smem:$0x3FAD] =	sst s0;
	s0 =	simm.s32 @!p2 $0x0  }
0x16: {  	s3 =	sld [smem:$0x3FDB];
	s0 =	simm.s32 @p2 $0x1  }
0x17: {  	s4 =	simm.s32 $0x1BF5;
	[smem:$0x3FAF] =	sst s0  }
0x18: {  	s0 =	sld [smem:$0x3F92];
	_ =	swait.ge [sflag:s4], $0x0  }
0x19: {  	s7 =	sld [smem:$0x3F93]  }
0x1a: {  	s8 =	sadd.s32 $0xFFFFE003, lr  }
0x1b: {  	s9 =	sadd.s32 $0xFFFFFEF7, lr;
	s5 =	simm.s32 $0xFFFFFFFF;
	p2 =	slt.u32 s8, $0xFFFFF086  }
0x1c: {  	p1 =	slt.u32 s9, $0xF7A;
	s5 =	simm.s32 @!p2 $0x0  }
0x1d: {  	s5 =	simm.s32 @p1 $0x1;
	p0 =	seq.s32 s7, s2  }
0x1e: {  	s7 =	smul.u32 @!p0 $0xF7A, s2;
	p2 =	seq.s32 @!p0 s5, $0x0  }
0x1f: {  	s9 =	smul.u32 $0xF7A, s1;
	s8 =	simm.s32 @!p0 $0x1BF5;
	p2 =	por !p2, p0  }
0x20: {  	[sflag:s8] =	ssyncset.s32 @!p0 $0xFFFFF086;
	s6 =	sadd.s32 @!p0 s3, s7;
	s7 =	simm.s32 @!p0 $0x108  }
0x21: {  	s3 =	sadd.s32 s3, s9;
	s6 =	sadd.s32 @!p0 $0x88, s6;
	s7 =	simm.s32 @p2 $0x1082  }
0x22: {  	[simem:s7], [sflag:s8] =	dma.local @!p0 [hbm:s6], $0xF7A  }
0x23: {  	s9 =	sor.u32 $0xD0000000, s2;
	s6 =	simm.s32 $0x108;
	_ =	swait.ge @!p0 [sflag:s8], $0x0  }
0x24: {  	s3 =	sadd.s32 $0x88, s3;
	s6 =	simm.s32 @!p1 $0x1082;
	[sflag:s4] =	ssyncset.s32 $0xFFFFF086  }
0x25: {  	[simem:s6], [sflag:s4] =	dma.local [hbm:s3], $0xF7A  }
0x26: {  	[smem:$0x3F93] =	sst s1;
	(tag) =	ssettag s2;
	_ =	strace s9  }
0x27: {  	s1 =	sld [smem:$0x3FA3]  }
0x28: {  	s2 =	sld [smem:$0x3FA4]  }
0x29: {  	s4 =	sld [smem:$0x3FA6]  }
0x2a: {  	p0 =	seq.s32 s5, $0x0;
	s5 =	sld [smem:$0x3FA7]  }
0x2b: {  	s6 =	sld [smem:$0x3FA8]  }
0x2c: {  	s7 =	sld [smem:$0x3FA9]  }
0x2d: {  	s3 =	simm.s32 $0x108;
	s8 =	sld [smem:$0x3FAA]  }
0x2e: {  	s3 =	simm.s32 @!p0 $0x1082;
	s9 =	sld [smem:$0x3FAB]  }
0x2f: {  	lr =	sadd.s32 s0, s3;
	s0 =	sld [smem:$0x3FA2]  }
0x30: {  	s3 =	sld [smem:$0x3FA5]  }
0x31: {  	[smem:$0x3FAE] =	sst s10  }
0x32: {  	s10 =	sld [smem:$0x3FAC];
	_ =	sdelay $0x3  }
0x33: {  	p0 =	seq.s32 s10, $0x1;
	s10 =	sld [smem:$0x3FAE];
	_ =	sdelay $0x3  }
0x34: {  	[smem:$0x3FAE] =	sst s10  }
0x35: {  	s10 =	sld [smem:$0x3FAD];
	_ =	sdelay $0x3  }
0x36: {  	p1 =	seq.s32 s10, $0x1;
	s10 =	sld [smem:$0x3FAE];
	_ =	sdelay $0x3  }
0x37: {  	[smem:$0x3FAE] =	sst s10  }
0x38: {  	s10 =	sld [smem:$0x3FAF]  }
0x39: {  	_ = 	snop;
	(pc) =	sbr.ind lr, $3  }
0x3a: {  	_ = 	snop  }
0x3b: {  	_ = 	snop  }
0x3c: {  	p2 =	seq.s32 s10, $0x1;
	s10 =	sld [smem:$0x3FAE]  }
0x3d: {  	_ =	shalt  }
0x3e: {  	_ =	shalt  }
0x3f: {  	_ =	shalt  }
0x40: {  	_ =	shalt  }
0x41: {  	_ =	shalt  }
0x42: {  	_ =	shalt  }
0x43: {  	_ =	shalt  }
0x44: {  	_ =	shalt  }
0x45: {  	_ =	shalt  }
0x46: {  	_ =	shalt  }
0x47: {  	_ =	shalt  }
0x48: {  	_ =	shalt  }
0x49: {  	_ =	shalt  }
0x4a: {  	_ =	shalt  }
0x4b: {  	_ =	shalt  }
0x4c: {  	_ =	shalt  }
0x4d: {  	_ =	shalt  }
0x4e: {  	_ =	shalt  }
0x4f: {  	_ =	shalt  }
0x50: {  	_ =	shalt  }
0x51: {  	_ =	shalt  }
0x52: {  	_ =	shalt  }
0x53: {  	_ =	shalt  }
0x54: {  	_ =	shalt  }
0x55: {  	_ =	shalt  }
0x56: {  	_ =	shalt  }
0x57: {  	_ =	shalt  }
0x58: {  	_ =	shalt  }
0x59: {  	_ =	shalt  }
0x5a: {  	_ =	shalt  }
0x5b: {  	_ =	shalt  }
0x5c: {  	_ =	shalt  }
0x5d: {  	_ =	shalt  }
0x5e: {  	_ =	shalt  }
0x5f: {  	_ =	shalt  }
0x60: {  	_ =	shalt  }
0x61: {  	_ =	shalt  }
0x62: {  	_ =	shalt  }
0x63: {  	_ =	shalt  }
0x64: {  	_ =	shalt  }
0x65: {  	_ =	shalt  }
0x66: {  	_ =	shalt  }
0x67: {  	_ =	shalt  }
0x68: {  	_ =	shalt  }
0x69: {  	_ =	shalt  }
0x6a: {  	_ =	shalt  }
0x6b: {  	_ =	shalt  }
0x6c: {  	_ =	shalt  }
0x6d: {  	_ =	shalt  }
0x6e: {  	_ =	shalt  }
0x6f: {  	_ =	shalt  }
0x70: {  	_ =	shalt  }
0x71: {  	_ =	shalt  }
0x72: {  	_ =	shalt  }
0x73: {  	_ =	shalt  }
0x74: {  	_ =	shalt  }
0x75: {  	_ =	shalt  }
0x76: {  	_ =	shalt  }
0x77: {  	_ =	shalt  }
0x78: {  	_ =	shalt  }
0x79: {  	_ =	shalt  }
0x7a: {  	_ =	shalt  }
0x7b: {  	_ =	shalt  }
0x7c: {  	_ =	shalt  }
0x7d: {  	_ =	shalt  }
0x7e: {  	_ =	shalt  }
0x7f: {  	_ =	shalt  }
0x80: {  	_ =	shalt  }
0x81: {  	_ =	shalt  }
0x82: {  	_ =	shalt  }
0x83: {  	_ =	shalt  }
0x84: {  	_ =	shalt  }
0x85: {  	_ =	shalt  }
0x86: {  	_ =	shalt  }
0x87: {  	_ =	shalt  }
.Lfunc_end0:
.L_simem_size_0:
called_computation.9_lowered:
.L_overlay_start_0:
0x88: {  	s2 =	sld [smem:$0x3FD9]  }
0x89: {  	s3 =	sld [smem:$0x3FFE];
	_ =	sdelay $0x1  }
0x8a: {  	s1 =	srdreg.scid  }
0x8b: {  	s0 =	sand.u32 $0x1, s1  }
0x8c: {  	s16 =	sshll.u32 s0, $0xA;
	s2 =	sadd.s32 s3, s2  }
0x8d: {  	s2 =	sadd.s32 s2, s16  }
0x8e: {  	[smem:$0x3FBA] =	sst s2  }
0x8f: {  	_ = 	snop  }
0x90: {  	(tm) =	ssettm $0x1  }
0x91: {  	s17 =	sld [smem:$0x3FFB];
	_ =	sdelay $0x3  }
0x92: {  	_ =	strace s17  }
0x93: {  	s2 =	sld [smem:$0x3FFC];
	_ =	sdelay $0x3  }
0x94: {  	_ =	strace s2  }
0x95: {  	s2 =	sld [smem:$0x3FFD];
	_ =	sdelay $0x3  }
0x96: {  	_ =	strace s2  }
0x97: {  	_ =	strace $0x8FFFFFFF  }
0x98: {  	s18 =	sld [smem:$0x3FDB];
	_ =	sdelay $0x1  }
0x99: {  	s19 =	simm.s32 $_scs_section_size  }
0x9a: {  	s4 =	simm.s32 $_size__tile_overlayer_lowered;
	s5 =	simm.s32 $_tile_overlayer_lowered  }
0x9b: {  	s22 =	simm.s32 $0x1BFF;
	s21 =	sshll.u32 s5, $0x1;
	s2 =	sadd.s32 s19, s18  }
0x9c: {  	s6 =	simm.s32 $0x0;
	s20 =	sshll.u32 s4, $0x1;
	s4 =	sadd.s32 s21, s2  }
0x9d: {  	[timem:s6], [sflag:s22] =	dma.local [hbm:s4], s20  }
0x9e: {  	_ =	swait.ge [sflag:s22], s20  }
0x9f: {  	s3 =	ssub.s32 $0x0, s20;
	[sflag:s22] =	ssyncset.done $0x0  }
0xa0: {  	[sflag:s22] =	ssyncadd.s32 s3;
	_ =	sdelay $0x1  }
0xa1: {  	s23 =	simm.s32 $0x1B8B  }
0xa2: {  	_ =	swait.ge [sflag:s23], $0x1  }
0xa3: {  	[sflag:s23] =	ssyncset.done $0x0  }
0xa4: {  	s25 =	simm.s32 $0x1B8E;
	s24 =	sld [smem:$0x3FFE];
	[sflag:s23] =	ssyncadd.s32 $0xFFFFFFFF  }
0xa5: {  	s26 =	simm.s32 $execute0_lowered;
	[smem:$0x3FD2] =	sst s25  }
0xa6: {  	s4 =	sshll.u32 s26, $0x1;
	_ =	strace $0x80000061;
	[dreg:$0x1] =	wrdreg $0xFFFFFFFF  }
0xa7: {  	s28 =	simm.s32 $_size_execute0_lowered;
	s2 =	sadd.s32 s2, s4;
	[dreg:$0x0] =	wrdreg $0x0  }
0xa8: {  	s4 =	sshll.u32 s28, $0x1;
	[dreg:$0x2] =	wrdreg s2  }
0xa9: {  	[dreg:$0x3] =	wrdreg s4  }
0xaa: {  	[dreg:$0x4] =	wrdreg $0xC0  }
0xab: {  	_ =	task [dreg:s6], $0x5FFFF  }
0xac: {  	[dreg:$0x1] =	wrdreg $0xFFFFFFFF  }
0xad: {  	[dreg:$0x0] =	wrdreg $0x60  }
0xae: {  	[dreg:$0x2] =	wrdreg s24  }
0xaf: {  	[dreg:$0x3] =	wrdreg $0x9  }
0xb0: {  	_ =	task.clear_ibuf [dreg:s6], $0x4FFFF;
	_ =	strace $0x90000061  }
0xb1: {  	s29 =	simm.s32 $0x9;
	_ =	strace $0x80000063  }
0xb2: {  	_ =	swait.ge [sflag:s29], $0x1  }
0xb3: {  	[sflag:s29] =	ssyncadd.s32 $0xFFFFFFFF  }
0xb4: {  	_ =	strace $0x90000063  }
0xb5: {  	_ =	sfence  }
0xb6: {  	s30 =	sld [smem:$0x0];
	_ =	sdelay $0x2  }
0xb7: {  	s31 =	sshll.u32 s1, $0xD;
	s1 =	sshrl.u32 s1, $0x2  }
0xb8: {  	s3 =	sand.u32 $0x4000, s31;
	s1 =	sadd.s32 s1, s30  }
0xb9: {  	s0 =	sor.u32 s3, s0;
	s1 =	sshll.u32 s1, $0x11  }
0xba: {  	s0 =	sor.u32 s1, s0  }
0xbb: {  	s0 =	sadd.s32 $0x8F2B, s0  }
0xbc: {  	[sflag:s0] =	ssyncadd.remote.s32 $0x1  }
0xbd: {  	_ =	sfence.sel $0xFFFF  }
0xbe: {  	[dreg:$0x0] =	wrdreg $0xFFFFFFFF;
	(pc) =	sbr.abs _section_cstart, $3  }
0xbf: {  	[dreg:$0x1] =	wrdreg $0xFFFFFFFF  }
0xc0: {  	_ =	task.clear_ibuf [dreg:s6], $0x2FFFF;
	_ =	strace $0x9FFFFFFF  }
0xc1: {  	(tm) =	ssettm $0x7FFFFFFF  }
tec
execute0_lowered:
.L_overlay_start_1:
0x0: {  	(tag) =	ssettag $0x1  }
0x1: {  	s5 =	rddreg [dreg:$0x0]  }
0x2: {  	s0 =	rddreg [dreg:$0x1]  }
0x3: {  	s3 =	srdreg.scid;
	s1 =	stileid.u32;
	s2 =	simm.s32 $0x0  }
0x4: {  	s13 =	simm.s32 $0x1;
	s14 =	simm.s32 $0x3;
	s15 =	simm.s32 $0x15400  }
0x5: {  	s16 =	simm.s32 $0x17C00;
	s17 =	simm.s32 $0x2;
	s18 =	simm.s32 $0x4  }
0x6: {  	s19 =	simm.s32 $0x5;
	s4 =	sand.u32 $0x1, s3;
	s31 =	sshll.u32 s1, $0x1  }
0x7: {  	s20 =	simm.s32 $0x0;
	[smem:$0x7FF] =	sst s2;
	s6 =	sor.u32 s4, s31  }
0x8: {  	s3 =	sadd.s32 $0x9400, s5;
	s7 =	ssub.s32 $0x2, s4;
	s8 =	smul.u32 $0x138800, s6  }
0x9: {  	_ =	strace $0x80000062;
	s6 =	smul.u32 $0x2800, s6;
	s9 =	sshrl.u32 s7, $0x1  }
0xa: {  	s4 =	sadd.s32 $0x4EB400, s5;
	s12 =	ssub.s32 s7, s9;
	s10 =	sshrl.u32 s8, $0x3  }
0xb: {  	s11 =	sadd.s32 s6, s5;
	s7 =	sadd.s32 $0x1400, s8;
	s8 =	sadd.s32 $0x2800, s8  }
0xc: {  	s5 =	sadd.s32 s4, s10;
	s6 =	sadd.s32 s3, s10;
	s9 =	sadd.s32 $0xA1D400, s11  }
0xd: {  	v0 =	vimm.f32 $0.0e+00;
	s10 =	smax.u32 s12, $0x1;
	s11 =	simm.s32 $0x14000;
	s12 =	simm.s32 $0x16800  }
.LBB2_1:
0xe: {  	[tilespmem:s11], [sflag:$0x1] =	stream.linear.gather [hbm4b:s5+s2], $0x1400, $0x38;
	[tilespmem:$0x19000] =	vst v63  }
0xf: {  	s21 =	simm.s32 $0x40;
	s22 =	simm.s32 $0x0  }
0x10: {  	[tilespmem:s12], [sflag:$0x3] =	stream.linear.gather [hbm4b:s6+s2], $0x1400, $0x38;
	[tilespmem:$0x19000] =	vst v63  }
.LBB2_2:
0x11: {  	p0 =	sne.s32 s21, $0x4FFC0;
	[tilespmem:s22+$0x0] =	vst v0;
	s22 =	smov.u32 s21;
	s21 =	sadd.s32 $0x40, s21  }
.Ltmp0:
0x12: {  	(pc) =	sbr.rel @p0 .LBB2_2-.Ltmp0, $2  }
0x13: {  	_ =	sdelay $0x2  }
0x14: {  	s22 =	sshra.s32 s22, $0x2  }
0x15: {  	[tilespmem:s22+$0x0] =	vst v0;
	s21 =	simm.s32 $0x0;
	s22 =	simm.s32 $0x0  }
.LBB2_4:
0x16: {  	_ =	swait.ge [sflag:s13], $0x1400  }
0x17: {  	s23 =	smul.u32 $0x2800, s22;
	[sflag:s13] =	ssyncset.done $0x0  }
0x18: {  	[sflag:s13] =	ssyncadd.s32 $0xFFFFEC00  }
0x19: {  	s24 =	sadd.s32 s23, s7;
	_ =	swait.ge [sflag:s14], $0x1400  }
0x1a: {  	s24 =	sshrl.u32 s24, $0x3;
	[sflag:s14] =	ssyncset.done $0x0  }
0x1b: {  	s25 =	sadd.s32 s4, s24;
	[sflag:s14] =	ssyncadd.s32 $0xFFFFEC00  }
0x1c: {  	[tilespmem:s15], [sflag:$0x2] =	stream.linear.gather [hbm4b:s25+s21], $0x1400, $0x38;
	[tilespmem:$0x19000] =	vst v63  }
0x1d: {  	s24 =	sadd.s32 s3, s24  }
0x1e: {  	[tilespmem:s16], [sflag:$0x4] =	stream.linear.gather [hbm4b:s24+s21], $0x1400, $0x38;
	[tilespmem:$0x19000] =	vst v63  }
0x1f: {  	s24 =	simm.s32 $0x0  }
.LBB2_5:
0x20: {  	s25 =	sshra.s32 s24, $0x2  }
0x21: {  	v1 =	vld [tilespmem:s25+$0x14000];
	_ =	sdelay $0x2  }
0x22: {  	v2 =	vld [tilespmem:s25+$0x16800];
	_ =	sdelay $0x4  }
0x23: {  	[tilespmem:v1+s2+$0x0] =	vst.idx.add.f32.msk $0xffff, v2  }
0x24: {  	v1 =	vld [tilespmem:s25+$0x14010];
	_ =	sdelay $0x2  }
0x25: {  	v2 =	vld [tilespmem:s25+$0x16810];
	_ =	sdelay $0x4  }
0x26: {  	[tilespmem:v1+s2+$0x0] =	vst.idx.add.f32.msk $0xffff, v2  }
0x27: {  	v1 =	vld [tilespmem:s25+$0x14020];
	_ =	sdelay $0x2  }
0x28: {  	v2 =	vld [tilespmem:s25+$0x16820];
	_ =	sdelay $0x4  }
0x29: {  	[tilespmem:v1+s2+$0x0] =	vst.idx.add.f32.msk $0xffff, v2  }
0x2a: {  	v1 =	vld [tilespmem:s25+$0x14030];
	_ =	sdelay $0x2  }
0x2b: {  	p0 =	sne.s32 s24, $0x4F00;
	v2 =	vld [tilespmem:s25+$0x16830]  }
.Ltmp1:
0x2c: {  	_ = 	snop;
	(pc) =	sbr.rel @p0 .LBB2_5-.Ltmp1, $2  }
0x2d: {  	_ =	sdelay $0x2  }
0x2e: {  	s24 =	sadd.s32 $0x100, s24;
	[tilespmem:v1+s2+$0x0] =	vst.idx.add.f32.msk $0xffff, v2  }
0x2f: {  	_ =	swait.ge [sflag:s17], $0x1400  }
0x30: {  	[sflag:s17] =	ssyncset.done $0x0  }
0x31: {  	p0 =	sgt.u32 s22, $0x7B;
	[sflag:s17] =	ssyncadd.s32 $0xFFFFEC00  }
0x32: {  	s23 =	sadd.s32 @!p0 s23, s8;
	_ =	swait.ge [sflag:s18], $0x1400  }
0x33: {  	s25 =	simm.s32 @!p0 $0x0;
	s23 =	sshrl.u32 @!p0 s23, $0x3;
	[sflag:s18] =	ssyncset.done $0x0  }
0x34: {  	s26 =	simm.s32 @!p0 $0x14000;
	s24 =	sadd.s32 @!p0 s4, s23;
	[sflag:s18] =	ssyncadd.s32 $0xFFFFEC00  }
0x35: {  	[tilespmem:s26], [sflag:$0x1] =	stream.linear.gather @!p0 [hbm4b:s24+s25], $0x1400, $0x38;
	[tilespmem:$0x19000] =	vst v63  }
0x36: {  	s23 =	sadd.s32 @!p0 s3, s23;
	s24 =	simm.s32 @!p0 $0x16800  }
0x37: {  	[tilespmem:s24], [sflag:$0x3] =	stream.linear.gather @!p0 [hbm4b:s23+s25], $0x1400, $0x38;
	[tilespmem:$0x19000] =	vst v63  }
0x38: {  	s23 =	simm.s32 $0x0  }
.LBB2_7:
0x39: {  	s24 =	sshra.s32 s23, $0x2  }
0x3a: {  	v1 =	vld [tilespmem:s24+$0x15400];
	_ =	sdelay $0x2  }
0x3b: {  	v2 =	vld [tilespmem:s24+$0x17C00];
	_ =	sdelay $0x4  }
0x3c: {  	[tilespmem:v1+s2+$0x0] =	vst.idx.add.f32.msk $0xffff, v2  }
0x3d: {  	v1 =	vld [tilespmem:s24+$0x15410];
	_ =	sdelay $0x2  }
0x3e: {  	v2 =	vld [tilespmem:s24+$0x17C10];
	_ =	sdelay $0x4  }
0x3f: {  	[tilespmem:v1+s2+$0x0] =	vst.idx.add.f32.msk $0xffff, v2  }
0x40: {  	v1 =	vld [tilespmem:s24+$0x15420];
	_ =	sdelay $0x2  }
0x41: {  	v2 =	vld [tilespmem:s24+$0x17C20];
	_ =	sdelay $0x4  }
0x42: {  	[tilespmem:v1+s2+$0x0] =	vst.idx.add.f32.msk $0xffff, v2  }
0x43: {  	v1 =	vld [tilespmem:s24+$0x15430];
	_ =	sdelay $0x2  }
0x44: {  	p0 =	sne.s32 s23, $0x4F00;
	v2 =	vld [tilespmem:s24+$0x17C30]  }
.Ltmp2:
0x45: {  	_ = 	snop;
	(pc) =	sbr.rel @p0 .LBB2_7-.Ltmp2, $2  }
0x46: {  	_ =	sdelay $0x2  }
0x47: {  	s23 =	sadd.s32 $0x100, s23;
	[tilespmem:v1+s2+$0x0] =	vst.idx.add.f32.msk $0xffff, v2  }
0x48: {  	s22 =	sadd.s32 $0x1, s22  }
0x49: {  	p0 =	sne.s32 s22, $0x7D  }
.Ltmp3:
0x4a: {  	_ = 	snop;
	(pc) =	sbr.rel @p0 .LBB2_4-.Ltmp3, $1  }
0x4b: {  	_ =	sdelay $0x3  }
0x4c: {  	s20 =	sadd.s32 $0x1, s20  }
0x4d: {  	p0 =	sne.s32 s20, s10  }
.Ltmp4:
0x4e: {  	_ = 	snop;
	(pc) =	sbr.rel @p0 .LBB2_1-.Ltmp4, $4  }
0x4f: {  	[hbm4b:s9+s2] =	stream.linear.scatter [tilespmem:s2], [sflag:$0x5], $0x14000, $0x38;
	[tilespmem:$0x19000] =	vst v63  }
0x50: {  	_ =	swait.ge [sflag:s19], $0x14000  }
0x51: {  	[sflag:s19] =	ssyncset.done $0x0  }
0x52: {  	[sflag:s19] =	ssyncadd.s32 $0xFFFEC000  }
0x53: {  	_ =	sfence.sel $0x180000  }
0x54: {  	[bflag:$0x0] =	sbarrier.arrive $0xFFFF  }
0x55: {  	p0 =	sne.s32 s1, $0x0;
	_ =	strace $0x90000062  }
0x56: {  	s0 =	sadd.s32 @!p0 $0x100000, s0;
	[bflag:$0x2] =	sbarrier.arrive $0xFFFF  }
0x57: {  	[sflag:s0] =	ssyncadd.tile.s32 @!p0 $0x1;
	_ =	shalt  }
.Lfunc_end2:
_tile_overlayer_lowered:
.L_overlay_start_2:
0x58: {  	(tag) =	ssettag $0x2  }
0x59: {  	s0 =	rddreg [dreg:$0x0];
	s2 =	stileid.u32  }
0x5a: {  	s1 =	rddreg [dreg:$0x1];
	p0 =	sne.s32 s2, $0x0  }
0x5b: {  	s3 =	rddreg [dreg:$0x2];
	[bflag:$0x3] =	sbarrier.arrive $0xFFFF;
	s2 =	simm.s32 @!p0 $0x1C05  }
0x5c: {  	[timem:s3], [sflag:s2] =	dma.local @!p0 [hbm:s0], s1  }
0x5d: {  	s0 =	simm.s32 @!p0 $0x5  }
0x5e: {  	_ =	swait.ge @!p0 [sflag:s0], s1  }
0x5f: {  	s1 =	ssub.s32 @!p0 $0x0, s1;
	[sflag:s0] =	ssyncset.done @!p0 $0x0  }
0x60: {  	[sflag:s0] =	ssyncadd.s32 @!p0 s1  }
0x61: {  	[bflag:$0x3] =	sbarrier.arrive $0xFFFF  }
0x62: {  	_ =	shalt  }

// kernel: sparse-core-data-format-call.1.cloned.1.call-start
scs
called_computation.1_lowered:
.L_overlay_start_0:
0x0: {  	s2 =	sld [smem:$0x3FD9]  }
0x1: {  	s3 =	sld [smem:$0x3FFE];
	_ =	sdelay $0x1  }
0x2: {  	s1 =	srdreg.scid  }
0x3: {  	s0 =	sand.u32 $0x1, s1  }
0x4: {  	s18 =	sshll.u32 s0, $0xA;
	s2 =	sadd.s32 s3, s2  }
0x5: {  	s2 =	sadd.s32 s2, s18  }
0x6: {  	[smem:$0x3FBA] =	sst s2  }
0x7: {  	_ = 	snop  }
0x8: {  	(tm) =	ssettm $0x1  }
0x9: {  	s19 =	sld [smem:$0x3FFB];
	_ =	sdelay $0x3  }
0xa: {  	_ =	strace s19  }
0xb: {  	s2 =	sld [smem:$0x3FFC];
	_ =	sdelay $0x3  }
0xc: {  	_ =	strace s2  }
0xd: {  	s2 =	sld [smem:$0x3FFD];
	_ =	sdelay $0x3  }
0xe: {  	_ =	strace s2  }
0xf: {  	_ =	strace $0x8FFFFFFF  }
0x10: {  	s20 =	sld [smem:$0x3FDB];
	_ =	sdelay $0x1  }
0x11: {  	s21 =	simm.s32 $_scs_section_size  }
0x12: {  	s4 =	simm.s32 $_size__tile_overlayer_lowered;
	s5 =	simm.s32 $_tile_overlayer_lowered  }
0x13: {  	s6 =	simm.s32 $0x1BFF;
	s22 =	sshll.u32 s5, $0x1;
	s3 =	sadd.s32 s21, s20  }
0x14: {  	s23 =	simm.s32 $0x0;
	s4 =	sshll.u32 s4, $0x1;
	s5 =	sadd.s32 s22, s3  }
0x15: {  	[timem:s23], [sflag:s6] =	dma.local [hbm:s5], s4  }
0x16: {  	_ =	swait.ge [sflag:s6], s4  }
0x17: {  	s4 =	ssub.s32 $0x0, s4;
	[sflag:s6] =	ssyncset.done $0x0  }
0x18: {  	[sflag:s6] =	ssyncadd.s32 s4;
	_ =	sdelay $0x1  }
0x19: {  	s24 =	simm.s32 $0x1B8B  }
0x1a: {  	_ =	swait.ge [sflag:s24], $0x1  }
0x1b: {  	[sflag:s24] =	ssyncset.done $0x0  }
0x1c: {  	[sflag:s24] =	ssyncadd.s32 $0xFFFFFFFF  }
0x1d: {  	s4 =	sld [smem:$0x0]  }
0x1e: {  	s5 =	sand.u32 $0xFFFFFFFE, s1  }
0x1f: {  	p0 =	sne.s32 s1, s5  }
0x20: {  	s5 =	sshll.u32 @p0 s5, $0xE  }
0x21: {  	s5 =	sadd.s32 @p0 $0x11B8D, s5;
	s6 =	sshll.u32 @p0 s4, $0x11  }
0x22: {  	s5 =	sor.u32 @p0 s6, s5  }
0x23: {  	[sflag:s5] =	ssyncadd.remote.s32 @p0 $0x1;
	_ =	sdelay $0x1  }
0x24: {  	s5 =	simm.s32 @p0 $0x1B8D  }
0x25: {  	_ =	swait.eq @p0 [sflag:s5], $0x1  }
0x26: {  	[sflag:s5] =	ssyncadd.s32 @p0 $0xFFFFFFFF  }
0x27: {  	s6 =	sshll.u32 @!p0 s1, $0xE  }
0x28: {  	s6 =	sor.u32 @!p0 $0x4000, s6;
	s5 =	simm.s32 @!p0 $0x1B8D  }
0x29: {  	s4 =	sshll.u32 @!p0 s4, $0x11;
	s6 =	sadd.s32 @!p0 $0x11B8D, s6;
	_ =	swait.eq @!p0 [sflag:s5], $0x1  }
0x2a: {  	s4 =	sor.u32 @!p0 s4, s6;
	[sflag:s5] =	ssyncadd.s32 @!p0 $0xFFFFFFFF  }
0x2b: {  	s26 =	simm.s32 $0x1B8E;
	s25 =	sld [smem:$0x3FFE];
	[sflag:s4] =	ssyncadd.remote.s32 @!p0 $0x1  }
0x2c: {  	s27 =	simm.s32 $execute0_lowered;
	[smem:$0x3FD2] =	sst s26  }
0x2d: {  	s5 =	sshll.u32 s27, $0x1;
	_ =	strace $0x80000049;
	[dreg:$0x1] =	wrdreg $0xFFFFFFFF  }
0x2e: {  	s28 =	simm.s32 $_size_execute0_lowered;
	s3 =	sadd.s32 s3, s5;
	[dreg:$0x0] =	wrdreg $0x0  }
0x2f: {  	s5 =	sshll.u32 s28, $0x1;
	[dreg:$0x2] =	wrdreg s3  }
0x30: {  	[dreg:$0x3] =	wrdreg s5  }
0x31: {  	[dreg:$0x4] =	wrdreg $0xC0  }
0x32: {  	_ =	task [dreg:s23], $0x5FFFF  }
0x33: {  	[dreg:$0x1] =	wrdreg $0xFFFFFFFF  }
0x34: {  	[dreg:$0x0] =	wrdreg $0x60  }
0x35: {  	[dreg:$0x2] =	wrdreg s25  }
0x36: {  	[dreg:$0x3] =	wrdreg $0xA  }
0x37: {  	_ =	task.clear_ibuf [dreg:s23], $0x4FFFF;
	_ =	strace $0x90000049  }
0x38: {  	s29 =	simm.s32 $0xA;
	_ =	strace $0x8000004B  }
0x39: {  	_ =	swait.ge [sflag:s29], $0x1  }
0x3a: {  	[sflag:s29] =	ssyncadd.s32 $0xFFFFFFFF  }
0x3b: {  	_ =	strace $0x9000004B  }
0x3c: {  	_ =	sfence  }
0x3d: {  	s30 =	sld [smem:$0x0];
	_ =	sdelay $0x2  }
0x3e: {  	s31 =	sshll.u32 s1, $0xD;
	s1 =	sshrl.u32 s1, $0x2  }
0x3f: {  	s4 =	sand.u32 $0x4000, s31;
	s1 =	sadd.s32 s1, s30  }
0x40: {  	s0 =	sor.u32 s4, s0;
	s1 =	sshll.u32 s1, $0x11  }
0x41: {  	s0 =	sor.u32 s1, s0  }
0x42: {  	s0 =	sadd.s32 $0x8F2B, s0  }
0x43: {  	[sflag:s0] =	ssyncadd.remote.s32 $0x1  }
0x44: {  	_ =	sfence.sel $0xFFFF  }
0x45: {  	[dreg:$0x0] =	wrdreg $0xFFFFFFFF;
	(pc) =	sbr.abs _section_cstart, $3  }
0x46: {  	[dreg:$0x1] =	wrdreg $0xFFFFFFFF  }
0x47: {  	_ =	task.clear_ibuf [dreg:s23], $0x2FFFF;
	_ =	strace $0x9FFFFFFF  }
0x48: {  	(tm) =	ssettm $0x7FFFFFFF  }
0x49: {  	_ =	shalt  }
tec
execute0_lowered:
.L_overlay_start_1:
0x0: {  	(tag) =	ssettag $0x1  }
0x1: {  	s7 =	rddreg [dreg:$0x0]  }
0x2: {  	s0 =	rddreg [dreg:$0x1];
	s1 =	stileid.u32  }
0x3: {  	s3 =	srdreg.scid;
	_ =	strace $0x8000004A;
	s9 =	simm.s32 $0x1  }
0x4: {  	s31 =	simm.s32 $0x2;
	s14 =	simm.s32 $0x0;
	s13 =	simm.s32 $0x0  }
0x5: {  	s12 =	simm.s32 $0x0;
	s2 =	sshll.u32 s1, $0x7;
	s4 =	sshll.u32 s3, $0x7  }
0x6: {  	s3 =	sadd.s32 $0x9CD400, s7;
	s4 =	sand.u32 $0x80, s4;
	s5 =	ssub.s32 $0x27100, s2  }
0x7: {  	s6 =	sshrl.u32 s5, $0xB;
	s5 =	sand.u32 $0x780, s5;
	s8 =	ssub.s32 $0x100, s4  }
0x8: {  	p0 =	sne.s32 s5, $0x0;
	s30 =	sshrl.u32 s8, $0x7;
	s8 =	sshrl.u32 s8, $0x8  }
.Ltmp0:
0x9: {  	s9 =	simm.s32 @!p0 $0x0;
	s10 =	sand.u32 $0x1, s30;
	(pc) =	sbr.rel .LBB1_1-.Ltmp0, $4  }
0xa: {  	s5 =	simm.s32 $0x1;
	s6 =	sadd.s32 s9, s6;
	s8 =	sadd.s32 s8, s10  }
0xb: {  	s7 =	sadd.s32 $0xEAF400, s7;
	[sflag:s5] =	ssyncpa.u1 $0x0;
	s6 =	smul.u32 s6, s8  }
0xc: {  	s11 =	smov.u32 s2;
	p0 =	por $0x0, $0x0;
	[sflag:s31] =	ssyncpa.u1 $0x0  }
0xd: {  	s10 =	simm.s32 $0x138800;
	s8 =	sshll.u32 s4, $0x3;
	s9 =	sadd.s32 $0x1, s6  }
.LBB1_4:
0xe: {  	s14 =	sshrl.u32 s14, $0x3  }
0xf: {  	s20 =	sshll.u32 s13, $0x3;
	s14 =	smul.u32 $0x138800, s14  }
0x10: {  	v5 =	vld [tilespmem:s18+$0xFFFFFFD0];
	[tilespmem:s17+$0x2040 ss:$0x81] =	vst.msk $0xffff, v4;
	s20 =	sand.u32 $0xFFFFFC00, s20  }
0x11: {  	v58 =	vld [tilespmem:s18+$0xFFFFFFE0];
	[tilespmem:s17+$0x2850 ss:$0x81] =	vst.msk $0xffff, v3;
	s30 =	sand.u32 $0x7F, s13;
	s14 =	sadd.s32 s20, s14  }
0x12: {  	s19 =	sshra.s32 s19, $0x2;
	v59 =	vld [tilespmem:s18+$0xFFFFFFF0];
	[tilespmem:s17+$0x3060 ss:$0x81] =	vst.msk $0xffff, v2;
	s13 =	sor.u32 s30, s14  }
0x13: {  	v60 =	vld [tilespmem:s18+$0x0];
	[tilespmem:s17+$0x0 ss:$0x81] =	vst.msk $0xffff, v0;
	s16 =	sadd.s32 s19, s16;
	s31 =	smulhi.u32 $0xD1B71759, s13  }
0x14: {  	v61 =	vld [tilespmem:s18+$0x10];
	[tilespmem:s16+$0x3870 ss:$0x81] =	vst.msk $0xffff, v1  }
0x15: {  	v62 =	vld [tilespmem:s18+$0x20];
	s14 =	smulhi.u32 $0xD1B71759, s14;
	[tilespmem:s16+$0x810 ss:$0x81] =	vst.msk $0xffff, v5;
	s17 =	sshrl.u32 s31, $0x11  }
0x16: {  	v63 =	vld [tilespmem:s18+$0xFFFFFFC0];
	[tilespmem:s16+$0x1020 ss:$0x81] =	vst.msk $0xffff, v58;
	s17 =	smul.u32 $0x27100, s17  }
0x17: {  	[tilespmem:s16+$0x1830 ss:$0x81] =	vst.msk $0xffff, v59;
	s14 =	sshrl.u32 s14, $0x11  }
0x18: {  	[tilespmem:s16+$0x2040 ss:$0x81] =	vst.msk $0xffff, v60;
	s14 =	sand.u32 $0xFF, s14;
	s13 =	ssub.s32 s13, s17  }
0x19: {  	[tilespmem:s16+$0x2850 ss:$0x81] =	vst.msk $0xffff, v61;
	s14 =	smul.u32 $0x4E20, s14;
	s17 =	sshrl.u32 s13, $0x3;
	s13 =	sand.u32 $0x7, s13  }
0x1a: {  	[tilespmem:s16+$0x3060 ss:$0x81] =	vst.msk $0xffff, v62;
	s17 =	sadd.s32 s7, s17;
	s13 =	sshll.u32 s13, $0x12  }
0x1b: {  	[tilespmem:s16+$0x0 ss:$0x81] =	vst.msk $0xffff, v63;
	s14 =	sadd.s32 s14, s17;
	s13 =	sor.u32 $0x400, s13  }
0x1c: {  	[hbm4b:s14+s13] =	stream.strided.scatter [tilespmem:s15], [sflag:$0x2], $0x4000, s10, s13, $0x20;
	[tilespmem:$0x10100] =	vst v63  }
.LBB1_5:
0x1d: {  	s15 =	sadd.s32 $0x800, s11  }
0x1e: {  	p2 =	sgt.s32 s15, $0x270FF  }
0x1f: {  	s15 =	smov.u32 @p2 s2;
	p2 =	sne.s32 s12, s9  }
.Ltmp1:
0x20: {  	p1 =	slt.u32 s12, $0x2;
	(pc) =	sbr.rel @!p2 .LBB1_6-.Ltmp1, $4  }
0x21: {  	s14 =	simm.s32 @!p1 $0x2  }
0x22: {  	s16 =	sadd.s32 $0x1, s12;
	s13 =	smov.u32 s11;
	_ =	swait.ge @!p1 [sflag:s14], $0x4000  }
0x23: {  	p0 =	por !p0, !p0;
	s12 =	smov.u32 s16;
	[sflag:s14] =	ssyncset.done @!p1 $0x0  }
0x24: {  	s11 =	smov.u32 s15;
	[sflag:s14] =	ssyncadd.s32 @!p1 $0xFFFFC000;
	s14 =	smov.u32 s4  }
.LBB1_1:
0x25: {  	p1 =	sge.u32 s12, s6  }
0x26: {  	s15 =	sshll.u32 @!p1 s11, $0x8  }
0x27: {  	s16 =	sshll.u32 @!p1 s11, $0x7;
	s15 =	sand.u32 @!p1 $0xFFFFF800, s15  }
0x28: {  	s16 =	sand.u32 @!p1 $0x300, s16;
	s15 =	sor.u32 @!p1 s8, s15  }
0x29: {  	s15 =	sor.u32 @!p1 s16, s15  }
0x2a: {  	s15 =	sshrl.u32 @!p1 s15, $0x8  }
0x2b: {  	s16 =	smulhi.u32 @!p1 $0x1A36E3, s15;
	_ =	sdelay $0x1  }
0x2c: {  	s16 =	sshrl.u32 @!p1 s16, $0x6  }
0x2d: {  	s16 =	smul.u32 @!p1 $0x27100, s16  }
0x2e: {  	s31 =	sadd.s32 $0xFFFFFFFF, s12;
	s17 =	sxor.u32 @!p1 $0xFFFFFFFF, s12;
	s18 =	sshll.u32 @!p1 s11, $0x4  }
0x2f: {  	s17 =	sshll.u32 @!p1 s17, $0xE;
	s15 =	ssub.s32 @!p1 s15, s16;
	s16 =	sand.u32 @!p1 $0x10, s18  }
0x30: {  	s17 =	sand.u32 @!p1 $0x4000, s17;
	s15 =	sshll.u32 @!p1 s15, $0x5;
	s16 =	sadd.s32 @!p1 s3, s16  }
0x31: {  	s18 =	simm.s32 @!p1 $0x800;
	s15 =	sadd.s32 @!p1 s15, s16;
	s16 =	simm.s32 @!p1 $0x400  }
0x32: {  	[tilespmem:s17], [sflag:$0x1] =	stream.strided.gather @!p1 [hbm4b:s15+s16], $0x4000, s18, s16, $0x38;
	[tilespmem:$0x10100] =	vst v63  }
0x33: {  	p1 =	sge.u32 s31, s6  }
.Ltmp2:
0x34: {  	_ = 	snop;
	(pc) =	sbr.rel @p1 .LBB1_5-.Ltmp2, $1  }
0x35: {  	_ =	sdelay $0x3  }
0x36: {  	s15 =	simm.s32 $0x1  }
0x37: {  	_ =	swait.ge [sflag:s5], $0x4000;
	s15 =	simm.s32 @!p0 $0x0  }
0x38: {  	[sflag:s5] =	ssyncset.done $0x0;
	s16 =	sshll.u32 s15, $0xE  }
0x39: {  	[sflag:s5] =	ssyncadd.s32 $0xFFFFC000;
	s18 =	sor.u32 $0x40, s16  }
0x3a: {  	s15 =	smul.u32 $0x10200, s15;
	v0 =	vld [tilespmem:s18+$0x30]  }
0x3b: {  	v1 =	vld [tilespmem:s18+$0xFFFFFFD0]  }
0x3c: {  	s15 =	sshrl.u32 s15, $0x2;
	v5 =	vld [tilespmem:s18+$0xFFFFFFE0]  }
0x3d: {  	v6 =	vld [tilespmem:s18+$0xFFFFFFF0];
	s16 =	sor.u32 $0x8000, s15  }
0x3e: {  	s31 =	sand.u32 $0x1, s12;
	v4 =	vld [tilespmem:s18+$0x0];
	s17 =	sadd.s32 $0x0, s16  }
0x3f: {  	v3 =	vld [tilespmem:s18+$0x10];
	s15 =	smul.u32 $0x10200, s31;
	[tilespmem:s17+$0x3870 ss:$0x81] =	vst.msk $0xffff, v0  }
0x40: {  	v2 =	vld [tilespmem:s18+$0x20];
	[tilespmem:s17+$0x810 ss:$0x81] =	vst.msk $0xffff, v1  }
0x41: {  	s15 =	sshrl.u32 s15, $0x2;
	v0 =	vld [tilespmem:s18+$0xFFFFFFC0];
	[tilespmem:s17+$0x1020 ss:$0x81] =	vst.msk $0xffff, v5;
	s18 =	sadd.s32 $0x80, s18  }
0x42: {  	s19 =	simm.s32 $0x4;
	s20 =	simm.s32 $0x8;
	s15 =	sor.u32 $0x8000, s15;
	[tilespmem:s17+$0x1830 ss:$0x81] =	vst.msk $0xffff, v6;
	v1 =	vld [tilespmem:s18+$0x30]  }
.LBB1_3:
0x43: {  	p1 =	sne.s32 s20, $0x1FC;
	v5 =	vld [tilespmem:s18+$0xFFFFFFD0];
	[tilespmem:s17+$0x2040 ss:$0x81] =	vst.msk $0xffff, v4  }
0x44: {  	v6 =	vld [tilespmem:s18+$0xFFFFFFE0];
	[tilespmem:s17+$0x2850 ss:$0x81] =	vst.msk $0xffff, v3  }
0x45: {  	s21 =	sshra.s32 s19, $0x2;
	s19 =	smov.u32 s20;
	v7 =	vld [tilespmem:s18+$0xFFFFFFF0];
	[tilespmem:s17+$0x3060 ss:$0x81] =	vst.msk $0xffff, v2  }
.Ltmp3:
0x46: {  	v4 =	vld [tilespmem:s18+$0x0];
	[tilespmem:s17+$0x0 ss:$0x81] =	vst.msk $0xffff, v0;
	s17 =	sadd.s32 s21, s16;
	(pc) =	sbr.rel @p1 .LBB1_3-.Ltmp3, $4  }
0x47: {  	v3 =	vld [tilespmem:s18+$0x10];
	[tilespmem:s17+$0x3870 ss:$0x81] =	vst.msk $0xffff, v1  }
0x48: {  	[tilespmem:s17+$0x810 ss:$0x81] =	vst.msk $0xffff, v5;
	v2 =	vld [tilespmem:s18+$0x20]  }
0x49: {  	v0 =	vld [tilespmem:s18+$0xFFFFFFC0];
	[tilespmem:s17+$0x1020 ss:$0x81] =	vst.msk $0xffff, v6;
	s18 =	sadd.s32 $0x80, s18  }
0x4a: {  	s20 =	sadd.s32 $0x4, s20;
	v1 =	vld [tilespmem:s18+$0x30];
	[tilespmem:s17+$0x1830 ss:$0x81] =	vst.msk $0xffff, v7  }
.Ltmp4:
0x4b: {  	_ = 	snop;
	(pc) =	sbr.rel .LBB1_4-.Ltmp4, $1  }
0x4c: {  	_ =	sdelay $0x3  }
.LBB1_6:
0x4d: {  	_ =	sfence.sel $0x180000  }
0x4e: {  	s2 =	simm.s32 $0x1;
	[bflag:$0x0] =	sbarrier.arrive $0xFFFF  }
0x4f: {  	s31 =	simm.s32 $0x2;
	[sflag:s2] =	ssyncpa.u1 $0x1  }
0x50: {  	[sflag:s31] =	ssyncpa.u1 $0x1  }
0x51: {  	p0 =	sne.s32 s1, $0x0;
	_ =	strace $0x9000004A  }
0x52: {  	s0 =	sadd.s32 @!p0 $0x100000, s0;
	[bflag:$0x2] =	sbarrier.arrive $0xFFFF  }
0x53: {  	[sflag:s0] =	ssyncadd.tile.s32 @!p0 $0x1;
	_ =	shalt  }
.Lfunc_end1:
_tile_overlayer_lowered:
.L_overlay_start_2:
0x54: {  	(tag) =	ssettag $0x2  }
0x55: {  	s0 =	rddreg [dreg:$0x0];
	s2 =	stileid.u32  }
0x56: {  	s1 =	rddreg [dreg:$0x1];
	p0 =	sne.s32 s2, $0x0  }
0x57: {  	s3 =	rddreg [dreg:$0x2];
	[bflag:$0x3] =	sbarrier.arrive $0xFFFF;
	s2 =	simm.s32 @!p0 $0x1C01  }
0x58: {  	[timem:s3], [sflag:s2] =	dma.local @!p0 [hbm:s0], s1  }
0x59: {  	s0 =	simm.s32 @!p0 $0x1  }
0x5a: {  	_ =	swait.ge @!p0 [sflag:s0], s1  }
0x5b: {  	s1 =	ssub.s32 @!p0 $0x0, s1;
	[sflag:s0] =	ssyncset.done @!p0 $0x0  }
0x5c: {  	[sflag:s0] =	ssyncadd.s32 @!p0 s1  }
0x5d: {  	[bflag:$0x3] =	sbarrier.arrive $0xFFFF  }
0x5e: {  	_ =	shalt  }

// kernel: sparse-core-data-format-call.cloned.1.call-start
scs
called_computation_lowered:
.L_overlay_start_0:
0x0: {  	s1 =	sld [smem:$0x3FD9]  }
0x1: {  	s2 =	sld [smem:$0x3FFE];
	_ =	sdelay $0x1  }
0x2: {  	s3 =	srdreg.scid  }
0x3: {  	s0 =	sand.u32 $0x1, s3  }
0x4: {  	s17 =	sshll.u32 s0, $0xA;
	s1 =	sadd.s32 s2, s1  }
0x5: {  	s1 =	sadd.s32 s1, s17  }
0x6: {  	[smem:$0x3FBA] =	sst s1  }
0x7: {  	_ = 	snop  }
0x8: {  	(tm) =	ssettm $0x1  }
0x9: {  	s18 =	sld [smem:$0x3FFB];
	_ =	sdelay $0x3  }
0xa: {  	_ =	strace s18  }
0xb: {  	s1 =	sld [smem:$0x3FFC];
	_ =	sdelay $0x3  }
0xc: {  	_ =	strace s1  }
0xd: {  	s1 =	sld [smem:$0x3FFD];
	_ =	sdelay $0x3  }
0xe: {  	_ =	strace s1  }
0xf: {  	_ =	strace $0x8FFFFFFF  }
0x10: {  	s19 =	sld [smem:$0x3FDB];
	_ =	sdelay $0x1  }
0x11: {  	s20 =	simm.s32 $_scs_section_size  }
0x12: {  	s4 =	simm.s32 $_size__tile_overlayer_lowered;
	s5 =	simm.s32 $_tile_overlayer_lowered  }
0x13: {  	s23 =	simm.s32 $0x1BFF;
	s22 =	sshll.u32 s5, $0x1;
	s1 =	sadd.s32 s20, s19  }
0x14: {  	s6 =	simm.s32 $0x0;
	s21 =	sshll.u32 s4, $0x1;
	s4 =	sadd.s32 s22, s1  }
0x15: {  	[timem:s6], [sflag:s23] =	dma.local [hbm:s4], s21  }
0x16: {  	_ =	swait.ge [sflag:s23], s21  }
0x17: {  	s2 =	ssub.s32 $0x0, s21;
	[sflag:s23] =	ssyncset.done $0x0  }
0x18: {  	[sflag:s23] =	ssyncadd.s32 s2;
	_ =	sdelay $0x1  }
0x19: {  	s24 =	simm.s32 $0x1B8B  }
0x1a: {  	_ =	swait.ge [sflag:s24], $0x1  }
0x1b: {  	[sflag:s24] =	ssyncset.done $0x0  }
0x1c: {  	s26 =	simm.s32 $0x1B8E;
	s25 =	sld [smem:$0x3FFE];
	[sflag:s24] =	ssyncadd.s32 $0xFFFFFFFF  }
0x1d: {  	s27 =	simm.s32 $execute0_lowered;
	[smem:$0x3FD2] =	sst s26  }
0x1e: {  	s4 =	sshll.u32 s27, $0x1;
	_ =	strace $0x80000046;
	[dreg:$0x1] =	wrdreg $0xFFFFFFFF  }
0x1f: {  	s28 =	simm.s32 $_size_execute0_lowered;
	s1 =	sadd.s32 s1, s4;
	[dreg:$0x0] =	wrdreg $0x0  }
0x20: {  	s4 =	sshll.u32 s28, $0x1;
	[dreg:$0x2] =	wrdreg s1  }
0x21: {  	[dreg:$0x3] =	wrdreg s4  }
0x22: {  	[dreg:$0x4] =	wrdreg $0xC0  }
0x23: {  	_ =	task [dreg:s6], $0x5FFFF  }
0x24: {  	[dreg:$0x1] =	wrdreg $0xFFFFFFFF  }
0x25: {  	[dreg:$0x0] =	wrdreg $0x60  }
0x26: {  	[dreg:$0x2] =	wrdreg s25  }
0x27: {  	[dreg:$0x3] =	wrdreg $0x9  }
0x28: {  	_ =	task.clear_ibuf [dreg:s6], $0x4FFFF;
	_ =	strace $0x90000046  }
0x29: {  	s29 =	simm.s32 $0x9;
	_ =	strace $0x80000048  }
0x2a: {  	_ =	swait.ge [sflag:s29], $0x1  }
0x2b: {  	[sflag:s29] =	ssyncadd.s32 $0xFFFFFFFF  }
0x2c: {  	_ =	strace $0x90000048  }
0x2d: {  	_ =	sfence  }
0x2e: {  	s30 =	sld [smem:$0x0];
	_ =	sdelay $0x2  }
0x2f: {  	s31 =	sshll.u32 s3, $0xD;
	s3 =	sshrl.u32 s3, $0x2  }
0x30: {  	s2 =	sand.u32 $0x4000, s31;
	s1 =	sadd.s32 s3, s30  }
0x31: {  	s0 =	sor.u32 s2, s0;
	s1 =	sshll.u32 s1, $0x11  }
0x32: {  	s0 =	sor.u32 s1, s0  }
0x33: {  	s0 =	sadd.s32 $0x8F2B, s0  }
0x34: {  	[sflag:s0] =	ssyncadd.remote.s32 $0x1  }
0x35: {  	_ =	sfence.sel $0xFFFF  }
0x36: {  	[dreg:$0x0] =	wrdreg $0xFFFFFFFF;
	(pc) =	sbr.abs _section_cstart, $3  }
0x37: {  	[dreg:$0x1] =	wrdreg $0xFFFFFFFF  }
0x38: {  	_ =	task.clear_ibuf [dreg:s6], $0x2FFFF;
	_ =	strace $0x9FFFFFFF  }
0x39: {  	(tm) =	ssettm $0x7FFFFFFF  }
tec
execute0_lowered:
.L_overlay_start_1:
0x0: {  	(tag) =	ssettag $0x1  }
0x1: {  	s7 =	rddreg [dreg:$0x0]  }
0x2: {  	s0 =	rddreg [dreg:$0x1];
	s1 =	stileid.u32  }
0x3: {  	s3 =	srdreg.scid;
	_ =	strace $0x80000047;
	s9 =	simm.s32 $0x1  }
0x4: {  	s31 =	simm.s32 $0x2;
	s14 =	simm.s32 $0x0;
	s13 =	simm.s32 $0x0  }
0x5: {  	s12 =	simm.s32 $0x0;
	s2 =	sshll.u32 s1, $0x7;
	s4 =	sshll.u32 s3, $0x7  }
0x6: {  	s3 =	sadd.s32 $0x9400, s7;
	s4 =	sand.u32 $0x80, s4;
	s5 =	ssub.s32 $0x27100, s2  }
0x7: {  	s6 =	sshrl.u32 s5, $0xB;
	s5 =	sand.u32 $0x780, s5;
	s8 =	ssub.s32 $0x100, s4  }
0x8: {  	p0 =	sne.s32 s5, $0x0;
	s30 =	sshrl.u32 s8, $0x7;
	s8 =	sshrl.u32 s8, $0x8  }
.Ltmp0:
0x9: {  	s9 =	simm.s32 @!p0 $0x0;
	s10 =	sand.u32 $0x1, s30;
	(pc) =	sbr.rel .LBB1_1-.Ltmp0, $4  }
0xa: {  	s5 =	simm.s32 $0x1;
	s6 =	sadd.s32 s9, s6;
	s8 =	sadd.s32 s8, s10  }
0xb: {  	s7 =	sadd.s32 $0x4EB400, s7;
	[sflag:s5] =	ssyncpa.u1 $0x0;
	s6 =	smul.u32 s6, s8  }
0xc: {  	s11 =	smov.u32 s2;
	p0 =	por $0x0, $0x0;
	[sflag:s31] =	ssyncpa.u1 $0x0  }
0xd: {  	s10 =	simm.s32 $0x138800;
	s8 =	sshll.u32 s4, $0x3;
	s9 =	sadd.s32 $0x1, s6  }
.LBB1_4:
0xe: {  	s14 =	sshrl.u32 s14, $0x3  }
0xf: {  	s20 =	sshll.u32 s13, $0x3;
	s14 =	smul.u32 $0x138800, s14  }
0x10: {  	v5 =	vld [tilespmem:s18+$0xFFFFFFD0];
	[tilespmem:s17+$0x2040 ss:$0x81] =	vst.msk $0xffff, v4;
	s20 =	sand.u32 $0xFFFFFC00, s20  }
0x11: {  	v58 =	vld [tilespmem:s18+$0xFFFFFFE0];
	[tilespmem:s17+$0x2850 ss:$0x81] =	vst.msk $0xffff, v3;
	s30 =	sand.u32 $0x7F, s13;
	s14 =	sadd.s32 s20, s14  }
0x12: {  	s19 =	sshra.s32 s19, $0x2;
	v59 =	vld [tilespmem:s18+$0xFFFFFFF0];
	[tilespmem:s17+$0x3060 ss:$0x81] =	vst.msk $0xffff, v2;
	s13 =	sor.u32 s30, s14  }
0x13: {  	v60 =	vld [tilespmem:s18+$0x0];
	[tilespmem:s17+$0x0 ss:$0x81] =	vst.msk $0xffff, v0;
	s16 =	sadd.s32 s19, s16;
	s31 =	smulhi.u32 $0xD1B71759, s13  }
0x14: {  	v61 =	vld [tilespmem:s18+$0x10];
	[tilespmem:s16+$0x3870 ss:$0x81] =	vst.msk $0xffff, v1  }
0x15: {  	v62 =	vld [tilespmem:s18+$0x20];
	s14 =	smulhi.u32 $0xD1B71759, s14;
	[tilespmem:s16+$0x810 ss:$0x81] =	vst.msk $0xffff, v5;
	s17 =	sshrl.u32 s31, $0x11  }
0x16: {  	v63 =	vld [tilespmem:s18+$0xFFFFFFC0];
	[tilespmem:s16+$0x1020 ss:$0x81] =	vst.msk $0xffff, v58;
	s17 =	smul.u32 $0x27100, s17  }
0x17: {  	[tilespmem:s16+$0x1830 ss:$0x81] =	vst.msk $0xffff, v59;
	s14 =	sshrl.u32 s14, $0x11  }
0x18: {  	[tilespmem:s16+$0x2040 ss:$0x81] =	vst.msk $0xffff, v60;
	s14 =	sand.u32 $0xFF, s14;
	s13 =	ssub.s32 s13, s17  }
0x19: {  	[tilespmem:s16+$0x2850 ss:$0x81] =	vst.msk $0xffff, v61;
	s14 =	smul.u32 $0x4E20, s14;
	s17 =	sshrl.u32 s13, $0x3;
	s13 =	sand.u32 $0x7, s13  }
0x1a: {  	[tilespmem:s16+$0x3060 ss:$0x81] =	vst.msk $0xffff, v62;
	s17 =	sadd.s32 s7, s17;
	s13 =	sshll.u32 s13, $0x12  }
0x1b: {  	[tilespmem:s16+$0x0 ss:$0x81] =	vst.msk $0xffff, v63;
	s14 =	sadd.s32 s14, s17;
	s13 =	sor.u32 $0x400, s13  }
0x1c: {  	[hbm4b:s14+s13] =	stream.strided.scatter [tilespmem:s15], [sflag:$0x2], $0x4000, s10, s13, $0x20;
	[tilespmem:$0x10100] =	vst v63  }
.LBB1_5:
0x1d: {  	s15 =	sadd.s32 $0x800, s11  }
0x1e: {  	p2 =	sgt.s32 s15, $0x270FF  }
0x1f: {  	s15 =	smov.u32 @p2 s2;
	p2 =	sne.s32 s12, s9  }
.Ltmp1:
0x20: {  	p1 =	slt.u32 s12, $0x2;
	(pc) =	sbr.rel @!p2 .LBB1_6-.Ltmp1, $4  }
0x21: {  	s14 =	simm.s32 @!p1 $0x2  }
0x22: {  	s16 =	sadd.s32 $0x1, s12;
	s13 =	smov.u32 s11;
	_ =	swait.ge @!p1 [sflag:s14], $0x4000  }
0x23: {  	p0 =	por !p0, !p0;
	s12 =	smov.u32 s16;
	[sflag:s14] =	ssyncset.done @!p1 $0x0  }
0x24: {  	s11 =	smov.u32 s15;
	[sflag:s14] =	ssyncadd.s32 @!p1 $0xFFFFC000;
	s14 =	smov.u32 s4  }
.LBB1_1:
0x25: {  	p1 =	sge.u32 s12, s6  }
0x26: {  	s15 =	sshll.u32 @!p1 s11, $0x8  }
0x27: {  	s16 =	sshll.u32 @!p1 s11, $0x7;
	s15 =	sand.u32 @!p1 $0xFFFFF800, s15  }
0x28: {  	s16 =	sand.u32 @!p1 $0x300, s16;
	s15 =	sor.u32 @!p1 s8, s15  }
0x29: {  	s15 =	sor.u32 @!p1 s16, s15  }
0x2a: {  	s15 =	sshrl.u32 @!p1 s15, $0x8  }
0x2b: {  	s16 =	smulhi.u32 @!p1 $0x1A36E3, s15;
	_ =	sdelay $0x1  }
0x2c: {  	s16 =	sshrl.u32 @!p1 s16, $0x6  }
0x2d: {  	s16 =	smul.u32 @!p1 $0x27100, s16  }
0x2e: {  	s31 =	sadd.s32 $0xFFFFFFFF, s12;
	s17 =	sxor.u32 @!p1 $0xFFFFFFFF, s12;
	s18 =	sshll.u32 @!p1 s11, $0x4  }
0x2f: {  	s17 =	sshll.u32 @!p1 s17, $0xE;
	s15 =	ssub.s32 @!p1 s15, s16;
	s16 =	sand.u32 @!p1 $0x10, s18  }
0x30: {  	s17 =	sand.u32 @!p1 $0x4000, s17;
	s15 =	sshll.u32 @!p1 s15, $0x5;
	s16 =	sadd.s32 @!p1 s3, s16  }
0x31: {  	s18 =	simm.s32 @!p1 $0x800;
	s15 =	sadd.s32 @!p1 s15, s16;
	s16 =	simm.s32 @!p1 $0x400  }
0x32: {  	[tilespmem:s17], [sflag:$0x1] =	stream.strided.gather @!p1 [hbm4b:s15+s16], $0x4000, s18, s16, $0x38;
	[tilespmem:$0x10100] =	vst v63  }
0x33: {  	p1 =	sge.u32 s31, s6  }
.Ltmp2:
0x34: {  	_ = 	snop;
	(pc) =	sbr.rel @p1 .LBB1_5-.Ltmp2, $1  }
0x35: {  	_ =	sdelay $0x3  }
0x36: {  	s15 =	simm.s32 $0x1  }
0x37: {  	_ =	swait.ge [sflag:s5], $0x4000;
	s15 =	simm.s32 @!p0 $0x0  }
0x38: {  	[sflag:s5] =	ssyncset.done $0x0;
	s16 =	sshll.u32 s15, $0xE  }
0x39: {  	[sflag:s5] =	ssyncadd.s32 $0xFFFFC000;
	s18 =	sor.u32 $0x40, s16  }
0x3a: {  	s15 =	smul.u32 $0x10200, s15;
	v0 =	vld [tilespmem:s18+$0x30]  }
0x3b: {  	v1 =	vld [tilespmem:s18+$0xFFFFFFD0]  }
0x3c: {  	s15 =	sshrl.u32 s15, $0x2;
	v5 =	vld [tilespmem:s18+$0xFFFFFFE0]  }
0x3d: {  	v6 =	vld [tilespmem:s18+$0xFFFFFFF0];
	s16 =	sor.u32 $0x8000, s15  }
0x3e: {  	s31 =	sand.u32 $0x1, s12;
	v4 =	vld [tilespmem:s18+$0x0];
	s17 =	sadd.s32 $0x0, s16  }
0x3f: {  	v3 =	vld [tilespmem:s18+$0x10];
	s15 =	smul.u32 $0x10200, s31;
	[tilespmem:s17+$0x3870 ss:$0x81] =	vst.msk $0xffff, v0  }
0x40: {  	v2 =	vld [tilespmem:s18+$0x20];
	[tilespmem:s17+$0x810 ss:$0x81] =	vst.msk $0xffff, v1  }
0x41: {  	s15 =	sshrl.u32 s15, $0x2;
	v0 =	vld [tilespmem:s18+$0xFFFFFFC0];
	[tilespmem:s17+$0x1020 ss:$0x81] =	vst.msk $0xffff, v5;
	s18 =	sadd.s32 $0x80, s18  }
0x42: {  	s19 =	simm.s32 $0x4;
	s20 =	simm.s32 $0x8;
	s15 =	sor.u32 $0x8000, s15;
	[tilespmem:s17+$0x1830 ss:$0x81] =	vst.msk $0xffff, v6;
	v1 =	vld [tilespmem:s18+$0x30]  }
.LBB1_3:
0x43: {  	p1 =	sne.s32 s20, $0x1FC;
	v5 =	vld [tilespmem:s18+$0xFFFFFFD0];
	[tilespmem:s17+$0x2040 ss:$0x81] =	vst.msk $0xffff, v4  }
0x44: {  	v6 =	vld [tilespmem:s18+$0xFFFFFFE0];
	[tilespmem:s17+$0x2850 ss:$0x81] =	vst.msk $0xffff, v3  }
0x45: {  	s21 =	sshra.s32 s19, $0x2;
	s19 =	smov.u32 s20;
	v7 =	vld [tilespmem:s18+$0xFFFFFFF0];
	[tilespmem:s17+$0x3060 ss:$0x81] =	vst.msk $0xffff, v2  }
.Ltmp3:
0x46: {  	v4 =	vld [tilespmem:s18+$0x0];
	[tilespmem:s17+$0x0 ss:$0x81] =	vst.msk $0xffff, v0;
	s17 =	sadd.s32 s21, s16;
	(pc) =	sbr.rel @p1 .LBB1_3-.Ltmp3, $4  }
0x47: {  	v3 =	vld [tilespmem:s18+$0x10];
	[tilespmem:s17+$0x3870 ss:$0x81] =	vst.msk $0xffff, v1  }
0x48: {  	[tilespmem:s17+$0x810 ss:$0x81] =	vst.msk $0xffff, v5;
	v2 =	vld [tilespmem:s18+$0x20]  }
0x49: {  	v0 =	vld [tilespmem:s18+$0xFFFFFFC0];
	[tilespmem:s17+$0x1020 ss:$0x81] =	vst.msk $0xffff, v6;
	s18 =	sadd.s32 $0x80, s18  }
0x4a: {  	s20 =	sadd.s32 $0x4, s20;
	v1 =	vld [tilespmem:s18+$0x30];
	[tilespmem:s17+$0x1830 ss:$0x81] =	vst.msk $0xffff, v7  }
.Ltmp4:
0x4b: {  	_ = 	snop;
	(pc) =	sbr.rel .LBB1_4-.Ltmp4, $1  }
0x4c: {  	_ =	sdelay $0x3  }
.LBB1_6:
0x4d: {  	_ =	sfence.sel $0x180000  }
0x4e: {  	s2 =	simm.s32 $0x1;
	[bflag:$0x0] =	sbarrier.arrive $0xFFFF  }
0x4f: {  	s31 =	simm.s32 $0x2;
	[sflag:s2] =	ssyncpa.u1 $0x1  }
0x50: {  	[sflag:s31] =	ssyncpa.u1 $0x1  }
0x51: {  	p0 =	sne.s32 s1, $0x0;
	_ =	strace $0x90000047  }
0x52: {  	s0 =	sadd.s32 @!p0 $0x100000, s0;
	[bflag:$0x2] =	sbarrier.arrive $0xFFFF  }
0x53: {  	[sflag:s0] =	ssyncadd.tile.s32 @!p0 $0x1;
	_ =	shalt  }
.Lfunc_end1:
_tile_overlayer_lowered:
.L_overlay_start_2:
0x54: {  	(tag) =	ssettag $0x2  }
0x55: {  	s0 =	rddreg [dreg:$0x0];
	s2 =	stileid.u32  }
0x56: {  	s1 =	rddreg [dreg:$0x1];
	p0 =	sne.s32 s2, $0x0  }
0x57: {  	s3 =	rddreg [dreg:$0x2];
	[bflag:$0x3] =	sbarrier.arrive $0xFFFF;
	s2 =	simm.s32 @!p0 $0x1C01  }
0x58: {  	[timem:s3], [sflag:s2] =	dma.local @!p0 [hbm:s0], s1  }
0x59: {  	s0 =	simm.s32 @!p0 $0x1  }
0x5a: {  	_ =	swait.ge @!p0 [sflag:s0], s1  }
0x5b: {  	s1 =	ssub.s32 @!p0 $0x0, s1;
	[sflag:s0] =	ssyncset.done @!p0 $0x0  }
0x5c: {  	[sflag:s0] =	ssyncadd.s32 @!p0 s1  }
0x5d: {  	[bflag:$0x3] =	sbarrier.arrive $0xFFFF  }
0x5e: {  	_ =	shalt  }

</sc_bundles>
